<compile_context>
chip_gen: v7x
topology: tpu7x:2x2x1
jax: 0.10.2.dev20260603
libtpu: 0.0.44.dev20260713+nightly
codegen_flags: <defaults>
</compile_context>

<pallas_src>
import functools

import jax
import jax.numpy as jnp
from jax import lax
from jax.experimental import pallas as pl
from jax.experimental.pallas import tpu as pltpu
from jax.experimental.pallas import tpu_sc as plsc

VOCAB = 1000000
D_MODEL = 64
BATCH = 16384
HIST = 200

NC = 2
NS = 16
NW = NC * NS

B_PER_W = BATCH // NW
GB = 2
NG = B_PER_W // GB
NTRI = NG // 3
H_SPLITS = ((0, 128), (128, 72))

SCALE = 8.0
VECS_PER_ROW = D_MODEL // 16


def _gather_body(table_hbm, x_hbm, out_hbm, idx0, idx1, idx2,
                 rows0, rows1, rows2, sem_g, sem_o, sem_i):
    wid = lax.axis_index("s") * NC + lax.axis_index("c")
    b0 = wid * B_PER_W
    idxb = (idx0, idx1, idx2)
    rowsb = (rows0, rows1, rows2)

    def slab(g):
        return pl.ds(b0 + g * GB, GB)

    def out_rect(g):
        return out_hbm.at[slab(g), :, pl.ds(0, D_MODEL)]

    def fire_gathers(g, p):
        for b in range(GB):
            for h0, hn in H_SPLITS:
                pltpu.async_copy(
                    table_hbm.at[idxb[p].at[b, pl.ds(h0, hn)]],
                    rowsb[p].at[b, pl.ds(h0, hn)],
                    sem_g,
                )

    def wait_gathers(p):
        for b in range(GB):
            for h0, hn in H_SPLITS:
                pltpu.make_async_copy(
                    table_hbm.at[idxb[p].at[b, pl.ds(h0, hn)]],
                    rowsb[p].at[b, pl.ds(h0, hn)],
                    sem_g,
                ).wait()

    def fire_idx(g, p):
        pltpu.async_copy(x_hbm.at[slab(g)], idxb[p], sem_i)

    def wait_idx(g, p):
        pltpu.make_async_copy(x_hbm.at[slab(g)], idxb[p], sem_i).wait()

    def fire_out(g, p):
        pltpu.async_copy(rowsb[p], out_rect(g), sem_o)

    def wait_out(g, p):
        pltpu.make_async_copy(rowsb[p], out_rect(g), sem_o).wait()

    def scale_rows(p):
        buf = rowsb[p]

        def sbody(i, _):
            h = i * 4
            for dh in range(4):
                for b in range(GB):
                    for k in range(VECS_PER_ROW):
                        sl = pl.ds(k * 16, 16)
                        buf[b, h + dh, sl] = buf[b, h + dh, sl] * SCALE
            return 0

        lax.fori_loop(0, HIST // 4, sbody, 0)

    pltpu.sync_copy(x_hbm.at[slab(0)], idxb[0])
    fire_gathers(0, 0)
    fire_idx(1, 1)

    def step(g, p):
        pn = (p + 1) % 3
        pp = (p + 2) % 3

        @pl.when(g >= 2)
        def _():
            wait_out(g - 2, pn)

        @pl.when(g + 1 < NG)
        def _():
            wait_idx(g + 1, pn)
        wait_gathers(p)

        @pl.when(g + 1 < NG)
        def _():
            fire_gathers(g + 1, pn)
        scale_rows(p)
        fire_out(g, p)

        @pl.when(g + 2 < NG)
        def _():
            fire_idx(g + 2, pp)

    def tri(t, _):
        g = t * 3
        step(g, 0)
        step(g + 1, 1)
        step(g + 2, 2)
        return 0

    lax.fori_loop(0, NTRI, tri, 0)
    step(NG - 1, (NG - 1) % 3)
    wait_out(NG - 2, (NG - 2) % 3)
    wait_out(NG - 1, (NG - 1) % 3)


@functools.lru_cache(maxsize=1)
def _sc_gather():
    return pl.kernel(
        _gather_body,
        out_type=jax.ShapeDtypeStruct((BATCH, HIST, 2 * D_MODEL), jnp.float32),
        mesh=plsc.VectorSubcoreMesh(
            core_axis_name="c", subcore_axis_name="s",
            num_cores=NC, num_subcores=NS,
        ),
        scratch_types=[
            pltpu.VMEM((GB, HIST), jnp.int32),
            pltpu.VMEM((GB, HIST), jnp.int32),
            pltpu.VMEM((GB, HIST), jnp.int32),
            pltpu.VMEM((GB, HIST, D_MODEL), jnp.float32),
            pltpu.VMEM((GB, HIST, D_MODEL), jnp.float32),
            pltpu.VMEM((GB, HIST, D_MODEL), jnp.float32),
            pltpu.SemaphoreType.DMA,
            pltpu.SemaphoreType.DMA,
            pltpu.SemaphoreType.DMA,
        ],
        compiler_params=pltpu.CompilerParams(use_tc_tiling_on_sc=False),
    )


def kernel(x, emb_weight):
    wpad = jnp.pad(emb_weight, ((0, 0), (0, D_MODEL)))
    wpad = wpad.reshape(2 * VOCAB, D_MODEL)
    x2 = x.astype(jnp.int32) * 2
    padded = _sc_gather()(wpad, x2)
    return padded[:, :, :D_MODEL]

# --- scband reference (transcript-rebuilt; emitter-appended) ---
"""Pipeline reference for scband-sequence-embedding-37409165148463 (READ-ONLY COPY).

The authoritative reference and input builder live on the scoring server;
editing this copy changes nothing except your own understanding.
"""

import jax, jax.numpy as jnp
import numpy as np
import math

VOCAB = 1000000
D_MODEL = 64
BATCH = 16384
HIST = 200

def setup_inputs(seed: int = 0) -> dict:
    key = jax.random.key(seed)
    k1, k2 = jax.random.split(key)
    x = jax.random.randint(k1, (BATCH, HIST), 0, VOCAB, dtype=jnp.int64) if jax.config.jax_enable_x64 else jax.random.randint(k1, (BATCH, HIST), 0, VOCAB, dtype=jnp.int32)
    emb_weight = jax.random.normal(k2, (VOCAB, D_MODEL), dtype=jnp.float32)
    return {"x": x, "emb_weight": emb_weight}

def reference(x, emb_weight):
    # nn.Embedding lookup scaled by sqrt(d_model)
    out = jnp.take(emb_weight, x, axis=0)
    return out * math.sqrt(D_MODEL)

if __name__ == "__main__":
    import jax
    _d = setup_inputs()
    print(jax.jit(kernel)(*tuple(_d.values())))

</pallas_src>

<mosaic_0001>
#map = affine_map<(d0, d1) -> (0, 0)>
#map1 = affine_map<(d0, d1) -> (0, 0, 0)>
module attributes {stable_mosaic.version = 14 : i64} {
  func.func @_gather_body(%arg0: i32, %arg1: i32, %arg2: memref<2000000x64xf32, #tpu.memory_space<hbm>>, %arg3: memref<16384x200xi32, #tpu.memory_space<hbm>>, %arg4: memref<16384x200x128xf32, #tpu.memory_space<hbm>>, %arg5: memref<2x200xi32, #tpu.memory_space<vmem>>, %arg6: memref<2x200xi32, #tpu.memory_space<vmem>>, %arg7: memref<2x200xi32, #tpu.memory_space<vmem>>, %arg8: memref<2x200x64xf32, #tpu.memory_space<vmem>>, %arg9: memref<2x200x64xf32, #tpu.memory_space<vmem>>, %arg10: memref<2x200x64xf32, #tpu.memory_space<vmem>>, %arg11: memref<!tpu.dma_semaphore, #tpu.memory_space<semaphore_mem>>, %arg12: memref<!tpu.dma_semaphore, #tpu.memory_space<semaphore_mem>>, %arg13: memref<!tpu.dma_semaphore, #tpu.memory_space<semaphore_mem>>) attributes {dimension_semantics = [#tpu.dimension_semantics<core_parallel>, #tpu.dimension_semantics<subcore_parallel>], iteration_bounds = array<i64: 2, 16>, scalar_prefetch = 0 : i64, scratch_operands = 9 : i64, tpu.core_type = #tpu.core_type<sc_vector_subcore>, window_params = [{transform_indices = #map}, {transform_indices = #map}, {transform_indices = #map1}]} {
    %mul3A = arith.constant 2 : i32
    %mul3A_0 = arith.muli %arg1, %mul3A : i32
    %add3A = arith.addi %mul3A_0, %arg0 : i32
    %mul3A_1 = arith.constant 512 : i32
    %mul3A_2 = arith.muli %add3A, %mul3A_1 : i32
    %add3A_3 = arith.constant 0 : i32
    %add3A_4 = arith.addi %mul3A_2, %add3A_3 : i32
    "tpu.region"() ({
      %run_scoped3A = tpu.sem_alloc : memref<!tpu.dma_semaphore, #tpu.memory_space<semaphore_mem>>
      %dma_start3A_150 = arith.constant 0 : i32
      %dma_start3A_151 = tpu.memref_slice %arg3[%add3A_4, %dma_start3A_150] : memref<16384x200xi32, #tpu.memory_space<hbm>> -> memref<2x200xi32, #tpu.memory_space<hbm>>
      %dma_start3A_152 = arith.constant 0 : i32
      %dma_start3A_153 = tpu.memref_slice %arg3[%add3A_4, %dma_start3A_152] : memref<16384x200xi32, #tpu.memory_space<hbm>> -> memref<2x200xi32, #tpu.memory_space<hbm>>
      tpu.enqueue_dma source(%dma_start3A_153 : memref<2x200xi32, #tpu.memory_space<hbm>>) target(%arg5 : memref<2x200xi32, #tpu.memory_space<vmem>>) target_semaphore(%run_scoped3A : memref<!tpu.dma_semaphore, #tpu.memory_space<semaphore_mem>>)
      %dma_wait3A_154 = arith.constant 0 : i32
      %dma_wait3A_155 = tpu.memref_slice %arg3[%add3A_4, %dma_wait3A_154] : memref<16384x200xi32, #tpu.memory_space<hbm>> -> memref<2x200xi32, #tpu.memory_space<hbm>>
      %dma_wait3A_156 = arith.constant 0 : i32
      %dma_wait3A_157 = tpu.memref_slice %arg3[%add3A_4, %dma_wait3A_156] : memref<16384x200xi32, #tpu.memory_space<hbm>> -> memref<2x200xi32, #tpu.memory_space<hbm>>
      tpu.wait_dma2 semaphore(%run_scoped3A : memref<!tpu.dma_semaphore, #tpu.memory_space<semaphore_mem>>) src(%dma_wait3A_157 : memref<2x200xi32, #tpu.memory_space<hbm>>) dst(%arg5 : memref<2x200xi32, #tpu.memory_space<vmem>>)
      tpu.yield
    }) : () -> ()
    %dma_start3A = arith.constant 0 : i32
    %dma_start3A_5 = arith.constant 0 : i32
    %dma_start3A_6 = arith.constant 0 : i32
    %dma_start3A_7 = arith.constant 0 : i32
    %dma_start3A_8 = tpu.memref_slice %arg8[%dma_start3A_5, %dma_start3A_6, %dma_start3A_7] : memref<2x200x64xf32, #tpu.memory_space<vmem>> -> memref<1x128x64xf32, #tpu.memory_space<vmem>>
    %dma_start3A_9 = tpu.memref_squeeze %dma_start3A_8 : memref<1x128x64xf32, #tpu.memory_space<vmem>> -> memref<128x64xf32, #tpu.memory_space<vmem>>
    %dma_start3A_10 = arith.constant 0 : i32
    %dma_start3A_11 = tpu.memref_slice %arg5[%dma_start3A, %dma_start3A_10] : memref<2x200xi32, #tpu.memory_space<vmem>> -> memref<1x128xi32, #tpu.memory_space<vmem>>
    %dma_start3A_12 = tpu.memref_squeeze %dma_start3A_11 : memref<1x128xi32, #tpu.memory_space<vmem>> -> memref<128xi32, #tpu.memory_space<vmem>>
    %dma_start3A_13 = arith.constant 0 : i32
    %dma_start3A_14 = arith.constant 0 : i32
    %dma_start3A_15 = tpu.memref_slice %arg2[%dma_start3A_13, %dma_start3A_14] : memref<2000000x64xf32, #tpu.memory_space<hbm>> -> memref<2000000x64xf32, #tpu.memory_space<hbm>>
    tpu.enqueue_indirect_dma source(%dma_start3A_15 : memref<2000000x64xf32, #tpu.memory_space<hbm>>) target(%dma_start3A_9 : memref<128x64xf32, #tpu.memory_space<vmem>>) offsets(%dma_start3A_12 : memref<128xi32, #tpu.memory_space<vmem>>) semaphore(%arg11 : memref<!tpu.dma_semaphore, #tpu.memory_space<semaphore_mem>>)
    %dma_start3A_16 = arith.constant 0 : i32
    %dma_start3A_17 = arith.constant 0 : i32
    %dma_start3A_18 = arith.constant 128 : i32
    %dma_start3A_19 = arith.constant 0 : i32
    %dma_start3A_20 = tpu.memref_slice %arg8[%dma_start3A_17, %dma_start3A_18, %dma_start3A_19] : memref<2x200x64xf32, #tpu.memory_space<vmem>> -> memref<1x72x64xf32, #tpu.memory_space<vmem>>
    %dma_start3A_21 = tpu.memref_squeeze %dma_start3A_20 : memref<1x72x64xf32, #tpu.memory_space<vmem>> -> memref<72x64xf32, #tpu.memory_space<vmem>>
    %dma_start3A_22 = arith.constant 128 : i32
    %dma_start3A_23 = tpu.memref_slice %arg5[%dma_start3A_16, %dma_start3A_22] : memref<2x200xi32, #tpu.memory_space<vmem>> -> memref<1x72xi32, #tpu.memory_space<vmem>>
    %dma_start3A_24 = tpu.memref_squeeze %dma_start3A_23 : memref<1x72xi32, #tpu.memory_space<vmem>> -> memref<72xi32, #tpu.memory_space<vmem>>
    %dma_start3A_25 = arith.constant 0 : i32
    %dma_start3A_26 = arith.constant 0 : i32
    %dma_start3A_27 = tpu.memref_slice %arg2[%dma_start3A_25, %dma_start3A_26] : memref<2000000x64xf32, #tpu.memory_space<hbm>> -> memref<2000000x64xf32, #tpu.memory_space<hbm>>
    tpu.enqueue_indirect_dma source(%dma_start3A_27 : memref<2000000x64xf32, #tpu.memory_space<hbm>>) target(%dma_start3A_21 : memref<72x64xf32, #tpu.memory_space<vmem>>) offsets(%dma_start3A_24 : memref<72xi32, #tpu.memory_space<vmem>>) semaphore(%arg11 : memref<!tpu.dma_semaphore, #tpu.memory_space<semaphore_mem>>)
    %dma_start3A_28 = arith.constant 1 : i32
    %dma_start3A_29 = arith.constant 1 : i32
    %dma_start3A_30 = arith.constant 0 : i32
    %dma_start3A_31 = arith.constant 0 : i32
    %dma_start3A_32 = tpu.memref_slice %arg8[%dma_start3A_29, %dma_start3A_30, %dma_start3A_31] : memref<2x200x64xf32, #tpu.memory_space<vmem>> -> memref<1x128x64xf32, #tpu.memory_space<vmem>>
    %dma_start3A_33 = tpu.memref_squeeze %dma_start3A_32 : memref<1x128x64xf32, #tpu.memory_space<vmem>> -> memref<128x64xf32, #tpu.memory_space<vmem>>
    %dma_start3A_34 = arith.constant 0 : i32
    %dma_start3A_35 = tpu.memref_slice %arg5[%dma_start3A_28, %dma_start3A_34] : memref<2x200xi32, #tpu.memory_space<vmem>> -> memref<1x128xi32, #tpu.memory_space<vmem>>
    %dma_start3A_36 = tpu.memref_squeeze %dma_start3A_35 : memref<1x128xi32, #tpu.memory_space<vmem>> -> memref<128xi32, #tpu.memory_space<vmem>>
    %dma_start3A_37 = arith.constant 0 : i32
    %dma_start3A_38 = arith.constant 0 : i32
    %dma_start3A_39 = tpu.memref_slice %arg2[%dma_start3A_37, %dma_start3A_38] : memref<2000000x64xf32, #tpu.memory_space<hbm>> -> memref<2000000x64xf32, #tpu.memory_space<hbm>>
    tpu.enqueue_indirect_dma source(%dma_start3A_39 : memref<2000000x64xf32, #tpu.memory_space<hbm>>) target(%dma_start3A_33 : memref<128x64xf32, #tpu.memory_space<vmem>>) offsets(%dma_start3A_36 : memref<128xi32, #tpu.memory_space<vmem>>) semaphore(%arg11 : memref<!tpu.dma_semaphore, #tpu.memory_space<semaphore_mem>>)
    %dma_start3A_40 = arith.constant 1 : i32
    %dma_start3A_41 = arith.constant 1 : i32
    %dma_start3A_42 = arith.constant 128 : i32
    %dma_start3A_43 = arith.constant 0 : i32
    %dma_start3A_44 = tpu.memref_slice %arg8[%dma_start3A_41, %dma_start3A_42, %dma_start3A_43] : memref<2x200x64xf32, #tpu.memory_space<vmem>> -> memref<1x72x64xf32, #tpu.memory_space<vmem>>
    %dma_start3A_45 = tpu.memref_squeeze %dma_start3A_44 : memref<1x72x64xf32, #tpu.memory_space<vmem>> -> memref<72x64xf32, #tpu.memory_space<vmem>>
    %dma_start3A_46 = arith.constant 128 : i32
    %dma_start3A_47 = tpu.memref_slice %arg5[%dma_start3A_40, %dma_start3A_46] : memref<2x200xi32, #tpu.memory_space<vmem>> -> memref<1x72xi32, #tpu.memory_space<vmem>>
    %dma_start3A_48 = tpu.memref_squeeze %dma_start3A_47 : memref<1x72xi32, #tpu.memory_space<vmem>> -> memref<72xi32, #tpu.memory_space<vmem>>
    %dma_start3A_49 = arith.constant 0 : i32
    %dma_start3A_50 = arith.constant 0 : i32
    %dma_start3A_51 = tpu.memref_slice %arg2[%dma_start3A_49, %dma_start3A_50] : memref<2000000x64xf32, #tpu.memory_space<hbm>> -> memref<2000000x64xf32, #tpu.memory_space<hbm>>
    tpu.enqueue_indirect_dma source(%dma_start3A_51 : memref<2000000x64xf32, #tpu.memory_space<hbm>>) target(%dma_start3A_45 : memref<72x64xf32, #tpu.memory_space<vmem>>) offsets(%dma_start3A_48 : memref<72xi32, #tpu.memory_space<vmem>>) semaphore(%arg11 : memref<!tpu.dma_semaphore, #tpu.memory_space<semaphore_mem>>)
    %add3A_52 = arith.constant 2 : i32
    %add3A_53 = arith.addi %mul3A_2, %add3A_52 : i32
    %dma_start3A_54 = arith.constant 0 : i32
    %dma_start3A_55 = tpu.memref_slice %arg3[%add3A_53, %dma_start3A_54] : memref<16384x200xi32, #tpu.memory_space<hbm>> -> memref<2x200xi32, #tpu.memory_space<hbm>>
    %dma_start3A_56 = arith.constant 0 : i32
    %dma_start3A_57 = tpu.memref_slice %arg3[%add3A_53, %dma_start3A_56] : memref<16384x200xi32, #tpu.memory_space<hbm>> -> memref<2x200xi32, #tpu.memory_space<hbm>>
    tpu.enqueue_dma source(%dma_start3A_57 : memref<2x200xi32, #tpu.memory_space<hbm>>) target(%arg6 : memref<2x200xi32, #tpu.memory_space<vmem>>) target_semaphore(%arg13 : memref<!tpu.dma_semaphore, #tpu.memory_space<semaphore_mem>>)
    %scan3A = arith.constant 0 : i32
    %scan3A_58 = arith.constant 0 : i32
    %scan3A_59 = arith.constant 85 : i32
    %scan3A_60 = arith.addi %scan3A_58, %scan3A_59 : i32
    %scan3A_61 = arith.constant 1 : i32
    %scan3A_62 = scf.for %scan3A_150 = %scan3A_58 to %scan3A_60 step %scan3A_61 iter_args(%scan3A_151 = %scan3A) -> (i32)  : i32 {
      %mul3A_152 = arith.constant 3 : i32
      %mul3A_153 = arith.muli %scan3A_150, %mul3A_152 : i32
      %ge3A = arith.constant 2 : i32
      %ge3A_154 = arith.cmpi sge, %mul3A_153, %ge3A : i32
      %convert_element_type3A = arith.extui %ge3A_154 : i1 to i32
      %cond3A = arith.constant 0 : i32
      %cond3A_155 = arith.cmpi ne, %convert_element_type3A, %cond3A : i32
      scf.if %cond3A_155 {
        %sub3A = arith.constant 2 : i32
        %sub3A_425 = arith.subi %mul3A_153, %sub3A : i32
        %mul3A_426 = arith.constant 2 : i32
        %mul3A_427 = arith.muli %sub3A_425, %mul3A_426 : i32
        %add3A_428 = arith.addi %mul3A_2, %mul3A_427 : i32
        %dma_wait3A_429 = arith.constant 0 : i32
        %dma_wait3A_430 = arith.constant 0 : i32
        %dma_wait3A_431 = tpu.memref_slice %arg4[%add3A_428, %dma_wait3A_429, %dma_wait3A_430] : memref<16384x200x128xf32, #tpu.memory_space<hbm>> -> memref<2x200x64xf32, #tpu.memory_space<hbm>>
        %dma_wait3A_432 = arith.constant 0 : i32
        %dma_wait3A_433 = arith.constant 0 : i32
        %dma_wait3A_434 = tpu.memref_slice %arg4[%add3A_428, %dma_wait3A_432, %dma_wait3A_433] : memref<16384x200x128xf32, #tpu.memory_space<hbm>> -> memref<2x200x64xf32, #tpu.memory_space<hbm>>
        tpu.wait_dma2 semaphore(%arg12 : memref<!tpu.dma_semaphore, #tpu.memory_space<semaphore_mem>>) src(%arg9 : memref<2x200x64xf32, #tpu.memory_space<vmem>>) dst(%dma_wait3A_434 : memref<2x200x64xf32, #tpu.memory_space<hbm>>)
      } else {
      }
      %add3A_156 = arith.constant 1 : i32
      %add3A_157 = arith.addi %mul3A_153, %add3A_156 : i32
      %lt3A = arith.constant 256 : i32
      %lt3A_158 = arith.cmpi slt, %add3A_157, %lt3A : i32
      %convert_element_type3A_159 = arith.extui %lt3A_158 : i1 to i32
      %cond3A_160 = arith.constant 0 : i32
      %cond3A_161 = arith.cmpi ne, %convert_element_type3A_159, %cond3A_160 : i32
      scf.if %cond3A_161 {
        %add3A_425 = arith.constant 1 : i32
        %add3A_426 = arith.addi %mul3A_153, %add3A_425 : i32
        %mul3A_427 = arith.constant 2 : i32
        %mul3A_428 = arith.muli %add3A_426, %mul3A_427 : i32
        %add3A_429 = arith.addi %mul3A_2, %mul3A_428 : i32
        %dma_wait3A_430 = arith.constant 0 : i32
        %dma_wait3A_431 = tpu.memref_slice %arg3[%add3A_429, %dma_wait3A_430] : memref<16384x200xi32, #tpu.memory_space<hbm>> -> memref<2x200xi32, #tpu.memory_space<hbm>>
        %dma_wait3A_432 = arith.constant 0 : i32
        %dma_wait3A_433 = tpu.memref_slice %arg3[%add3A_429, %dma_wait3A_432] : memref<16384x200xi32, #tpu.memory_space<hbm>> -> memref<2x200xi32, #tpu.memory_space<hbm>>
        tpu.wait_dma2 semaphore(%arg13 : memref<!tpu.dma_semaphore, #tpu.memory_space<semaphore_mem>>) src(%dma_wait3A_433 : memref<2x200xi32, #tpu.memory_space<hbm>>) dst(%arg6 : memref<2x200xi32, #tpu.memory_space<vmem>>)
      } else {
      }
      %dma_wait3A_162 = arith.constant 0 : i32
      %dma_wait3A_163 = arith.constant 0 : i32
      %dma_wait3A_164 = arith.constant 0 : i32
      %dma_wait3A_165 = arith.constant 0 : i32
      %dma_wait3A_166 = tpu.memref_slice %arg8[%dma_wait3A_163, %dma_wait3A_164, %dma_wait3A_165] : memref<2x200x64xf32, #tpu.memory_space<vmem>> -> memref<1x128x64xf32, #tpu.memory_space<vmem>>
      %dma_wait3A_167 = tpu.memref_squeeze %dma_wait3A_166 : memref<1x128x64xf32, #tpu.memory_space<vmem>> -> memref<128x64xf32, #tpu.memory_space<vmem>>
      %dma_wait3A_168 = arith.constant 0 : i32
      %dma_wait3A_169 = tpu.memref_slice %arg5[%dma_wait3A_162, %dma_wait3A_168] : memref<2x200xi32, #tpu.memory_space<vmem>> -> memref<1x128xi32, #tpu.memory_space<vmem>>
      %dma_wait3A_170 = tpu.memref_squeeze %dma_wait3A_169 : memref<1x128xi32, #tpu.memory_space<vmem>> -> memref<128xi32, #tpu.memory_space<vmem>>
      %dma_wait3A_171 = arith.constant 0 : i32
      %dma_wait3A_172 = arith.constant 0 : i32
      %dma_wait3A_173 = tpu.memref_slice %arg2[%dma_wait3A_171, %dma_wait3A_172] : memref<2000000x64xf32, #tpu.memory_space<hbm>> -> memref<2000000x64xf32, #tpu.memory_space<hbm>>
      tpu.wait_indirect_dma semaphore(%arg11 : memref<!tpu.dma_semaphore, #tpu.memory_space<semaphore_mem>>) src(%dma_wait3A_173 : memref<2000000x64xf32, #tpu.memory_space<hbm>>) dst(%dma_wait3A_167 : memref<128x64xf32, #tpu.memory_space<vmem>>)
      %dma_wait3A_174 = arith.constant 0 : i32
      %dma_wait3A_175 = arith.constant 0 : i32
      %dma_wait3A_176 = arith.constant 128 : i32
      %dma_wait3A_177 = arith.constant 0 : i32
      %dma_wait3A_178 = tpu.memref_slice %arg8[%dma_wait3A_175, %dma_wait3A_176, %dma_wait3A_177] : memref<2x200x64xf32, #tpu.memory_space<vmem>> -> memref<1x72x64xf32, #tpu.memory_space<vmem>>
      %dma_wait3A_179 = tpu.memref_squeeze %dma_wait3A_178 : memref<1x72x64xf32, #tpu.memory_space<vmem>> -> memref<72x64xf32, #tpu.memory_space<vmem>>
      %dma_wait3A_180 = arith.constant 128 : i32
      %dma_wait3A_181 = tpu.memref_slice %arg5[%dma_wait3A_174, %dma_wait3A_180] : memref<2x200xi32, #tpu.memory_space<vmem>> -> memref<1x72xi32, #tpu.memory_space<vmem>>
      %dma_wait3A_182 = tpu.memref_squeeze %dma_wait3A_181 : memref<1x72xi32, #tpu.memory_space<vmem>> -> memref<72xi32, #tpu.memory_space<vmem>>
      %dma_wait3A_183 = arith.constant 0 : i32
      %dma_wait3A_184 = arith.constant 0 : i32
      %dma_wait3A_185 = tpu.memref_slice %arg2[%dma_wait3A_183, %dma_wait3A_184] : memref<2000000x64xf32, #tpu.memory_space<hbm>> -> memref<2000000x64xf32, #tpu.memory_space<hbm>>
      tpu.wait_indirect_dma semaphore(%arg11 : memref<!tpu.dma_semaphore, #tpu.memory_space<semaphore_mem>>) src(%dma_wait3A_185 : memref<2000000x64xf32, #tpu.memory_space<hbm>>) dst(%dma_wait3A_179 : memref<72x64xf32, #tpu.memory_space<vmem>>)
      %dma_wait3A_186 = arith.constant 1 : i32
      %dma_wait3A_187 = arith.constant 1 : i32
      %dma_wait3A_188 = arith.constant 0 : i32
      %dma_wait3A_189 = arith.constant 0 : i32
      %dma_wait3A_190 = tpu.memref_slice %arg8[%dma_wait3A_187, %dma_wait3A_188, %dma_wait3A_189] : memref<2x200x64xf32, #tpu.memory_space<vmem>> -> memref<1x128x64xf32, #tpu.memory_space<vmem>>
      %dma_wait3A_191 = tpu.memref_squeeze %dma_wait3A_190 : memref<1x128x64xf32, #tpu.memory_space<vmem>> -> memref<128x64xf32, #tpu.memory_space<vmem>>
      %dma_wait3A_192 = arith.constant 0 : i32
      %dma_wait3A_193 = tpu.memref_slice %arg5[%dma_wait3A_186, %dma_wait3A_192] : memref<2x200xi32, #tpu.memory_space<vmem>> -> memref<1x128xi32, #tpu.memory_space<vmem>>
      %dma_wait3A_194 = tpu.memref_squeeze %dma_wait3A_193 : memref<1x128xi32, #tpu.memory_space<vmem>> -> memref<128xi32, #tpu.memory_space<vmem>>
      %dma_wait3A_195 = arith.constant 0 : i32
      %dma_wait3A_196 = arith.constant 0 : i32
      %dma_wait3A_197 = tpu.memref_slice %arg2[%dma_wait3A_195, %dma_wait3A_196] : memref<2000000x64xf32, #tpu.memory_space<hbm>> -> memref<2000000x64xf32, #tpu.memory_space<hbm>>
      tpu.wait_indirect_dma semaphore(%arg11 : memref<!tpu.dma_semaphore, #tpu.memory_space<semaphore_mem>>) src(%dma_wait3A_197 : memref<2000000x64xf32, #tpu.memory_space<hbm>>) dst(%dma_wait3A_191 : memref<128x64xf32, #tpu.memory_space<vmem>>)
      %dma_wait3A_198 = arith.constant 1 : i32
      %dma_wait3A_199 = arith.constant 1 : i32
      %dma_wait3A_200 = arith.constant 128 : i32
      %dma_wait3A_201 = arith.constant 0 : i32
      %dma_wait3A_202 = tpu.memref_slice %arg8[%dma_wait3A_199, %dma_wait3A_200, %dma_wait3A_201] : memref<2x200x64xf32, #tpu.memory_space<vmem>> -> memref<1x72x64xf32, #tpu.memory_space<vmem>>
      %dma_wait3A_203 = tpu.memref_squeeze %dma_wait3A_202 : memref<1x72x64xf32, #tpu.memory_space<vmem>> -> memref<72x64xf32, #tpu.memory_space<vmem>>
      %dma_wait3A_204 = arith.constant 128 : i32
      %dma_wait3A_205 = tpu.memref_slice %arg5[%dma_wait3A_198, %dma_wait3A_204] : memref<2x200xi32, #tpu.memory_space<vmem>> -> memref<1x72xi32, #tpu.memory_space<vmem>>
      %dma_wait3A_206 = tpu.memref_squeeze %dma_wait3A_205 : memref<1x72xi32, #tpu.memory_space<vmem>> -> memref<72xi32, #tpu.memory_space<vmem>>
      %dma_wait3A_207 = arith.constant 0 : i32
      %dma_wait3A_208 = arith.constant 0 : i32
      %dma_wait3A_209 = tpu.memref_slice %arg2[%dma_wait3A_207, %dma_wait3A_208] : memref<2000000x64xf32, #tpu.memory_space<hbm>> -> memref<2000000x64xf32, #tpu.memory_space<hbm>>
      tpu.wait_indirect_dma semaphore(%arg11 : memref<!tpu.dma_semaphore, #tpu.memory_space<semaphore_mem>>) src(%dma_wait3A_209 : memref<2000000x64xf32, #tpu.memory_space<hbm>>) dst(%dma_wait3A_203 : memref<72x64xf32, #tpu.memory_space<vmem>>)
      %add3A_210 = arith.constant 1 : i32
      %add3A_211 = arith.addi %mul3A_153, %add3A_210 : i32
      %lt3A_212 = arith.constant 256 : i32
      %lt3A_213 = arith.cmpi slt, %add3A_211, %lt3A_212 : i32
      %convert_element_type3A_214 = arith.extui %lt3A_213 : i1 to i32
      %cond3A_215 = arith.constant 0 : i32
      %cond3A_216 = arith.cmpi ne, %convert_element_type3A_214, %cond3A_215 : i32
      scf.if %cond3A_216 {
        %add3A_425 = arith.constant 1 : i32
        %add3A_426 = arith.addi %mul3A_153, %add3A_425 : i32
        %dma_start3A_427 = arith.constant 0 : i32
        %dma_start3A_428 = arith.constant 0 : i32
        %dma_start3A_429 = arith.constant 0 : i32
        %dma_start3A_430 = arith.constant 0 : i32
        %dma_start3A_431 = tpu.memref_slice %arg9[%dma_start3A_428, %dma_start3A_429, %dma_start3A_430] : memref<2x200x64xf32, #tpu.memory_space<vmem>> -> memref<1x128x64xf32, #tpu.memory_space<vmem>>
        %dma_start3A_432 = tpu.memref_squeeze %dma_start3A_431 : memref<1x128x64xf32, #tpu.memory_space<vmem>> -> memref<128x64xf32, #tpu.memory_space<vmem>>
        %dma_start3A_433 = arith.constant 0 : i32
        %dma_start3A_434 = tpu.memref_slice %arg6[%dma_start3A_427, %dma_start3A_433] : memref<2x200xi32, #tpu.memory_space<vmem>> -> memref<1x128xi32, #tpu.memory_space<vmem>>
        %dma_start3A_435 = tpu.memref_squeeze %dma_start3A_434 : memref<1x128xi32, #tpu.memory_space<vmem>> -> memref<128xi32, #tpu.memory_space<vmem>>
        %dma_start3A_436 = arith.constant 0 : i32
        %dma_start3A_437 = arith.constant 0 : i32
        %dma_start3A_438 = tpu.memref_slice %arg2[%dma_start3A_436, %dma_start3A_437] : memref<2000000x64xf32, #tpu.memory_space<hbm>> -> memref<2000000x64xf32, #tpu.memory_space<hbm>>
        tpu.enqueue_indirect_dma source(%dma_start3A_438 : memref<2000000x64xf32, #tpu.memory_space<hbm>>) target(%dma_start3A_432 : memref<128x64xf32, #tpu.memory_space<vmem>>) offsets(%dma_start3A_435 : memref<128xi32, #tpu.memory_space<vmem>>) semaphore(%arg11 : memref<!tpu.dma_semaphore, #tpu.memory_space<semaphore_mem>>)
        %dma_start3A_439 = arith.constant 0 : i32
        %dma_start3A_440 = arith.constant 0 : i32
        %dma_start3A_441 = arith.constant 128 : i32
        %dma_start3A_442 = arith.constant 0 : i32
        %dma_start3A_443 = tpu.memref_slice %arg9[%dma_start3A_440, %dma_start3A_441, %dma_start3A_442] : memref<2x200x64xf32, #tpu.memory_space<vmem>> -> memref<1x72x64xf32, #tpu.memory_space<vmem>>
        %dma_start3A_444 = tpu.memref_squeeze %dma_start3A_443 : memref<1x72x64xf32, #tpu.memory_space<vmem>> -> memref<72x64xf32, #tpu.memory_space<vmem>>
        %dma_start3A_445 = arith.constant 128 : i32
        %dma_start3A_446 = tpu.memref_slice %arg6[%dma_start3A_439, %dma_start3A_445] : memref<2x200xi32, #tpu.memory_space<vmem>> -> memref<1x72xi32, #tpu.memory_space<vmem>>
        %dma_start3A_447 = tpu.memref_squeeze %dma_start3A_446 : memref<1x72xi32, #tpu.memory_space<vmem>> -> memref<72xi32, #tpu.memory_space<vmem>>
        %dma_start3A_448 = arith.constant 0 : i32
        %dma_start3A_449 = arith.constant 0 : i32
        %dma_start3A_450 = tpu.memref_slice %arg2[%dma_start3A_448, %dma_start3A_449] : memref<2000000x64xf32, #tpu.memory_space<hbm>> -> memref<2000000x64xf32, #tpu.memory_space<hbm>>
        tpu.enqueue_indirect_dma source(%dma_start3A_450 : memref<2000000x64xf32, #tpu.memory_space<hbm>>) target(%dma_start3A_444 : memref<72x64xf32, #tpu.memory_space<vmem>>) offsets(%dma_start3A_447 : memref<72xi32, #tpu.memory_space<vmem>>) semaphore(%arg11 : memref<!tpu.dma_semaphore, #tpu.memory_space<semaphore_mem>>)
        %dma_start3A_451 = arith.constant 1 : i32
        %dma_start3A_452 = arith.constant 1 : i32
        %dma_start3A_453 = arith.constant 0 : i32
        %dma_start3A_454 = arith.constant 0 : i32
        %dma_start3A_455 = tpu.memref_slice %arg9[%dma_start3A_452, %dma_start3A_453, %dma_start3A_454] : memref<2x200x64xf32, #tpu.memory_space<vmem>> -> memref<1x128x64xf32, #tpu.memory_space<vmem>>
        %dma_start3A_456 = tpu.memref_squeeze %dma_start3A_455 : memref<1x128x64xf32, #tpu.memory_space<vmem>> -> memref<128x64xf32, #tpu.memory_space<vmem>>
        %dma_start3A_457 = arith.constant 0 : i32
        %dma_start3A_458 = tpu.memref_slice %arg6[%dma_start3A_451, %dma_start3A_457] : memref<2x200xi32, #tpu.memory_space<vmem>> -> memref<1x128xi32, #tpu.memory_space<vmem>>
        %dma_start3A_459 = tpu.memref_squeeze %dma_start3A_458 : memref<1x128xi32, #tpu.memory_space<vmem>> -> memref<128xi32, #tpu.memory_space<vmem>>
        %dma_start3A_460 = arith.constant 0 : i32
        %dma_start3A_461 = arith.constant 0 : i32
        %dma_start3A_462 = tpu.memref_slice %arg2[%dma_start3A_460, %dma_start3A_461] : memref<2000000x64xf32, #tpu.memory_space<hbm>> -> memref<2000000x64xf32, #tpu.memory_space<hbm>>
        tpu.enqueue_indirect_dma source(%dma_start3A_462 : memref<2000000x64xf32, #tpu.memory_space<hbm>>) target(%dma_start3A_456 : memref<128x64xf32, #tpu.memory_space<vmem>>) offsets(%dma_start3A_459 : memref<128xi32, #tpu.memory_space<vmem>>) semaphore(%arg11 : memref<!tpu.dma_semaphore, #tpu.memory_space<semaphore_mem>>)
        %dma_start3A_463 = arith.constant 1 : i32
        %dma_start3A_464 = arith.constant 1 : i32
        %dma_start3A_465 = arith.constant 128 : i32
        %dma_start3A_466 = arith.constant 0 : i32
        %dma_start3A_467 = tpu.memref_slice %arg9[%dma_start3A_464, %dma_start3A_465, %dma_start3A_466] : memref<2x200x64xf32, #tpu.memory_space<vmem>> -> memref<1x72x64xf32, #tpu.memory_space<vmem>>
        %dma_start3A_468 = tpu.memref_squeeze %dma_start3A_467 : memref<1x72x64xf32, #tpu.memory_space<vmem>> -> memref<72x64xf32, #tpu.memory_space<vmem>>
        %dma_start3A_469 = arith.constant 128 : i32
        %dma_start3A_470 = tpu.memref_slice %arg6[%dma_start3A_463, %dma_start3A_469] : memref<2x200xi32, #tpu.memory_space<vmem>> -> memref<1x72xi32, #tpu.memory_space<vmem>>
        %dma_start3A_471 = tpu.memref_squeeze %dma_start3A_470 : memref<1x72xi32, #tpu.memory_space<vmem>> -> memref<72xi32, #tpu.memory_space<vmem>>
        %dma_start3A_472 = arith.constant 0 : i32
        %dma_start3A_473 = arith.constant 0 : i32
        %dma_start3A_474 = tpu.memref_slice %arg2[%dma_start3A_472, %dma_start3A_473] : memref<2000000x64xf32, #tpu.memory_space<hbm>> -> memref<2000000x64xf32, #tpu.memory_space<hbm>>
        tpu.enqueue_indirect_dma source(%dma_start3A_474 : memref<2000000x64xf32, #tpu.memory_space<hbm>>) target(%dma_start3A_468 : memref<72x64xf32, #tpu.memory_space<vmem>>) offsets(%dma_start3A_471 : memref<72xi32, #tpu.memory_space<vmem>>) semaphore(%arg11 : memref<!tpu.dma_semaphore, #tpu.memory_space<semaphore_mem>>)
      } else {
      }
      %scan3A_217 = arith.constant 0 : i32
      %scan3A_218 = arith.constant 0 : i32
      %scan3A_219 = arith.constant 50 : i32
      %scan3A_220 = arith.addi %scan3A_218, %scan3A_219 : i32
      %scan3A_221 = arith.constant 1 : i32
      %scan3A_222 = scf.for %scan3A_425 = %scan3A_218 to %scan3A_220 step %scan3A_221 iter_args(%scan3A_426 = %scan3A_217) -> (i32)  : i32 {
        %mul3A_427 = arith.constant 4 : i32
        %mul3A_428 = arith.muli %scan3A_425, %mul3A_427 : i32
        %add3A_429 = arith.constant 0 : i32
        %add3A_430 = arith.addi %mul3A_428, %add3A_429 : i32
        %get3A = arith.constant 0 : i32
        %get3A_431 = arith.index_cast %get3A : i32 to index
        %get3A_432 = arith.index_cast %add3A_430 : i32 to index
        %get3A_433 = arith.constant 0 : index
        %get3A_434 = tpu.vector_load %arg8[%get3A_431, %get3A_432, %get3A_433] {strides = array<i32>} : memref<2x200x64xf32, #tpu.memory_space<vmem>>, vector<1x1x16xf32>,
        %get3A_435 = vector.shape_cast %get3A_434 : vector<1x1x16xf32> to vector<16xf32>
        %mul3A_436 = arith.constant 8.000000e+00 : f32
        %mul3A_437 = vector.broadcast %mul3A_436 : f32 to vector<16xf32>
        %mul3A_438 = arith.mulf %get3A_435, %mul3A_437 : vector<16xf32>
        %add3A_439 = arith.constant 0 : i32
        %add3A_440 = arith.addi %mul3A_428, %add3A_439 : i32
        %swap3A = arith.constant 0 : i32
        %swap3A_441 = arith.index_cast %swap3A : i32 to index
        %swap3A_442 = arith.index_cast %add3A_440 : i32 to index
        %swap3A_443 = arith.constant 0 : index
        %swap3A_444 = tpu.vector_load %arg8[%swap3A_441, %swap3A_442, %swap3A_443] {strides = array<i32>} : memref<2x200x64xf32, #tpu.memory_space<vmem>>, vector<1x1x16xf32>,
        %swap3A_445 = vector.shape_cast %swap3A_444 : vector<1x1x16xf32> to vector<16xf32>
        %swap3A_446 = vector.shape_cast %mul3A_438 : vector<16xf32> to vector<1x1x16xf32>
        tpu.vector_store %arg8[%swap3A_441, %swap3A_442, %swap3A_443], %swap3A_446 {strides = array<i32>} : memref<2x200x64xf32, #tpu.memory_space<vmem>>, vector<1x1x16xf32>,
        %add3A_447 = arith.constant 0 : i32
        %add3A_448 = arith.addi %mul3A_428, %add3A_447 : i32
        %get3A_449 = arith.constant 0 : i32
        %get3A_450 = arith.index_cast %get3A_449 : i32 to index
        %get3A_451 = arith.index_cast %add3A_448 : i32 to index
        %get3A_452 = arith.constant 16 : index
        %get3A_453 = tpu.vector_load %arg8[%get3A_450, %get3A_451, %get3A_452] {strides = array<i32>} : memref<2x200x64xf32, #tpu.memory_space<vmem>>, vector<1x1x16xf32>,
        %get3A_454 = vector.shape_cast %get3A_453 : vector<1x1x16xf32> to vector<16xf32>
        %mul3A_455 = arith.constant 8.000000e+00 : f32
        %mul3A_456 = vector.broadcast %mul3A_455 : f32 to vector<16xf32>
        %mul3A_457 = arith.mulf %get3A_454, %mul3A_456 : vector<16xf32>
        %add3A_458 = arith.constant 0 : i32
        %add3A_459 = arith.addi %mul3A_428, %add3A_458 : i32
        %swap3A_460 = arith.constant 0 : i32
        %swap3A_461 = arith.index_cast %swap3A_460 : i32 to index
        %swap3A_462 = arith.index_cast %add3A_459 : i32 to index
        %swap3A_463 = arith.constant 16 : index
        %swap3A_464 = tpu.vector_load %arg8[%swap3A_461, %swap3A_462, %swap3A_463] {strides = array<i32>} : memref<2x200x64xf32, #tpu.memory_space<vmem>>, vector<1x1x16xf32>,
        %swap3A_465 = vector.shape_cast %swap3A_464 : vector<1x1x16xf32> to vector<16xf32>
        %swap3A_466 = vector.shape_cast %mul3A_457 : vector<16xf32> to vector<1x1x16xf32>
        tpu.vector_store %arg8[%swap3A_461, %swap3A_462, %swap3A_463], %swap3A_466 {strides = array<i32>} : memref<2x200x64xf32, #tpu.memory_space<vmem>>, vector<1x1x16xf32>,
        %add3A_467 = arith.constant 0 : i32
        %add3A_468 = arith.addi %mul3A_428, %add3A_467 : i32
        %get3A_469 = arith.constant 0 : i32
        %get3A_470 = arith.index_cast %get3A_469 : i32 to index
        %get3A_471 = arith.index_cast %add3A_468 : i32 to index
        %get3A_472 = arith.constant 32 : index
        %get3A_473 = tpu.vector_load %arg8[%get3A_470, %get3A_471, %get3A_472] {strides = array<i32>} : memref<2x200x64xf32, #tpu.memory_space<vmem>>, vector<1x1x16xf32>,
        %get3A_474 = vector.shape_cast %get3A_473 : vector<1x1x16xf32> to vector<16xf32>
        %mul3A_475 = arith.constant 8.000000e+00 : f32
        %mul3A_476 = vector.broadcast %mul3A_475 : f32 to vector<16xf32>
        %mul3A_477 = arith.mulf %get3A_474, %mul3A_476 : vector<16xf32>
        %add3A_478 = arith.constant 0 : i32
        %add3A_479 = arith.addi %mul3A_428, %add3A_478 : i32
        %swap3A_480 = arith.constant 0 : i32
        %swap3A_481 = arith.index_cast %swap3A_480 : i32 to index
        %swap3A_482 = arith.index_cast %add3A_479 : i32 to index
        %swap3A_483 = arith.constant 32 : index
        %swap3A_484 = tpu.vector_load %arg8[%swap3A_481, %swap3A_482, %swap3A_483] {strides = array<i32>} : memref<2x200x64xf32, #tpu.memory_space<vmem>>, vector<1x1x16xf32>,
        %swap3A_485 = vector.shape_cast %swap3A_484 : vector<1x1x16xf32> to vector<16xf32>
        %swap3A_486 = vector.shape_cast %mul3A_477 : vector<16xf32> to vector<1x1x16xf32>
        tpu.vector_store %arg8[%swap3A_481, %swap3A_482, %swap3A_483], %swap3A_486 {strides = array<i32>} : memref<2x200x64xf32, #tpu.memory_space<vmem>>, vector<1x1x16xf32>,
        %add3A_487 = arith.constant 0 : i32
        %add3A_488 = arith.addi %mul3A_428, %add3A_487 : i32
        %get3A_489 = arith.constant 0 : i32
        %get3A_490 = arith.index_cast %get3A_489 : i32 to index
        %get3A_491 = arith.index_cast %add3A_488 : i32 to index
        %get3A_492 = arith.constant 48 : index
        %get3A_493 = tpu.vector_load %arg8[%get3A_490, %get3A_491, %get3A_492] {strides = array<i32>} : memref<2x200x64xf32, #tpu.memory_space<vmem>>, vector<1x1x16xf32>,
        %get3A_494 = vector.shape_cast %get3A_493 : vector<1x1x16xf32> to vector<16xf32>
        %mul3A_495 = arith.constant 8.000000e+00 : f32
        %mul3A_496 = vector.broadcast %mul3A_495 : f32 to vector<16xf32>
        %mul3A_497 = arith.mulf %get3A_494, %mul3A_496 : vector<16xf32>
        %add3A_498 = arith.constant 0 : i32
        %add3A_499 = arith.addi %mul3A_428, %add3A_498 : i32
        %swap3A_500 = arith.constant 0 : i32
        %swap3A_501 = arith.index_cast %swap3A_500 : i32 to index
        %swap3A_502 = arith.index_cast %add3A_499 : i32 to index
        %swap3A_503 = arith.constant 48 : index
        %swap3A_504 = tpu.vector_load %arg8[%swap3A_501, %swap3A_502, %swap3A_503] {strides = array<i32>} : memref<2x200x64xf32, #tpu.memory_space<vmem>>, vector<1x1x16xf32>,
        %swap3A_505 = vector.shape_cast %swap3A_504 : vector<1x1x16xf32> to vector<16xf32>
        %swap3A_506 = vector.shape_cast %mul3A_497 : vector<16xf32> to vector<1x1x16xf32>
        tpu.vector_store %arg8[%swap3A_501, %swap3A_502, %swap3A_503], %swap3A_506 {strides = array<i32>} : memref<2x200x64xf32, #tpu.memory_space<vmem>>, vector<1x1x16xf32>,
        %add3A_507 = arith.constant 0 : i32
        %add3A_508 = arith.addi %mul3A_428, %add3A_507 : i32
        %get3A_509 = arith.constant 1 : i32
        %get3A_510 = arith.index_cast %get3A_509 : i32 to index
        %get3A_511 = arith.index_cast %add3A_508 : i32 to index
        %get3A_512 = arith.constant 0 : index
        %get3A_513 = tpu.vector_load %arg8[%get3A_510, %get3A_511, %get3A_512] {strides = array<i32>} : memref<2x200x64xf32, #tpu.memory_space<vmem>>, vector<1x1x16xf32>,
        %get3A_514 = vector.shape_cast %get3A_513 : vector<1x1x16xf32> to vector<16xf32>
        %mul3A_515 = arith.constant 8.000000e+00 : f32
        %mul3A_516 = vector.broadcast %mul3A_515 : f32 to vector<16xf32>
        %mul3A_517 = arith.mulf %get3A_514, %mul3A_516 : vector<16xf32>
        %add3A_518 = arith.constant 0 : i32
        %add3A_519 = arith.addi %mul3A_428, %add3A_518 : i32
        %swap3A_520 = arith.constant 1 : i32
        %swap3A_521 = arith.index_cast %swap3A_520 : i32 to index
        %swap3A_522 = arith.index_cast %add3A_519 : i32 to index
        %swap3A_523 = arith.constant 0 : index
        %swap3A_524 = tpu.vector_load %arg8[%swap3A_521, %swap3A_522, %swap3A_523] {strides = array<i32>} : memref<2x200x64xf32, #tpu.memory_space<vmem>>, vector<1x1x16xf32>,
        %swap3A_525 = vector.shape_cast %swap3A_524 : vector<1x1x16xf32> to vector<16xf32>
        %swap3A_526 = vector.shape_cast %mul3A_517 : vector<16xf32> to vector<1x1x16xf32>
        tpu.vector_store %arg8[%swap3A_521, %swap3A_522, %swap3A_523], %swap3A_526 {strides = array<i32>} : memref<2x200x64xf32, #tpu.memory_space<vmem>>, vector<1x1x16xf32>,
        %add3A_527 = arith.constant 0 : i32
        %add3A_528 = arith.addi %mul3A_428, %add3A_527 : i32
        %get3A_529 = arith.constant 1 : i32
        %get3A_530 = arith.index_cast %get3A_529 : i32 to index
        %get3A_531 = arith.index_cast %add3A_528 : i32 to index
        %get3A_532 = arith.constant 16 : index
        %get3A_533 = tpu.vector_load %arg8[%get3A_530, %get3A_531, %get3A_532] {strides = array<i32>} : memref<2x200x64xf32, #tpu.memory_space<vmem>>, vector<1x1x16xf32>,
        %get3A_534 = vector.shape_cast %get3A_533 : vector<1x1x16xf32> to vector<16xf32>
        %mul3A_535 = arith.constant 8.000000e+00 : f32
        %mul3A_536 = vector.broadcast %mul3A_535 : f32 to vector<16xf32>
        %mul3A_537 = arith.mulf %get3A_534, %mul3A_536 : vector<16xf32>
        %add3A_538 = arith.constant 0 : i32
        %add3A_539 = arith.addi %mul3A_428, %add3A_538 : i32
        %swap3A_540 = arith.constant 1 : i32
        %swap3A_541 = arith.index_cast %swap3A_540 : i32 to index
        %swap3A_542 = arith.index_cast %add3A_539 : i32 to index
        %swap3A_543 = arith.constant 16 : index
        %swap3A_544 = tpu.vector_load %arg8[%swap3A_541, %swap3A_542, %swap3A_543] {strides = array<i32>} : memref<2x200x64xf32, #tpu.memory_space<vmem>>, vector<1x1x16xf32>,
        %swap3A_545 = vector.shape_cast %swap3A_544 : vector<1x1x16xf32> to vector<16xf32>
        %swap3A_546 = vector.shape_cast %mul3A_537 : vector<16xf32> to vector<1x1x16xf32>
        tpu.vector_store %arg8[%swap3A_541, %swap3A_542, %swap3A_543], %swap3A_546 {strides = array<i32>} : memref<2x200x64xf32, #tpu.memory_space<vmem>>, vector<1x1x16xf32>,
        %add3A_547 = arith.constant 0 : i32
        %add3A_548 = arith.addi %mul3A_428, %add3A_547 : i32
        %get3A_549 = arith.constant 1 : i32
        %get3A_550 = arith.index_cast %get3A_549 : i32 to index
        %get3A_551 = arith.index_cast %add3A_548 : i32 to index
        %get3A_552 = arith.constant 32 : index
        %get3A_553 = tpu.vector_load %arg8[%get3A_550, %get3A_551, %get3A_552] {strides = array<i32>} : memref<2x200x64xf32, #tpu.memory_space<vmem>>, vector<1x1x16xf32>,
        %get3A_554 = vector.shape_cast %get3A_553 : vector<1x1x16xf32> to vector<16xf32>
        %mul3A_555 = arith.constant 8.000000e+00 : f32
        %mul3A_556 = vector.broadcast %mul3A_555 : f32 to vector<16xf32>
        %mul3A_557 = arith.mulf %get3A_554, %mul3A_556 : vector<16xf32>
        %add3A_558 = arith.constant 0 : i32
        %add3A_559 = arith.addi %mul3A_428, %add3A_558 : i32
        %swap3A_560 = arith.constant 1 : i32
        %swap3A_561 = arith.index_cast %swap3A_560 : i32 to index
        %swap3A_562 = arith.index_cast %add3A_559 : i32 to index
        %swap3A_563 = arith.constant 32 : index
        %swap3A_564 = tpu.vector_load %arg8[%swap3A_561, %swap3A_562, %swap3A_563] {strides = array<i32>} : memref<2x200x64xf32, #tpu.memory_space<vmem>>, vector<1x1x16xf32>,
        %swap3A_565 = vector.shape_cast %swap3A_564 : vector<1x1x16xf32> to vector<16xf32>
        %swap3A_566 = vector.shape_cast %mul3A_557 : vector<16xf32> to vector<1x1x16xf32>
        tpu.vector_store %arg8[%swap3A_561, %swap3A_562, %swap3A_563], %swap3A_566 {strides = array<i32>} : memref<2x200x64xf32, #tpu.memory_space<vmem>>, vector<1x1x16xf32>,
        %add3A_567 = arith.constant 0 : i32
        %add3A_568 = arith.addi %mul3A_428, %add3A_567 : i32
        %get3A_569 = arith.constant 1 : i32
        %get3A_570 = arith.index_cast %get3A_569 : i32 to index
        %get3A_571 = arith.index_cast %add3A_568 : i32 to index
        %get3A_572 = arith.constant 48 : index
        %get3A_573 = tpu.vector_load %arg8[%get3A_570, %get3A_571, %get3A_572] {strides = array<i32>} : memref<2x200x64xf32, #tpu.memory_space<vmem>>, vector<1x1x16xf32>,
        %get3A_574 = vector.shape_cast %get3A_573 : vector<1x1x16xf32> to vector<16xf32>
        %mul3A_575 = arith.constant 8.000000e+00 : f32
        %mul3A_576 = vector.broadcast %mul3A_575 : f32 to vector<16xf32>
        %mul3A_577 = arith.mulf %get3A_574, %mul3A_576 : vector<16xf32>
        %add3A_578 = arith.constant 0 : i32
        %add3A_579 = arith.addi %mul3A_428, %add3A_578 : i32
        %swap3A_580 = arith.constant 1 : i32
        %swap3A_581 = arith.index_cast %swap3A_580 : i32 to index
        %swap3A_582 = arith.index_cast %add3A_579 : i32 to index
        %swap3A_583 = arith.constant 48 : index
        %swap3A_584 = tpu.vector_load %arg8[%swap3A_581, %swap3A_582, %swap3A_583] {strides = array<i32>} : memref<2x200x64xf32, #tpu.memory_space<vmem>>, vector<1x1x16xf32>,
        %swap3A_585 = vector.shape_cast %swap3A_584 : vector<1x1x16xf32> to vector<16xf32>
        %swap3A_586 = vector.shape_cast %mul3A_577 : vector<16xf32> to vector<1x1x16xf32>
        tpu.vector_store %arg8[%swap3A_581, %swap3A_582, %swap3A_583], %swap3A_586 {strides = array<i32>} : memref<2x200x64xf32, #tpu.memory_space<vmem>>, vector<1x1x16xf32>,
        %add3A_587 = arith.constant 1 : i32
        %add3A_588 = arith.addi %mul3A_428, %add3A_587 : i32
        %get3A_589 = arith.constant 0 : i32
        %get3A_590 = arith.index_cast %get3A_589 : i32 to index
        %get3A_591 = arith.index_cast %add3A_588 : i32 to index
        %get3A_592 = arith.constant 0 : index
        %get3A_593 = tpu.vector_load %arg8[%get3A_590, %get3A_591, %get3A_592] {strides = array<i32>} : memref<2x200x64xf32, #tpu.memory_space<vmem>>, vector<1x1x16xf32>,
        %get3A_594 = vector.shape_cast %get3A_593 : vector<1x1x16xf32> to vector<16xf32>
        %mul3A_595 = arith.constant 8.000000e+00 : f32
        %mul3A_596 = vector.broadcast %mul3A_595 : f32 to vector<16xf32>
        %mul3A_597 = arith.mulf %get3A_594, %mul3A_596 : vector<16xf32>
        %add3A_598 = arith.constant 1 : i32
        %add3A_599 = arith.addi %mul3A_428, %add3A_598 : i32
        %swap3A_600 = arith.constant 0 : i32
        %swap3A_601 = arith.index_cast %swap3A_600 : i32 to index
        %swap3A_602 = arith.index_cast %add3A_599 : i32 to index
        %swap3A_603 = arith.constant 0 : index
        %swap3A_604 = tpu.vector_load %arg8[%swap3A_601, %swap3A_602, %swap3A_603] {strides = array<i32>} : memref<2x200x64xf32, #tpu.memory_space<vmem>>, vector<1x1x16xf32>,
        %swap3A_605 = vector.shape_cast %swap3A_604 : vector<1x1x16xf32> to vector<16xf32>
        %swap3A_606 = vector.shape_cast %mul3A_597 : vector<16xf32> to vector<1x1x16xf32>
        tpu.vector_store %arg8[%swap3A_601, %swap3A_602, %swap3A_603], %swap3A_606 {strides = array<i32>} : memref<2x200x64xf32, #tpu.memory_space<vmem>>, vector<1x1x16xf32>,
        %add3A_607 = arith.constant 1 : i32
        %add3A_608 = arith.addi %mul3A_428, %add3A_607 : i32
        %get3A_609 = arith.constant 0 : i32
        %get3A_610 = arith.index_cast %get3A_609 : i32 to index
        %get3A_611 = arith.index_cast %add3A_608 : i32 to index
        %get3A_612 = arith.constant 16 : index
        %get3A_613 = tpu.vector_load %arg8[%get3A_610, %get3A_611, %get3A_612] {strides = array<i32>} : memref<2x200x64xf32, #tpu.memory_space<vmem>>, vector<1x1x16xf32>,
        %get3A_614 = vector.shape_cast %get3A_613 : vector<1x1x16xf32> to vector<16xf32>
        %mul3A_615 = arith.constant 8.000000e+00 : f32
        %mul3A_616 = vector.broadcast %mul3A_615 : f32 to vector<16xf32>
        %mul3A_617 = arith.mulf %get3A_614, %mul3A_616 : vector<16xf32>
        %add3A_618 = arith.constant 1 : i32
        %add3A_619 = arith.addi %mul3A_428, %add3A_618 : i32
        %swap3A_620 = arith.constant 0 : i32
        %swap3A_621 = arith.index_cast %swap3A_620 : i32 to index
        %swap3A_622 = arith.index_cast %add3A_619 : i32 to index
        %swap3A_623 = arith.constant 16 : index
        %swap3A_624 = tpu.vector_load %arg8[%swap3A_621, %swap3A_622, %swap3A_623] {strides = array<i32>} : memref<2x200x64xf32, #tpu.memory_space<vmem>>, vector<1x1x16xf32>,
        %swap3A_625 = vector.shape_cast %swap3A_624 : vector<1x1x16xf32> to vector<16xf32>
        %swap3A_626 = vector.shape_cast %mul3A_617 : vector<16xf32> to vector<1x1x16xf32>
        tpu.vector_store %arg8[%swap3A_621, %swap3A_622, %swap3A_623], %swap3A_626 {strides = array<i32>} : memref<2x200x64xf32, #tpu.memory_space<vmem>>, vector<1x1x16xf32>,
        %add3A_627 = arith.constant 1 : i32
        %add3A_628 = arith.addi %mul3A_428, %add3A_627 : i32
        %get3A_629 = arith.constant 0 : i32
        %get3A_630 = arith.index_cast %get3A_629 : i32 to index
        %get3A_631 = arith.index_cast %add3A_628 : i32 to index
        %get3A_632 = arith.constant 32 : index
        %get3A_633 = tpu.vector_load %arg8[%get3A_630, %get3A_631, %get3A_632] {strides = array<i32>} : memref<2x200x64xf32, #tpu.memory_space<vmem>>, vector<1x1x16xf32>,
        %get3A_634 = vector.shape_cast %get3A_633 : vector<1x1x16xf32> to vector<16xf32>
        %mul3A_635 = arith.constant 8.000000e+00 : f32
        %mul3A_636 = vector.broadcast %mul3A_635 : f32 to vector<16xf32>
        %mul3A_637 = arith.mulf %get3A_634, %mul3A_636 : vector<16xf32>
        %add3A_638 = arith.constant 1 : i32
        %add3A_639 = arith.addi %mul3A_428, %add3A_638 : i32
        %swap3A_640 = arith.constant 0 : i32
        %swap3A_641 = arith.index_cast %swap3A_640 : i32 to index
        %swap3A_642 = arith.index_cast %add3A_639 : i32 to index
        %swap3A_643 = arith.constant 32 : index
        %swap3A_644 = tpu.vector_load %arg8[%swap3A_641, %swap3A_642, %swap3A_643] {strides = array<i32>} : memref<2x200x64xf32, #tpu.memory_space<vmem>>, vector<1x1x16xf32>,
        %swap3A_645 = vector.shape_cast %swap3A_644 : vector<1x1x16xf32> to vector<16xf32>
        %swap3A_646 = vector.shape_cast %mul3A_637 : vector<16xf32> to vector<1x1x16xf32>
        tpu.vector_store %arg8[%swap3A_641, %swap3A_642, %swap3A_643], %swap3A_646 {strides = array<i32>} : memref<2x200x64xf32, #tpu.memory_space<vmem>>, vector<1x1x16xf32>,
        %add3A_647 = arith.constant 1 : i32
        %add3A_648 = arith.addi %mul3A_428, %add3A_647 : i32
        %get3A_649 = arith.constant 0 : i32
        %get3A_650 = arith.index_cast %get3A_649 : i32 to index
        %get3A_651 = arith.index_cast %add3A_648 : i32 to index
        %get3A_652 = arith.constant 48 : index
        %get3A_653 = tpu.vector_load %arg8[%get3A_650, %get3A_651, %get3A_652] {strides = array<i32>} : memref<2x200x64xf32, #tpu.memory_space<vmem>>, vector<1x1x16xf32>,
        %get3A_654 = vector.shape_cast %get3A_653 : vector<1x1x16xf32> to vector<16xf32>
        %mul3A_655 = arith.constant 8.000000e+00 : f32
        %mul3A_656 = vector.broadcast %mul3A_655 : f32 to vector<16xf32>
        %mul3A_657 = arith.mulf %get3A_654, %mul3A_656 : vector<16xf32>
        %add3A_658 = arith.constant 1 : i32
        %add3A_659 = arith.addi %mul3A_428, %add3A_658 : i32
        %swap3A_660 = arith.constant 0 : i32
        %swap3A_661 = arith.index_cast %swap3A_660 : i32 to index
        %swap3A_662 = arith.index_cast %add3A_659 : i32 to index
        %swap3A_663 = arith.constant 48 : index
        %swap3A_664 = tpu.vector_load %arg8[%swap3A_661, %swap3A_662, %swap3A_663] {strides = array<i32>} : memref<2x200x64xf32, #tpu.memory_space<vmem>>, vector<1x1x16xf32>,
        %swap3A_665 = vector.shape_cast %swap3A_664 : vector<1x1x16xf32> to vector<16xf32>
        %swap3A_666 = vector.shape_cast %mul3A_657 : vector<16xf32> to vector<1x1x16xf32>
        tpu.vector_store %arg8[%swap3A_661, %swap3A_662, %swap3A_663], %swap3A_666 {strides = array<i32>} : memref<2x200x64xf32, #tpu.memory_space<vmem>>, vector<1x1x16xf32>,
        %add3A_667 = arith.constant 1 : i32
        %add3A_668 = arith.addi %mul3A_428, %add3A_667 : i32
        %get3A_669 = arith.constant 1 : i32
        %get3A_670 = arith.index_cast %get3A_669 : i32 to index
        %get3A_671 = arith.index_cast %add3A_668 : i32 to index
        %get3A_672 = arith.constant 0 : index
        %get3A_673 = tpu.vector_load %arg8[%get3A_670, %get3A_671, %get3A_672] {strides = array<i32>} : memref<2x200x64xf32, #tpu.memory_space<vmem>>, vector<1x1x16xf32>,
        %get3A_674 = vector.shape_cast %get3A_673 : vector<1x1x16xf32> to vector<16xf32>
        %mul3A_675 = arith.constant 8.000000e+00 : f32
        %mul3A_676 = vector.broadcast %mul3A_675 : f32 to vector<16xf32>
        %mul3A_677 = arith.mulf %get3A_674, %mul3A_676 : vector<16xf32>
        %add3A_678 = arith.constant 1 : i32
        %add3A_679 = arith.addi %mul3A_428, %add3A_678 : i32
        %swap3A_680 = arith.constant 1 : i32
        %swap3A_681 = arith.index_cast %swap3A_680 : i32 to index
        %swap3A_682 = arith.index_cast %add3A_679 : i32 to index
        %swap3A_683 = arith.constant 0 : index
        %swap3A_684 = tpu.vector_load %arg8[%swap3A_681, %swap3A_682, %swap3A_683] {strides = array<i32>} : memref<2x200x64xf32, #tpu.memory_space<vmem>>, vector<1x1x16xf32>,
        %swap3A_685 = vector.shape_cast %swap3A_684 : vector<1x1x16xf32> to vector<16xf32>
        %swap3A_686 = vector.shape_cast %mul3A_677 : vector<16xf32> to vector<1x1x16xf32>
        tpu.vector_store %arg8[%swap3A_681, %swap3A_682, %swap3A_683], %swap3A_686 {strides = array<i32>} : memref<2x200x64xf32, #tpu.memory_space<vmem>>, vector<1x1x16xf32>,
        %add3A_687 = arith.constant 1 : i32
        %add3A_688 = arith.addi %mul3A_428, %add3A_687 : i32
        %get3A_689 = arith.constant 1 : i32
        %get3A_690 = arith.index_cast %get3A_689 : i32 to index
        %get3A_691 = arith.index_cast %add3A_688 : i32 to index
        %get3A_692 = arith.constant 16 : index
        %get3A_693 = tpu.vector_load %arg8[%get3A_690, %get3A_691, %get3A_692] {strides = array<i32>} : memref<2x200x64xf32, #tpu.memory_space<vmem>>, vector<1x1x16xf32>,
        %get3A_694 = vector.shape_cast %get3A_693 : vector<1x1x16xf32> to vector<16xf32>
        %mul3A_695 = arith.constant 8.000000e+00 : f32
        %mul3A_696 = vector.broadcast %mul3A_695 : f32 to vector<16xf32>
        %mul3A_697 = arith.mulf %get3A_694, %mul3A_696 : vector<16xf32>
        %add3A_698 = arith.constant 1 : i32
        %add3A_699 = arith.addi %mul3A_428, %add3A_698 : i32
        %swap3A_700 = arith.constant 1 : i32
        %swap3A_701 = arith.index_cast %swap3A_700 : i32 to index
        %swap3A_702 = arith.index_cast %add3A_699 : i32 to index
        %swap3A_703 = arith.constant 16 : index
        %swap3A_704 = tpu.vector_load %arg8[%swap3A_701, %swap3A_702, %swap3A_703] {strides = array<i32>} : memref<2x200x64xf32, #tpu.memory_space<vmem>>, vector<1x1x16xf32>,
        %swap3A_705 = vector.shape_cast %swap3A_704 : vector<1x1x16xf32> to vector<16xf32>
        %swap3A_706 = vector.shape_cast %mul3A_697 : vector<16xf32> to vector<1x1x16xf32>
        tpu.vector_store %arg8[%swap3A_701, %swap3A_702, %swap3A_703], %swap3A_706 {strides = array<i32>} : memref<2x200x64xf32, #tpu.memory_space<vmem>>, vector<1x1x16xf32>,
        %add3A_707 = arith.constant 1 : i32
        %add3A_708 = arith.addi %mul3A_428, %add3A_707 : i32
        %get3A_709 = arith.constant 1 : i32
        %get3A_710 = arith.index_cast %get3A_709 : i32 to index
        %get3A_711 = arith.index_cast %add3A_708 : i32 to index
        %get3A_712 = arith.constant 32 : index
        %get3A_713 = tpu.vector_load %arg8[%get3A_710, %get3A_711, %get3A_712] {strides = array<i32>} : memref<2x200x64xf32, #tpu.memory_space<vmem>>, vector<1x1x16xf32>,
        %get3A_714 = vector.shape_cast %get3A_713 : vector<1x1x16xf32> to vector<16xf32>
        %mul3A_715 = arith.constant 8.000000e+00 : f32
        %mul3A_716 = vector.broadcast %mul3A_715 : f32 to vector<16xf32>
        %mul3A_717 = arith.mulf %get3A_714, %mul3A_716 : vector<16xf32>
        %add3A_718 = arith.constant 1 : i32
        %add3A_719 = arith.addi %mul3A_428, %add3A_718 : i32
        %swap3A_720 = arith.constant 1 : i32
        %swap3A_721 = arith.index_cast %swap3A_720 : i32 to index
        %swap3A_722 = arith.index_cast %add3A_719 : i32 to index
        %swap3A_723 = arith.constant 32 : index
        %swap3A_724 = tpu.vector_load %arg8[%swap3A_721, %swap3A_722, %swap3A_723] {strides = array<i32>} : memref<2x200x64xf32, #tpu.memory_space<vmem>>, vector<1x1x16xf32>,
        %swap3A_725 = vector.shape_cast %swap3A_724 : vector<1x1x16xf32> to vector<16xf32>
        %swap3A_726 = vector.shape_cast %mul3A_717 : vector<16xf32> to vector<1x1x16xf32>
        tpu.vector_store %arg8[%swap3A_721, %swap3A_722, %swap3A_723], %swap3A_726 {strides = array<i32>} : memref<2x200x64xf32, #tpu.memory_space<vmem>>, vector<1x1x16xf32>,
        %add3A_727 = arith.constant 1 : i32
        %add3A_728 = arith.addi %mul3A_428, %add3A_727 : i32
        %get3A_729 = arith.constant 1 : i32
        %get3A_730 = arith.index_cast %get3A_729 : i32 to index
        %get3A_731 = arith.index_cast %add3A_728 : i32 to index
        %get3A_732 = arith.constant 48 : index
        %get3A_733 = tpu.vector_load %arg8[%get3A_730, %get3A_731, %get3A_732] {strides = array<i32>} : memref<2x200x64xf32, #tpu.memory_space<vmem>>, vector<1x1x16xf32>,
        %get3A_734 = vector.shape_cast %get3A_733 : vector<1x1x16xf32> to vector<16xf32>
        %mul3A_735 = arith.constant 8.000000e+00 : f32
        %mul3A_736 = vector.broadcast %mul3A_735 : f32 to vector<16xf32>
        %mul3A_737 = arith.mulf %get3A_734, %mul3A_736 : vector<16xf32>
        %add3A_738 = arith.constant 1 : i32
        %add3A_739 = arith.addi %mul3A_428, %add3A_738 : i32
        %swap3A_740 = arith.constant 1 : i32
        %swap3A_741 = arith.index_cast %swap3A_740 : i32 to index
        %swap3A_742 = arith.index_cast %add3A_739 : i32 to index
        %swap3A_743 = arith.constant 48 : index
        %swap3A_744 = tpu.vector_load %arg8[%swap3A_741, %swap3A_742, %swap3A_743] {strides = array<i32>} : memref<2x200x64xf32, #tpu.memory_space<vmem>>, vector<1x1x16xf32>,
        %swap3A_745 = vector.shape_cast %swap3A_744 : vector<1x1x16xf32> to vector<16xf32>
        %swap3A_746 = vector.shape_cast %mul3A_737 : vector<16xf32> to vector<1x1x16xf32>
        tpu.vector_store %arg8[%swap3A_741, %swap3A_742, %swap3A_743], %swap3A_746 {strides = array<i32>} : memref<2x200x64xf32, #tpu.memory_space<vmem>>, vector<1x1x16xf32>,
        %add3A_747 = arith.constant 2 : i32
        %add3A_748 = arith.addi %mul3A_428, %add3A_747 : i32
        %get3A_749 = arith.constant 0 : i32
        %get3A_750 = arith.index_cast %get3A_749 : i32 to index
        %get3A_751 = arith.index_cast %add3A_748 : i32 to index
        %get3A_752 = arith.constant 0 : index
        %get3A_753 = tpu.vector_load %arg8[%get3A_750, %get3A_751, %get3A_752] {strides = array<i32>} : memref<2x200x64xf32, #tpu.memory_space<vmem>>, vector<1x1x16xf32>,
        %get3A_754 = vector.shape_cast %get3A_753 : vector<1x1x16xf32> to vector<16xf32>
        %mul3A_755 = arith.constant 8.000000e+00 : f32
        %mul3A_756 = vector.broadcast %mul3A_755 : f32 to vector<16xf32>
        %mul3A_757 = arith.mulf %get3A_754, %mul3A_756 : vector<16xf32>
        %add3A_758 = arith.constant 2 : i32
        %add3A_759 = arith.addi %mul3A_428, %add3A_758 : i32
        %swap3A_760 = arith.constant 0 : i32
        %swap3A_761 = arith.index_cast %swap3A_760 : i32 to index
        %swap3A_762 = arith.index_cast %add3A_759 : i32 to index
        %swap3A_763 = arith.constant 0 : index
        %swap3A_764 = tpu.vector_load %arg8[%swap3A_761, %swap3A_762, %swap3A_763] {strides = array<i32>} : memref<2x200x64xf32, #tpu.memory_space<vmem>>, vector<1x1x16xf32>,
        %swap3A_765 = vector.shape_cast %swap3A_764 : vector<1x1x16xf32> to vector<16xf32>
        %swap3A_766 = vector.shape_cast %mul3A_757 : vector<16xf32> to vector<1x1x16xf32>
        tpu.vector_store %arg8[%swap3A_761, %swap3A_762, %swap3A_763], %swap3A_766 {strides = array<i32>} : memref<2x200x64xf32, #tpu.memory_space<vmem>>, vector<1x1x16xf32>,
        %add3A_767 = arith.constant 2 : i32
        %add3A_768 = arith.addi %mul3A_428, %add3A_767 : i32
        %get3A_769 = arith.constant 0 : i32
        %get3A_770 = arith.index_cast %get3A_769 : i32 to index
        %get3A_771 = arith.index_cast %add3A_768 : i32 to index
        %get3A_772 = arith.constant 16 : index
        %get3A_773 = tpu.vector_load %arg8[%get3A_770, %get3A_771, %get3A_772] {strides = array<i32>} : memref<2x200x64xf32, #tpu.memory_space<vmem>>, vector<1x1x16xf32>,
        %get3A_774 = vector.shape_cast %get3A_773 : vector<1x1x16xf32> to vector<16xf32>
        %mul3A_775 = arith.constant 8.000000e+00 : f32
        %mul3A_776 = vector.broadcast %mul3A_775 : f32 to vector<16xf32>
        %mul3A_777 = arith.mulf %get3A_774, %mul3A_776 : vector<16xf32>
        %add3A_778 = arith.constant 2 : i32
        %add3A_779 = arith.addi %mul3A_428, %add3A_778 : i32
        %swap3A_780 = arith.constant 0 : i32
        %swap3A_781 = arith.index_cast %swap3A_780 : i32 to index
        %swap3A_782 = arith.index_cast %add3A_779 : i32 to index
        %swap3A_783 = arith.constant 16 : index
        %swap3A_784 = tpu.vector_load %arg8[%swap3A_781, %swap3A_782, %swap3A_783] {strides = array<i32>} : memref<2x200x64xf32, #tpu.memory_space<vmem>>, vector<1x1x16xf32>,
        %swap3A_785 = vector.shape_cast %swap3A_784 : vector<1x1x16xf32> to vector<16xf32>
        %swap3A_786 = vector.shape_cast %mul3A_777 : vector<16xf32> to vector<1x1x16xf32>
        tpu.vector_store %arg8[%swap3A_781, %swap3A_782, %swap3A_783], %swap3A_786 {strides = array<i32>} : memref<2x200x64xf32, #tpu.memory_space<vmem>>, vector<1x1x16xf32>,
        %add3A_787 = arith.constant 2 : i32
        %add3A_788 = arith.addi %mul3A_428, %add3A_787 : i32
        %get3A_789 = arith.constant 0 : i32
        %get3A_790 = arith.index_cast %get3A_789 : i32 to index
        %get3A_791 = arith.index_cast %add3A_788 : i32 to index
        %get3A_792 = arith.constant 32 : index
        %get3A_793 = tpu.vector_load %arg8[%get3A_790, %get3A_791, %get3A_792] {strides = array<i32>} : memref<2x200x64xf32, #tpu.memory_space<vmem>>, vector<1x1x16xf32>,
        %get3A_794 = vector.shape_cast %get3A_793 : vector<1x1x16xf32> to vector<16xf32>
        %mul3A_795 = arith.constant 8.000000e+00 : f32
        %mul3A_796 = vector.broadcast %mul3A_795 : f32 to vector<16xf32>
        %mul3A_797 = arith.mulf %get3A_794, %mul3A_796 : vector<16xf32>
        %add3A_798 = arith.constant 2 : i32
        %add3A_799 = arith.addi %mul3A_428, %add3A_798 : i32
        %swap3A_800 = arith.constant 0 : i32
        %swap3A_801 = arith.index_cast %swap3A_800 : i32 to index
        %swap3A_802 = arith.index_cast %add3A_799 : i32 to index
        %swap3A_803 = arith.constant 32 : index
        %swap3A_804 = tpu.vector_load %arg8[%swap3A_801, %swap3A_802, %swap3A_803] {strides = array<i32>} : memref<2x200x64xf32, #tpu.memory_space<vmem>>, vector<1x1x16xf32>,
        %swap3A_805 = vector.shape_cast %swap3A_804 : vector<1x1x16xf32> to vector<16xf32>
        %swap3A_806 = vector.shape_cast %mul3A_797 : vector<16xf32> to vector<1x1x16xf32>
        tpu.vector_store %arg8[%swap3A_801, %swap3A_802, %swap3A_803], %swap3A_806 {strides = array<i32>} : memref<2x200x64xf32, #tpu.memory_space<vmem>>, vector<1x1x16xf32>,
        %add3A_807 = arith.constant 2 : i32
        %add3A_808 = arith.addi %mul3A_428, %add3A_807 : i32
        %get3A_809 = arith.constant 0 : i32
        %get3A_810 = arith.index_cast %get3A_809 : i32 to index
        %get3A_811 = arith.index_cast %add3A_808 : i32 to index
        %get3A_812 = arith.constant 48 : index
        %get3A_813 = tpu.vector_load %arg8[%get3A_810, %get3A_811, %get3A_812] {strides = array<i32>} : memref<2x200x64xf32, #tpu.memory_space<vmem>>, vector<1x1x16xf32>,
        %get3A_814 = vector.shape_cast %get3A_813 : vector<1x1x16xf32> to vector<16xf32>
        %mul3A_815 = arith.constant 8.000000e+00 : f32
        %mul3A_816 = vector.broadcast %mul3A_815 : f32 to vector<16xf32>
        %mul3A_817 = arith.mulf %get3A_814, %mul3A_816 : vector<16xf32>
        %add3A_818 = arith.constant 2 : i32
        %add3A_819 = arith.addi %mul3A_428, %add3A_818 : i32
        %swap3A_820 = arith.constant 0 : i32
        %swap3A_821 = arith.index_cast %swap3A_820 : i32 to index
        %swap3A_822 = arith.index_cast %add3A_819 : i32 to index
        %swap3A_823 = arith.constant 48 : index
        %swap3A_824 = tpu.vector_load %arg8[%swap3A_821, %swap3A_822, %swap3A_823] {strides = array<i32>} : memref<2x200x64xf32, #tpu.memory_space<vmem>>, vector<1x1x16xf32>,
        %swap3A_825 = vector.shape_cast %swap3A_824 : vector<1x1x16xf32> to vector<16xf32>
        %swap3A_826 = vector.shape_cast %mul3A_817 : vector<16xf32> to vector<1x1x16xf32>
        tpu.vector_store %arg8[%swap3A_821, %swap3A_822, %swap3A_823], %swap3A_826 {strides = array<i32>} : memref<2x200x64xf32, #tpu.memory_space<vmem>>, vector<1x1x16xf32>,
        %add3A_827 = arith.constant 2 : i32
        %add3A_828 = arith.addi %mul3A_428, %add3A_827 : i32
        %get3A_829 = arith.constant 1 : i32
        %get3A_830 = arith.index_cast %get3A_829 : i32 to index
        %get3A_831 = arith.index_cast %add3A_828 : i32 to index
        %get3A_832 = arith.constant 0 : index
        %get3A_833 = tpu.vector_load %arg8[%get3A_830, %get3A_831, %get3A_832] {strides = array<i32>} : memref<2x200x64xf32, #tpu.memory_space<vmem>>, vector<1x1x16xf32>,
        %get3A_834 = vector.shape_cast %get3A_833 : vector<1x1x16xf32> to vector<16xf32>
        %mul3A_835 = arith.constant 8.000000e+00 : f32
        %mul3A_836 = vector.broadcast %mul3A_835 : f32 to vector<16xf32>
        %mul3A_837 = arith.mulf %get3A_834, %mul3A_836 : vector<16xf32>
        %add3A_838 = arith.constant 2 : i32
        %add3A_839 = arith.addi %mul3A_428, %add3A_838 : i32
        %swap3A_840 = arith.constant 1 : i32
        %swap3A_841 = arith.index_cast %swap3A_840 : i32 to index
        %swap3A_842 = arith.index_cast %add3A_839 : i32 to index
        %swap3A_843 = arith.constant 0 : index
        %swap3A_844 = tpu.vector_load %arg8[%swap3A_841, %swap3A_842, %swap3A_843] {strides = array<i32>} : memref<2x200x64xf32, #tpu.memory_space<vmem>>, vector<1x1x16xf32>,
        %swap3A_845 = vector.shape_cast %swap3A_844 : vector<1x1x16xf32> to vector<16xf32>
        %swap3A_846 = vector.shape_cast %mul3A_837 : vector<16xf32> to vector<1x1x16xf32>
        tpu.vector_store %arg8[%swap3A_841, %swap3A_842, %swap3A_843], %swap3A_846 {strides = array<i32>} : memref<2x200x64xf32, #tpu.memory_space<vmem>>, vector<1x1x16xf32>,
        %add3A_847 = arith.constant 2 : i32
        %add3A_848 = arith.addi %mul3A_428, %add3A_847 : i32
        %get3A_849 = arith.constant 1 : i32
        %get3A_850 = arith.index_cast %get3A_849 : i32 to index
        %get3A_851 = arith.index_cast %add3A_848 : i32 to index
        %get3A_852 = arith.constant 16 : index
        %get3A_853 = tpu.vector_load %arg8[%get3A_850, %get3A_851, %get3A_852] {strides = array<i32>} : memref<2x200x64xf32, #tpu.memory_space<vmem>>, vector<1x1x16xf32>,
        %get3A_854 = vector.shape_cast %get3A_853 : vector<1x1x16xf32> to vector<16xf32>
        %mul3A_855 = arith.constant 8.000000e+00 : f32
        %mul3A_856 = vector.broadcast %mul3A_855 : f32 to vector<16xf32>
        %mul3A_857 = arith.mulf %get3A_854, %mul3A_856 : vector<16xf32>
        %add3A_858 = arith.constant 2 : i32
        %add3A_859 = arith.addi %mul3A_428, %add3A_858 : i32
        %swap3A_860 = arith.constant 1 : i32
        %swap3A_861 = arith.index_cast %swap3A_860 : i32 to index
        %swap3A_862 = arith.index_cast %add3A_859 : i32 to index
        %swap3A_863 = arith.constant 16 : index
        %swap3A_864 = tpu.vector_load %arg8[%swap3A_861, %swap3A_862, %swap3A_863] {strides = array<i32>} : memref<2x200x64xf32, #tpu.memory_space<vmem>>, vector<1x1x16xf32>,
        %swap3A_865 = vector.shape_cast %swap3A_864 : vector<1x1x16xf32> to vector<16xf32>
        %swap3A_866 = vector.shape_cast %mul3A_857 : vector<16xf32> to vector<1x1x16xf32>
        tpu.vector_store %arg8[%swap3A_861, %swap3A_862, %swap3A_863], %swap3A_866 {strides = array<i32>} : memref<2x200x64xf32, #tpu.memory_space<vmem>>, vector<1x1x16xf32>,
        %add3A_867 = arith.constant 2 : i32
        %add3A_868 = arith.addi %mul3A_428, %add3A_867 : i32
        %get3A_869 = arith.constant 1 : i32
        %get3A_870 = arith.index_cast %get3A_869 : i32 to index
        %get3A_871 = arith.index_cast %add3A_868 : i32 to index
        %get3A_872 = arith.constant 32 : index
        %get3A_873 = tpu.vector_load %arg8[%get3A_870, %get3A_871, %get3A_872] {strides = array<i32>} : memref<2x200x64xf32, #tpu.memory_space<vmem>>, vector<1x1x16xf32>,
        %get3A_874 = vector.shape_cast %get3A_873 : vector<1x1x16xf32> to vector<16xf32>
        %mul3A_875 = arith.constant 8.000000e+00 : f32
        %mul3A_876 = vector.broadcast %mul3A_875 : f32 to vector<16xf32>
        %mul3A_877 = arith.mulf %get3A_874, %mul3A_876 : vector<16xf32>
        %add3A_878 = arith.constant 2 : i32
        %add3A_879 = arith.addi %mul3A_428, %add3A_878 : i32
        %swap3A_880 = arith.constant 1 : i32
        %swap3A_881 = arith.index_cast %swap3A_880 : i32 to index
        %swap3A_882 = arith.index_cast %add3A_879 : i32 to index
        %swap3A_883 = arith.constant 32 : index
        %swap3A_884 = tpu.vector_load %arg8[%swap3A_881, %swap3A_882, %swap3A_883] {strides = array<i32>} : memref<2x200x64xf32, #tpu.memory_space<vmem>>, vector<1x1x16xf32>,
        %swap3A_885 = vector.shape_cast %swap3A_884 : vector<1x1x16xf32> to vector<16xf32>
        %swap3A_886 = vector.shape_cast %mul3A_877 : vector<16xf32> to vector<1x1x16xf32>
        tpu.vector_store %arg8[%swap3A_881, %swap3A_882, %swap3A_883], %swap3A_886 {strides = array<i32>} : memref<2x200x64xf32, #tpu.memory_space<vmem>>, vector<1x1x16xf32>,
        %add3A_887 = arith.constant 2 : i32
        %add3A_888 = arith.addi %mul3A_428, %add3A_887 : i32
        %get3A_889 = arith.constant 1 : i32
        %get3A_890 = arith.index_cast %get3A_889 : i32 to index
        %get3A_891 = arith.index_cast %add3A_888 : i32 to index
        %get3A_892 = arith.constant 48 : index
        %get3A_893 = tpu.vector_load %arg8[%get3A_890, %get3A_891, %get3A_892] {strides = array<i32>} : memref<2x200x64xf32, #tpu.memory_space<vmem>>, vector<1x1x16xf32>,
        %get3A_894 = vector.shape_cast %get3A_893 : vector<1x1x16xf32> to vector<16xf32>
        %mul3A_895 = arith.constant 8.000000e+00 : f32
        %mul3A_896 = vector.broadcast %mul3A_895 : f32 to vector<16xf32>
        %mul3A_897 = arith.mulf %get3A_894, %mul3A_896 : vector<16xf32>
        %add3A_898 = arith.constant 2 : i32
        %add3A_899 = arith.addi %mul3A_428, %add3A_898 : i32
        %swap3A_900 = arith.constant 1 : i32
        %swap3A_901 = arith.index_cast %swap3A_900 : i32 to index
        %swap3A_902 = arith.index_cast %add3A_899 : i32 to index
        %swap3A_903 = arith.constant 48 : index
        %swap3A_904 = tpu.vector_load %arg8[%swap3A_901, %swap3A_902, %swap3A_903] {strides = array<i32>} : memref<2x200x64xf32, #tpu.memory_space<vmem>>, vector<1x1x16xf32>,
        %swap3A_905 = vector.shape_cast %swap3A_904 : vector<1x1x16xf32> to vector<16xf32>
        %swap3A_906 = vector.shape_cast %mul3A_897 : vector<16xf32> to vector<1x1x16xf32>
        tpu.vector_store %arg8[%swap3A_901, %swap3A_902, %swap3A_903], %swap3A_906 {strides = array<i32>} : memref<2x200x64xf32, #tpu.memory_space<vmem>>, vector<1x1x16xf32>,
        %add3A_907 = arith.constant 3 : i32
        %add3A_908 = arith.addi %mul3A_428, %add3A_907 : i32
        %get3A_909 = arith.constant 0 : i32
        %get3A_910 = arith.index_cast %get3A_909 : i32 to index
        %get3A_911 = arith.index_cast %add3A_908 : i32 to index
        %get3A_912 = arith.constant 0 : index
        %get3A_913 = tpu.vector_load %arg8[%get3A_910, %get3A_911, %get3A_912] {strides = array<i32>} : memref<2x200x64xf32, #tpu.memory_space<vmem>>, vector<1x1x16xf32>,
        %get3A_914 = vector.shape_cast %get3A_913 : vector<1x1x16xf32> to vector<16xf32>
        %mul3A_915 = arith.constant 8.000000e+00 : f32
        %mul3A_916 = vector.broadcast %mul3A_915 : f32 to vector<16xf32>
        %mul3A_917 = arith.mulf %get3A_914, %mul3A_916 : vector<16xf32>
        %add3A_918 = arith.constant 3 : i32
        %add3A_919 = arith.addi %mul3A_428, %add3A_918 : i32
        %swap3A_920 = arith.constant 0 : i32
        %swap3A_921 = arith.index_cast %swap3A_920 : i32 to index
        %swap3A_922 = arith.index_cast %add3A_919 : i32 to index
        %swap3A_923 = arith.constant 0 : index
        %swap3A_924 = tpu.vector_load %arg8[%swap3A_921, %swap3A_922, %swap3A_923] {strides = array<i32>} : memref<2x200x64xf32, #tpu.memory_space<vmem>>, vector<1x1x16xf32>,
        %swap3A_925 = vector.shape_cast %swap3A_924 : vector<1x1x16xf32> to vector<16xf32>
        %swap3A_926 = vector.shape_cast %mul3A_917 : vector<16xf32> to vector<1x1x16xf32>
        tpu.vector_store %arg8[%swap3A_921, %swap3A_922, %swap3A_923], %swap3A_926 {strides = array<i32>} : memref<2x200x64xf32, #tpu.memory_space<vmem>>, vector<1x1x16xf32>,
        %add3A_927 = arith.constant 3 : i32
        %add3A_928 = arith.addi %mul3A_428, %add3A_927 : i32
        %get3A_929 = arith.constant 0 : i32
        %get3A_930 = arith.index_cast %get3A_929 : i32 to index
        %get3A_931 = arith.index_cast %add3A_928 : i32 to index
        %get3A_932 = arith.constant 16 : index
        %get3A_933 = tpu.vector_load %arg8[%get3A_930, %get3A_931, %get3A_932] {strides = array<i32>} : memref<2x200x64xf32, #tpu.memory_space<vmem>>, vector<1x1x16xf32>,
        %get3A_934 = vector.shape_cast %get3A_933 : vector<1x1x16xf32> to vector<16xf32>
        %mul3A_935 = arith.constant 8.000000e+00 : f32
        %mul3A_936 = vector.broadcast %mul3A_935 : f32 to vector<16xf32>
        %mul3A_937 = arith.mulf %get3A_934, %mul3A_936 : vector<16xf32>
        %add3A_938 = arith.constant 3 : i32
        %add3A_939 = arith.addi %mul3A_428, %add3A_938 : i32
        %swap3A_940 = arith.constant 0 : i32
        %swap3A_941 = arith.index_cast %swap3A_940 : i32 to index
        %swap3A_942 = arith.index_cast %add3A_939 : i32 to index
        %swap3A_943 = arith.constant 16 : index
        %swap3A_944 = tpu.vector_load %arg8[%swap3A_941, %swap3A_942, %swap3A_943] {strides = array<i32>} : memref<2x200x64xf32, #tpu.memory_space<vmem>>, vector<1x1x16xf32>,
        %swap3A_945 = vector.shape_cast %swap3A_944 : vector<1x1x16xf32> to vector<16xf32>
        %swap3A_946 = vector.shape_cast %mul3A_937 : vector<16xf32> to vector<1x1x16xf32>
        tpu.vector_store %arg8[%swap3A_941, %swap3A_942, %swap3A_943], %swap3A_946 {strides = array<i32>} : memref<2x200x64xf32, #tpu.memory_space<vmem>>, vector<1x1x16xf32>,
        %add3A_947 = arith.constant 3 : i32
        %add3A_948 = arith.addi %mul3A_428, %add3A_947 : i32
        %get3A_949 = arith.constant 0 : i32
        %get3A_950 = arith.index_cast %get3A_949 : i32 to index
        %get3A_951 = arith.index_cast %add3A_948 : i32 to index
        %get3A_952 = arith.constant 32 : index
        %get3A_953 = tpu.vector_load %arg8[%get3A_950, %get3A_951, %get3A_952] {strides = array<i32>} : memref<2x200x64xf32, #tpu.memory_space<vmem>>, vector<1x1x16xf32>,
        %get3A_954 = vector.shape_cast %get3A_953 : vector<1x1x16xf32> to vector<16xf32>
        %mul3A_955 = arith.constant 8.000000e+00 : f32
        %mul3A_956 = vector.broadcast %mul3A_955 : f32 to vector<16xf32>
        %mul3A_957 = arith.mulf %get3A_954, %mul3A_956 : vector<16xf32>
        %add3A_958 = arith.constant 3 : i32
        %add3A_959 = arith.addi %mul3A_428, %add3A_958 : i32
        %swap3A_960 = arith.constant 0 : i32
        %swap3A_961 = arith.index_cast %swap3A_960 : i32 to index
        %swap3A_962 = arith.index_cast %add3A_959 : i32 to index
        %swap3A_963 = arith.constant 32 : index
        %swap3A_964 = tpu.vector_load %arg8[%swap3A_961, %swap3A_962, %swap3A_963] {strides = array<i32>} : memref<2x200x64xf32, #tpu.memory_space<vmem>>, vector<1x1x16xf32>,
        %swap3A_965 = vector.shape_cast %swap3A_964 : vector<1x1x16xf32> to vector<16xf32>
        %swap3A_966 = vector.shape_cast %mul3A_957 : vector<16xf32> to vector<1x1x16xf32>
        tpu.vector_store %arg8[%swap3A_961, %swap3A_962, %swap3A_963], %swap3A_966 {strides = array<i32>} : memref<2x200x64xf32, #tpu.memory_space<vmem>>, vector<1x1x16xf32>,
        %add3A_967 = arith.constant 3 : i32
        %add3A_968 = arith.addi %mul3A_428, %add3A_967 : i32
        %get3A_969 = arith.constant 0 : i32
        %get3A_970 = arith.index_cast %get3A_969 : i32 to index
        %get3A_971 = arith.index_cast %add3A_968 : i32 to index
        %get3A_972 = arith.constant 48 : index
        %get3A_973 = tpu.vector_load %arg8[%get3A_970, %get3A_971, %get3A_972] {strides = array<i32>} : memref<2x200x64xf32, #tpu.memory_space<vmem>>, vector<1x1x16xf32>,
        %get3A_974 = vector.shape_cast %get3A_973 : vector<1x1x16xf32> to vector<16xf32>
        %mul3A_975 = arith.constant 8.000000e+00 : f32
        %mul3A_976 = vector.broadcast %mul3A_975 : f32 to vector<16xf32>
        %mul3A_977 = arith.mulf %get3A_974, %mul3A_976 : vector<16xf32>
        %add3A_978 = arith.constant 3 : i32
        %add3A_979 = arith.addi %mul3A_428, %add3A_978 : i32
        %swap3A_980 = arith.constant 0 : i32
        %swap3A_981 = arith.index_cast %swap3A_980 : i32 to index
        %swap3A_982 = arith.index_cast %add3A_979 : i32 to index
        %swap3A_983 = arith.constant 48 : index
        %swap3A_984 = tpu.vector_load %arg8[%swap3A_981, %swap3A_982, %swap3A_983] {strides = array<i32>} : memref<2x200x64xf32, #tpu.memory_space<vmem>>, vector<1x1x16xf32>,
        %swap3A_985 = vector.shape_cast %swap3A_984 : vector<1x1x16xf32> to vector<16xf32>
        %swap3A_986 = vector.shape_cast %mul3A_977 : vector<16xf32> to vector<1x1x16xf32>
        tpu.vector_store %arg8[%swap3A_981, %swap3A_982, %swap3A_983], %swap3A_986 {strides = array<i32>} : memref<2x200x64xf32, #tpu.memory_space<vmem>>, vector<1x1x16xf32>,
        %add3A_987 = arith.constant 3 : i32
        %add3A_988 = arith.addi %mul3A_428, %add3A_987 : i32
        %get3A_989 = arith.constant 1 : i32
        %get3A_990 = arith.index_cast %get3A_989 : i32 to index
        %get3A_991 = arith.index_cast %add3A_988 : i32 to index
        %get3A_992 = arith.constant 0 : index
        %get3A_993 = tpu.vector_load %arg8[%get3A_990, %get3A_991, %get3A_992] {strides = array<i32>} : memref<2x200x64xf32, #tpu.memory_space<vmem>>, vector<1x1x16xf32>,
        %get3A_994 = vector.shape_cast %get3A_993 : vector<1x1x16xf32> to vector<16xf32>
        %mul3A_995 = arith.constant 8.000000e+00 : f32
        %mul3A_996 = vector.broadcast %mul3A_995 : f32 to vector<16xf32>
        %mul3A_997 = arith.mulf %get3A_994, %mul3A_996 : vector<16xf32>
        %add3A_998 = arith.constant 3 : i32
        %add3A_999 = arith.addi %mul3A_428, %add3A_998 : i32
        %swap3A_1000 = arith.constant 1 : i32
        %swap3A_1001 = arith.index_cast %swap3A_1000 : i32 to index
        %swap3A_1002 = arith.index_cast %add3A_999 : i32 to index
        %swap3A_1003 = arith.constant 0 : index
        %swap3A_1004 = tpu.vector_load %arg8[%swap3A_1001, %swap3A_1002, %swap3A_1003] {strides = array<i32>} : memref<2x200x64xf32, #tpu.memory_space<vmem>>, vector<1x1x16xf32>,
        %swap3A_1005 = vector.shape_cast %swap3A_1004 : vector<1x1x16xf32> to vector<16xf32>
        %swap3A_1006 = vector.shape_cast %mul3A_997 : vector<16xf32> to vector<1x1x16xf32>
        tpu.vector_store %arg8[%swap3A_1001, %swap3A_1002, %swap3A_1003], %swap3A_1006 {strides = array<i32>} : memref<2x200x64xf32, #tpu.memory_space<vmem>>, vector<1x1x16xf32>,
        %add3A_1007 = arith.constant 3 : i32
        %add3A_1008 = arith.addi %mul3A_428, %add3A_1007 : i32
        %get3A_1009 = arith.constant 1 : i32
        %get3A_1010 = arith.index_cast %get3A_1009 : i32 to index
        %get3A_1011 = arith.index_cast %add3A_1008 : i32 to index
        %get3A_1012 = arith.constant 16 : index
        %get3A_1013 = tpu.vector_load %arg8[%get3A_1010, %get3A_1011, %get3A_1012] {strides = array<i32>} : memref<2x200x64xf32, #tpu.memory_space<vmem>>, vector<1x1x16xf32>,
        %get3A_1014 = vector.shape_cast %get3A_1013 : vector<1x1x16xf32> to vector<16xf32>
        %mul3A_1015 = arith.constant 8.000000e+00 : f32
        %mul3A_1016 = vector.broadcast %mul3A_1015 : f32 to vector<16xf32>
        %mul3A_1017 = arith.mulf %get3A_1014, %mul3A_1016 : vector<16xf32>
        %add3A_1018 = arith.constant 3 : i32
        %add3A_1019 = arith.addi %mul3A_428, %add3A_1018 : i32
        %swap3A_1020 = arith.constant 1 : i32
        %swap3A_1021 = arith.index_cast %swap3A_1020 : i32 to index
        %swap3A_1022 = arith.index_cast %add3A_1019 : i32 to index
        %swap3A_1023 = arith.constant 16 : index
        %swap3A_1024 = tpu.vector_load %arg8[%swap3A_1021, %swap3A_1022, %swap3A_1023] {strides = array<i32>} : memref<2x200x64xf32, #tpu.memory_space<vmem>>, vector<1x1x16xf32>,
        %swap3A_1025 = vector.shape_cast %swap3A_1024 : vector<1x1x16xf32> to vector<16xf32>
        %swap3A_1026 = vector.shape_cast %mul3A_1017 : vector<16xf32> to vector<1x1x16xf32>
        tpu.vector_store %arg8[%swap3A_1021, %swap3A_1022, %swap3A_1023], %swap3A_1026 {strides = array<i32>} : memref<2x200x64xf32, #tpu.memory_space<vmem>>, vector<1x1x16xf32>,
        %add3A_1027 = arith.constant 3 : i32
        %add3A_1028 = arith.addi %mul3A_428, %add3A_1027 : i32
        %get3A_1029 = arith.constant 1 : i32
        %get3A_1030 = arith.index_cast %get3A_1029 : i32 to index
        %get3A_1031 = arith.index_cast %add3A_1028 : i32 to index
        %get3A_1032 = arith.constant 32 : index
        %get3A_1033 = tpu.vector_load %arg8[%get3A_1030, %get3A_1031, %get3A_1032] {strides = array<i32>} : memref<2x200x64xf32, #tpu.memory_space<vmem>>, vector<1x1x16xf32>,
        %get3A_1034 = vector.shape_cast %get3A_1033 : vector<1x1x16xf32> to vector<16xf32>
        %mul3A_1035 = arith.constant 8.000000e+00 : f32
        %mul3A_1036 = vector.broadcast %mul3A_1035 : f32 to vector<16xf32>
        %mul3A_1037 = arith.mulf %get3A_1034, %mul3A_1036 : vector<16xf32>
        %add3A_1038 = arith.constant 3 : i32
        %add3A_1039 = arith.addi %mul3A_428, %add3A_1038 : i32
        %swap3A_1040 = arith.constant 1 : i32
        %swap3A_1041 = arith.index_cast %swap3A_1040 : i32 to index
        %swap3A_1042 = arith.index_cast %add3A_1039 : i32 to index
        %swap3A_1043 = arith.constant 32 : index
        %swap3A_1044 = tpu.vector_load %arg8[%swap3A_1041, %swap3A_1042, %swap3A_1043] {strides = array<i32>} : memref<2x200x64xf32, #tpu.memory_space<vmem>>, vector<1x1x16xf32>,
        %swap3A_1045 = vector.shape_cast %swap3A_1044 : vector<1x1x16xf32> to vector<16xf32>
        %swap3A_1046 = vector.shape_cast %mul3A_1037 : vector<16xf32> to vector<1x1x16xf32>
        tpu.vector_store %arg8[%swap3A_1041, %swap3A_1042, %swap3A_1043], %swap3A_1046 {strides = array<i32>} : memref<2x200x64xf32, #tpu.memory_space<vmem>>, vector<1x1x16xf32>,
        %add3A_1047 = arith.constant 3 : i32
        %add3A_1048 = arith.addi %mul3A_428, %add3A_1047 : i32
        %get3A_1049 = arith.constant 1 : i32
        %get3A_1050 = arith.index_cast %get3A_1049 : i32 to index
        %get3A_1051 = arith.index_cast %add3A_1048 : i32 to index
        %get3A_1052 = arith.constant 48 : index
        %get3A_1053 = tpu.vector_load %arg8[%get3A_1050, %get3A_1051, %get3A_1052] {strides = array<i32>} : memref<2x200x64xf32, #tpu.memory_space<vmem>>, vector<1x1x16xf32>,
        %get3A_1054 = vector.shape_cast %get3A_1053 : vector<1x1x16xf32> to vector<16xf32>
        %mul3A_1055 = arith.constant 8.000000e+00 : f32
        %mul3A_1056 = vector.broadcast %mul3A_1055 : f32 to vector<16xf32>
        %mul3A_1057 = arith.mulf %get3A_1054, %mul3A_1056 : vector<16xf32>
        %add3A_1058 = arith.constant 3 : i32
        %add3A_1059 = arith.addi %mul3A_428, %add3A_1058 : i32
        %swap3A_1060 = arith.constant 1 : i32
        %swap3A_1061 = arith.index_cast %swap3A_1060 : i32 to index
        %swap3A_1062 = arith.index_cast %add3A_1059 : i32 to index
        %swap3A_1063 = arith.constant 48 : index
        %swap3A_1064 = tpu.vector_load %arg8[%swap3A_1061, %swap3A_1062, %swap3A_1063] {strides = array<i32>} : memref<2x200x64xf32, #tpu.memory_space<vmem>>, vector<1x1x16xf32>,
        %swap3A_1065 = vector.shape_cast %swap3A_1064 : vector<1x1x16xf32> to vector<16xf32>
        %swap3A_1066 = vector.shape_cast %mul3A_1057 : vector<16xf32> to vector<1x1x16xf32>
        tpu.vector_store %arg8[%swap3A_1061, %swap3A_1062, %swap3A_1063], %swap3A_1066 {strides = array<i32>} : memref<2x200x64xf32, #tpu.memory_space<vmem>>, vector<1x1x16xf32>,
        %scan3A_1067 = arith.constant 0 : i32
        scf.yield %scan3A_1067 : i32
      }
      %scan3A_223 = arith.constant 50 : i32
      %mul3A_224 = arith.constant 2 : i32
      %mul3A_225 = arith.muli %mul3A_153, %mul3A_224 : i32
      %add3A_226 = arith.addi %mul3A_2, %mul3A_225 : i32
      %dma_start3A_227 = arith.constant 0 : i32
      %dma_start3A_228 = arith.constant 0 : i32
      %dma_start3A_229 = tpu.memref_slice %arg4[%add3A_226, %dma_start3A_227, %dma_start3A_228] : memref<16384x200x128xf32, #tpu.memory_space<hbm>> -> memref<2x200x64xf32, #tpu.memory_space<hbm>>
      %dma_start3A_230 = arith.constant 0 : i32
      %dma_start3A_231 = arith.constant 0 : i32
      %dma_start3A_232 = tpu.memref_slice %arg4[%add3A_226, %dma_start3A_230, %dma_start3A_231] : memref<16384x200x128xf32, #tpu.memory_space<hbm>> -> memref<2x200x64xf32, #tpu.memory_space<hbm>>
      tpu.enqueue_dma source(%arg8 : memref<2x200x64xf32, #tpu.memory_space<vmem>>) target(%dma_start3A_232 : memref<2x200x64xf32, #tpu.memory_space<hbm>>) target_semaphore(%arg12 : memref<!tpu.dma_semaphore, #tpu.memory_space<semaphore_mem>>)
      %add3A_233 = arith.constant 2 : i32
      %add3A_234 = arith.addi %mul3A_153, %add3A_233 : i32
      %lt3A_235 = arith.constant 256 : i32
      %lt3A_236 = arith.cmpi slt, %add3A_234, %lt3A_235 : i32
      %convert_element_type3A_237 = arith.extui %lt3A_236 : i1 to i32
      %cond3A_238 = arith.constant 0 : i32
      %cond3A_239 = arith.cmpi ne, %convert_element_type3A_237, %cond3A_238 : i32
      scf.if %cond3A_239 {
        %add3A_425 = arith.constant 2 : i32
        %add3A_426 = arith.addi %mul3A_153, %add3A_425 : i32
        %mul3A_427 = arith.constant 2 : i32
        %mul3A_428 = arith.muli %add3A_426, %mul3A_427 : i32
        %add3A_429 = arith.addi %mul3A_2, %mul3A_428 : i32
        %dma_start3A_430 = arith.constant 0 : i32
        %dma_start3A_431 = tpu.memref_slice %arg3[%add3A_429, %dma_start3A_430] : memref<16384x200xi32, #tpu.memory_space<hbm>> -> memref<2x200xi32, #tpu.memory_space<hbm>>
        %dma_start3A_432 = arith.constant 0 : i32
        %dma_start3A_433 = tpu.memref_slice %arg3[%add3A_429, %dma_start3A_432] : memref<16384x200xi32, #tpu.memory_space<hbm>> -> memref<2x200xi32, #tpu.memory_space<hbm>>
        tpu.enqueue_dma source(%dma_start3A_433 : memref<2x200xi32, #tpu.memory_space<hbm>>) target(%arg7 : memref<2x200xi32, #tpu.memory_space<vmem>>) target_semaphore(%arg13 : memref<!tpu.dma_semaphore, #tpu.memory_space<semaphore_mem>>)
      } else {
      }
      %add3A_240 = arith.constant 1 : i32
      %add3A_241 = arith.addi %mul3A_153, %add3A_240 : i32
      %ge3A_242 = arith.constant 2 : i32
      %ge3A_243 = arith.cmpi sge, %add3A_241, %ge3A_242 : i32
      %convert_element_type3A_244 = arith.extui %ge3A_243 : i1 to i32
      %cond3A_245 = arith.constant 0 : i32
      %cond3A_246 = arith.cmpi ne, %convert_element_type3A_244, %cond3A_245 : i32
      scf.if %cond3A_246 {
        %sub3A = arith.constant 2 : i32
        %sub3A_425 = arith.subi %add3A_241, %sub3A : i32
        %mul3A_426 = arith.constant 2 : i32
        %mul3A_427 = arith.muli %sub3A_425, %mul3A_426 : i32
        %add3A_428 = arith.addi %mul3A_2, %mul3A_427 : i32
        %dma_wait3A_429 = arith.constant 0 : i32
        %dma_wait3A_430 = arith.constant 0 : i32
        %dma_wait3A_431 = tpu.memref_slice %arg4[%add3A_428, %dma_wait3A_429, %dma_wait3A_430] : memref<16384x200x128xf32, #tpu.memory_space<hbm>> -> memref<2x200x64xf32, #tpu.memory_space<hbm>>
        %dma_wait3A_432 = arith.constant 0 : i32
        %dma_wait3A_433 = arith.constant 0 : i32
        %dma_wait3A_434 = tpu.memref_slice %arg4[%add3A_428, %dma_wait3A_432, %dma_wait3A_433] : memref<16384x200x128xf32, #tpu.memory_space<hbm>> -> memref<2x200x64xf32, #tpu.memory_space<hbm>>
        tpu.wait_dma2 semaphore(%arg12 : memref<!tpu.dma_semaphore, #tpu.memory_space<semaphore_mem>>) src(%arg10 : memref<2x200x64xf32, #tpu.memory_space<vmem>>) dst(%dma_wait3A_434 : memref<2x200x64xf32, #tpu.memory_space<hbm>>)
      } else {
      }
      %add3A_247 = arith.constant 1 : i32
      %add3A_248 = arith.addi %add3A_241, %add3A_247 : i32
      %lt3A_249 = arith.constant 256 : i32
      %lt3A_250 = arith.cmpi slt, %add3A_248, %lt3A_249 : i32
      %convert_element_type3A_251 = arith.extui %lt3A_250 : i1 to i32
      %cond3A_252 = arith.constant 0 : i32
      %cond3A_253 = arith.cmpi ne, %convert_element_type3A_251, %cond3A_252 : i32
      scf.if %cond3A_253 {
        %add3A_425 = arith.constant 1 : i32
        %add3A_426 = arith.addi %add3A_241, %add3A_425 : i32
        %mul3A_427 = arith.constant 2 : i32
        %mul3A_428 = arith.muli %add3A_426, %mul3A_427 : i32
        %add3A_429 = arith.addi %mul3A_2, %mul3A_428 : i32
        %dma_wait3A_430 = arith.constant 0 : i32
        %dma_wait3A_431 = tpu.memref_slice %arg3[%add3A_429, %dma_wait3A_430] : memref<16384x200xi32, #tpu.memory_space<hbm>> -> memref<2x200xi32, #tpu.memory_space<hbm>>
        %dma_wait3A_432 = arith.constant 0 : i32
        %dma_wait3A_433 = tpu.memref_slice %arg3[%add3A_429, %dma_wait3A_432] : memref<16384x200xi32, #tpu.memory_space<hbm>> -> memref<2x200xi32, #tpu.memory_space<hbm>>
        tpu.wait_dma2 semaphore(%arg13 : memref<!tpu.dma_semaphore, #tpu.memory_space<semaphore_mem>>) src(%dma_wait3A_433 : memref<2x200xi32, #tpu.memory_space<hbm>>) dst(%arg7 : memref<2x200xi32, #tpu.memory_space<vmem>>)
      } else {
      }
      %dma_wait3A_254 = arith.constant 0 : i32
      %dma_wait3A_255 = arith.constant 0 : i32
      %dma_wait3A_256 = arith.constant 0 : i32
      %dma_wait3A_257 = arith.constant 0 : i32
      %dma_wait3A_258 = tpu.memref_slice %arg9[%dma_wait3A_255, %dma_wait3A_256, %dma_wait3A_257] : memref<2x200x64xf32, #tpu.memory_space<vmem>> -> memref<1x128x64xf32, #tpu.memory_space<vmem>>
      %dma_wait3A_259 = tpu.memref_squeeze %dma_wait3A_258 : memref<1x128x64xf32, #tpu.memory_space<vmem>> -> memref<128x64xf32, #tpu.memory_space<vmem>>
      %dma_wait3A_260 = arith.constant 0 : i32
      %dma_wait3A_261 = tpu.memref_slice %arg6[%dma_wait3A_254, %dma_wait3A_260] : memref<2x200xi32, #tpu.memory_space<vmem>> -> memref<1x128xi32, #tpu.memory_space<vmem>>
      %dma_wait3A_262 = tpu.memref_squeeze %dma_wait3A_261 : memref<1x128xi32, #tpu.memory_space<vmem>> -> memref<128xi32, #tpu.memory_space<vmem>>
      %dma_wait3A_263 = arith.constant 0 : i32
      %dma_wait3A_264 = arith.constant 0 : i32
      %dma_wait3A_265 = tpu.memref_slice %arg2[%dma_wait3A_263, %dma_wait3A_264] : memref<2000000x64xf32, #tpu.memory_space<hbm>> -> memref<2000000x64xf32, #tpu.memory_space<hbm>>
      tpu.wait_indirect_dma semaphore(%arg11 : memref<!tpu.dma_semaphore, #tpu.memory_space<semaphore_mem>>) src(%dma_wait3A_265 : memref<2000000x64xf32, #tpu.memory_space<hbm>>) dst(%dma_wait3A_259 : memref<128x64xf32, #tpu.memory_space<vmem>>)
      %dma_wait3A_266 = arith.constant 0 : i32
      %dma_wait3A_267 = arith.constant 0 : i32
      %dma_wait3A_268 = arith.constant 128 : i32
      %dma_wait3A_269 = arith.constant 0 : i32
      %dma_wait3A_270 = tpu.memref_slice %arg9[%dma_wait3A_267, %dma_wait3A_268, %dma_wait3A_269] : memref<2x200x64xf32, #tpu.memory_space<vmem>> -> memref<1x72x64xf32, #tpu.memory_space<vmem>>
      %dma_wait3A_271 = tpu.memref_squeeze %dma_wait3A_270 : memref<1x72x64xf32, #tpu.memory_space<vmem>> -> memref<72x64xf32, #tpu.memory_space<vmem>>
      %dma_wait3A_272 = arith.constant 128 : i32
      %dma_wait3A_273 = tpu.memref_slice %arg6[%dma_wait3A_266, %dma_wait3A_272] : memref<2x200xi32, #tpu.memory_space<vmem>> -> memref<1x72xi32, #tpu.memory_space<vmem>>
      %dma_wait3A_274 = tpu.memref_squeeze %dma_wait3A_273 : memref<1x72xi32, #tpu.memory_space<vmem>> -> memref<72xi32, #tpu.memory_space<vmem>>
      %dma_wait3A_275 = arith.constant 0 : i32
      %dma_wait3A_276 = arith.constant 0 : i32
      %dma_wait3A_277 = tpu.memref_slice %arg2[%dma_wait3A_275, %dma_wait3A_276] : memref<2000000x64xf32, #tpu.memory_space<hbm>> -> memref<2000000x64xf32, #tpu.memory_space<hbm>>
      tpu.wait_indirect_dma semaphore(%arg11 : memref<!tpu.dma_semaphore, #tpu.memory_space<semaphore_mem>>) src(%dma_wait3A_277 : memref<2000000x64xf32, #tpu.memory_space<hbm>>) dst(%dma_wait3A_271 : memref<72x64xf32, #tpu.memory_space<vmem>>)
      %dma_wait3A_278 = arith.constant 1 : i32
      %dma_wait3A_279 = arith.constant 1 : i32
      %dma_wait3A_280 = arith.constant 0 : i32
      %dma_wait3A_281 = arith.constant 0 : i32
      %dma_wait3A_282 = tpu.memref_slice %arg9[%dma_wait3A_279, %dma_wait3A_280, %dma_wait3A_281] : memref<2x200x64xf32, #tpu.memory_space<vmem>> -> memref<1x128x64xf32, #tpu.memory_space<vmem>>
      %dma_wait3A_283 = tpu.memref_squeeze %dma_wait3A_282 : memref<1x128x64xf32, #tpu.memory_space<vmem>> -> memref<128x64xf32, #tpu.memory_space<vmem>>
      %dma_wait3A_284 = arith.constant 0 : i32
      %dma_wait3A_285 = tpu.memref_slice %arg6[%dma_wait3A_278, %dma_wait3A_284] : memref<2x200xi32, #tpu.memory_space<vmem>> -> memref<1x128xi32, #tpu.memory_space<vmem>>
      %dma_wait3A_286 = tpu.memref_squeeze %dma_wait3A_285 : memref<1x128xi32, #tpu.memory_space<vmem>> -> memref<128xi32, #tpu.memory_space<vmem>>
      %dma_wait3A_287 = arith.constant 0 : i32
      %dma_wait3A_288 = arith.constant 0 : i32
      %dma_wait3A_289 = tpu.memref_slice %arg2[%dma_wait3A_287, %dma_wait3A_288] : memref<2000000x64xf32, #tpu.memory_space<hbm>> -> memref<2000000x64xf32, #tpu.memory_space<hbm>>
      tpu.wait_indirect_dma semaphore(%arg11 : memref<!tpu.dma_semaphore, #tpu.memory_space<semaphore_mem>>) src(%dma_wait3A_289 : memref<2000000x64xf32, #tpu.memory_space<hbm>>) dst(%dma_wait3A_283 : memref<128x64xf32, #tpu.memory_space<vmem>>)
      %dma_wait3A_290 = arith.constant 1 : i32
      %dma_wait3A_291 = arith.constant 1 : i32
      %dma_wait3A_292 = arith.constant 128 : i32
      %dma_wait3A_293 = arith.constant 0 : i32
      %dma_wait3A_294 = tpu.memref_slice %arg9[%dma_wait3A_291, %dma_wait3A_292, %dma_wait3A_293] : memref<2x200x64xf32, #tpu.memory_space<vmem>> -> memref<1x72x64xf32, #tpu.memory_space<vmem>>
      %dma_wait3A_295 = tpu.memref_squeeze %dma_wait3A_294 : memref<1x72x64xf32, #tpu.memory_space<vmem>> -> memref<72x64xf32, #tpu.memory_space<vmem>>
      %dma_wait3A_296 = arith.constant 128 : i32
      %dma_wait3A_297 = tpu.memref_slice %arg6[%dma_wait3A_290, %dma_wait3A_296] : memref<2x200xi32, #tpu.memory_space<vmem>> -> memref<1x72xi32, #tpu.memory_space<vmem>>
      %dma_wait3A_298 = tpu.memref_squeeze %dma_wait3A_297 : memref<1x72xi32, #tpu.memory_space<vmem>> -> memref<72xi32, #tpu.memory_space<vmem>>
      %dma_wait3A_299 = arith.constant 0 : i32
      %dma_wait3A_300 = arith.constant 0 : i32
      %dma_wait3A_301 = tpu.memref_slice %arg2[%dma_wait3A_299, %dma_wait3A_300] : memref<2000000x64xf32, #tpu.memory_space<hbm>> -> memref<2000000x64xf32, #tpu.memory_space<hbm>>
      tpu.wait_indirect_dma semaphore(%arg11 : memref<!tpu.dma_semaphore, #tpu.memory_space<semaphore_mem>>) src(%dma_wait3A_301 : memref<2000000x64xf32, #tpu.memory_space<hbm>>) dst(%dma_wait3A_295 : memref<72x64xf32, #tpu.memory_space<vmem>>)
      %add3A_302 = arith.constant 1 : i32
      %add3A_303 = arith.addi %add3A_241, %add3A_302 : i32
      %lt3A_304 = arith.constant 256 : i32
      %lt3A_305 = arith.cmpi slt, %add3A_303, %lt3A_304 : i32
      %convert_element_type3A_306 = arith.extui %lt3A_305 : i1 to i32
      %cond3A_307 = arith.constant 0 : i32
      %cond3A_308 = arith.cmpi ne, %convert_element_type3A_306, %cond3A_307 : i32
      scf.if %cond3A_308 {
        %add3A_425 = arith.constant 1 : i32
        %add3A_426 = arith.addi %add3A_241, %add3A_425 : i32
        %dma_start3A_427 = arith.constant 0 : i32
        %dma_start3A_428 = arith.constant 0 : i32
        %dma_start3A_429 = arith.constant 0 : i32
        %dma_start3A_430 = arith.constant 0 : i32
        %dma_start3A_431 = tpu.memref_slice %arg10[%dma_start3A_428, %dma_start3A_429, %dma_start3A_430] : memref<2x200x64xf32, #tpu.memory_space<vmem>> -> memref<1x128x64xf32, #tpu.memory_space<vmem>>
        %dma_start3A_432 = tpu.memref_squeeze %dma_start3A_431 : memref<1x128x64xf32, #tpu.memory_space<vmem>> -> memref<128x64xf32, #tpu.memory_space<vmem>>
        %dma_start3A_433 = arith.constant 0 : i32
        %dma_start3A_434 = tpu.memref_slice %arg7[%dma_start3A_427, %dma_start3A_433] : memref<2x200xi32, #tpu.memory_space<vmem>> -> memref<1x128xi32, #tpu.memory_space<vmem>>
        %dma_start3A_435 = tpu.memref_squeeze %dma_start3A_434 : memref<1x128xi32, #tpu.memory_space<vmem>> -> memref<128xi32, #tpu.memory_space<vmem>>
        %dma_start3A_436 = arith.constant 0 : i32
        %dma_start3A_437 = arith.constant 0 : i32
        %dma_start3A_438 = tpu.memref_slice %arg2[%dma_start3A_436, %dma_start3A_437] : memref<2000000x64xf32, #tpu.memory_space<hbm>> -> memref<2000000x64xf32, #tpu.memory_space<hbm>>
        tpu.enqueue_indirect_dma source(%dma_start3A_438 : memref<2000000x64xf32, #tpu.memory_space<hbm>>) target(%dma_start3A_432 : memref<128x64xf32, #tpu.memory_space<vmem>>) offsets(%dma_start3A_435 : memref<128xi32, #tpu.memory_space<vmem>>) semaphore(%arg11 : memref<!tpu.dma_semaphore, #tpu.memory_space<semaphore_mem>>)
        %dma_start3A_439 = arith.constant 0 : i32
        %dma_start3A_440 = arith.constant 0 : i32
        %dma_start3A_441 = arith.constant 128 : i32
        %dma_start3A_442 = arith.constant 0 : i32
        %dma_start3A_443 = tpu.memref_slice %arg10[%dma_start3A_440, %dma_start3A_441, %dma_start3A_442] : memref<2x200x64xf32, #tpu.memory_space<vmem>> -> memref<1x72x64xf32, #tpu.memory_space<vmem>>
        %dma_start3A_444 = tpu.memref_squeeze %dma_start3A_443 : memref<1x72x64xf32, #tpu.memory_space<vmem>> -> memref<72x64xf32, #tpu.memory_space<vmem>>
        %dma_start3A_445 = arith.constant 128 : i32
        %dma_start3A_446 = tpu.memref_slice %arg7[%dma_start3A_439, %dma_start3A_445] : memref<2x200xi32, #tpu.memory_space<vmem>> -> memref<1x72xi32, #tpu.memory_space<vmem>>
        %dma_start3A_447 = tpu.memref_squeeze %dma_start3A_446 : memref<1x72xi32, #tpu.memory_space<vmem>> -> memref<72xi32, #tpu.memory_space<vmem>>
        %dma_start3A_448 = arith.constant 0 : i32
        %dma_start3A_449 = arith.constant 0 : i32
        %dma_start3A_450 = tpu.memref_slice %arg2[%dma_start3A_448, %dma_start3A_449] : memref<2000000x64xf32, #tpu.memory_space<hbm>> -> memref<2000000x64xf32, #tpu.memory_space<hbm>>
        tpu.enqueue_indirect_dma source(%dma_start3A_450 : memref<2000000x64xf32, #tpu.memory_space<hbm>>) target(%dma_start3A_444 : memref<72x64xf32, #tpu.memory_space<vmem>>) offsets(%dma_start3A_447 : memref<72xi32, #tpu.memory_space<vmem>>) semaphore(%arg11 : memref<!tpu.dma_semaphore, #tpu.memory_space<semaphore_mem>>)
        %dma_start3A_451 = arith.constant 1 : i32
        %dma_start3A_452 = arith.constant 1 : i32
        %dma_start3A_453 = arith.constant 0 : i32
        %dma_start3A_454 = arith.constant 0 : i32
        %dma_start3A_455 = tpu.memref_slice %arg10[%dma_start3A_452, %dma_start3A_453, %dma_start3A_454] : memref<2x200x64xf32, #tpu.memory_space<vmem>> -> memref<1x128x64xf32, #tpu.memory_space<vmem>>
        %dma_start3A_456 = tpu.memref_squeeze %dma_start3A_455 : memref<1x128x64xf32, #tpu.memory_space<vmem>> -> memref<128x64xf32, #tpu.memory_space<vmem>>
        %dma_start3A_457 = arith.constant 0 : i32
        %dma_start3A_458 = tpu.memref_slice %arg7[%dma_start3A_451, %dma_start3A_457] : memref<2x200xi32, #tpu.memory_space<vmem>> -> memref<1x128xi32, #tpu.memory_space<vmem>>
        %dma_start3A_459 = tpu.memref_squeeze %dma_start3A_458 : memref<1x128xi32, #tpu.memory_space<vmem>> -> memref<128xi32, #tpu.memory_space<vmem>>
        %dma_start3A_460 = arith.constant 0 : i32
        %dma_start3A_461 = arith.constant 0 : i32
        %dma_start3A_462 = tpu.memref_slice %arg2[%dma_start3A_460, %dma_start3A_461] : memref<2000000x64xf32, #tpu.memory_space<hbm>> -> memref<2000000x64xf32, #tpu.memory_space<hbm>>
        tpu.enqueue_indirect_dma source(%dma_start3A_462 : memref<2000000x64xf32, #tpu.memory_space<hbm>>) target(%dma_start3A_456 : memref<128x64xf32, #tpu.memory_space<vmem>>) offsets(%dma_start3A_459 : memref<128xi32, #tpu.memory_space<vmem>>) semaphore(%arg11 : memref<!tpu.dma_semaphore, #tpu.memory_space<semaphore_mem>>)
        %dma_start3A_463 = arith.constant 1 : i32
        %dma_start3A_464 = arith.constant 1 : i32
        %dma_start3A_465 = arith.constant 128 : i32
        %dma_start3A_466 = arith.constant 0 : i32
        %dma_start3A_467 = tpu.memref_slice %arg10[%dma_start3A_464, %dma_start3A_465, %dma_start3A_466] : memref<2x200x64xf32, #tpu.memory_space<vmem>> -> memref<1x72x64xf32, #tpu.memory_space<vmem>>
        %dma_start3A_468 = tpu.memref_squeeze %dma_start3A_467 : memref<1x72x64xf32, #tpu.memory_space<vmem>> -> memref<72x64xf32, #tpu.memory_space<vmem>>
        %dma_start3A_469 = arith.constant 128 : i32
        %dma_start3A_470 = tpu.memref_slice %arg7[%dma_start3A_463, %dma_start3A_469] : memref<2x200xi32, #tpu.memory_space<vmem>> -> memref<1x72xi32, #tpu.memory_space<vmem>>
        %dma_start3A_471 = tpu.memref_squeeze %dma_start3A_470 : memref<1x72xi32, #tpu.memory_space<vmem>> -> memref<72xi32, #tpu.memory_space<vmem>>
        %dma_start3A_472 = arith.constant 0 : i32
        %dma_start3A_473 = arith.constant 0 : i32
        %dma_start3A_474 = tpu.memref_slice %arg2[%dma_start3A_472, %dma_start3A_473] : memref<2000000x64xf32, #tpu.memory_space<hbm>> -> memref<2000000x64xf32, #tpu.memory_space<hbm>>
        tpu.enqueue_indirect_dma source(%dma_start3A_474 : memref<2000000x64xf32, #tpu.memory_space<hbm>>) target(%dma_start3A_468 : memref<72x64xf32, #tpu.memory_space<vmem>>) offsets(%dma_start3A_471 : memref<72xi32, #tpu.memory_space<vmem>>) semaphore(%arg11 : memref<!tpu.dma_semaphore, #tpu.memory_space<semaphore_mem>>)
      } else {
      }
      %scan3A_309 = arith.constant 0 : i32
      %scan3A_310 = arith.constant 0 : i32
      %scan3A_311 = arith.constant 50 : i32
      %scan3A_312 = arith.addi %scan3A_310, %scan3A_311 : i32
      %scan3A_313 = arith.constant 1 : i32
      %scan3A_314 = scf.for %scan3A_425 = %scan3A_310 to %scan3A_312 step %scan3A_313 iter_args(%scan3A_426 = %scan3A_309) -> (i32)  : i32 {
        %mul3A_427 = arith.constant 4 : i32
        %mul3A_428 = arith.muli %scan3A_425, %mul3A_427 : i32
        %add3A_429 = arith.constant 0 : i32
        %add3A_430 = arith.addi %mul3A_428, %add3A_429 : i32
        %get3A = arith.constant 0 : i32
        %get3A_431 = arith.index_cast %get3A : i32 to index
        %get3A_432 = arith.index_cast %add3A_430 : i32 to index
        %get3A_433 = arith.constant 0 : index
        %get3A_434 = tpu.vector_load %arg9[%get3A_431, %get3A_432, %get3A_433] {strides = array<i32>} : memref<2x200x64xf32, #tpu.memory_space<vmem>>, vector<1x1x16xf32>,
        %get3A_435 = vector.shape_cast %get3A_434 : vector<1x1x16xf32> to vector<16xf32>
        %mul3A_436 = arith.constant 8.000000e+00 : f32
        %mul3A_437 = vector.broadcast %mul3A_436 : f32 to vector<16xf32>
        %mul3A_438 = arith.mulf %get3A_435, %mul3A_437 : vector<16xf32>
        %add3A_439 = arith.constant 0 : i32
        %add3A_440 = arith.addi %mul3A_428, %add3A_439 : i32
        %swap3A = arith.constant 0 : i32
        %swap3A_441 = arith.index_cast %swap3A : i32 to index
        %swap3A_442 = arith.index_cast %add3A_440 : i32 to index
        %swap3A_443 = arith.constant 0 : index
        %swap3A_444 = tpu.vector_load %arg9[%swap3A_441, %swap3A_442, %swap3A_443] {strides = array<i32>} : memref<2x200x64xf32, #tpu.memory_space<vmem>>, vector<1x1x16xf32>,
        %swap3A_445 = vector.shape_cast %swap3A_444 : vector<1x1x16xf32> to vector<16xf32>
        %swap3A_446 = vector.shape_cast %mul3A_438 : vector<16xf32> to vector<1x1x16xf32>
        tpu.vector_store %arg9[%swap3A_441, %swap3A_442, %swap3A_443], %swap3A_446 {strides = array<i32>} : memref<2x200x64xf32, #tpu.memory_space<vmem>>, vector<1x1x16xf32>,
        %add3A_447 = arith.constant 0 : i32
        %add3A_448 = arith.addi %mul3A_428, %add3A_447 : i32
        %get3A_449 = arith.constant 0 : i32
        %get3A_450 = arith.index_cast %get3A_449 : i32 to index
        %get3A_451 = arith.index_cast %add3A_448 : i32 to index
        %get3A_452 = arith.constant 16 : index
        %get3A_453 = tpu.vector_load %arg9[%get3A_450, %get3A_451, %get3A_452] {strides = array<i32>} : memref<2x200x64xf32, #tpu.memory_space<vmem>>, vector<1x1x16xf32>,
        %get3A_454 = vector.shape_cast %get3A_453 : vector<1x1x16xf32> to vector<16xf32>
        %mul3A_455 = arith.constant 8.000000e+00 : f32
        %mul3A_456 = vector.broadcast %mul3A_455 : f32 to vector<16xf32>
        %mul3A_457 = arith.mulf %get3A_454, %mul3A_456 : vector<16xf32>
        %add3A_458 = arith.constant 0 : i32
        %add3A_459 = arith.addi %mul3A_428, %add3A_458 : i32
        %swap3A_460 = arith.constant 0 : i32
        %swap3A_461 = arith.index_cast %swap3A_460 : i32 to index
        %swap3A_462 = arith.index_cast %add3A_459 : i32 to index
        %swap3A_463 = arith.constant 16 : index
        %swap3A_464 = tpu.vector_load %arg9[%swap3A_461, %swap3A_462, %swap3A_463] {strides = array<i32>} : memref<2x200x64xf32, #tpu.memory_space<vmem>>, vector<1x1x16xf32>,
        %swap3A_465 = vector.shape_cast %swap3A_464 : vector<1x1x16xf32> to vector<16xf32>
        %swap3A_466 = vector.shape_cast %mul3A_457 : vector<16xf32> to vector<1x1x16xf32>
        tpu.vector_store %arg9[%swap3A_461, %swap3A_462, %swap3A_463], %swap3A_466 {strides = array<i32>} : memref<2x200x64xf32, #tpu.memory_space<vmem>>, vector<1x1x16xf32>,
        %add3A_467 = arith.constant 0 : i32
        %add3A_468 = arith.addi %mul3A_428, %add3A_467 : i32
        %get3A_469 = arith.constant 0 : i32
        %get3A_470 = arith.index_cast %get3A_469 : i32 to index
        %get3A_471 = arith.index_cast %add3A_468 : i32 to index
        %get3A_472 = arith.constant 32 : index
        %get3A_473 = tpu.vector_load %arg9[%get3A_470, %get3A_471, %get3A_472] {strides = array<i32>} : memref<2x200x64xf32, #tpu.memory_space<vmem>>, vector<1x1x16xf32>,
        %get3A_474 = vector.shape_cast %get3A_473 : vector<1x1x16xf32> to vector<16xf32>
        %mul3A_475 = arith.constant 8.000000e+00 : f32
        %mul3A_476 = vector.broadcast %mul3A_475 : f32 to vector<16xf32>
        %mul3A_477 = arith.mulf %get3A_474, %mul3A_476 : vector<16xf32>
        %add3A_478 = arith.constant 0 : i32
        %add3A_479 = arith.addi %mul3A_428, %add3A_478 : i32
        %swap3A_480 = arith.constant 0 : i32
        %swap3A_481 = arith.index_cast %swap3A_480 : i32 to index
        %swap3A_482 = arith.index_cast %add3A_479 : i32 to index
        %swap3A_483 = arith.constant 32 : index
        %swap3A_484 = tpu.vector_load %arg9[%swap3A_481, %swap3A_482, %swap3A_483] {strides = array<i32>} : memref<2x200x64xf32, #tpu.memory_space<vmem>>, vector<1x1x16xf32>,
        %swap3A_485 = vector.shape_cast %swap3A_484 : vector<1x1x16xf32> to vector<16xf32>
        %swap3A_486 = vector.shape_cast %mul3A_477 : vector<16xf32> to vector<1x1x16xf32>
        tpu.vector_store %arg9[%swap3A_481, %swap3A_482, %swap3A_483], %swap3A_486 {strides = array<i32>} : memref<2x200x64xf32, #tpu.memory_space<vmem>>, vector<1x1x16xf32>,
        %add3A_487 = arith.constant 0 : i32
        %add3A_488 = arith.addi %mul3A_428, %add3A_487 : i32
        %get3A_489 = arith.constant 0 : i32
        %get3A_490 = arith.index_cast %get3A_489 : i32 to index
        %get3A_491 = arith.index_cast %add3A_488 : i32 to index
        %get3A_492 = arith.constant 48 : index
        %get3A_493 = tpu.vector_load %arg9[%get3A_490, %get3A_491, %get3A_492] {strides = array<i32>} : memref<2x200x64xf32, #tpu.memory_space<vmem>>, vector<1x1x16xf32>,
        %get3A_494 = vector.shape_cast %get3A_493 : vector<1x1x16xf32> to vector<16xf32>
        %mul3A_495 = arith.constant 8.000000e+00 : f32
        %mul3A_496 = vector.broadcast %mul3A_495 : f32 to vector<16xf32>
        %mul3A_497 = arith.mulf %get3A_494, %mul3A_496 : vector<16xf32>
        %add3A_498 = arith.constant 0 : i32
        %add3A_499 = arith.addi %mul3A_428, %add3A_498 : i32
        %swap3A_500 = arith.constant 0 : i32
        %swap3A_501 = arith.index_cast %swap3A_500 : i32 to index
        %swap3A_502 = arith.index_cast %add3A_499 : i32 to index
        %swap3A_503 = arith.constant 48 : index
        %swap3A_504 = tpu.vector_load %arg9[%swap3A_501, %swap3A_502, %swap3A_503] {strides = array<i32>} : memref<2x200x64xf32, #tpu.memory_space<vmem>>, vector<1x1x16xf32>,
        %swap3A_505 = vector.shape_cast %swap3A_504 : vector<1x1x16xf32> to vector<16xf32>
        %swap3A_506 = vector.shape_cast %mul3A_497 : vector<16xf32> to vector<1x1x16xf32>
        tpu.vector_store %arg9[%swap3A_501, %swap3A_502, %swap3A_503], %swap3A_506 {strides = array<i32>} : memref<2x200x64xf32, #tpu.memory_space<vmem>>, vector<1x1x16xf32>,
        %add3A_507 = arith.constant 0 : i32
        %add3A_508 = arith.addi %mul3A_428, %add3A_507 : i32
        %get3A_509 = arith.constant 1 : i32
        %get3A_510 = arith.index_cast %get3A_509 : i32 to index
        %get3A_511 = arith.index_cast %add3A_508 : i32 to index
        %get3A_512 = arith.constant 0 : index
        %get3A_513 = tpu.vector_load %arg9[%get3A_510, %get3A_511, %get3A_512] {strides = array<i32>} : memref<2x200x64xf32, #tpu.memory_space<vmem>>, vector<1x1x16xf32>,
        %get3A_514 = vector.shape_cast %get3A_513 : vector<1x1x16xf32> to vector<16xf32>
        %mul3A_515 = arith.constant 8.000000e+00 : f32
        %mul3A_516 = vector.broadcast %mul3A_515 : f32 to vector<16xf32>
        %mul3A_517 = arith.mulf %get3A_514, %mul3A_516 : vector<16xf32>
        %add3A_518 = arith.constant 0 : i32
        %add3A_519 = arith.addi %mul3A_428, %add3A_518 : i32
        %swap3A_520 = arith.constant 1 : i32
        %swap3A_521 = arith.index_cast %swap3A_520 : i32 to index
        %swap3A_522 = arith.index_cast %add3A_519 : i32 to index
        %swap3A_523 = arith.constant 0 : index
        %swap3A_524 = tpu.vector_load %arg9[%swap3A_521, %swap3A_522, %swap3A_523] {strides = array<i32>} : memref<2x200x64xf32, #tpu.memory_space<vmem>>, vector<1x1x16xf32>,
        %swap3A_525 = vector.shape_cast %swap3A_524 : vector<1x1x16xf32> to vector<16xf32>
        %swap3A_526 = vector.shape_cast %mul3A_517 : vector<16xf32> to vector<1x1x16xf32>
        tpu.vector_store %arg9[%swap3A_521, %swap3A_522, %swap3A_523], %swap3A_526 {strides = array<i32>} : memref<2x200x64xf32, #tpu.memory_space<vmem>>, vector<1x1x16xf32>,
        %add3A_527 = arith.constant 0 : i32
        %add3A_528 = arith.addi %mul3A_428, %add3A_527 : i32
        %get3A_529 = arith.constant 1 : i32
        %get3A_530 = arith.index_cast %get3A_529 : i32 to index
        %get3A_531 = arith.index_cast %add3A_528 : i32 to index
        %get3A_532 = arith.constant 16 : index
        %get3A_533 = tpu.vector_load %arg9[%get3A_530, %get3A_531, %get3A_532] {strides = array<i32>} : memref<2x200x64xf32, #tpu.memory_space<vmem>>, vector<1x1x16xf32>,
        %get3A_534 = vector.shape_cast %get3A_533 : vector<1x1x16xf32> to vector<16xf32>
        %mul3A_535 = arith.constant 8.000000e+00 : f32
        %mul3A_536 = vector.broadcast %mul3A_535 : f32 to vector<16xf32>
        %mul3A_537 = arith.mulf %get3A_534, %mul3A_536 : vector<16xf32>
        %add3A_538 = arith.constant 0 : i32
        %add3A_539 = arith.addi %mul3A_428, %add3A_538 : i32
        %swap3A_540 = arith.constant 1 : i32
        %swap3A_541 = arith.index_cast %swap3A_540 : i32 to index
        %swap3A_542 = arith.index_cast %add3A_539 : i32 to index
        %swap3A_543 = arith.constant 16 : index
        %swap3A_544 = tpu.vector_load %arg9[%swap3A_541, %swap3A_542, %swap3A_543] {strides = array<i32>} : memref<2x200x64xf32, #tpu.memory_space<vmem>>, vector<1x1x16xf32>,
        %swap3A_545 = vector.shape_cast %swap3A_544 : vector<1x1x16xf32> to vector<16xf32>
        %swap3A_546 = vector.shape_cast %mul3A_537 : vector<16xf32> to vector<1x1x16xf32>
        tpu.vector_store %arg9[%swap3A_541, %swap3A_542, %swap3A_543], %swap3A_546 {strides = array<i32>} : memref<2x200x64xf32, #tpu.memory_space<vmem>>, vector<1x1x16xf32>,
        %add3A_547 = arith.constant 0 : i32
        %add3A_548 = arith.addi %mul3A_428, %add3A_547 : i32
        %get3A_549 = arith.constant 1 : i32
        %get3A_550 = arith.index_cast %get3A_549 : i32 to index
        %get3A_551 = arith.index_cast %add3A_548 : i32 to index
        %get3A_552 = arith.constant 32 : index
        %get3A_553 = tpu.vector_load %arg9[%get3A_550, %get3A_551, %get3A_552] {strides = array<i32>} : memref<2x200x64xf32, #tpu.memory_space<vmem>>, vector<1x1x16xf32>,
        %get3A_554 = vector.shape_cast %get3A_553 : vector<1x1x16xf32> to vector<16xf32>
        %mul3A_555 = arith.constant 8.000000e+00 : f32
        %mul3A_556 = vector.broadcast %mul3A_555 : f32 to vector<16xf32>
        %mul3A_557 = arith.mulf %get3A_554, %mul3A_556 : vector<16xf32>
        %add3A_558 = arith.constant 0 : i32
        %add3A_559 = arith.addi %mul3A_428, %add3A_558 : i32
        %swap3A_560 = arith.constant 1 : i32
        %swap3A_561 = arith.index_cast %swap3A_560 : i32 to index
        %swap3A_562 = arith.index_cast %add3A_559 : i32 to index
        %swap3A_563 = arith.constant 32 : index
        %swap3A_564 = tpu.vector_load %arg9[%swap3A_561, %swap3A_562, %swap3A_563] {strides = array<i32>} : memref<2x200x64xf32, #tpu.memory_space<vmem>>, vector<1x1x16xf32>,
        %swap3A_565 = vector.shape_cast %swap3A_564 : vector<1x1x16xf32> to vector<16xf32>
        %swap3A_566 = vector.shape_cast %mul3A_557 : vector<16xf32> to vector<1x1x16xf32>
        tpu.vector_store %arg9[%swap3A_561, %swap3A_562, %swap3A_563], %swap3A_566 {strides = array<i32>} : memref<2x200x64xf32, #tpu.memory_space<vmem>>, vector<1x1x16xf32>,
        %add3A_567 = arith.constant 0 : i32
        %add3A_568 = arith.addi %mul3A_428, %add3A_567 : i32
        %get3A_569 = arith.constant 1 : i32
        %get3A_570 = arith.index_cast %get3A_569 : i32 to index
        %get3A_571 = arith.index_cast %add3A_568 : i32 to index
        %get3A_572 = arith.constant 48 : index
        %get3A_573 = tpu.vector_load %arg9[%get3A_570, %get3A_571, %get3A_572] {strides = array<i32>} : memref<2x200x64xf32, #tpu.memory_space<vmem>>, vector<1x1x16xf32>,
        %get3A_574 = vector.shape_cast %get3A_573 : vector<1x1x16xf32> to vector<16xf32>
        %mul3A_575 = arith.constant 8.000000e+00 : f32
        %mul3A_576 = vector.broadcast %mul3A_575 : f32 to vector<16xf32>
        %mul3A_577 = arith.mulf %get3A_574, %mul3A_576 : vector<16xf32>
        %add3A_578 = arith.constant 0 : i32
        %add3A_579 = arith.addi %mul3A_428, %add3A_578 : i32
        %swap3A_580 = arith.constant 1 : i32
        %swap3A_581 = arith.index_cast %swap3A_580 : i32 to index
        %swap3A_582 = arith.index_cast %add3A_579 : i32 to index
        %swap3A_583 = arith.constant 48 : index
        %swap3A_584 = tpu.vector_load %arg9[%swap3A_581, %swap3A_582, %swap3A_583] {strides = array<i32>} : memref<2x200x64xf32, #tpu.memory_space<vmem>>, vector<1x1x16xf32>,
        %swap3A_585 = vector.shape_cast %swap3A_584 : vector<1x1x16xf32> to vector<16xf32>
        %swap3A_586 = vector.shape_cast %mul3A_577 : vector<16xf32> to vector<1x1x16xf32>
        tpu.vector_store %arg9[%swap3A_581, %swap3A_582, %swap3A_583], %swap3A_586 {strides = array<i32>} : memref<2x200x64xf32, #tpu.memory_space<vmem>>, vector<1x1x16xf32>,
        %add3A_587 = arith.constant 1 : i32
        %add3A_588 = arith.addi %mul3A_428, %add3A_587 : i32
        %get3A_589 = arith.constant 0 : i32
        %get3A_590 = arith.index_cast %get3A_589 : i32 to index
        %get3A_591 = arith.index_cast %add3A_588 : i32 to index
        %get3A_592 = arith.constant 0 : index
        %get3A_593 = tpu.vector_load %arg9[%get3A_590, %get3A_591, %get3A_592] {strides = array<i32>} : memref<2x200x64xf32, #tpu.memory_space<vmem>>, vector<1x1x16xf32>,
        %get3A_594 = vector.shape_cast %get3A_593 : vector<1x1x16xf32> to vector<16xf32>
        %mul3A_595 = arith.constant 8.000000e+00 : f32
        %mul3A_596 = vector.broadcast %mul3A_595 : f32 to vector<16xf32>
        %mul3A_597 = arith.mulf %get3A_594, %mul3A_596 : vector<16xf32>
        %add3A_598 = arith.constant 1 : i32
        %add3A_599 = arith.addi %mul3A_428, %add3A_598 : i32
        %swap3A_600 = arith.constant 0 : i32
        %swap3A_601 = arith.index_cast %swap3A_600 : i32 to index
        %swap3A_602 = arith.index_cast %add3A_599 : i32 to index
        %swap3A_603 = arith.constant 0 : index
        %swap3A_604 = tpu.vector_load %arg9[%swap3A_601, %swap3A_602, %swap3A_603] {strides = array<i32>} : memref<2x200x64xf32, #tpu.memory_space<vmem>>, vector<1x1x16xf32>,
        %swap3A_605 = vector.shape_cast %swap3A_604 : vector<1x1x16xf32> to vector<16xf32>
        %swap3A_606 = vector.shape_cast %mul3A_597 : vector<16xf32> to vector<1x1x16xf32>
        tpu.vector_store %arg9[%swap3A_601, %swap3A_602, %swap3A_603], %swap3A_606 {strides = array<i32>} : memref<2x200x64xf32, #tpu.memory_space<vmem>>, vector<1x1x16xf32>,
        %add3A_607 = arith.constant 1 : i32
        %add3A_608 = arith.addi %mul3A_428, %add3A_607 : i32
        %get3A_609 = arith.constant 0 : i32
        %get3A_610 = arith.index_cast %get3A_609 : i32 to index
        %get3A_611 = arith.index_cast %add3A_608 : i32 to index
        %get3A_612 = arith.constant 16 : index
        %get3A_613 = tpu.vector_load %arg9[%get3A_610, %get3A_611, %get3A_612] {strides = array<i32>} : memref<2x200x64xf32, #tpu.memory_space<vmem>>, vector<1x1x16xf32>,
        %get3A_614 = vector.shape_cast %get3A_613 : vector<1x1x16xf32> to vector<16xf32>
        %mul3A_615 = arith.constant 8.000000e+00 : f32
        %mul3A_616 = vector.broadcast %mul3A_615 : f32 to vector<16xf32>
        %mul3A_617 = arith.mulf %get3A_614, %mul3A_616 : vector<16xf32>
        %add3A_618 = arith.constant 1 : i32
        %add3A_619 = arith.addi %mul3A_428, %add3A_618 : i32
        %swap3A_620 = arith.constant 0 : i32
        %swap3A_621 = arith.index_cast %swap3A_620 : i32 to index
        %swap3A_622 = arith.index_cast %add3A_619 : i32 to index
        %swap3A_623 = arith.constant 16 : index
        %swap3A_624 = tpu.vector_load %arg9[%swap3A_621, %swap3A_622, %swap3A_623] {strides = array<i32>} : memref<2x200x64xf32, #tpu.memory_space<vmem>>, vector<1x1x16xf32>,
        %swap3A_625 = vector.shape_cast %swap3A_624 : vector<1x1x16xf32> to vector<16xf32>
        %swap3A_626 = vector.shape_cast %mul3A_617 : vector<16xf32> to vector<1x1x16xf32>
        tpu.vector_store %arg9[%swap3A_621, %swap3A_622, %swap3A_623], %swap3A_626 {strides = array<i32>} : memref<2x200x64xf32, #tpu.memory_space<vmem>>, vector<1x1x16xf32>,
        %add3A_627 = arith.constant 1 : i32
        %add3A_628 = arith.addi %mul3A_428, %add3A_627 : i32
        %get3A_629 = arith.constant 0 : i32
        %get3A_630 = arith.index_cast %get3A_629 : i32 to index
        %get3A_631 = arith.index_cast %add3A_628 : i32 to index
        %get3A_632 = arith.constant 32 : index
        %get3A_633 = tpu.vector_load %arg9[%get3A_630, %get3A_631, %get3A_632] {strides = array<i32>} : memref<2x200x64xf32, #tpu.memory_space<vmem>>, vector<1x1x16xf32>,
        %get3A_634 = vector.shape_cast %get3A_633 : vector<1x1x16xf32> to vector<16xf32>
        %mul3A_635 = arith.constant 8.000000e+00 : f32
        %mul3A_636 = vector.broadcast %mul3A_635 : f32 to vector<16xf32>
        %mul3A_637 = arith.mulf %get3A_634, %mul3A_636 : vector<16xf32>
        %add3A_638 = arith.constant 1 : i32
        %add3A_639 = arith.addi %mul3A_428, %add3A_638 : i32
        %swap3A_640 = arith.constant 0 : i32
        %swap3A_641 = arith.index_cast %swap3A_640 : i32 to index
        %swap3A_642 = arith.index_cast %add3A_639 : i32 to index
        %swap3A_643 = arith.constant 32 : index
        %swap3A_644 = tpu.vector_load %arg9[%swap3A_641, %swap3A_642, %swap3A_643] {strides = array<i32>} : memref<2x200x64xf32, #tpu.memory_space<vmem>>, vector<1x1x16xf32>,
        %swap3A_645 = vector.shape_cast %swap3A_644 : vector<1x1x16xf32> to vector<16xf32>
        %swap3A_646 = vector.shape_cast %mul3A_637 : vector<16xf32> to vector<1x1x16xf32>
        tpu.vector_store %arg9[%swap3A_641, %swap3A_642, %swap3A_643], %swap3A_646 {strides = array<i32>} : memref<2x200x64xf32, #tpu.memory_space<vmem>>, vector<1x1x16xf32>,
        %add3A_647 = arith.constant 1 : i32
        %add3A_648 = arith.addi %mul3A_428, %add3A_647 : i32
        %get3A_649 = arith.constant 0 : i32
        %get3A_650 = arith.index_cast %get3A_649 : i32 to index
        %get3A_651 = arith.index_cast %add3A_648 : i32 to index
        %get3A_652 = arith.constant 48 : index
        %get3A_653 = tpu.vector_load %arg9[%get3A_650, %get3A_651, %get3A_652] {strides = array<i32>} : memref<2x200x64xf32, #tpu.memory_space<vmem>>, vector<1x1x16xf32>,
        %get3A_654 = vector.shape_cast %get3A_653 : vector<1x1x16xf32> to vector<16xf32>
        %mul3A_655 = arith.constant 8.000000e+00 : f32
        %mul3A_656 = vector.broadcast %mul3A_655 : f32 to vector<16xf32>
        %mul3A_657 = arith.mulf %get3A_654, %mul3A_656 : vector<16xf32>
        %add3A_658 = arith.constant 1 : i32
        %add3A_659 = arith.addi %mul3A_428, %add3A_658 : i32
        %swap3A_660 = arith.constant 0 : i32
        %swap3A_661 = arith.index_cast %swap3A_660 : i32 to index
        %swap3A_662 = arith.index_cast %add3A_659 : i32 to index
        %swap3A_663 = arith.constant 48 : index
        %swap3A_664 = tpu.vector_load %arg9[%swap3A_661, %swap3A_662, %swap3A_663] {strides = array<i32>} : memref<2x200x64xf32, #tpu.memory_space<vmem>>, vector<1x1x16xf32>,
        %swap3A_665 = vector.shape_cast %swap3A_664 : vector<1x1x16xf32> to vector<16xf32>
        %swap3A_666 = vector.shape_cast %mul3A_657 : vector<16xf32> to vector<1x1x16xf32>
        tpu.vector_store %arg9[%swap3A_661, %swap3A_662, %swap3A_663], %swap3A_666 {strides = array<i32>} : memref<2x200x64xf32, #tpu.memory_space<vmem>>, vector<1x1x16xf32>,
        %add3A_667 = arith.constant 1 : i32
        %add3A_668 = arith.addi %mul3A_428, %add3A_667 : i32
        %get3A_669 = arith.constant 1 : i32
        %get3A_670 = arith.index_cast %get3A_669 : i32 to index
        %get3A_671 = arith.index_cast %add3A_668 : i32 to index
        %get3A_672 = arith.constant 0 : index
        %get3A_673 = tpu.vector_load %arg9[%get3A_670, %get3A_671, %get3A_672] {strides = array<i32>} : memref<2x200x64xf32, #tpu.memory_space<vmem>>, vector<1x1x16xf32>,
        %get3A_674 = vector.shape_cast %get3A_673 : vector<1x1x16xf32> to vector<16xf32>
        %mul3A_675 = arith.constant 8.000000e+00 : f32
        %mul3A_676 = vector.broadcast %mul3A_675 : f32 to vector<16xf32>
        %mul3A_677 = arith.mulf %get3A_674, %mul3A_676 : vector<16xf32>
        %add3A_678 = arith.constant 1 : i32
        %add3A_679 = arith.addi %mul3A_428, %add3A_678 : i32
        %swap3A_680 = arith.constant 1 : i32
        %swap3A_681 = arith.index_cast %swap3A_680 : i32 to index
        %swap3A_682 = arith.index_cast %add3A_679 : i32 to index
        %swap3A_683 = arith.constant 0 : index
        %swap3A_684 = tpu.vector_load %arg9[%swap3A_681, %swap3A_682, %swap3A_683] {strides = array<i32>} : memref<2x200x64xf32, #tpu.memory_space<vmem>>, vector<1x1x16xf32>,
        %swap3A_685 = vector.shape_cast %swap3A_684 : vector<1x1x16xf32> to vector<16xf32>
        %swap3A_686 = vector.shape_cast %mul3A_677 : vector<16xf32> to vector<1x1x16xf32>
        tpu.vector_store %arg9[%swap3A_681, %swap3A_682, %swap3A_683], %swap3A_686 {strides = array<i32>} : memref<2x200x64xf32, #tpu.memory_space<vmem>>, vector<1x1x16xf32>,
        %add3A_687 = arith.constant 1 : i32
        %add3A_688 = arith.addi %mul3A_428, %add3A_687 : i32
        %get3A_689 = arith.constant 1 : i32
        %get3A_690 = arith.index_cast %get3A_689 : i32 to index
        %get3A_691 = arith.index_cast %add3A_688 : i32 to index
        %get3A_692 = arith.constant 16 : index
        %get3A_693 = tpu.vector_load %arg9[%get3A_690, %get3A_691, %get3A_692] {strides = array<i32>} : memref<2x200x64xf32, #tpu.memory_space<vmem>>, vector<1x1x16xf32>,
        %get3A_694 = vector.shape_cast %get3A_693 : vector<1x1x16xf32> to vector<16xf32>
        %mul3A_695 = arith.constant 8.000000e+00 : f32
        %mul3A_696 = vector.broadcast %mul3A_695 : f32 to vector<16xf32>
        %mul3A_697 = arith.mulf %get3A_694, %mul3A_696 : vector<16xf32>
        %add3A_698 = arith.constant 1 : i32
        %add3A_699 = arith.addi %mul3A_428, %add3A_698 : i32
        %swap3A_700 = arith.constant 1 : i32
        %swap3A_701 = arith.index_cast %swap3A_700 : i32 to index
        %swap3A_702 = arith.index_cast %add3A_699 : i32 to index
        %swap3A_703 = arith.constant 16 : index
        %swap3A_704 = tpu.vector_load %arg9[%swap3A_701, %swap3A_702, %swap3A_703] {strides = array<i32>} : memref<2x200x64xf32, #tpu.memory_space<vmem>>, vector<1x1x16xf32>,
        %swap3A_705 = vector.shape_cast %swap3A_704 : vector<1x1x16xf32> to vector<16xf32>
        %swap3A_706 = vector.shape_cast %mul3A_697 : vector<16xf32> to vector<1x1x16xf32>
        tpu.vector_store %arg9[%swap3A_701, %swap3A_702, %swap3A_703], %swap3A_706 {strides = array<i32>} : memref<2x200x64xf32, #tpu.memory_space<vmem>>, vector<1x1x16xf32>,
        %add3A_707 = arith.constant 1 : i32
        %add3A_708 = arith.addi %mul3A_428, %add3A_707 : i32
        %get3A_709 = arith.constant 1 : i32
        %get3A_710 = arith.index_cast %get3A_709 : i32 to index
        %get3A_711 = arith.index_cast %add3A_708 : i32 to index
        %get3A_712 = arith.constant 32 : index
        %get3A_713 = tpu.vector_load %arg9[%get3A_710, %get3A_711, %get3A_712] {strides = array<i32>} : memref<2x200x64xf32, #tpu.memory_space<vmem>>, vector<1x1x16xf32>,
        %get3A_714 = vector.shape_cast %get3A_713 : vector<1x1x16xf32> to vector<16xf32>
        %mul3A_715 = arith.constant 8.000000e+00 : f32
        %mul3A_716 = vector.broadcast %mul3A_715 : f32 to vector<16xf32>
        %mul3A_717 = arith.mulf %get3A_714, %mul3A_716 : vector<16xf32>
        %add3A_718 = arith.constant 1 : i32
        %add3A_719 = arith.addi %mul3A_428, %add3A_718 : i32
        %swap3A_720 = arith.constant 1 : i32
        %swap3A_721 = arith.index_cast %swap3A_720 : i32 to index
        %swap3A_722 = arith.index_cast %add3A_719 : i32 to index
        %swap3A_723 = arith.constant 32 : index
        %swap3A_724 = tpu.vector_load %arg9[%swap3A_721, %swap3A_722, %swap3A_723] {strides = array<i32>} : memref<2x200x64xf32, #tpu.memory_space<vmem>>, vector<1x1x16xf32>,
        %swap3A_725 = vector.shape_cast %swap3A_724 : vector<1x1x16xf32> to vector<16xf32>
        %swap3A_726 = vector.shape_cast %mul3A_717 : vector<16xf32> to vector<1x1x16xf32>
        tpu.vector_store %arg9[%swap3A_721, %swap3A_722, %swap3A_723], %swap3A_726 {strides = array<i32>} : memref<2x200x64xf32, #tpu.memory_space<vmem>>, vector<1x1x16xf32>,
        %add3A_727 = arith.constant 1 : i32
        %add3A_728 = arith.addi %mul3A_428, %add3A_727 : i32
        %get3A_729 = arith.constant 1 : i32
        %get3A_730 = arith.index_cast %get3A_729 : i32 to index
        %get3A_731 = arith.index_cast %add3A_728 : i32 to index
        %get3A_732 = arith.constant 48 : index
        %get3A_733 = tpu.vector_load %arg9[%get3A_730, %get3A_731, %get3A_732] {strides = array<i32>} : memref<2x200x64xf32, #tpu.memory_space<vmem>>, vector<1x1x16xf32>,
        %get3A_734 = vector.shape_cast %get3A_733 : vector<1x1x16xf32> to vector<16xf32>
        %mul3A_735 = arith.constant 8.000000e+00 : f32
        %mul3A_736 = vector.broadcast %mul3A_735 : f32 to vector<16xf32>
        %mul3A_737 = arith.mulf %get3A_734, %mul3A_736 : vector<16xf32>
        %add3A_738 = arith.constant 1 : i32
        %add3A_739 = arith.addi %mul3A_428, %add3A_738 : i32
        %swap3A_740 = arith.constant 1 : i32
        %swap3A_741 = arith.index_cast %swap3A_740 : i32 to index
        %swap3A_742 = arith.index_cast %add3A_739 : i32 to index
        %swap3A_743 = arith.constant 48 : index
        %swap3A_744 = tpu.vector_load %arg9[%swap3A_741, %swap3A_742, %swap3A_743] {strides = array<i32>} : memref<2x200x64xf32, #tpu.memory_space<vmem>>, vector<1x1x16xf32>,
        %swap3A_745 = vector.shape_cast %swap3A_744 : vector<1x1x16xf32> to vector<16xf32>
        %swap3A_746 = vector.shape_cast %mul3A_737 : vector<16xf32> to vector<1x1x16xf32>
        tpu.vector_store %arg9[%swap3A_741, %swap3A_742, %swap3A_743], %swap3A_746 {strides = array<i32>} : memref<2x200x64xf32, #tpu.memory_space<vmem>>, vector<1x1x16xf32>,
        %add3A_747 = arith.constant 2 : i32
        %add3A_748 = arith.addi %mul3A_428, %add3A_747 : i32
        %get3A_749 = arith.constant 0 : i32
        %get3A_750 = arith.index_cast %get3A_749 : i32 to index
        %get3A_751 = arith.index_cast %add3A_748 : i32 to index
        %get3A_752 = arith.constant 0 : index
        %get3A_753 = tpu.vector_load %arg9[%get3A_750, %get3A_751, %get3A_752] {strides = array<i32>} : memref<2x200x64xf32, #tpu.memory_space<vmem>>, vector<1x1x16xf32>,
        %get3A_754 = vector.shape_cast %get3A_753 : vector<1x1x16xf32> to vector<16xf32>
        %mul3A_755 = arith.constant 8.000000e+00 : f32
        %mul3A_756 = vector.broadcast %mul3A_755 : f32 to vector<16xf32>
        %mul3A_757 = arith.mulf %get3A_754, %mul3A_756 : vector<16xf32>
        %add3A_758 = arith.constant 2 : i32
        %add3A_759 = arith.addi %mul3A_428, %add3A_758 : i32
        %swap3A_760 = arith.constant 0 : i32
        %swap3A_761 = arith.index_cast %swap3A_760 : i32 to index
        %swap3A_762 = arith.index_cast %add3A_759 : i32 to index
        %swap3A_763 = arith.constant 0 : index
        %swap3A_764 = tpu.vector_load %arg9[%swap3A_761, %swap3A_762, %swap3A_763] {strides = array<i32>} : memref<2x200x64xf32, #tpu.memory_space<vmem>>, vector<1x1x16xf32>,
        %swap3A_765 = vector.shape_cast %swap3A_764 : vector<1x1x16xf32> to vector<16xf32>
        %swap3A_766 = vector.shape_cast %mul3A_757 : vector<16xf32> to vector<1x1x16xf32>
        tpu.vector_store %arg9[%swap3A_761, %swap3A_762, %swap3A_763], %swap3A_766 {strides = array<i32>} : memref<2x200x64xf32, #tpu.memory_space<vmem>>, vector<1x1x16xf32>,
        %add3A_767 = arith.constant 2 : i32
        %add3A_768 = arith.addi %mul3A_428, %add3A_767 : i32
        %get3A_769 = arith.constant 0 : i32
        %get3A_770 = arith.index_cast %get3A_769 : i32 to index
        %get3A_771 = arith.index_cast %add3A_768 : i32 to index
        %get3A_772 = arith.constant 16 : index
        %get3A_773 = tpu.vector_load %arg9[%get3A_770, %get3A_771, %get3A_772] {strides = array<i32>} : memref<2x200x64xf32, #tpu.memory_space<vmem>>, vector<1x1x16xf32>,
        %get3A_774 = vector.shape_cast %get3A_773 : vector<1x1x16xf32> to vector<16xf32>
        %mul3A_775 = arith.constant 8.000000e+00 : f32
        %mul3A_776 = vector.broadcast %mul3A_775 : f32 to vector<16xf32>
        %mul3A_777 = arith.mulf %get3A_774, %mul3A_776 : vector<16xf32>
        %add3A_778 = arith.constant 2 : i32
        %add3A_779 = arith.addi %mul3A_428, %add3A_778 : i32
        %swap3A_780 = arith.constant 0 : i32
        %swap3A_781 = arith.index_cast %swap3A_780 : i32 to index
        %swap3A_782 = arith.index_cast %add3A_779 : i32 to index
        %swap3A_783 = arith.constant 16 : index
        %swap3A_784 = tpu.vector_load %arg9[%swap3A_781, %swap3A_782, %swap3A_783] {strides = array<i32>} : memref<2x200x64xf32, #tpu.memory_space<vmem>>, vector<1x1x16xf32>,
        %swap3A_785 = vector.shape_cast %swap3A_784 : vector<1x1x16xf32> to vector<16xf32>
        %swap3A_786 = vector.shape_cast %mul3A_777 : vector<16xf32> to vector<1x1x16xf32>
        tpu.vector_store %arg9[%swap3A_781, %swap3A_782, %swap3A_783], %swap3A_786 {strides = array<i32>} : memref<2x200x64xf32, #tpu.memory_space<vmem>>, vector<1x1x16xf32>,
        %add3A_787 = arith.constant 2 : i32
        %add3A_788 = arith.addi %mul3A_428, %add3A_787 : i32
        %get3A_789 = arith.constant 0 : i32
        %get3A_790 = arith.index_cast %get3A_789 : i32 to index
        %get3A_791 = arith.index_cast %add3A_788 : i32 to index
        %get3A_792 = arith.constant 32 : index
        %get3A_793 = tpu.vector_load %arg9[%get3A_790, %get3A_791, %get3A_792] {strides = array<i32>} : memref<2x200x64xf32, #tpu.memory_space<vmem>>, vector<1x1x16xf32>,
        %get3A_794 = vector.shape_cast %get3A_793 : vector<1x1x16xf32> to vector<16xf32>
        %mul3A_795 = arith.constant 8.000000e+00 : f32
        %mul3A_796 = vector.broadcast %mul3A_795 : f32 to vector<16xf32>
        %mul3A_797 = arith.mulf %get3A_794, %mul3A_796 : vector<16xf32>
        %add3A_798 = arith.constant 2 : i32
        %add3A_799 = arith.addi %mul3A_428, %add3A_798 : i32
        %swap3A_800 = arith.constant 0 : i32
        %swap3A_801 = arith.index_cast %swap3A_800 : i32 to index
        %swap3A_802 = arith.index_cast %add3A_799 : i32 to index
        %swap3A_803 = arith.constant 32 : index
        %swap3A_804 = tpu.vector_load %arg9[%swap3A_801, %swap3A_802, %swap3A_803] {strides = array<i32>} : memref<2x200x64xf32, #tpu.memory_space<vmem>>, vector<1x1x16xf32>,
        %swap3A_805 = vector.shape_cast %swap3A_804 : vector<1x1x16xf32> to vector<16xf32>
        %swap3A_806 = vector.shape_cast %mul3A_797 : vector<16xf32> to vector<1x1x16xf32>
        tpu.vector_store %arg9[%swap3A_801, %swap3A_802, %swap3A_803], %swap3A_806 {strides = array<i32>} : memref<2x200x64xf32, #tpu.memory_space<vmem>>, vector<1x1x16xf32>,
        %add3A_807 = arith.constant 2 : i32
        %add3A_808 = arith.addi %mul3A_428, %add3A_807 : i32
        %get3A_809 = arith.constant 0 : i32
        %get3A_810 = arith.index_cast %get3A_809 : i32 to index
        %get3A_811 = arith.index_cast %add3A_808 : i32 to index
        %get3A_812 = arith.constant 48 : index
        %get3A_813 = tpu.vector_load %arg9[%get3A_810, %get3A_811, %get3A_812] {strides = array<i32>} : memref<2x200x64xf32, #tpu.memory_space<vmem>>, vector<1x1x16xf32>,
        %get3A_814 = vector.shape_cast %get3A_813 : vector<1x1x16xf32> to vector<16xf32>
        %mul3A_815 = arith.constant 8.000000e+00 : f32
        %mul3A_816 = vector.broadcast %mul3A_815 : f32 to vector<16xf32>
        %mul3A_817 = arith.mulf %get3A_814, %mul3A_816 : vector<16xf32>
        %add3A_818 = arith.constant 2 : i32
        %add3A_819 = arith.addi %mul3A_428, %add3A_818 : i32
        %swap3A_820 = arith.constant 0 : i32
        %swap3A_821 = arith.index_cast %swap3A_820 : i32 to index
        %swap3A_822 = arith.index_cast %add3A_819 : i32 to index
        %swap3A_823 = arith.constant 48 : index
        %swap3A_824 = tpu.vector_load %arg9[%swap3A_821, %swap3A_822, %swap3A_823] {strides = array<i32>} : memref<2x200x64xf32, #tpu.memory_space<vmem>>, vector<1x1x16xf32>,
        %swap3A_825 = vector.shape_cast %swap3A_824 : vector<1x1x16xf32> to vector<16xf32>
        %swap3A_826 = vector.shape_cast %mul3A_817 : vector<16xf32> to vector<1x1x16xf32>
        tpu.vector_store %arg9[%swap3A_821, %swap3A_822, %swap3A_823], %swap3A_826 {strides = array<i32>} : memref<2x200x64xf32, #tpu.memory_space<vmem>>, vector<1x1x16xf32>,
        %add3A_827 = arith.constant 2 : i32
        %add3A_828 = arith.addi %mul3A_428, %add3A_827 : i32
        %get3A_829 = arith.constant 1 : i32
        %get3A_830 = arith.index_cast %get3A_829 : i32 to index
        %get3A_831 = arith.index_cast %add3A_828 : i32 to index
        %get3A_832 = arith.constant 0 : index
        %get3A_833 = tpu.vector_load %arg9[%get3A_830, %get3A_831, %get3A_832] {strides = array<i32>} : memref<2x200x64xf32, #tpu.memory_space<vmem>>, vector<1x1x16xf32>,
        %get3A_834 = vector.shape_cast %get3A_833 : vector<1x1x16xf32> to vector<16xf32>
        %mul3A_835 = arith.constant 8.000000e+00 : f32
        %mul3A_836 = vector.broadcast %mul3A_835 : f32 to vector<16xf32>
        %mul3A_837 = arith.mulf %get3A_834, %mul3A_836 : vector<16xf32>
        %add3A_838 = arith.constant 2 : i32
        %add3A_839 = arith.addi %mul3A_428, %add3A_838 : i32
        %swap3A_840 = arith.constant 1 : i32
        %swap3A_841 = arith.index_cast %swap3A_840 : i32 to index
        %swap3A_842 = arith.index_cast %add3A_839 : i32 to index
        %swap3A_843 = arith.constant 0 : index
        %swap3A_844 = tpu.vector_load %arg9[%swap3A_841, %swap3A_842, %swap3A_843] {strides = array<i32>} : memref<2x200x64xf32, #tpu.memory_space<vmem>>, vector<1x1x16xf32>,
        %swap3A_845 = vector.shape_cast %swap3A_844 : vector<1x1x16xf32> to vector<16xf32>
        %swap3A_846 = vector.shape_cast %mul3A_837 : vector<16xf32> to vector<1x1x16xf32>
        tpu.vector_store %arg9[%swap3A_841, %swap3A_842, %swap3A_843], %swap3A_846 {strides = array<i32>} : memref<2x200x64xf32, #tpu.memory_space<vmem>>, vector<1x1x16xf32>,
        %add3A_847 = arith.constant 2 : i32
        %add3A_848 = arith.addi %mul3A_428, %add3A_847 : i32
        %get3A_849 = arith.constant 1 : i32
        %get3A_850 = arith.index_cast %get3A_849 : i32 to index
        %get3A_851 = arith.index_cast %add3A_848 : i32 to index
        %get3A_852 = arith.constant 16 : index
        %get3A_853 = tpu.vector_load %arg9[%get3A_850, %get3A_851, %get3A_852] {strides = array<i32>} : memref<2x200x64xf32, #tpu.memory_space<vmem>>, vector<1x1x16xf32>,
        %get3A_854 = vector.shape_cast %get3A_853 : vector<1x1x16xf32> to vector<16xf32>
        %mul3A_855 = arith.constant 8.000000e+00 : f32
        %mul3A_856 = vector.broadcast %mul3A_855 : f32 to vector<16xf32>
        %mul3A_857 = arith.mulf %get3A_854, %mul3A_856 : vector<16xf32>
        %add3A_858 = arith.constant 2 : i32
        %add3A_859 = arith.addi %mul3A_428, %add3A_858 : i32
        %swap3A_860 = arith.constant 1 : i32
        %swap3A_861 = arith.index_cast %swap3A_860 : i32 to index
        %swap3A_862 = arith.index_cast %add3A_859 : i32 to index
        %swap3A_863 = arith.constant 16 : index
        %swap3A_864 = tpu.vector_load %arg9[%swap3A_861, %swap3A_862, %swap3A_863] {strides = array<i32>} : memref<2x200x64xf32, #tpu.memory_space<vmem>>, vector<1x1x16xf32>,
        %swap3A_865 = vector.shape_cast %swap3A_864 : vector<1x1x16xf32> to vector<16xf32>
        %swap3A_866 = vector.shape_cast %mul3A_857 : vector<16xf32> to vector<1x1x16xf32>
        tpu.vector_store %arg9[%swap3A_861, %swap3A_862, %swap3A_863], %swap3A_866 {strides = array<i32>} : memref<2x200x64xf32, #tpu.memory_space<vmem>>, vector<1x1x16xf32>,
        %add3A_867 = arith.constant 2 : i32
        %add3A_868 = arith.addi %mul3A_428, %add3A_867 : i32
        %get3A_869 = arith.constant 1 : i32
        %get3A_870 = arith.index_cast %get3A_869 : i32 to index
        %get3A_871 = arith.index_cast %add3A_868 : i32 to index
        %get3A_872 = arith.constant 32 : index
        %get3A_873 = tpu.vector_load %arg9[%get3A_870, %get3A_871, %get3A_872] {strides = array<i32>} : memref<2x200x64xf32, #tpu.memory_space<vmem>>, vector<1x1x16xf32>,
        %get3A_874 = vector.shape_cast %get3A_873 : vector<1x1x16xf32> to vector<16xf32>
        %mul3A_875 = arith.constant 8.000000e+00 : f32
        %mul3A_876 = vector.broadcast %mul3A_875 : f32 to vector<16xf32>
        %mul3A_877 = arith.mulf %get3A_874, %mul3A_876 : vector<16xf32>
        %add3A_878 = arith.constant 2 : i32
        %add3A_879 = arith.addi %mul3A_428, %add3A_878 : i32
        %swap3A_880 = arith.constant 1 : i32
        %swap3A_881 = arith.index_cast %swap3A_880 : i32 to index
        %swap3A_882 = arith.index_cast %add3A_879 : i32 to index
        %swap3A_883 = arith.constant 32 : index
        %swap3A_884 = tpu.vector_load %arg9[%swap3A_881, %swap3A_882, %swap3A_883] {strides = array<i32>} : memref<2x200x64xf32, #tpu.memory_space<vmem>>, vector<1x1x16xf32>,
        %swap3A_885 = vector.shape_cast %swap3A_884 : vector<1x1x16xf32> to vector<16xf32>
        %swap3A_886 = vector.shape_cast %mul3A_877 : vector<16xf32> to vector<1x1x16xf32>
        tpu.vector_store %arg9[%swap3A_881, %swap3A_882, %swap3A_883], %swap3A_886 {strides = array<i32>} : memref<2x200x64xf32, #tpu.memory_space<vmem>>, vector<1x1x16xf32>,
        %add3A_887 = arith.constant 2 : i32
        %add3A_888 = arith.addi %mul3A_428, %add3A_887 : i32
        %get3A_889 = arith.constant 1 : i32
        %get3A_890 = arith.index_cast %get3A_889 : i32 to index
        %get3A_891 = arith.index_cast %add3A_888 : i32 to index
        %get3A_892 = arith.constant 48 : index
        %get3A_893 = tpu.vector_load %arg9[%get3A_890, %get3A_891, %get3A_892] {strides = array<i32>} : memref<2x200x64xf32, #tpu.memory_space<vmem>>, vector<1x1x16xf32>,
        %get3A_894 = vector.shape_cast %get3A_893 : vector<1x1x16xf32> to vector<16xf32>
        %mul3A_895 = arith.constant 8.000000e+00 : f32
        %mul3A_896 = vector.broadcast %mul3A_895 : f32 to vector<16xf32>
        %mul3A_897 = arith.mulf %get3A_894, %mul3A_896 : vector<16xf32>
        %add3A_898 = arith.constant 2 : i32
        %add3A_899 = arith.addi %mul3A_428, %add3A_898 : i32
        %swap3A_900 = arith.constant 1 : i32
        %swap3A_901 = arith.index_cast %swap3A_900 : i32 to index
        %swap3A_902 = arith.index_cast %add3A_899 : i32 to index
        %swap3A_903 = arith.constant 48 : index
        %swap3A_904 = tpu.vector_load %arg9[%swap3A_901, %swap3A_902, %swap3A_903] {strides = array<i32>} : memref<2x200x64xf32, #tpu.memory_space<vmem>>, vector<1x1x16xf32>,
        %swap3A_905 = vector.shape_cast %swap3A_904 : vector<1x1x16xf32> to vector<16xf32>
        %swap3A_906 = vector.shape_cast %mul3A_897 : vector<16xf32> to vector<1x1x16xf32>
        tpu.vector_store %arg9[%swap3A_901, %swap3A_902, %swap3A_903], %swap3A_906 {strides = array<i32>} : memref<2x200x64xf32, #tpu.memory_space<vmem>>, vector<1x1x16xf32>,
        %add3A_907 = arith.constant 3 : i32
        %add3A_908 = arith.addi %mul3A_428, %add3A_907 : i32
        %get3A_909 = arith.constant 0 : i32
        %get3A_910 = arith.index_cast %get3A_909 : i32 to index
        %get3A_911 = arith.index_cast %add3A_908 : i32 to index
        %get3A_912 = arith.constant 0 : index
        %get3A_913 = tpu.vector_load %arg9[%get3A_910, %get3A_911, %get3A_912] {strides = array<i32>} : memref<2x200x64xf32, #tpu.memory_space<vmem>>, vector<1x1x16xf32>,
        %get3A_914 = vector.shape_cast %get3A_913 : vector<1x1x16xf32> to vector<16xf32>
        %mul3A_915 = arith.constant 8.000000e+00 : f32
        %mul3A_916 = vector.broadcast %mul3A_915 : f32 to vector<16xf32>
        %mul3A_917 = arith.mulf %get3A_914, %mul3A_916 : vector<16xf32>
        %add3A_918 = arith.constant 3 : i32
        %add3A_919 = arith.addi %mul3A_428, %add3A_918 : i32
        %swap3A_920 = arith.constant 0 : i32
        %swap3A_921 = arith.index_cast %swap3A_920 : i32 to index
        %swap3A_922 = arith.index_cast %add3A_919 : i32 to index
        %swap3A_923 = arith.constant 0 : index
        %swap3A_924 = tpu.vector_load %arg9[%swap3A_921, %swap3A_922, %swap3A_923] {strides = array<i32>} : memref<2x200x64xf32, #tpu.memory_space<vmem>>, vector<1x1x16xf32>,
        %swap3A_925 = vector.shape_cast %swap3A_924 : vector<1x1x16xf32> to vector<16xf32>
        %swap3A_926 = vector.shape_cast %mul3A_917 : vector<16xf32> to vector<1x1x16xf32>
        tpu.vector_store %arg9[%swap3A_921, %swap3A_922, %swap3A_923], %swap3A_926 {strides = array<i32>} : memref<2x200x64xf32, #tpu.memory_space<vmem>>, vector<1x1x16xf32>,
        %add3A_927 = arith.constant 3 : i32
        %add3A_928 = arith.addi %mul3A_428, %add3A_927 : i32
        %get3A_929 = arith.constant 0 : i32
        %get3A_930 = arith.index_cast %get3A_929 : i32 to index
        %get3A_931 = arith.index_cast %add3A_928 : i32 to index
        %get3A_932 = arith.constant 16 : index
        %get3A_933 = tpu.vector_load %arg9[%get3A_930, %get3A_931, %get3A_932] {strides = array<i32>} : memref<2x200x64xf32, #tpu.memory_space<vmem>>, vector<1x1x16xf32>,
        %get3A_934 = vector.shape_cast %get3A_933 : vector<1x1x16xf32> to vector<16xf32>
        %mul3A_935 = arith.constant 8.000000e+00 : f32
        %mul3A_936 = vector.broadcast %mul3A_935 : f32 to vector<16xf32>
        %mul3A_937 = arith.mulf %get3A_934, %mul3A_936 : vector<16xf32>
        %add3A_938 = arith.constant 3 : i32
        %add3A_939 = arith.addi %mul3A_428, %add3A_938 : i32
        %swap3A_940 = arith.constant 0 : i32
        %swap3A_941 = arith.index_cast %swap3A_940 : i32 to index
        %swap3A_942 = arith.index_cast %add3A_939 : i32 to index
        %swap3A_943 = arith.constant 16 : index
        %swap3A_944 = tpu.vector_load %arg9[%swap3A_941, %swap3A_942, %swap3A_943] {strides = array<i32>} : memref<2x200x64xf32, #tpu.memory_space<vmem>>, vector<1x1x16xf32>,
        %swap3A_945 = vector.shape_cast %swap3A_944 : vector<1x1x16xf32> to vector<16xf32>
        %swap3A_946 = vector.shape_cast %mul3A_937 : vector<16xf32> to vector<1x1x16xf32>
        tpu.vector_store %arg9[%swap3A_941, %swap3A_942, %swap3A_943], %swap3A_946 {strides = array<i32>} : memref<2x200x64xf32, #tpu.memory_space<vmem>>, vector<1x1x16xf32>,
        %add3A_947 = arith.constant 3 : i32
        %add3A_948 = arith.addi %mul3A_428, %add3A_947 : i32
        %get3A_949 = arith.constant 0 : i32
        %get3A_950 = arith.index_cast %get3A_949 : i32 to index
        %get3A_951 = arith.index_cast %add3A_948 : i32 to index
        %get3A_952 = arith.constant 32 : index
        %get3A_953 = tpu.vector_load %arg9[%get3A_950, %get3A_951, %get3A_952] {strides = array<i32>} : memref<2x200x64xf32, #tpu.memory_space<vmem>>, vector<1x1x16xf32>,
        %get3A_954 = vector.shape_cast %get3A_953 : vector<1x1x16xf32> to vector<16xf32>
        %mul3A_955 = arith.constant 8.000000e+00 : f32
        %mul3A_956 = vector.broadcast %mul3A_955 : f32 to vector<16xf32>
        %mul3A_957 = arith.mulf %get3A_954, %mul3A_956 : vector<16xf32>
        %add3A_958 = arith.constant 3 : i32
        %add3A_959 = arith.addi %mul3A_428, %add3A_958 : i32
        %swap3A_960 = arith.constant 0 : i32
        %swap3A_961 = arith.index_cast %swap3A_960 : i32 to index
        %swap3A_962 = arith.index_cast %add3A_959 : i32 to index
        %swap3A_963 = arith.constant 32 : index
        %swap3A_964 = tpu.vector_load %arg9[%swap3A_961, %swap3A_962, %swap3A_963] {strides = array<i32>} : memref<2x200x64xf32, #tpu.memory_space<vmem>>, vector<1x1x16xf32>,
        %swap3A_965 = vector.shape_cast %swap3A_964 : vector<1x1x16xf32> to vector<16xf32>
        %swap3A_966 = vector.shape_cast %mul3A_957 : vector<16xf32> to vector<1x1x16xf32>
        tpu.vector_store %arg9[%swap3A_961, %swap3A_962, %swap3A_963], %swap3A_966 {strides = array<i32>} : memref<2x200x64xf32, #tpu.memory_space<vmem>>, vector<1x1x16xf32>,
        %add3A_967 = arith.constant 3 : i32
        %add3A_968 = arith.addi %mul3A_428, %add3A_967 : i32
        %get3A_969 = arith.constant 0 : i32
        %get3A_970 = arith.index_cast %get3A_969 : i32 to index
        %get3A_971 = arith.index_cast %add3A_968 : i32 to index
        %get3A_972 = arith.constant 48 : index
        %get3A_973 = tpu.vector_load %arg9[%get3A_970, %get3A_971, %get3A_972] {strides = array<i32>} : memref<2x200x64xf32, #tpu.memory_space<vmem>>, vector<1x1x16xf32>,
        %get3A_974 = vector.shape_cast %get3A_973 : vector<1x1x16xf32> to vector<16xf32>
        %mul3A_975 = arith.constant 8.000000e+00 : f32
        %mul3A_976 = vector.broadcast %mul3A_975 : f32 to vector<16xf32>
        %mul3A_977 = arith.mulf %get3A_974, %mul3A_976 : vector<16xf32>
        %add3A_978 = arith.constant 3 : i32
        %add3A_979 = arith.addi %mul3A_428, %add3A_978 : i32
        %swap3A_980 = arith.constant 0 : i32
        %swap3A_981 = arith.index_cast %swap3A_980 : i32 to index
        %swap3A_982 = arith.index_cast %add3A_979 : i32 to index
        %swap3A_983 = arith.constant 48 : index
        %swap3A_984 = tpu.vector_load %arg9[%swap3A_981, %swap3A_982, %swap3A_983] {strides = array<i32>} : memref<2x200x64xf32, #tpu.memory_space<vmem>>, vector<1x1x16xf32>,
        %swap3A_985 = vector.shape_cast %swap3A_984 : vector<1x1x16xf32> to vector<16xf32>
        %swap3A_986 = vector.shape_cast %mul3A_977 : vector<16xf32> to vector<1x1x16xf32>
        tpu.vector_store %arg9[%swap3A_981, %swap3A_982, %swap3A_983], %swap3A_986 {strides = array<i32>} : memref<2x200x64xf32, #tpu.memory_space<vmem>>, vector<1x1x16xf32>,
        %add3A_987 = arith.constant 3 : i32
        %add3A_988 = arith.addi %mul3A_428, %add3A_987 : i32
        %get3A_989 = arith.constant 1 : i32
        %get3A_990 = arith.index_cast %get3A_989 : i32 to index
        %get3A_991 = arith.index_cast %add3A_988 : i32 to index
        %get3A_992 = arith.constant 0 : index
        %get3A_993 = tpu.vector_load %arg9[%get3A_990, %get3A_991, %get3A_992] {strides = array<i32>} : memref<2x200x64xf32, #tpu.memory_space<vmem>>, vector<1x1x16xf32>,
        %get3A_994 = vector.shape_cast %get3A_993 : vector<1x1x16xf32> to vector<16xf32>
        %mul3A_995 = arith.constant 8.000000e+00 : f32
        %mul3A_996 = vector.broadcast %mul3A_995 : f32 to vector<16xf32>
        %mul3A_997 = arith.mulf %get3A_994, %mul3A_996 : vector<16xf32>
        %add3A_998 = arith.constant 3 : i32
        %add3A_999 = arith.addi %mul3A_428, %add3A_998 : i32
        %swap3A_1000 = arith.constant 1 : i32
        %swap3A_1001 = arith.index_cast %swap3A_1000 : i32 to index
        %swap3A_1002 = arith.index_cast %add3A_999 : i32 to index
        %swap3A_1003 = arith.constant 0 : index
        %swap3A_1004 = tpu.vector_load %arg9[%swap3A_1001, %swap3A_1002, %swap3A_1003] {strides = array<i32>} : memref<2x200x64xf32, #tpu.memory_space<vmem>>, vector<1x1x16xf32>,
        %swap3A_1005 = vector.shape_cast %swap3A_1004 : vector<1x1x16xf32> to vector<16xf32>
        %swap3A_1006 = vector.shape_cast %mul3A_997 : vector<16xf32> to vector<1x1x16xf32>
        tpu.vector_store %arg9[%swap3A_1001, %swap3A_1002, %swap3A_1003], %swap3A_1006 {strides = array<i32>} : memref<2x200x64xf32, #tpu.memory_space<vmem>>, vector<1x1x16xf32>,
        %add3A_1007 = arith.constant 3 : i32
        %add3A_1008 = arith.addi %mul3A_428, %add3A_1007 : i32
        %get3A_1009 = arith.constant 1 : i32
        %get3A_1010 = arith.index_cast %get3A_1009 : i32 to index
        %get3A_1011 = arith.index_cast %add3A_1008 : i32 to index
        %get3A_1012 = arith.constant 16 : index
        %get3A_1013 = tpu.vector_load %arg9[%get3A_1010, %get3A_1011, %get3A_1012] {strides = array<i32>} : memref<2x200x64xf32, #tpu.memory_space<vmem>>, vector<1x1x16xf32>,
        %get3A_1014 = vector.shape_cast %get3A_1013 : vector<1x1x16xf32> to vector<16xf32>
        %mul3A_1015 = arith.constant 8.000000e+00 : f32
        %mul3A_1016 = vector.broadcast %mul3A_1015 : f32 to vector<16xf32>
        %mul3A_1017 = arith.mulf %get3A_1014, %mul3A_1016 : vector<16xf32>
        %add3A_1018 = arith.constant 3 : i32
        %add3A_1019 = arith.addi %mul3A_428, %add3A_1018 : i32
        %swap3A_1020 = arith.constant 1 : i32
        %swap3A_1021 = arith.index_cast %swap3A_1020 : i32 to index
        %swap3A_1022 = arith.index_cast %add3A_1019 : i32 to index
        %swap3A_1023 = arith.constant 16 : index
        %swap3A_1024 = tpu.vector_load %arg9[%swap3A_1021, %swap3A_1022, %swap3A_1023] {strides = array<i32>} : memref<2x200x64xf32, #tpu.memory_space<vmem>>, vector<1x1x16xf32>,
        %swap3A_1025 = vector.shape_cast %swap3A_1024 : vector<1x1x16xf32> to vector<16xf32>
        %swap3A_1026 = vector.shape_cast %mul3A_1017 : vector<16xf32> to vector<1x1x16xf32>
        tpu.vector_store %arg9[%swap3A_1021, %swap3A_1022, %swap3A_1023], %swap3A_1026 {strides = array<i32>} : memref<2x200x64xf32, #tpu.memory_space<vmem>>, vector<1x1x16xf32>,
        %add3A_1027 = arith.constant 3 : i32
        %add3A_1028 = arith.addi %mul3A_428, %add3A_1027 : i32
        %get3A_1029 = arith.constant 1 : i32
        %get3A_1030 = arith.index_cast %get3A_1029 : i32 to index
        %get3A_1031 = arith.index_cast %add3A_1028 : i32 to index
        %get3A_1032 = arith.constant 32 : index
        %get3A_1033 = tpu.vector_load %arg9[%get3A_1030, %get3A_1031, %get3A_1032] {strides = array<i32>} : memref<2x200x64xf32, #tpu.memory_space<vmem>>, vector<1x1x16xf32>,
        %get3A_1034 = vector.shape_cast %get3A_1033 : vector<1x1x16xf32> to vector<16xf32>
        %mul3A_1035 = arith.constant 8.000000e+00 : f32
        %mul3A_1036 = vector.broadcast %mul3A_1035 : f32 to vector<16xf32>
        %mul3A_1037 = arith.mulf %get3A_1034, %mul3A_1036 : vector<16xf32>
        %add3A_1038 = arith.constant 3 : i32
        %add3A_1039 = arith.addi %mul3A_428, %add3A_1038 : i32
        %swap3A_1040 = arith.constant 1 : i32
        %swap3A_1041 = arith.index_cast %swap3A_1040 : i32 to index
        %swap3A_1042 = arith.index_cast %add3A_1039 : i32 to index
        %swap3A_1043 = arith.constant 32 : index
        %swap3A_1044 = tpu.vector_load %arg9[%swap3A_1041, %swap3A_1042, %swap3A_1043] {strides = array<i32>} : memref<2x200x64xf32, #tpu.memory_space<vmem>>, vector<1x1x16xf32>,
        %swap3A_1045 = vector.shape_cast %swap3A_1044 : vector<1x1x16xf32> to vector<16xf32>
        %swap3A_1046 = vector.shape_cast %mul3A_1037 : vector<16xf32> to vector<1x1x16xf32>
        tpu.vector_store %arg9[%swap3A_1041, %swap3A_1042, %swap3A_1043], %swap3A_1046 {strides = array<i32>} : memref<2x200x64xf32, #tpu.memory_space<vmem>>, vector<1x1x16xf32>,
        %add3A_1047 = arith.constant 3 : i32
        %add3A_1048 = arith.addi %mul3A_428, %add3A_1047 : i32
        %get3A_1049 = arith.constant 1 : i32
        %get3A_1050 = arith.index_cast %get3A_1049 : i32 to index
        %get3A_1051 = arith.index_cast %add3A_1048 : i32 to index
        %get3A_1052 = arith.constant 48 : index
        %get3A_1053 = tpu.vector_load %arg9[%get3A_1050, %get3A_1051, %get3A_1052] {strides = array<i32>} : memref<2x200x64xf32, #tpu.memory_space<vmem>>, vector<1x1x16xf32>,
        %get3A_1054 = vector.shape_cast %get3A_1053 : vector<1x1x16xf32> to vector<16xf32>
        %mul3A_1055 = arith.constant 8.000000e+00 : f32
        %mul3A_1056 = vector.broadcast %mul3A_1055 : f32 to vector<16xf32>
        %mul3A_1057 = arith.mulf %get3A_1054, %mul3A_1056 : vector<16xf32>
        %add3A_1058 = arith.constant 3 : i32
        %add3A_1059 = arith.addi %mul3A_428, %add3A_1058 : i32
        %swap3A_1060 = arith.constant 1 : i32
        %swap3A_1061 = arith.index_cast %swap3A_1060 : i32 to index
        %swap3A_1062 = arith.index_cast %add3A_1059 : i32 to index
        %swap3A_1063 = arith.constant 48 : index
        %swap3A_1064 = tpu.vector_load %arg9[%swap3A_1061, %swap3A_1062, %swap3A_1063] {strides = array<i32>} : memref<2x200x64xf32, #tpu.memory_space<vmem>>, vector<1x1x16xf32>,
        %swap3A_1065 = vector.shape_cast %swap3A_1064 : vector<1x1x16xf32> to vector<16xf32>
        %swap3A_1066 = vector.shape_cast %mul3A_1057 : vector<16xf32> to vector<1x1x16xf32>
        tpu.vector_store %arg9[%swap3A_1061, %swap3A_1062, %swap3A_1063], %swap3A_1066 {strides = array<i32>} : memref<2x200x64xf32, #tpu.memory_space<vmem>>, vector<1x1x16xf32>,
        %scan3A_1067 = arith.constant 0 : i32
        scf.yield %scan3A_1067 : i32
      }
      %scan3A_315 = arith.constant 50 : i32
      %mul3A_316 = arith.constant 2 : i32
      %mul3A_317 = arith.muli %add3A_241, %mul3A_316 : i32
      %add3A_318 = arith.addi %mul3A_2, %mul3A_317 : i32
      %dma_start3A_319 = arith.constant 0 : i32
      %dma_start3A_320 = arith.constant 0 : i32
      %dma_start3A_321 = tpu.memref_slice %arg4[%add3A_318, %dma_start3A_319, %dma_start3A_320] : memref<16384x200x128xf32, #tpu.memory_space<hbm>> -> memref<2x200x64xf32, #tpu.memory_space<hbm>>
      %dma_start3A_322 = arith.constant 0 : i32
      %dma_start3A_323 = arith.constant 0 : i32
      %dma_start3A_324 = tpu.memref_slice %arg4[%add3A_318, %dma_start3A_322, %dma_start3A_323] : memref<16384x200x128xf32, #tpu.memory_space<hbm>> -> memref<2x200x64xf32, #tpu.memory_space<hbm>>
      tpu.enqueue_dma source(%arg9 : memref<2x200x64xf32, #tpu.memory_space<vmem>>) target(%dma_start3A_324 : memref<2x200x64xf32, #tpu.memory_space<hbm>>) target_semaphore(%arg12 : memref<!tpu.dma_semaphore, #tpu.memory_space<semaphore_mem>>)
      %add3A_325 = arith.constant 2 : i32
      %add3A_326 = arith.addi %add3A_241, %add3A_325 : i32
      %lt3A_327 = arith.constant 256 : i32
      %lt3A_328 = arith.cmpi slt, %add3A_326, %lt3A_327 : i32
      %convert_element_type3A_329 = arith.extui %lt3A_328 : i1 to i32
      %cond3A_330 = arith.constant 0 : i32
      %cond3A_331 = arith.cmpi ne, %convert_element_type3A_329, %cond3A_330 : i32
      scf.if %cond3A_331 {
        %add3A_425 = arith.constant 2 : i32
        %add3A_426 = arith.addi %add3A_241, %add3A_425 : i32
        %mul3A_427 = arith.constant 2 : i32
        %mul3A_428 = arith.muli %add3A_426, %mul3A_427 : i32
        %add3A_429 = arith.addi %mul3A_2, %mul3A_428 : i32
        %dma_start3A_430 = arith.constant 0 : i32
        %dma_start3A_431 = tpu.memref_slice %arg3[%add3A_429, %dma_start3A_430] : memref<16384x200xi32, #tpu.memory_space<hbm>> -> memref<2x200xi32, #tpu.memory_space<hbm>>
        %dma_start3A_432 = arith.constant 0 : i32
        %dma_start3A_433 = tpu.memref_slice %arg3[%add3A_429, %dma_start3A_432] : memref<16384x200xi32, #tpu.memory_space<hbm>> -> memref<2x200xi32, #tpu.memory_space<hbm>>
        tpu.enqueue_dma source(%dma_start3A_433 : memref<2x200xi32, #tpu.memory_space<hbm>>) target(%arg5 : memref<2x200xi32, #tpu.memory_space<vmem>>) target_semaphore(%arg13 : memref<!tpu.dma_semaphore, #tpu.memory_space<semaphore_mem>>)
      } else {
      }
      %add3A_332 = arith.constant 2 : i32
      %add3A_333 = arith.addi %mul3A_153, %add3A_332 : i32
      %ge3A_334 = arith.constant 2 : i32
      %ge3A_335 = arith.cmpi sge, %add3A_333, %ge3A_334 : i32
      %convert_element_type3A_336 = arith.extui %ge3A_335 : i1 to i32
      %cond3A_337 = arith.constant 0 : i32
      %cond3A_338 = arith.cmpi ne, %convert_element_type3A_336, %cond3A_337 : i32
      scf.if %cond3A_338 {
        %sub3A = arith.constant 2 : i32
        %sub3A_425 = arith.subi %add3A_333, %sub3A : i32
        %mul3A_426 = arith.constant 2 : i32
        %mul3A_427 = arith.muli %sub3A_425, %mul3A_426 : i32
        %add3A_428 = arith.addi %mul3A_2, %mul3A_427 : i32
        %dma_wait3A_429 = arith.constant 0 : i32
        %dma_wait3A_430 = arith.constant 0 : i32
        %dma_wait3A_431 = tpu.memref_slice %arg4[%add3A_428, %dma_wait3A_429, %dma_wait3A_430] : memref<16384x200x128xf32, #tpu.memory_space<hbm>> -> memref<2x200x64xf32, #tpu.memory_space<hbm>>
        %dma_wait3A_432 = arith.constant 0 : i32
        %dma_wait3A_433 = arith.constant 0 : i32
        %dma_wait3A_434 = tpu.memref_slice %arg4[%add3A_428, %dma_wait3A_432, %dma_wait3A_433] : memref<16384x200x128xf32, #tpu.memory_space<hbm>> -> memref<2x200x64xf32, #tpu.memory_space<hbm>>
        tpu.wait_dma2 semaphore(%arg12 : memref<!tpu.dma_semaphore, #tpu.memory_space<semaphore_mem>>) src(%arg8 : memref<2x200x64xf32, #tpu.memory_space<vmem>>) dst(%dma_wait3A_434 : memref<2x200x64xf32, #tpu.memory_space<hbm>>)
      } else {
      }
      %add3A_339 = arith.constant 1 : i32
      %add3A_340 = arith.addi %add3A_333, %add3A_339 : i32
      %lt3A_341 = arith.constant 256 : i32
      %lt3A_342 = arith.cmpi slt, %add3A_340, %lt3A_341 : i32
      %convert_element_type3A_343 = arith.extui %lt3A_342 : i1 to i32
      %cond3A_344 = arith.constant 0 : i32
      %cond3A_345 = arith.cmpi ne, %convert_element_type3A_343, %cond3A_344 : i32
      scf.if %cond3A_345 {
        %add3A_425 = arith.constant 1 : i32
        %add3A_426 = arith.addi %add3A_333, %add3A_425 : i32
        %mul3A_427 = arith.constant 2 : i32
        %mul3A_428 = arith.muli %add3A_426, %mul3A_427 : i32
        %add3A_429 = arith.addi %mul3A_2, %mul3A_428 : i32
        %dma_wait3A_430 = arith.constant 0 : i32
        %dma_wait3A_431 = tpu.memref_slice %arg3[%add3A_429, %dma_wait3A_430] : memref<16384x200xi32, #tpu.memory_space<hbm>> -> memref<2x200xi32, #tpu.memory_space<hbm>>
        %dma_wait3A_432 = arith.constant 0 : i32
        %dma_wait3A_433 = tpu.memref_slice %arg3[%add3A_429, %dma_wait3A_432] : memref<16384x200xi32, #tpu.memory_space<hbm>> -> memref<2x200xi32, #tpu.memory_space<hbm>>
        tpu.wait_dma2 semaphore(%arg13 : memref<!tpu.dma_semaphore, #tpu.memory_space<semaphore_mem>>) src(%dma_wait3A_433 : memref<2x200xi32, #tpu.memory_space<hbm>>) dst(%arg5 : memref<2x200xi32, #tpu.memory_space<vmem>>)
      } else {
      }
      %dma_wait3A_346 = arith.constant 0 : i32
      %dma_wait3A_347 = arith.constant 0 : i32
      %dma_wait3A_348 = arith.constant 0 : i32
      %dma_wait3A_349 = arith.constant 0 : i32
      %dma_wait3A_350 = tpu.memref_slice %arg10[%dma_wait3A_347, %dma_wait3A_348, %dma_wait3A_349] : memref<2x200x64xf32, #tpu.memory_space<vmem>> -> memref<1x128x64xf32, #tpu.memory_space<vmem>>
      %dma_wait3A_351 = tpu.memref_squeeze %dma_wait3A_350 : memref<1x128x64xf32, #tpu.memory_space<vmem>> -> memref<128x64xf32, #tpu.memory_space<vmem>>
      %dma_wait3A_352 = arith.constant 0 : i32
      %dma_wait3A_353 = tpu.memref_slice %arg7[%dma_wait3A_346, %dma_wait3A_352] : memref<2x200xi32, #tpu.memory_space<vmem>> -> memref<1x128xi32, #tpu.memory_space<vmem>>
      %dma_wait3A_354 = tpu.memref_squeeze %dma_wait3A_353 : memref<1x128xi32, #tpu.memory_space<vmem>> -> memref<128xi32, #tpu.memory_space<vmem>>
      %dma_wait3A_355 = arith.constant 0 : i32
      %dma_wait3A_356 = arith.constant 0 : i32
      %dma_wait3A_357 = tpu.memref_slice %arg2[%dma_wait3A_355, %dma_wait3A_356] : memref<2000000x64xf32, #tpu.memory_space<hbm>> -> memref<2000000x64xf32, #tpu.memory_space<hbm>>
      tpu.wait_indirect_dma semaphore(%arg11 : memref<!tpu.dma_semaphore, #tpu.memory_space<semaphore_mem>>) src(%dma_wait3A_357 : memref<2000000x64xf32, #tpu.memory_space<hbm>>) dst(%dma_wait3A_351 : memref<128x64xf32, #tpu.memory_space<vmem>>)
      %dma_wait3A_358 = arith.constant 0 : i32
      %dma_wait3A_359 = arith.constant 0 : i32
      %dma_wait3A_360 = arith.constant 128 : i32
      %dma_wait3A_361 = arith.constant 0 : i32
      %dma_wait3A_362 = tpu.memref_slice %arg10[%dma_wait3A_359, %dma_wait3A_360, %dma_wait3A_361] : memref<2x200x64xf32, #tpu.memory_space<vmem>> -> memref<1x72x64xf32, #tpu.memory_space<vmem>>
      %dma_wait3A_363 = tpu.memref_squeeze %dma_wait3A_362 : memref<1x72x64xf32, #tpu.memory_space<vmem>> -> memref<72x64xf32, #tpu.memory_space<vmem>>
      %dma_wait3A_364 = arith.constant 128 : i32
      %dma_wait3A_365 = tpu.memref_slice %arg7[%dma_wait3A_358, %dma_wait3A_364] : memref<2x200xi32, #tpu.memory_space<vmem>> -> memref<1x72xi32, #tpu.memory_space<vmem>>
      %dma_wait3A_366 = tpu.memref_squeeze %dma_wait3A_365 : memref<1x72xi32, #tpu.memory_space<vmem>> -> memref<72xi32, #tpu.memory_space<vmem>>
      %dma_wait3A_367 = arith.constant 0 : i32
      %dma_wait3A_368 = arith.constant 0 : i32
      %dma_wait3A_369 = tpu.memref_slice %arg2[%dma_wait3A_367, %dma_wait3A_368] : memref<2000000x64xf32, #tpu.memory_space<hbm>> -> memref<2000000x64xf32, #tpu.memory_space<hbm>>
      tpu.wait_indirect_dma semaphore(%arg11 : memref<!tpu.dma_semaphore, #tpu.memory_space<semaphore_mem>>) src(%dma_wait3A_369 : memref<2000000x64xf32, #tpu.memory_space<hbm>>) dst(%dma_wait3A_363 : memref<72x64xf32, #tpu.memory_space<vmem>>)
      %dma_wait3A_370 = arith.constant 1 : i32
      %dma_wait3A_371 = arith.constant 1 : i32
      %dma_wait3A_372 = arith.constant 0 : i32
      %dma_wait3A_373 = arith.constant 0 : i32
      %dma_wait3A_374 = tpu.memref_slice %arg10[%dma_wait3A_371, %dma_wait3A_372, %dma_wait3A_373] : memref<2x200x64xf32, #tpu.memory_space<vmem>> -> memref<1x128x64xf32, #tpu.memory_space<vmem>>
      %dma_wait3A_375 = tpu.memref_squeeze %dma_wait3A_374 : memref<1x128x64xf32, #tpu.memory_space<vmem>> -> memref<128x64xf32, #tpu.memory_space<vmem>>
      %dma_wait3A_376 = arith.constant 0 : i32
      %dma_wait3A_377 = tpu.memref_slice %arg7[%dma_wait3A_370, %dma_wait3A_376] : memref<2x200xi32, #tpu.memory_space<vmem>> -> memref<1x128xi32, #tpu.memory_space<vmem>>
      %dma_wait3A_378 = tpu.memref_squeeze %dma_wait3A_377 : memref<1x128xi32, #tpu.memory_space<vmem>> -> memref<128xi32, #tpu.memory_space<vmem>>
      %dma_wait3A_379 = arith.constant 0 : i32
      %dma_wait3A_380 = arith.constant 0 : i32
      %dma_wait3A_381 = tpu.memref_slice %arg2[%dma_wait3A_379, %dma_wait3A_380] : memref<2000000x64xf32, #tpu.memory_space<hbm>> -> memref<2000000x64xf32, #tpu.memory_space<hbm>>
      tpu.wait_indirect_dma semaphore(%arg11 : memref<!tpu.dma_semaphore, #tpu.memory_space<semaphore_mem>>) src(%dma_wait3A_381 : memref<2000000x64xf32, #tpu.memory_space<hbm>>) dst(%dma_wait3A_375 : memref<128x64xf32, #tpu.memory_space<vmem>>)
      %dma_wait3A_382 = arith.constant 1 : i32
      %dma_wait3A_383 = arith.constant 1 : i32
      %dma_wait3A_384 = arith.constant 128 : i32
      %dma_wait3A_385 = arith.constant 0 : i32
      %dma_wait3A_386 = tpu.memref_slice %arg10[%dma_wait3A_383, %dma_wait3A_384, %dma_wait3A_385] : memref<2x200x64xf32, #tpu.memory_space<vmem>> -> memref<1x72x64xf32, #tpu.memory_space<vmem>>
      %dma_wait3A_387 = tpu.memref_squeeze %dma_wait3A_386 : memref<1x72x64xf32, #tpu.memory_space<vmem>> -> memref<72x64xf32, #tpu.memory_space<vmem>>
      %dma_wait3A_388 = arith.constant 128 : i32
      %dma_wait3A_389 = tpu.memref_slice %arg7[%dma_wait3A_382, %dma_wait3A_388] : memref<2x200xi32, #tpu.memory_space<vmem>> -> memref<1x72xi32, #tpu.memory_space<vmem>>
      %dma_wait3A_390 = tpu.memref_squeeze %dma_wait3A_389 : memref<1x72xi32, #tpu.memory_space<vmem>> -> memref<72xi32, #tpu.memory_space<vmem>>
      %dma_wait3A_391 = arith.constant 0 : i32
      %dma_wait3A_392 = arith.constant 0 : i32
      %dma_wait3A_393 = tpu.memref_slice %arg2[%dma_wait3A_391, %dma_wait3A_392] : memref<2000000x64xf32, #tpu.memory_space<hbm>> -> memref<2000000x64xf32, #tpu.memory_space<hbm>>
      tpu.wait_indirect_dma semaphore(%arg11 : memref<!tpu.dma_semaphore, #tpu.memory_space<semaphore_mem>>) src(%dma_wait3A_393 : memref<2000000x64xf32, #tpu.memory_space<hbm>>) dst(%dma_wait3A_387 : memref<72x64xf32, #tpu.memory_space<vmem>>)
      %add3A_394 = arith.constant 1 : i32
      %add3A_395 = arith.addi %add3A_333, %add3A_394 : i32
      %lt3A_396 = arith.constant 256 : i32
      %lt3A_397 = arith.cmpi slt, %add3A_395, %lt3A_396 : i32
      %convert_element_type3A_398 = arith.extui %lt3A_397 : i1 to i32
      %cond3A_399 = arith.constant 0 : i32
      %cond3A_400 = arith.cmpi ne, %convert_element_type3A_398, %cond3A_399 : i32
      scf.if %cond3A_400 {
        %add3A_425 = arith.constant 1 : i32
        %add3A_426 = arith.addi %add3A_333, %add3A_425 : i32
        %dma_start3A_427 = arith.constant 0 : i32
        %dma_start3A_428 = arith.constant 0 : i32
        %dma_start3A_429 = arith.constant 0 : i32
        %dma_start3A_430 = arith.constant 0 : i32
        %dma_start3A_431 = tpu.memref_slice %arg8[%dma_start3A_428, %dma_start3A_429, %dma_start3A_430] : memref<2x200x64xf32, #tpu.memory_space<vmem>> -> memref<1x128x64xf32, #tpu.memory_space<vmem>>
        %dma_start3A_432 = tpu.memref_squeeze %dma_start3A_431 : memref<1x128x64xf32, #tpu.memory_space<vmem>> -> memref<128x64xf32, #tpu.memory_space<vmem>>
        %dma_start3A_433 = arith.constant 0 : i32
        %dma_start3A_434 = tpu.memref_slice %arg5[%dma_start3A_427, %dma_start3A_433] : memref<2x200xi32, #tpu.memory_space<vmem>> -> memref<1x128xi32, #tpu.memory_space<vmem>>
        %dma_start3A_435 = tpu.memref_squeeze %dma_start3A_434 : memref<1x128xi32, #tpu.memory_space<vmem>> -> memref<128xi32, #tpu.memory_space<vmem>>
        %dma_start3A_436 = arith.constant 0 : i32
        %dma_start3A_437 = arith.constant 0 : i32
        %dma_start3A_438 = tpu.memref_slice %arg2[%dma_start3A_436, %dma_start3A_437] : memref<2000000x64xf32, #tpu.memory_space<hbm>> -> memref<2000000x64xf32, #tpu.memory_space<hbm>>
        tpu.enqueue_indirect_dma source(%dma_start3A_438 : memref<2000000x64xf32, #tpu.memory_space<hbm>>) target(%dma_start3A_432 : memref<128x64xf32, #tpu.memory_space<vmem>>) offsets(%dma_start3A_435 : memref<128xi32, #tpu.memory_space<vmem>>) semaphore(%arg11 : memref<!tpu.dma_semaphore, #tpu.memory_space<semaphore_mem>>)
        %dma_start3A_439 = arith.constant 0 : i32
        %dma_start3A_440 = arith.constant 0 : i32
        %dma_start3A_441 = arith.constant 128 : i32
        %dma_start3A_442 = arith.constant 0 : i32
        %dma_start3A_443 = tpu.memref_slice %arg8[%dma_start3A_440, %dma_start3A_441, %dma_start3A_442] : memref<2x200x64xf32, #tpu.memory_space<vmem>> -> memref<1x72x64xf32, #tpu.memory_space<vmem>>
        %dma_start3A_444 = tpu.memref_squeeze %dma_start3A_443 : memref<1x72x64xf32, #tpu.memory_space<vmem>> -> memref<72x64xf32, #tpu.memory_space<vmem>>
        %dma_start3A_445 = arith.constant 128 : i32
        %dma_start3A_446 = tpu.memref_slice %arg5[%dma_start3A_439, %dma_start3A_445] : memref<2x200xi32, #tpu.memory_space<vmem>> -> memref<1x72xi32, #tpu.memory_space<vmem>>
        %dma_start3A_447 = tpu.memref_squeeze %dma_start3A_446 : memref<1x72xi32, #tpu.memory_space<vmem>> -> memref<72xi32, #tpu.memory_space<vmem>>
        %dma_start3A_448 = arith.constant 0 : i32
        %dma_start3A_449 = arith.constant 0 : i32
        %dma_start3A_450 = tpu.memref_slice %arg2[%dma_start3A_448, %dma_start3A_449] : memref<2000000x64xf32, #tpu.memory_space<hbm>> -> memref<2000000x64xf32, #tpu.memory_space<hbm>>
        tpu.enqueue_indirect_dma source(%dma_start3A_450 : memref<2000000x64xf32, #tpu.memory_space<hbm>>) target(%dma_start3A_444 : memref<72x64xf32, #tpu.memory_space<vmem>>) offsets(%dma_start3A_447 : memref<72xi32, #tpu.memory_space<vmem>>) semaphore(%arg11 : memref<!tpu.dma_semaphore, #tpu.memory_space<semaphore_mem>>)
        %dma_start3A_451 = arith.constant 1 : i32
        %dma_start3A_452 = arith.constant 1 : i32
        %dma_start3A_453 = arith.constant 0 : i32
        %dma_start3A_454 = arith.constant 0 : i32
        %dma_start3A_455 = tpu.memref_slice %arg8[%dma_start3A_452, %dma_start3A_453, %dma_start3A_454] : memref<2x200x64xf32, #tpu.memory_space<vmem>> -> memref<1x128x64xf32, #tpu.memory_space<vmem>>
        %dma_start3A_456 = tpu.memref_squeeze %dma_start3A_455 : memref<1x128x64xf32, #tpu.memory_space<vmem>> -> memref<128x64xf32, #tpu.memory_space<vmem>>
        %dma_start3A_457 = arith.constant 0 : i32
        %dma_start3A_458 = tpu.memref_slice %arg5[%dma_start3A_451, %dma_start3A_457] : memref<2x200xi32, #tpu.memory_space<vmem>> -> memref<1x128xi32, #tpu.memory_space<vmem>>
        %dma_start3A_459 = tpu.memref_squeeze %dma_start3A_458 : memref<1x128xi32, #tpu.memory_space<vmem>> -> memref<128xi32, #tpu.memory_space<vmem>>
        %dma_start3A_460 = arith.constant 0 : i32
        %dma_start3A_461 = arith.constant 0 : i32
        %dma_start3A_462 = tpu.memref_slice %arg2[%dma_start3A_460, %dma_start3A_461] : memref<2000000x64xf32, #tpu.memory_space<hbm>> -> memref<2000000x64xf32, #tpu.memory_space<hbm>>
        tpu.enqueue_indirect_dma source(%dma_start3A_462 : memref<2000000x64xf32, #tpu.memory_space<hbm>>) target(%dma_start3A_456 : memref<128x64xf32, #tpu.memory_space<vmem>>) offsets(%dma_start3A_459 : memref<128xi32, #tpu.memory_space<vmem>>) semaphore(%arg11 : memref<!tpu.dma_semaphore, #tpu.memory_space<semaphore_mem>>)
        %dma_start3A_463 = arith.constant 1 : i32
        %dma_start3A_464 = arith.constant 1 : i32
        %dma_start3A_465 = arith.constant 128 : i32
        %dma_start3A_466 = arith.constant 0 : i32
        %dma_start3A_467 = tpu.memref_slice %arg8[%dma_start3A_464, %dma_start3A_465, %dma_start3A_466] : memref<2x200x64xf32, #tpu.memory_space<vmem>> -> memref<1x72x64xf32, #tpu.memory_space<vmem>>
        %dma_start3A_468 = tpu.memref_squeeze %dma_start3A_467 : memref<1x72x64xf32, #tpu.memory_space<vmem>> -> memref<72x64xf32, #tpu.memory_space<vmem>>
        %dma_start3A_469 = arith.constant 128 : i32
        %dma_start3A_470 = tpu.memref_slice %arg5[%dma_start3A_463, %dma_start3A_469] : memref<2x200xi32, #tpu.memory_space<vmem>> -> memref<1x72xi32, #tpu.memory_space<vmem>>
        %dma_start3A_471 = tpu.memref_squeeze %dma_start3A_470 : memref<1x72xi32, #tpu.memory_space<vmem>> -> memref<72xi32, #tpu.memory_space<vmem>>
        %dma_start3A_472 = arith.constant 0 : i32
        %dma_start3A_473 = arith.constant 0 : i32
        %dma_start3A_474 = tpu.memref_slice %arg2[%dma_start3A_472, %dma_start3A_473] : memref<2000000x64xf32, #tpu.memory_space<hbm>> -> memref<2000000x64xf32, #tpu.memory_space<hbm>>
        tpu.enqueue_indirect_dma source(%dma_start3A_474 : memref<2000000x64xf32, #tpu.memory_space<hbm>>) target(%dma_start3A_468 : memref<72x64xf32, #tpu.memory_space<vmem>>) offsets(%dma_start3A_471 : memref<72xi32, #tpu.memory_space<vmem>>) semaphore(%arg11 : memref<!tpu.dma_semaphore, #tpu.memory_space<semaphore_mem>>)
      } else {
      }
      %scan3A_401 = arith.constant 0 : i32
      %scan3A_402 = arith.constant 0 : i32
      %scan3A_403 = arith.constant 50 : i32
      %scan3A_404 = arith.addi %scan3A_402, %scan3A_403 : i32
      %scan3A_405 = arith.constant 1 : i32
      %scan3A_406 = scf.for %scan3A_425 = %scan3A_402 to %scan3A_404 step %scan3A_405 iter_args(%scan3A_426 = %scan3A_401) -> (i32)  : i32 {
        %mul3A_427 = arith.constant 4 : i32
        %mul3A_428 = arith.muli %scan3A_425, %mul3A_427 : i32
        %add3A_429 = arith.constant 0 : i32
        %add3A_430 = arith.addi %mul3A_428, %add3A_429 : i32
        %get3A = arith.constant 0 : i32
        %get3A_431 = arith.index_cast %get3A : i32 to index
        %get3A_432 = arith.index_cast %add3A_430 : i32 to index
        %get3A_433 = arith.constant 0 : index
        %get3A_434 = tpu.vector_load %arg10[%get3A_431, %get3A_432, %get3A_433] {strides = array<i32>} : memref<2x200x64xf32, #tpu.memory_space<vmem>>, vector<1x1x16xf32>,
        %get3A_435 = vector.shape_cast %get3A_434 : vector<1x1x16xf32> to vector<16xf32>
        %mul3A_436 = arith.constant 8.000000e+00 : f32
        %mul3A_437 = vector.broadcast %mul3A_436 : f32 to vector<16xf32>
        %mul3A_438 = arith.mulf %get3A_435, %mul3A_437 : vector<16xf32>
        %add3A_439 = arith.constant 0 : i32
        %add3A_440 = arith.addi %mul3A_428, %add3A_439 : i32
        %swap3A = arith.constant 0 : i32
        %swap3A_441 = arith.index_cast %swap3A : i32 to index
        %swap3A_442 = arith.index_cast %add3A_440 : i32 to index
        %swap3A_443 = arith.constant 0 : index
        %swap3A_444 = tpu.vector_load %arg10[%swap3A_441, %swap3A_442, %swap3A_443] {strides = array<i32>} : memref<2x200x64xf32, #tpu.memory_space<vmem>>, vector<1x1x16xf32>,
        %swap3A_445 = vector.shape_cast %swap3A_444 : vector<1x1x16xf32> to vector<16xf32>
        %swap3A_446 = vector.shape_cast %mul3A_438 : vector<16xf32> to vector<1x1x16xf32>
        tpu.vector_store %arg10[%swap3A_441, %swap3A_442, %swap3A_443], %swap3A_446 {strides = array<i32>} : memref<2x200x64xf32, #tpu.memory_space<vmem>>, vector<1x1x16xf32>,
        %add3A_447 = arith.constant 0 : i32
        %add3A_448 = arith.addi %mul3A_428, %add3A_447 : i32
        %get3A_449 = arith.constant 0 : i32
        %get3A_450 = arith.index_cast %get3A_449 : i32 to index
        %get3A_451 = arith.index_cast %add3A_448 : i32 to index
        %get3A_452 = arith.constant 16 : index
        %get3A_453 = tpu.vector_load %arg10[%get3A_450, %get3A_451, %get3A_452] {strides = array<i32>} : memref<2x200x64xf32, #tpu.memory_space<vmem>>, vector<1x1x16xf32>,
        %get3A_454 = vector.shape_cast %get3A_453 : vector<1x1x16xf32> to vector<16xf32>
        %mul3A_455 = arith.constant 8.000000e+00 : f32
        %mul3A_456 = vector.broadcast %mul3A_455 : f32 to vector<16xf32>
        %mul3A_457 = arith.mulf %get3A_454, %mul3A_456 : vector<16xf32>
        %add3A_458 = arith.constant 0 : i32
        %add3A_459 = arith.addi %mul3A_428, %add3A_458 : i32
        %swap3A_460 = arith.constant 0 : i32
        %swap3A_461 = arith.index_cast %swap3A_460 : i32 to index
        %swap3A_462 = arith.index_cast %add3A_459 : i32 to index
        %swap3A_463 = arith.constant 16 : index
        %swap3A_464 = tpu.vector_load %arg10[%swap3A_461, %swap3A_462, %swap3A_463] {strides = array<i32>} : memref<2x200x64xf32, #tpu.memory_space<vmem>>, vector<1x1x16xf32>,
        %swap3A_465 = vector.shape_cast %swap3A_464 : vector<1x1x16xf32> to vector<16xf32>
        %swap3A_466 = vector.shape_cast %mul3A_457 : vector<16xf32> to vector<1x1x16xf32>
        tpu.vector_store %arg10[%swap3A_461, %swap3A_462, %swap3A_463], %swap3A_466 {strides = array<i32>} : memref<2x200x64xf32, #tpu.memory_space<vmem>>, vector<1x1x16xf32>,
        %add3A_467 = arith.constant 0 : i32
        %add3A_468 = arith.addi %mul3A_428, %add3A_467 : i32
        %get3A_469 = arith.constant 0 : i32
        %get3A_470 = arith.index_cast %get3A_469 : i32 to index
        %get3A_471 = arith.index_cast %add3A_468 : i32 to index
        %get3A_472 = arith.constant 32 : index
        %get3A_473 = tpu.vector_load %arg10[%get3A_470, %get3A_471, %get3A_472] {strides = array<i32>} : memref<2x200x64xf32, #tpu.memory_space<vmem>>, vector<1x1x16xf32>,
        %get3A_474 = vector.shape_cast %get3A_473 : vector<1x1x16xf32> to vector<16xf32>
        %mul3A_475 = arith.constant 8.000000e+00 : f32
        %mul3A_476 = vector.broadcast %mul3A_475 : f32 to vector<16xf32>
        %mul3A_477 = arith.mulf %get3A_474, %mul3A_476 : vector<16xf32>
        %add3A_478 = arith.constant 0 : i32
        %add3A_479 = arith.addi %mul3A_428, %add3A_478 : i32
        %swap3A_480 = arith.constant 0 : i32
        %swap3A_481 = arith.index_cast %swap3A_480 : i32 to index
        %swap3A_482 = arith.index_cast %add3A_479 : i32 to index
        %swap3A_483 = arith.constant 32 : index
        %swap3A_484 = tpu.vector_load %arg10[%swap3A_481, %swap3A_482, %swap3A_483] {strides = array<i32>} : memref<2x200x64xf32, #tpu.memory_space<vmem>>, vector<1x1x16xf32>,
        %swap3A_485 = vector.shape_cast %swap3A_484 : vector<1x1x16xf32> to vector<16xf32>
        %swap3A_486 = vector.shape_cast %mul3A_477 : vector<16xf32> to vector<1x1x16xf32>
        tpu.vector_store %arg10[%swap3A_481, %swap3A_482, %swap3A_483], %swap3A_486 {strides = array<i32>} : memref<2x200x64xf32, #tpu.memory_space<vmem>>, vector<1x1x16xf32>,
        %add3A_487 = arith.constant 0 : i32
        %add3A_488 = arith.addi %mul3A_428, %add3A_487 : i32
        %get3A_489 = arith.constant 0 : i32
        %get3A_490 = arith.index_cast %get3A_489 : i32 to index
        %get3A_491 = arith.index_cast %add3A_488 : i32 to index
        %get3A_492 = arith.constant 48 : index
        %get3A_493 = tpu.vector_load %arg10[%get3A_490, %get3A_491, %get3A_492] {strides = array<i32>} : memref<2x200x64xf32, #tpu.memory_space<vmem>>, vector<1x1x16xf32>,
        %get3A_494 = vector.shape_cast %get3A_493 : vector<1x1x16xf32> to vector<16xf32>
        %mul3A_495 = arith.constant 8.000000e+00 : f32
        %mul3A_496 = vector.broadcast %mul3A_495 : f32 to vector<16xf32>
        %mul3A_497 = arith.mulf %get3A_494, %mul3A_496 : vector<16xf32>
        %add3A_498 = arith.constant 0 : i32
        %add3A_499 = arith.addi %mul3A_428, %add3A_498 : i32
        %swap3A_500 = arith.constant 0 : i32
        %swap3A_501 = arith.index_cast %swap3A_500 : i32 to index
        %swap3A_502 = arith.index_cast %add3A_499 : i32 to index
        %swap3A_503 = arith.constant 48 : index
        %swap3A_504 = tpu.vector_load %arg10[%swap3A_501, %swap3A_502, %swap3A_503] {strides = array<i32>} : memref<2x200x64xf32, #tpu.memory_space<vmem>>, vector<1x1x16xf32>,
        %swap3A_505 = vector.shape_cast %swap3A_504 : vector<1x1x16xf32> to vector<16xf32>
        %swap3A_506 = vector.shape_cast %mul3A_497 : vector<16xf32> to vector<1x1x16xf32>
        tpu.vector_store %arg10[%swap3A_501, %swap3A_502, %swap3A_503], %swap3A_506 {strides = array<i32>} : memref<2x200x64xf32, #tpu.memory_space<vmem>>, vector<1x1x16xf32>,
        %add3A_507 = arith.constant 0 : i32
        %add3A_508 = arith.addi %mul3A_428, %add3A_507 : i32
        %get3A_509 = arith.constant 1 : i32
        %get3A_510 = arith.index_cast %get3A_509 : i32 to index
        %get3A_511 = arith.index_cast %add3A_508 : i32 to index
        %get3A_512 = arith.constant 0 : index
        %get3A_513 = tpu.vector_load %arg10[%get3A_510, %get3A_511, %get3A_512] {strides = array<i32>} : memref<2x200x64xf32, #tpu.memory_space<vmem>>, vector<1x1x16xf32>,
        %get3A_514 = vector.shape_cast %get3A_513 : vector<1x1x16xf32> to vector<16xf32>
        %mul3A_515 = arith.constant 8.000000e+00 : f32
        %mul3A_516 = vector.broadcast %mul3A_515 : f32 to vector<16xf32>
        %mul3A_517 = arith.mulf %get3A_514, %mul3A_516 : vector<16xf32>
        %add3A_518 = arith.constant 0 : i32
        %add3A_519 = arith.addi %mul3A_428, %add3A_518 : i32
        %swap3A_520 = arith.constant 1 : i32
        %swap3A_521 = arith.index_cast %swap3A_520 : i32 to index
        %swap3A_522 = arith.index_cast %add3A_519 : i32 to index
        %swap3A_523 = arith.constant 0 : index
        %swap3A_524 = tpu.vector_load %arg10[%swap3A_521, %swap3A_522, %swap3A_523] {strides = array<i32>} : memref<2x200x64xf32, #tpu.memory_space<vmem>>, vector<1x1x16xf32>,
        %swap3A_525 = vector.shape_cast %swap3A_524 : vector<1x1x16xf32> to vector<16xf32>
        %swap3A_526 = vector.shape_cast %mul3A_517 : vector<16xf32> to vector<1x1x16xf32>
        tpu.vector_store %arg10[%swap3A_521, %swap3A_522, %swap3A_523], %swap3A_526 {strides = array<i32>} : memref<2x200x64xf32, #tpu.memory_space<vmem>>, vector<1x1x16xf32>,
        %add3A_527 = arith.constant 0 : i32
        %add3A_528 = arith.addi %mul3A_428, %add3A_527 : i32
        %get3A_529 = arith.constant 1 : i32
        %get3A_530 = arith.index_cast %get3A_529 : i32 to index
        %get3A_531 = arith.index_cast %add3A_528 : i32 to index
        %get3A_532 = arith.constant 16 : index
        %get3A_533 = tpu.vector_load %arg10[%get3A_530, %get3A_531, %get3A_532] {strides = array<i32>} : memref<2x200x64xf32, #tpu.memory_space<vmem>>, vector<1x1x16xf32>,
        %get3A_534 = vector.shape_cast %get3A_533 : vector<1x1x16xf32> to vector<16xf32>
        %mul3A_535 = arith.constant 8.000000e+00 : f32
        %mul3A_536 = vector.broadcast %mul3A_535 : f32 to vector<16xf32>
        %mul3A_537 = arith.mulf %get3A_534, %mul3A_536 : vector<16xf32>
        %add3A_538 = arith.constant 0 : i32
        %add3A_539 = arith.addi %mul3A_428, %add3A_538 : i32
        %swap3A_540 = arith.constant 1 : i32
        %swap3A_541 = arith.index_cast %swap3A_540 : i32 to index
        %swap3A_542 = arith.index_cast %add3A_539 : i32 to index
        %swap3A_543 = arith.constant 16 : index
        %swap3A_544 = tpu.vector_load %arg10[%swap3A_541, %swap3A_542, %swap3A_543] {strides = array<i32>} : memref<2x200x64xf32, #tpu.memory_space<vmem>>, vector<1x1x16xf32>,
        %swap3A_545 = vector.shape_cast %swap3A_544 : vector<1x1x16xf32> to vector<16xf32>
        %swap3A_546 = vector.shape_cast %mul3A_537 : vector<16xf32> to vector<1x1x16xf32>
        tpu.vector_store %arg10[%swap3A_541, %swap3A_542, %swap3A_543], %swap3A_546 {strides = array<i32>} : memref<2x200x64xf32, #tpu.memory_space<vmem>>, vector<1x1x16xf32>,
        %add3A_547 = arith.constant 0 : i32
        %add3A_548 = arith.addi %mul3A_428, %add3A_547 : i32
        %get3A_549 = arith.constant 1 : i32
        %get3A_550 = arith.index_cast %get3A_549 : i32 to index
        %get3A_551 = arith.index_cast %add3A_548 : i32 to index
        %get3A_552 = arith.constant 32 : index
        %get3A_553 = tpu.vector_load %arg10[%get3A_550, %get3A_551, %get3A_552] {strides = array<i32>} : memref<2x200x64xf32, #tpu.memory_space<vmem>>, vector<1x1x16xf32>,
        %get3A_554 = vector.shape_cast %get3A_553 : vector<1x1x16xf32> to vector<16xf32>
        %mul3A_555 = arith.constant 8.000000e+00 : f32
        %mul3A_556 = vector.broadcast %mul3A_555 : f32 to vector<16xf32>
        %mul3A_557 = arith.mulf %get3A_554, %mul3A_556 : vector<16xf32>
        %add3A_558 = arith.constant 0 : i32
        %add3A_559 = arith.addi %mul3A_428, %add3A_558 : i32
        %swap3A_560 = arith.constant 1 : i32
        %swap3A_561 = arith.index_cast %swap3A_560 : i32 to index
        %swap3A_562 = arith.index_cast %add3A_559 : i32 to index
        %swap3A_563 = arith.constant 32 : index
        %swap3A_564 = tpu.vector_load %arg10[%swap3A_561, %swap3A_562, %swap3A_563] {strides = array<i32>} : memref<2x200x64xf32, #tpu.memory_space<vmem>>, vector<1x1x16xf32>,
        %swap3A_565 = vector.shape_cast %swap3A_564 : vector<1x1x16xf32> to vector<16xf32>
        %swap3A_566 = vector.shape_cast %mul3A_557 : vector<16xf32> to vector<1x1x16xf32>
        tpu.vector_store %arg10[%swap3A_561, %swap3A_562, %swap3A_563], %swap3A_566 {strides = array<i32>} : memref<2x200x64xf32, #tpu.memory_space<vmem>>, vector<1x1x16xf32>,
        %add3A_567 = arith.constant 0 : i32
        %add3A_568 = arith.addi %mul3A_428, %add3A_567 : i32
        %get3A_569 = arith.constant 1 : i32
        %get3A_570 = arith.index_cast %get3A_569 : i32 to index
        %get3A_571 = arith.index_cast %add3A_568 : i32 to index
        %get3A_572 = arith.constant 48 : index
        %get3A_573 = tpu.vector_load %arg10[%get3A_570, %get3A_571, %get3A_572] {strides = array<i32>} : memref<2x200x64xf32, #tpu.memory_space<vmem>>, vector<1x1x16xf32>,
        %get3A_574 = vector.shape_cast %get3A_573 : vector<1x1x16xf32> to vector<16xf32>
        %mul3A_575 = arith.constant 8.000000e+00 : f32
        %mul3A_576 = vector.broadcast %mul3A_575 : f32 to vector<16xf32>
        %mul3A_577 = arith.mulf %get3A_574, %mul3A_576 : vector<16xf32>
        %add3A_578 = arith.constant 0 : i32
        %add3A_579 = arith.addi %mul3A_428, %add3A_578 : i32
        %swap3A_580 = arith.constant 1 : i32
        %swap3A_581 = arith.index_cast %swap3A_580 : i32 to index
        %swap3A_582 = arith.index_cast %add3A_579 : i32 to index
        %swap3A_583 = arith.constant 48 : index
        %swap3A_584 = tpu.vector_load %arg10[%swap3A_581, %swap3A_582, %swap3A_583] {strides = array<i32>} : memref<2x200x64xf32, #tpu.memory_space<vmem>>, vector<1x1x16xf32>,
        %swap3A_585 = vector.shape_cast %swap3A_584 : vector<1x1x16xf32> to vector<16xf32>
        %swap3A_586 = vector.shape_cast %mul3A_577 : vector<16xf32> to vector<1x1x16xf32>
        tpu.vector_store %arg10[%swap3A_581, %swap3A_582, %swap3A_583], %swap3A_586 {strides = array<i32>} : memref<2x200x64xf32, #tpu.memory_space<vmem>>, vector<1x1x16xf32>,
        %add3A_587 = arith.constant 1 : i32
        %add3A_588 = arith.addi %mul3A_428, %add3A_587 : i32
        %get3A_589 = arith.constant 0 : i32
        %get3A_590 = arith.index_cast %get3A_589 : i32 to index
        %get3A_591 = arith.index_cast %add3A_588 : i32 to index
        %get3A_592 = arith.constant 0 : index
        %get3A_593 = tpu.vector_load %arg10[%get3A_590, %get3A_591, %get3A_592] {strides = array<i32>} : memref<2x200x64xf32, #tpu.memory_space<vmem>>, vector<1x1x16xf32>,
        %get3A_594 = vector.shape_cast %get3A_593 : vector<1x1x16xf32> to vector<16xf32>
        %mul3A_595 = arith.constant 8.000000e+00 : f32
        %mul3A_596 = vector.broadcast %mul3A_595 : f32 to vector<16xf32>
        %mul3A_597 = arith.mulf %get3A_594, %mul3A_596 : vector<16xf32>
        %add3A_598 = arith.constant 1 : i32
        %add3A_599 = arith.addi %mul3A_428, %add3A_598 : i32
        %swap3A_600 = arith.constant 0 : i32
        %swap3A_601 = arith.index_cast %swap3A_600 : i32 to index
        %swap3A_602 = arith.index_cast %add3A_599 : i32 to index
        %swap3A_603 = arith.constant 0 : index
        %swap3A_604 = tpu.vector_load %arg10[%swap3A_601, %swap3A_602, %swap3A_603] {strides = array<i32>} : memref<2x200x64xf32, #tpu.memory_space<vmem>>, vector<1x1x16xf32>,
        %swap3A_605 = vector.shape_cast %swap3A_604 : vector<1x1x16xf32> to vector<16xf32>
        %swap3A_606 = vector.shape_cast %mul3A_597 : vector<16xf32> to vector<1x1x16xf32>
        tpu.vector_store %arg10[%swap3A_601, %swap3A_602, %swap3A_603], %swap3A_606 {strides = array<i32>} : memref<2x200x64xf32, #tpu.memory_space<vmem>>, vector<1x1x16xf32>,
        %add3A_607 = arith.constant 1 : i32
        %add3A_608 = arith.addi %mul3A_428, %add3A_607 : i32
        %get3A_609 = arith.constant 0 : i32
        %get3A_610 = arith.index_cast %get3A_609 : i32 to index
        %get3A_611 = arith.index_cast %add3A_608 : i32 to index
        %get3A_612 = arith.constant 16 : index
        %get3A_613 = tpu.vector_load %arg10[%get3A_610, %get3A_611, %get3A_612] {strides = array<i32>} : memref<2x200x64xf32, #tpu.memory_space<vmem>>, vector<1x1x16xf32>,
        %get3A_614 = vector.shape_cast %get3A_613 : vector<1x1x16xf32> to vector<16xf32>
        %mul3A_615 = arith.constant 8.000000e+00 : f32
        %mul3A_616 = vector.broadcast %mul3A_615 : f32 to vector<16xf32>
        %mul3A_617 = arith.mulf %get3A_614, %mul3A_616 : vector<16xf32>
        %add3A_618 = arith.constant 1 : i32
        %add3A_619 = arith.addi %mul3A_428, %add3A_618 : i32
        %swap3A_620 = arith.constant 0 : i32
        %swap3A_621 = arith.index_cast %swap3A_620 : i32 to index
        %swap3A_622 = arith.index_cast %add3A_619 : i32 to index
        %swap3A_623 = arith.constant 16 : index
        %swap3A_624 = tpu.vector_load %arg10[%swap3A_621, %swap3A_622, %swap3A_623] {strides = array<i32>} : memref<2x200x64xf32, #tpu.memory_space<vmem>>, vector<1x1x16xf32>,
        %swap3A_625 = vector.shape_cast %swap3A_624 : vector<1x1x16xf32> to vector<16xf32>
        %swap3A_626 = vector.shape_cast %mul3A_617 : vector<16xf32> to vector<1x1x16xf32>
        tpu.vector_store %arg10[%swap3A_621, %swap3A_622, %swap3A_623], %swap3A_626 {strides = array<i32>} : memref<2x200x64xf32, #tpu.memory_space<vmem>>, vector<1x1x16xf32>,
        %add3A_627 = arith.constant 1 : i32
        %add3A_628 = arith.addi %mul3A_428, %add3A_627 : i32
        %get3A_629 = arith.constant 0 : i32
        %get3A_630 = arith.index_cast %get3A_629 : i32 to index
        %get3A_631 = arith.index_cast %add3A_628 : i32 to index
        %get3A_632 = arith.constant 32 : index
        %get3A_633 = tpu.vector_load %arg10[%get3A_630, %get3A_631, %get3A_632] {strides = array<i32>} : memref<2x200x64xf32, #tpu.memory_space<vmem>>, vector<1x1x16xf32>,
        %get3A_634 = vector.shape_cast %get3A_633 : vector<1x1x16xf32> to vector<16xf32>
        %mul3A_635 = arith.constant 8.000000e+00 : f32
        %mul3A_636 = vector.broadcast %mul3A_635 : f32 to vector<16xf32>
        %mul3A_637 = arith.mulf %get3A_634, %mul3A_636 : vector<16xf32>
        %add3A_638 = arith.constant 1 : i32
        %add3A_639 = arith.addi %mul3A_428, %add3A_638 : i32
        %swap3A_640 = arith.constant 0 : i32
        %swap3A_641 = arith.index_cast %swap3A_640 : i32 to index
        %swap3A_642 = arith.index_cast %add3A_639 : i32 to index
        %swap3A_643 = arith.constant 32 : index
        %swap3A_644 = tpu.vector_load %arg10[%swap3A_641, %swap3A_642, %swap3A_643] {strides = array<i32>} : memref<2x200x64xf32, #tpu.memory_space<vmem>>, vector<1x1x16xf32>,
        %swap3A_645 = vector.shape_cast %swap3A_644 : vector<1x1x16xf32> to vector<16xf32>
        %swap3A_646 = vector.shape_cast %mul3A_637 : vector<16xf32> to vector<1x1x16xf32>
        tpu.vector_store %arg10[%swap3A_641, %swap3A_642, %swap3A_643], %swap3A_646 {strides = array<i32>} : memref<2x200x64xf32, #tpu.memory_space<vmem>>, vector<1x1x16xf32>,
        %add3A_647 = arith.constant 1 : i32
        %add3A_648 = arith.addi %mul3A_428, %add3A_647 : i32
        %get3A_649 = arith.constant 0 : i32
        %get3A_650 = arith.index_cast %get3A_649 : i32 to index
        %get3A_651 = arith.index_cast %add3A_648 : i32 to index
        %get3A_652 = arith.constant 48 : index
        %get3A_653 = tpu.vector_load %arg10[%get3A_650, %get3A_651, %get3A_652] {strides = array<i32>} : memref<2x200x64xf32, #tpu.memory_space<vmem>>, vector<1x1x16xf32>,
        %get3A_654 = vector.shape_cast %get3A_653 : vector<1x1x16xf32> to vector<16xf32>
        %mul3A_655 = arith.constant 8.000000e+00 : f32
        %mul3A_656 = vector.broadcast %mul3A_655 : f32 to vector<16xf32>
        %mul3A_657 = arith.mulf %get3A_654, %mul3A_656 : vector<16xf32>
        %add3A_658 = arith.constant 1 : i32
        %add3A_659 = arith.addi %mul3A_428, %add3A_658 : i32
        %swap3A_660 = arith.constant 0 : i32
        %swap3A_661 = arith.index_cast %swap3A_660 : i32 to index
        %swap3A_662 = arith.index_cast %add3A_659 : i32 to index
        %swap3A_663 = arith.constant 48 : index
        %swap3A_664 = tpu.vector_load %arg10[%swap3A_661, %swap3A_662, %swap3A_663] {strides = array<i32>} : memref<2x200x64xf32, #tpu.memory_space<vmem>>, vector<1x1x16xf32>,
        %swap3A_665 = vector.shape_cast %swap3A_664 : vector<1x1x16xf32> to vector<16xf32>
        %swap3A_666 = vector.shape_cast %mul3A_657 : vector<16xf32> to vector<1x1x16xf32>
        tpu.vector_store %arg10[%swap3A_661, %swap3A_662, %swap3A_663], %swap3A_666 {strides = array<i32>} : memref<2x200x64xf32, #tpu.memory_space<vmem>>, vector<1x1x16xf32>,
        %add3A_667 = arith.constant 1 : i32
        %add3A_668 = arith.addi %mul3A_428, %add3A_667 : i32
        %get3A_669 = arith.constant 1 : i32
        %get3A_670 = arith.index_cast %get3A_669 : i32 to index
        %get3A_671 = arith.index_cast %add3A_668 : i32 to index
        %get3A_672 = arith.constant 0 : index
        %get3A_673 = tpu.vector_load %arg10[%get3A_670, %get3A_671, %get3A_672] {strides = array<i32>} : memref<2x200x64xf32, #tpu.memory_space<vmem>>, vector<1x1x16xf32>,
        %get3A_674 = vector.shape_cast %get3A_673 : vector<1x1x16xf32> to vector<16xf32>
        %mul3A_675 = arith.constant 8.000000e+00 : f32
        %mul3A_676 = vector.broadcast %mul3A_675 : f32 to vector<16xf32>
        %mul3A_677 = arith.mulf %get3A_674, %mul3A_676 : vector<16xf32>
        %add3A_678 = arith.constant 1 : i32
        %add3A_679 = arith.addi %mul3A_428, %add3A_678 : i32
        %swap3A_680 = arith.constant 1 : i32
        %swap3A_681 = arith.index_cast %swap3A_680 : i32 to index
        %swap3A_682 = arith.index_cast %add3A_679 : i32 to index
        %swap3A_683 = arith.constant 0 : index
        %swap3A_684 = tpu.vector_load %arg10[%swap3A_681, %swap3A_682, %swap3A_683] {strides = array<i32>} : memref<2x200x64xf32, #tpu.memory_space<vmem>>, vector<1x1x16xf32>,
        %swap3A_685 = vector.shape_cast %swap3A_684 : vector<1x1x16xf32> to vector<16xf32>
        %swap3A_686 = vector.shape_cast %mul3A_677 : vector<16xf32> to vector<1x1x16xf32>
        tpu.vector_store %arg10[%swap3A_681, %swap3A_682, %swap3A_683], %swap3A_686 {strides = array<i32>} : memref<2x200x64xf32, #tpu.memory_space<vmem>>, vector<1x1x16xf32>,
        %add3A_687 = arith.constant 1 : i32
        %add3A_688 = arith.addi %mul3A_428, %add3A_687 : i32
        %get3A_689 = arith.constant 1 : i32
        %get3A_690 = arith.index_cast %get3A_689 : i32 to index
        %get3A_691 = arith.index_cast %add3A_688 : i32 to index
        %get3A_692 = arith.constant 16 : index
        %get3A_693 = tpu.vector_load %arg10[%get3A_690, %get3A_691, %get3A_692] {strides = array<i32>} : memref<2x200x64xf32, #tpu.memory_space<vmem>>, vector<1x1x16xf32>,
        %get3A_694 = vector.shape_cast %get3A_693 : vector<1x1x16xf32> to vector<16xf32>
        %mul3A_695 = arith.constant 8.000000e+00 : f32
        %mul3A_696 = vector.broadcast %mul3A_695 : f32 to vector<16xf32>
        %mul3A_697 = arith.mulf %get3A_694, %mul3A_696 : vector<16xf32>
        %add3A_698 = arith.constant 1 : i32
        %add3A_699 = arith.addi %mul3A_428, %add3A_698 : i32
        %swap3A_700 = arith.constant 1 : i32
        %swap3A_701 = arith.index_cast %swap3A_700 : i32 to index
        %swap3A_702 = arith.index_cast %add3A_699 : i32 to index
        %swap3A_703 = arith.constant 16 : index
        %swap3A_704 = tpu.vector_load %arg10[%swap3A_701, %swap3A_702, %swap3A_703] {strides = array<i32>} : memref<2x200x64xf32, #tpu.memory_space<vmem>>, vector<1x1x16xf32>,
        %swap3A_705 = vector.shape_cast %swap3A_704 : vector<1x1x16xf32> to vector<16xf32>
        %swap3A_706 = vector.shape_cast %mul3A_697 : vector<16xf32> to vector<1x1x16xf32>
        tpu.vector_store %arg10[%swap3A_701, %swap3A_702, %swap3A_703], %swap3A_706 {strides = array<i32>} : memref<2x200x64xf32, #tpu.memory_space<vmem>>, vector<1x1x16xf32>,
        %add3A_707 = arith.constant 1 : i32
        %add3A_708 = arith.addi %mul3A_428, %add3A_707 : i32
        %get3A_709 = arith.constant 1 : i32
        %get3A_710 = arith.index_cast %get3A_709 : i32 to index
        %get3A_711 = arith.index_cast %add3A_708 : i32 to index
        %get3A_712 = arith.constant 32 : index
        %get3A_713 = tpu.vector_load %arg10[%get3A_710, %get3A_711, %get3A_712] {strides = array<i32>} : memref<2x200x64xf32, #tpu.memory_space<vmem>>, vector<1x1x16xf32>,
        %get3A_714 = vector.shape_cast %get3A_713 : vector<1x1x16xf32> to vector<16xf32>
        %mul3A_715 = arith.constant 8.000000e+00 : f32
        %mul3A_716 = vector.broadcast %mul3A_715 : f32 to vector<16xf32>
        %mul3A_717 = arith.mulf %get3A_714, %mul3A_716 : vector<16xf32>
        %add3A_718 = arith.constant 1 : i32
        %add3A_719 = arith.addi %mul3A_428, %add3A_718 : i32
        %swap3A_720 = arith.constant 1 : i32
        %swap3A_721 = arith.index_cast %swap3A_720 : i32 to index
        %swap3A_722 = arith.index_cast %add3A_719 : i32 to index
        %swap3A_723 = arith.constant 32 : index
        %swap3A_724 = tpu.vector_load %arg10[%swap3A_721, %swap3A_722, %swap3A_723] {strides = array<i32>} : memref<2x200x64xf32, #tpu.memory_space<vmem>>, vector<1x1x16xf32>,
        %swap3A_725 = vector.shape_cast %swap3A_724 : vector<1x1x16xf32> to vector<16xf32>
        %swap3A_726 = vector.shape_cast %mul3A_717 : vector<16xf32> to vector<1x1x16xf32>
        tpu.vector_store %arg10[%swap3A_721, %swap3A_722, %swap3A_723], %swap3A_726 {strides = array<i32>} : memref<2x200x64xf32, #tpu.memory_space<vmem>>, vector<1x1x16xf32>,
        %add3A_727 = arith.constant 1 : i32
        %add3A_728 = arith.addi %mul3A_428, %add3A_727 : i32
        %get3A_729 = arith.constant 1 : i32
        %get3A_730 = arith.index_cast %get3A_729 : i32 to index
        %get3A_731 = arith.index_cast %add3A_728 : i32 to index
        %get3A_732 = arith.constant 48 : index
        %get3A_733 = tpu.vector_load %arg10[%get3A_730, %get3A_731, %get3A_732] {strides = array<i32>} : memref<2x200x64xf32, #tpu.memory_space<vmem>>, vector<1x1x16xf32>,
        %get3A_734 = vector.shape_cast %get3A_733 : vector<1x1x16xf32> to vector<16xf32>
        %mul3A_735 = arith.constant 8.000000e+00 : f32
        %mul3A_736 = vector.broadcast %mul3A_735 : f32 to vector<16xf32>
        %mul3A_737 = arith.mulf %get3A_734, %mul3A_736 : vector<16xf32>
        %add3A_738 = arith.constant 1 : i32
        %add3A_739 = arith.addi %mul3A_428, %add3A_738 : i32
        %swap3A_740 = arith.constant 1 : i32
        %swap3A_741 = arith.index_cast %swap3A_740 : i32 to index
        %swap3A_742 = arith.index_cast %add3A_739 : i32 to index
        %swap3A_743 = arith.constant 48 : index
        %swap3A_744 = tpu.vector_load %arg10[%swap3A_741, %swap3A_742, %swap3A_743] {strides = array<i32>} : memref<2x200x64xf32, #tpu.memory_space<vmem>>, vector<1x1x16xf32>,
        %swap3A_745 = vector.shape_cast %swap3A_744 : vector<1x1x16xf32> to vector<16xf32>
        %swap3A_746 = vector.shape_cast %mul3A_737 : vector<16xf32> to vector<1x1x16xf32>
        tpu.vector_store %arg10[%swap3A_741, %swap3A_742, %swap3A_743], %swap3A_746 {strides = array<i32>} : memref<2x200x64xf32, #tpu.memory_space<vmem>>, vector<1x1x16xf32>,
        %add3A_747 = arith.constant 2 : i32
        %add3A_748 = arith.addi %mul3A_428, %add3A_747 : i32
        %get3A_749 = arith.constant 0 : i32
        %get3A_750 = arith.index_cast %get3A_749 : i32 to index
        %get3A_751 = arith.index_cast %add3A_748 : i32 to index
        %get3A_752 = arith.constant 0 : index
        %get3A_753 = tpu.vector_load %arg10[%get3A_750, %get3A_751, %get3A_752] {strides = array<i32>} : memref<2x200x64xf32, #tpu.memory_space<vmem>>, vector<1x1x16xf32>,
        %get3A_754 = vector.shape_cast %get3A_753 : vector<1x1x16xf32> to vector<16xf32>
        %mul3A_755 = arith.constant 8.000000e+00 : f32
        %mul3A_756 = vector.broadcast %mul3A_755 : f32 to vector<16xf32>
        %mul3A_757 = arith.mulf %get3A_754, %mul3A_756 : vector<16xf32>
        %add3A_758 = arith.constant 2 : i32
        %add3A_759 = arith.addi %mul3A_428, %add3A_758 : i32
        %swap3A_760 = arith.constant 0 : i32
        %swap3A_761 = arith.index_cast %swap3A_760 : i32 to index
        %swap3A_762 = arith.index_cast %add3A_759 : i32 to index
        %swap3A_763 = arith.constant 0 : index
        %swap3A_764 = tpu.vector_load %arg10[%swap3A_761, %swap3A_762, %swap3A_763] {strides = array<i32>} : memref<2x200x64xf32, #tpu.memory_space<vmem>>, vector<1x1x16xf32>,
        %swap3A_765 = vector.shape_cast %swap3A_764 : vector<1x1x16xf32> to vector<16xf32>
        %swap3A_766 = vector.shape_cast %mul3A_757 : vector<16xf32> to vector<1x1x16xf32>
        tpu.vector_store %arg10[%swap3A_761, %swap3A_762, %swap3A_763], %swap3A_766 {strides = array<i32>} : memref<2x200x64xf32, #tpu.memory_space<vmem>>, vector<1x1x16xf32>,
        %add3A_767 = arith.constant 2 : i32
        %add3A_768 = arith.addi %mul3A_428, %add3A_767 : i32
        %get3A_769 = arith.constant 0 : i32
        %get3A_770 = arith.index_cast %get3A_769 : i32 to index
        %get3A_771 = arith.index_cast %add3A_768 : i32 to index
        %get3A_772 = arith.constant 16 : index
        %get3A_773 = tpu.vector_load %arg10[%get3A_770, %get3A_771, %get3A_772] {strides = array<i32>} : memref<2x200x64xf32, #tpu.memory_space<vmem>>, vector<1x1x16xf32>,
        %get3A_774 = vector.shape_cast %get3A_773 : vector<1x1x16xf32> to vector<16xf32>
        %mul3A_775 = arith.constant 8.000000e+00 : f32
        %mul3A_776 = vector.broadcast %mul3A_775 : f32 to vector<16xf32>
        %mul3A_777 = arith.mulf %get3A_774, %mul3A_776 : vector<16xf32>
        %add3A_778 = arith.constant 2 : i32
        %add3A_779 = arith.addi %mul3A_428, %add3A_778 : i32
        %swap3A_780 = arith.constant 0 : i32
        %swap3A_781 = arith.index_cast %swap3A_780 : i32 to index
        %swap3A_782 = arith.index_cast %add3A_779 : i32 to index
        %swap3A_783 = arith.constant 16 : index
        %swap3A_784 = tpu.vector_load %arg10[%swap3A_781, %swap3A_782, %swap3A_783] {strides = array<i32>} : memref<2x200x64xf32, #tpu.memory_space<vmem>>, vector<1x1x16xf32>,
        %swap3A_785 = vector.shape_cast %swap3A_784 : vector<1x1x16xf32> to vector<16xf32>
        %swap3A_786 = vector.shape_cast %mul3A_777 : vector<16xf32> to vector<1x1x16xf32>
        tpu.vector_store %arg10[%swap3A_781, %swap3A_782, %swap3A_783], %swap3A_786 {strides = array<i32>} : memref<2x200x64xf32, #tpu.memory_space<vmem>>, vector<1x1x16xf32>,
        %add3A_787 = arith.constant 2 : i32
        %add3A_788 = arith.addi %mul3A_428, %add3A_787 : i32
        %get3A_789 = arith.constant 0 : i32
        %get3A_790 = arith.index_cast %get3A_789 : i32 to index
        %get3A_791 = arith.index_cast %add3A_788 : i32 to index
        %get3A_792 = arith.constant 32 : index
        %get3A_793 = tpu.vector_load %arg10[%get3A_790, %get3A_791, %get3A_792] {strides = array<i32>} : memref<2x200x64xf32, #tpu.memory_space<vmem>>, vector<1x1x16xf32>,
        %get3A_794 = vector.shape_cast %get3A_793 : vector<1x1x16xf32> to vector<16xf32>
        %mul3A_795 = arith.constant 8.000000e+00 : f32
        %mul3A_796 = vector.broadcast %mul3A_795 : f32 to vector<16xf32>
        %mul3A_797 = arith.mulf %get3A_794, %mul3A_796 : vector<16xf32>
        %add3A_798 = arith.constant 2 : i32
        %add3A_799 = arith.addi %mul3A_428, %add3A_798 : i32
        %swap3A_800 = arith.constant 0 : i32
        %swap3A_801 = arith.index_cast %swap3A_800 : i32 to index
        %swap3A_802 = arith.index_cast %add3A_799 : i32 to index
        %swap3A_803 = arith.constant 32 : index
        %swap3A_804 = tpu.vector_load %arg10[%swap3A_801, %swap3A_802, %swap3A_803] {strides = array<i32>} : memref<2x200x64xf32, #tpu.memory_space<vmem>>, vector<1x1x16xf32>,
        %swap3A_805 = vector.shape_cast %swap3A_804 : vector<1x1x16xf32> to vector<16xf32>
        %swap3A_806 = vector.shape_cast %mul3A_797 : vector<16xf32> to vector<1x1x16xf32>
        tpu.vector_store %arg10[%swap3A_801, %swap3A_802, %swap3A_803], %swap3A_806 {strides = array<i32>} : memref<2x200x64xf32, #tpu.memory_space<vmem>>, vector<1x1x16xf32>,
        %add3A_807 = arith.constant 2 : i32
        %add3A_808 = arith.addi %mul3A_428, %add3A_807 : i32
        %get3A_809 = arith.constant 0 : i32
        %get3A_810 = arith.index_cast %get3A_809 : i32 to index
        %get3A_811 = arith.index_cast %add3A_808 : i32 to index
        %get3A_812 = arith.constant 48 : index
        %get3A_813 = tpu.vector_load %arg10[%get3A_810, %get3A_811, %get3A_812] {strides = array<i32>} : memref<2x200x64xf32, #tpu.memory_space<vmem>>, vector<1x1x16xf32>,
        %get3A_814 = vector.shape_cast %get3A_813 : vector<1x1x16xf32> to vector<16xf32>
        %mul3A_815 = arith.constant 8.000000e+00 : f32
        %mul3A_816 = vector.broadcast %mul3A_815 : f32 to vector<16xf32>
        %mul3A_817 = arith.mulf %get3A_814, %mul3A_816 : vector<16xf32>
        %add3A_818 = arith.constant 2 : i32
        %add3A_819 = arith.addi %mul3A_428, %add3A_818 : i32
        %swap3A_820 = arith.constant 0 : i32
        %swap3A_821 = arith.index_cast %swap3A_820 : i32 to index
        %swap3A_822 = arith.index_cast %add3A_819 : i32 to index
        %swap3A_823 = arith.constant 48 : index
        %swap3A_824 = tpu.vector_load %arg10[%swap3A_821, %swap3A_822, %swap3A_823] {strides = array<i32>} : memref<2x200x64xf32, #tpu.memory_space<vmem>>, vector<1x1x16xf32>,
        %swap3A_825 = vector.shape_cast %swap3A_824 : vector<1x1x16xf32> to vector<16xf32>
        %swap3A_826 = vector.shape_cast %mul3A_817 : vector<16xf32> to vector<1x1x16xf32>
        tpu.vector_store %arg10[%swap3A_821, %swap3A_822, %swap3A_823], %swap3A_826 {strides = array<i32>} : memref<2x200x64xf32, #tpu.memory_space<vmem>>, vector<1x1x16xf32>,
        %add3A_827 = arith.constant 2 : i32
        %add3A_828 = arith.addi %mul3A_428, %add3A_827 : i32
        %get3A_829 = arith.constant 1 : i32
        %get3A_830 = arith.index_cast %get3A_829 : i32 to index
        %get3A_831 = arith.index_cast %add3A_828 : i32 to index
        %get3A_832 = arith.constant 0 : index
        %get3A_833 = tpu.vector_load %arg10[%get3A_830, %get3A_831, %get3A_832] {strides = array<i32>} : memref<2x200x64xf32, #tpu.memory_space<vmem>>, vector<1x1x16xf32>,
        %get3A_834 = vector.shape_cast %get3A_833 : vector<1x1x16xf32> to vector<16xf32>
        %mul3A_835 = arith.constant 8.000000e+00 : f32
        %mul3A_836 = vector.broadcast %mul3A_835 : f32 to vector<16xf32>
        %mul3A_837 = arith.mulf %get3A_834, %mul3A_836 : vector<16xf32>
        %add3A_838 = arith.constant 2 : i32
        %add3A_839 = arith.addi %mul3A_428, %add3A_838 : i32
        %swap3A_840 = arith.constant 1 : i32
        %swap3A_841 = arith.index_cast %swap3A_840 : i32 to index
        %swap3A_842 = arith.index_cast %add3A_839 : i32 to index
        %swap3A_843 = arith.constant 0 : index
        %swap3A_844 = tpu.vector_load %arg10[%swap3A_841, %swap3A_842, %swap3A_843] {strides = array<i32>} : memref<2x200x64xf32, #tpu.memory_space<vmem>>, vector<1x1x16xf32>,
        %swap3A_845 = vector.shape_cast %swap3A_844 : vector<1x1x16xf32> to vector<16xf32>
        %swap3A_846 = vector.shape_cast %mul3A_837 : vector<16xf32> to vector<1x1x16xf32>
        tpu.vector_store %arg10[%swap3A_841, %swap3A_842, %swap3A_843], %swap3A_846 {strides = array<i32>} : memref<2x200x64xf32, #tpu.memory_space<vmem>>, vector<1x1x16xf32>,
        %add3A_847 = arith.constant 2 : i32
        %add3A_848 = arith.addi %mul3A_428, %add3A_847 : i32
        %get3A_849 = arith.constant 1 : i32
        %get3A_850 = arith.index_cast %get3A_849 : i32 to index
        %get3A_851 = arith.index_cast %add3A_848 : i32 to index
        %get3A_852 = arith.constant 16 : index
        %get3A_853 = tpu.vector_load %arg10[%get3A_850, %get3A_851, %get3A_852] {strides = array<i32>} : memref<2x200x64xf32, #tpu.memory_space<vmem>>, vector<1x1x16xf32>,
        %get3A_854 = vector.shape_cast %get3A_853 : vector<1x1x16xf32> to vector<16xf32>
        %mul3A_855 = arith.constant 8.000000e+00 : f32
        %mul3A_856 = vector.broadcast %mul3A_855 : f32 to vector<16xf32>
        %mul3A_857 = arith.mulf %get3A_854, %mul3A_856 : vector<16xf32>
        %add3A_858 = arith.constant 2 : i32
        %add3A_859 = arith.addi %mul3A_428, %add3A_858 : i32
        %swap3A_860 = arith.constant 1 : i32
        %swap3A_861 = arith.index_cast %swap3A_860 : i32 to index
        %swap3A_862 = arith.index_cast %add3A_859 : i32 to index
        %swap3A_863 = arith.constant 16 : index
        %swap3A_864 = tpu.vector_load %arg10[%swap3A_861, %swap3A_862, %swap3A_863] {strides = array<i32>} : memref<2x200x64xf32, #tpu.memory_space<vmem>>, vector<1x1x16xf32>,
        %swap3A_865 = vector.shape_cast %swap3A_864 : vector<1x1x16xf32> to vector<16xf32>
        %swap3A_866 = vector.shape_cast %mul3A_857 : vector<16xf32> to vector<1x1x16xf32>
        tpu.vector_store %arg10[%swap3A_861, %swap3A_862, %swap3A_863], %swap3A_866 {strides = array<i32>} : memref<2x200x64xf32, #tpu.memory_space<vmem>>, vector<1x1x16xf32>,
        %add3A_867 = arith.constant 2 : i32
        %add3A_868 = arith.addi %mul3A_428, %add3A_867 : i32
        %get3A_869 = arith.constant 1 : i32
        %get3A_870 = arith.index_cast %get3A_869 : i32 to index
        %get3A_871 = arith.index_cast %add3A_868 : i32 to index
        %get3A_872 = arith.constant 32 : index
        %get3A_873 = tpu.vector_load %arg10[%get3A_870, %get3A_871, %get3A_872] {strides = array<i32>} : memref<2x200x64xf32, #tpu.memory_space<vmem>>, vector<1x1x16xf32>,
        %get3A_874 = vector.shape_cast %get3A_873 : vector<1x1x16xf32> to vector<16xf32>
        %mul3A_875 = arith.constant 8.000000e+00 : f32
        %mul3A_876 = vector.broadcast %mul3A_875 : f32 to vector<16xf32>
        %mul3A_877 = arith.mulf %get3A_874, %mul3A_876 : vector<16xf32>
        %add3A_878 = arith.constant 2 : i32
        %add3A_879 = arith.addi %mul3A_428, %add3A_878 : i32
        %swap3A_880 = arith.constant 1 : i32
        %swap3A_881 = arith.index_cast %swap3A_880 : i32 to index
        %swap3A_882 = arith.index_cast %add3A_879 : i32 to index
        %swap3A_883 = arith.constant 32 : index
        %swap3A_884 = tpu.vector_load %arg10[%swap3A_881, %swap3A_882, %swap3A_883] {strides = array<i32>} : memref<2x200x64xf32, #tpu.memory_space<vmem>>, vector<1x1x16xf32>,
        %swap3A_885 = vector.shape_cast %swap3A_884 : vector<1x1x16xf32> to vector<16xf32>
        %swap3A_886 = vector.shape_cast %mul3A_877 : vector<16xf32> to vector<1x1x16xf32>
        tpu.vector_store %arg10[%swap3A_881, %swap3A_882, %swap3A_883], %swap3A_886 {strides = array<i32>} : memref<2x200x64xf32, #tpu.memory_space<vmem>>, vector<1x1x16xf32>,
        %add3A_887 = arith.constant 2 : i32
        %add3A_888 = arith.addi %mul3A_428, %add3A_887 : i32
        %get3A_889 = arith.constant 1 : i32
        %get3A_890 = arith.index_cast %get3A_889 : i32 to index
        %get3A_891 = arith.index_cast %add3A_888 : i32 to index
        %get3A_892 = arith.constant 48 : index
        %get3A_893 = tpu.vector_load %arg10[%get3A_890, %get3A_891, %get3A_892] {strides = array<i32>} : memref<2x200x64xf32, #tpu.memory_space<vmem>>, vector<1x1x16xf32>,
        %get3A_894 = vector.shape_cast %get3A_893 : vector<1x1x16xf32> to vector<16xf32>
        %mul3A_895 = arith.constant 8.000000e+00 : f32
        %mul3A_896 = vector.broadcast %mul3A_895 : f32 to vector<16xf32>
        %mul3A_897 = arith.mulf %get3A_894, %mul3A_896 : vector<16xf32>
        %add3A_898 = arith.constant 2 : i32
        %add3A_899 = arith.addi %mul3A_428, %add3A_898 : i32
        %swap3A_900 = arith.constant 1 : i32
        %swap3A_901 = arith.index_cast %swap3A_900 : i32 to index
        %swap3A_902 = arith.index_cast %add3A_899 : i32 to index
        %swap3A_903 = arith.constant 48 : index
        %swap3A_904 = tpu.vector_load %arg10[%swap3A_901, %swap3A_902, %swap3A_903] {strides = array<i32>} : memref<2x200x64xf32, #tpu.memory_space<vmem>>, vector<1x1x16xf32>,
        %swap3A_905 = vector.shape_cast %swap3A_904 : vector<1x1x16xf32> to vector<16xf32>
        %swap3A_906 = vector.shape_cast %mul3A_897 : vector<16xf32> to vector<1x1x16xf32>
        tpu.vector_store %arg10[%swap3A_901, %swap3A_902, %swap3A_903], %swap3A_906 {strides = array<i32>} : memref<2x200x64xf32, #tpu.memory_space<vmem>>, vector<1x1x16xf32>,
        %add3A_907 = arith.constant 3 : i32
        %add3A_908 = arith.addi %mul3A_428, %add3A_907 : i32
        %get3A_909 = arith.constant 0 : i32
        %get3A_910 = arith.index_cast %get3A_909 : i32 to index
        %get3A_911 = arith.index_cast %add3A_908 : i32 to index
        %get3A_912 = arith.constant 0 : index
        %get3A_913 = tpu.vector_load %arg10[%get3A_910, %get3A_911, %get3A_912] {strides = array<i32>} : memref<2x200x64xf32, #tpu.memory_space<vmem>>, vector<1x1x16xf32>,
        %get3A_914 = vector.shape_cast %get3A_913 : vector<1x1x16xf32> to vector<16xf32>
        %mul3A_915 = arith.constant 8.000000e+00 : f32
        %mul3A_916 = vector.broadcast %mul3A_915 : f32 to vector<16xf32>
        %mul3A_917 = arith.mulf %get3A_914, %mul3A_916 : vector<16xf32>
        %add3A_918 = arith.constant 3 : i32
        %add3A_919 = arith.addi %mul3A_428, %add3A_918 : i32
        %swap3A_920 = arith.constant 0 : i32
        %swap3A_921 = arith.index_cast %swap3A_920 : i32 to index
        %swap3A_922 = arith.index_cast %add3A_919 : i32 to index
        %swap3A_923 = arith.constant 0 : index
        %swap3A_924 = tpu.vector_load %arg10[%swap3A_921, %swap3A_922, %swap3A_923] {strides = array<i32>} : memref<2x200x64xf32, #tpu.memory_space<vmem>>, vector<1x1x16xf32>,
        %swap3A_925 = vector.shape_cast %swap3A_924 : vector<1x1x16xf32> to vector<16xf32>
        %swap3A_926 = vector.shape_cast %mul3A_917 : vector<16xf32> to vector<1x1x16xf32>
        tpu.vector_store %arg10[%swap3A_921, %swap3A_922, %swap3A_923], %swap3A_926 {strides = array<i32>} : memref<2x200x64xf32, #tpu.memory_space<vmem>>, vector<1x1x16xf32>,
        %add3A_927 = arith.constant 3 : i32
        %add3A_928 = arith.addi %mul3A_428, %add3A_927 : i32
        %get3A_929 = arith.constant 0 : i32
        %get3A_930 = arith.index_cast %get3A_929 : i32 to index
        %get3A_931 = arith.index_cast %add3A_928 : i32 to index
        %get3A_932 = arith.constant 16 : index
        %get3A_933 = tpu.vector_load %arg10[%get3A_930, %get3A_931, %get3A_932] {strides = array<i32>} : memref<2x200x64xf32, #tpu.memory_space<vmem>>, vector<1x1x16xf32>,
        %get3A_934 = vector.shape_cast %get3A_933 : vector<1x1x16xf32> to vector<16xf32>
        %mul3A_935 = arith.constant 8.000000e+00 : f32
        %mul3A_936 = vector.broadcast %mul3A_935 : f32 to vector<16xf32>
        %mul3A_937 = arith.mulf %get3A_934, %mul3A_936 : vector<16xf32>
        %add3A_938 = arith.constant 3 : i32
        %add3A_939 = arith.addi %mul3A_428, %add3A_938 : i32
        %swap3A_940 = arith.constant 0 : i32
        %swap3A_941 = arith.index_cast %swap3A_940 : i32 to index
        %swap3A_942 = arith.index_cast %add3A_939 : i32 to index
        %swap3A_943 = arith.constant 16 : index
        %swap3A_944 = tpu.vector_load %arg10[%swap3A_941, %swap3A_942, %swap3A_943] {strides = array<i32>} : memref<2x200x64xf32, #tpu.memory_space<vmem>>, vector<1x1x16xf32>,
        %swap3A_945 = vector.shape_cast %swap3A_944 : vector<1x1x16xf32> to vector<16xf32>
        %swap3A_946 = vector.shape_cast %mul3A_937 : vector<16xf32> to vector<1x1x16xf32>
        tpu.vector_store %arg10[%swap3A_941, %swap3A_942, %swap3A_943], %swap3A_946 {strides = array<i32>} : memref<2x200x64xf32, #tpu.memory_space<vmem>>, vector<1x1x16xf32>,
        %add3A_947 = arith.constant 3 : i32
        %add3A_948 = arith.addi %mul3A_428, %add3A_947 : i32
        %get3A_949 = arith.constant 0 : i32
        %get3A_950 = arith.index_cast %get3A_949 : i32 to index
        %get3A_951 = arith.index_cast %add3A_948 : i32 to index
        %get3A_952 = arith.constant 32 : index
        %get3A_953 = tpu.vector_load %arg10[%get3A_950, %get3A_951, %get3A_952] {strides = array<i32>} : memref<2x200x64xf32, #tpu.memory_space<vmem>>, vector<1x1x16xf32>,
        %get3A_954 = vector.shape_cast %get3A_953 : vector<1x1x16xf32> to vector<16xf32>
        %mul3A_955 = arith.constant 8.000000e+00 : f32
        %mul3A_956 = vector.broadcast %mul3A_955 : f32 to vector<16xf32>
        %mul3A_957 = arith.mulf %get3A_954, %mul3A_956 : vector<16xf32>
        %add3A_958 = arith.constant 3 : i32
        %add3A_959 = arith.addi %mul3A_428, %add3A_958 : i32
        %swap3A_960 = arith.constant 0 : i32
        %swap3A_961 = arith.index_cast %swap3A_960 : i32 to index
        %swap3A_962 = arith.index_cast %add3A_959 : i32 to index
        %swap3A_963 = arith.constant 32 : index
        %swap3A_964 = tpu.vector_load %arg10[%swap3A_961, %swap3A_962, %swap3A_963] {strides = array<i32>} : memref<2x200x64xf32, #tpu.memory_space<vmem>>, vector<1x1x16xf32>,
        %swap3A_965 = vector.shape_cast %swap3A_964 : vector<1x1x16xf32> to vector<16xf32>
        %swap3A_966 = vector.shape_cast %mul3A_957 : vector<16xf32> to vector<1x1x16xf32>
        tpu.vector_store %arg10[%swap3A_961, %swap3A_962, %swap3A_963], %swap3A_966 {strides = array<i32>} : memref<2x200x64xf32, #tpu.memory_space<vmem>>, vector<1x1x16xf32>,
        %add3A_967 = arith.constant 3 : i32
        %add3A_968 = arith.addi %mul3A_428, %add3A_967 : i32
        %get3A_969 = arith.constant 0 : i32
        %get3A_970 = arith.index_cast %get3A_969 : i32 to index
        %get3A_971 = arith.index_cast %add3A_968 : i32 to index
        %get3A_972 = arith.constant 48 : index
        %get3A_973 = tpu.vector_load %arg10[%get3A_970, %get3A_971, %get3A_972] {strides = array<i32>} : memref<2x200x64xf32, #tpu.memory_space<vmem>>, vector<1x1x16xf32>,
        %get3A_974 = vector.shape_cast %get3A_973 : vector<1x1x16xf32> to vector<16xf32>
        %mul3A_975 = arith.constant 8.000000e+00 : f32
        %mul3A_976 = vector.broadcast %mul3A_975 : f32 to vector<16xf32>
        %mul3A_977 = arith.mulf %get3A_974, %mul3A_976 : vector<16xf32>
        %add3A_978 = arith.constant 3 : i32
        %add3A_979 = arith.addi %mul3A_428, %add3A_978 : i32
        %swap3A_980 = arith.constant 0 : i32
        %swap3A_981 = arith.index_cast %swap3A_980 : i32 to index
        %swap3A_982 = arith.index_cast %add3A_979 : i32 to index
        %swap3A_983 = arith.constant 48 : index
        %swap3A_984 = tpu.vector_load %arg10[%swap3A_981, %swap3A_982, %swap3A_983] {strides = array<i32>} : memref<2x200x64xf32, #tpu.memory_space<vmem>>, vector<1x1x16xf32>,
        %swap3A_985 = vector.shape_cast %swap3A_984 : vector<1x1x16xf32> to vector<16xf32>
        %swap3A_986 = vector.shape_cast %mul3A_977 : vector<16xf32> to vector<1x1x16xf32>
        tpu.vector_store %arg10[%swap3A_981, %swap3A_982, %swap3A_983], %swap3A_986 {strides = array<i32>} : memref<2x200x64xf32, #tpu.memory_space<vmem>>, vector<1x1x16xf32>,
        %add3A_987 = arith.constant 3 : i32
        %add3A_988 = arith.addi %mul3A_428, %add3A_987 : i32
        %get3A_989 = arith.constant 1 : i32
        %get3A_990 = arith.index_cast %get3A_989 : i32 to index
        %get3A_991 = arith.index_cast %add3A_988 : i32 to index
        %get3A_992 = arith.constant 0 : index
        %get3A_993 = tpu.vector_load %arg10[%get3A_990, %get3A_991, %get3A_992] {strides = array<i32>} : memref<2x200x64xf32, #tpu.memory_space<vmem>>, vector<1x1x16xf32>,
        %get3A_994 = vector.shape_cast %get3A_993 : vector<1x1x16xf32> to vector<16xf32>
        %mul3A_995 = arith.constant 8.000000e+00 : f32
        %mul3A_996 = vector.broadcast %mul3A_995 : f32 to vector<16xf32>
        %mul3A_997 = arith.mulf %get3A_994, %mul3A_996 : vector<16xf32>
        %add3A_998 = arith.constant 3 : i32
        %add3A_999 = arith.addi %mul3A_428, %add3A_998 : i32
        %swap3A_1000 = arith.constant 1 : i32
        %swap3A_1001 = arith.index_cast %swap3A_1000 : i32 to index
        %swap3A_1002 = arith.index_cast %add3A_999 : i32 to index
        %swap3A_1003 = arith.constant 0 : index
        %swap3A_1004 = tpu.vector_load %arg10[%swap3A_1001, %swap3A_1002, %swap3A_1003] {strides = array<i32>} : memref<2x200x64xf32, #tpu.memory_space<vmem>>, vector<1x1x16xf32>,
        %swap3A_1005 = vector.shape_cast %swap3A_1004 : vector<1x1x16xf32> to vector<16xf32>
        %swap3A_1006 = vector.shape_cast %mul3A_997 : vector<16xf32> to vector<1x1x16xf32>
        tpu.vector_store %arg10[%swap3A_1001, %swap3A_1002, %swap3A_1003], %swap3A_1006 {strides = array<i32>} : memref<2x200x64xf32, #tpu.memory_space<vmem>>, vector<1x1x16xf32>,
        %add3A_1007 = arith.constant 3 : i32
        %add3A_1008 = arith.addi %mul3A_428, %add3A_1007 : i32
        %get3A_1009 = arith.constant 1 : i32
        %get3A_1010 = arith.index_cast %get3A_1009 : i32 to index
        %get3A_1011 = arith.index_cast %add3A_1008 : i32 to index
        %get3A_1012 = arith.constant 16 : index
        %get3A_1013 = tpu.vector_load %arg10[%get3A_1010, %get3A_1011, %get3A_1012] {strides = array<i32>} : memref<2x200x64xf32, #tpu.memory_space<vmem>>, vector<1x1x16xf32>,
        %get3A_1014 = vector.shape_cast %get3A_1013 : vector<1x1x16xf32> to vector<16xf32>
        %mul3A_1015 = arith.constant 8.000000e+00 : f32
        %mul3A_1016 = vector.broadcast %mul3A_1015 : f32 to vector<16xf32>
        %mul3A_1017 = arith.mulf %get3A_1014, %mul3A_1016 : vector<16xf32>
        %add3A_1018 = arith.constant 3 : i32
        %add3A_1019 = arith.addi %mul3A_428, %add3A_1018 : i32
        %swap3A_1020 = arith.constant 1 : i32
        %swap3A_1021 = arith.index_cast %swap3A_1020 : i32 to index
        %swap3A_1022 = arith.index_cast %add3A_1019 : i32 to index
        %swap3A_1023 = arith.constant 16 : index
        %swap3A_1024 = tpu.vector_load %arg10[%swap3A_1021, %swap3A_1022, %swap3A_1023] {strides = array<i32>} : memref<2x200x64xf32, #tpu.memory_space<vmem>>, vector<1x1x16xf32>,
        %swap3A_1025 = vector.shape_cast %swap3A_1024 : vector<1x1x16xf32> to vector<16xf32>
        %swap3A_1026 = vector.shape_cast %mul3A_1017 : vector<16xf32> to vector<1x1x16xf32>
        tpu.vector_store %arg10[%swap3A_1021, %swap3A_1022, %swap3A_1023], %swap3A_1026 {strides = array<i32>} : memref<2x200x64xf32, #tpu.memory_space<vmem>>, vector<1x1x16xf32>,
        %add3A_1027 = arith.constant 3 : i32
        %add3A_1028 = arith.addi %mul3A_428, %add3A_1027 : i32
        %get3A_1029 = arith.constant 1 : i32
        %get3A_1030 = arith.index_cast %get3A_1029 : i32 to index
        %get3A_1031 = arith.index_cast %add3A_1028 : i32 to index
        %get3A_1032 = arith.constant 32 : index
        %get3A_1033 = tpu.vector_load %arg10[%get3A_1030, %get3A_1031, %get3A_1032] {strides = array<i32>} : memref<2x200x64xf32, #tpu.memory_space<vmem>>, vector<1x1x16xf32>,
        %get3A_1034 = vector.shape_cast %get3A_1033 : vector<1x1x16xf32> to vector<16xf32>
        %mul3A_1035 = arith.constant 8.000000e+00 : f32
        %mul3A_1036 = vector.broadcast %mul3A_1035 : f32 to vector<16xf32>
        %mul3A_1037 = arith.mulf %get3A_1034, %mul3A_1036 : vector<16xf32>
        %add3A_1038 = arith.constant 3 : i32
        %add3A_1039 = arith.addi %mul3A_428, %add3A_1038 : i32
        %swap3A_1040 = arith.constant 1 : i32
        %swap3A_1041 = arith.index_cast %swap3A_1040 : i32 to index
        %swap3A_1042 = arith.index_cast %add3A_1039 : i32 to index
        %swap3A_1043 = arith.constant 32 : index
        %swap3A_1044 = tpu.vector_load %arg10[%swap3A_1041, %swap3A_1042, %swap3A_1043] {strides = array<i32>} : memref<2x200x64xf32, #tpu.memory_space<vmem>>, vector<1x1x16xf32>,
        %swap3A_1045 = vector.shape_cast %swap3A_1044 : vector<1x1x16xf32> to vector<16xf32>
        %swap3A_1046 = vector.shape_cast %mul3A_1037 : vector<16xf32> to vector<1x1x16xf32>
        tpu.vector_store %arg10[%swap3A_1041, %swap3A_1042, %swap3A_1043], %swap3A_1046 {strides = array<i32>} : memref<2x200x64xf32, #tpu.memory_space<vmem>>, vector<1x1x16xf32>,
        %add3A_1047 = arith.constant 3 : i32
        %add3A_1048 = arith.addi %mul3A_428, %add3A_1047 : i32
        %get3A_1049 = arith.constant 1 : i32
        %get3A_1050 = arith.index_cast %get3A_1049 : i32 to index
        %get3A_1051 = arith.index_cast %add3A_1048 : i32 to index
        %get3A_1052 = arith.constant 48 : index
        %get3A_1053 = tpu.vector_load %arg10[%get3A_1050, %get3A_1051, %get3A_1052] {strides = array<i32>} : memref<2x200x64xf32, #tpu.memory_space<vmem>>, vector<1x1x16xf32>,
        %get3A_1054 = vector.shape_cast %get3A_1053 : vector<1x1x16xf32> to vector<16xf32>
        %mul3A_1055 = arith.constant 8.000000e+00 : f32
        %mul3A_1056 = vector.broadcast %mul3A_1055 : f32 to vector<16xf32>
        %mul3A_1057 = arith.mulf %get3A_1054, %mul3A_1056 : vector<16xf32>
        %add3A_1058 = arith.constant 3 : i32
        %add3A_1059 = arith.addi %mul3A_428, %add3A_1058 : i32
        %swap3A_1060 = arith.constant 1 : i32
        %swap3A_1061 = arith.index_cast %swap3A_1060 : i32 to index
        %swap3A_1062 = arith.index_cast %add3A_1059 : i32 to index
        %swap3A_1063 = arith.constant 48 : index
        %swap3A_1064 = tpu.vector_load %arg10[%swap3A_1061, %swap3A_1062, %swap3A_1063] {strides = array<i32>} : memref<2x200x64xf32, #tpu.memory_space<vmem>>, vector<1x1x16xf32>,
        %swap3A_1065 = vector.shape_cast %swap3A_1064 : vector<1x1x16xf32> to vector<16xf32>
        %swap3A_1066 = vector.shape_cast %mul3A_1057 : vector<16xf32> to vector<1x1x16xf32>
        tpu.vector_store %arg10[%swap3A_1061, %swap3A_1062, %swap3A_1063], %swap3A_1066 {strides = array<i32>} : memref<2x200x64xf32, #tpu.memory_space<vmem>>, vector<1x1x16xf32>,
        %scan3A_1067 = arith.constant 0 : i32
        scf.yield %scan3A_1067 : i32
      }
      %scan3A_407 = arith.constant 50 : i32
      %mul3A_408 = arith.constant 2 : i32
      %mul3A_409 = arith.muli %add3A_333, %mul3A_408 : i32
      %add3A_410 = arith.addi %mul3A_2, %mul3A_409 : i32
      %dma_start3A_411 = arith.constant 0 : i32
      %dma_start3A_412 = arith.constant 0 : i32
      %dma_start3A_413 = tpu.memref_slice %arg4[%add3A_410, %dma_start3A_411, %dma_start3A_412] : memref<16384x200x128xf32, #tpu.memory_space<hbm>> -> memref<2x200x64xf32, #tpu.memory_space<hbm>>
      %dma_start3A_414 = arith.constant 0 : i32
      %dma_start3A_415 = arith.constant 0 : i32
      %dma_start3A_416 = tpu.memref_slice %arg4[%add3A_410, %dma_start3A_414, %dma_start3A_415] : memref<16384x200x128xf32, #tpu.memory_space<hbm>> -> memref<2x200x64xf32, #tpu.memory_space<hbm>>
      tpu.enqueue_dma source(%arg10 : memref<2x200x64xf32, #tpu.memory_space<vmem>>) target(%dma_start3A_416 : memref<2x200x64xf32, #tpu.memory_space<hbm>>) target_semaphore(%arg12 : memref<!tpu.dma_semaphore, #tpu.memory_space<semaphore_mem>>)
      %add3A_417 = arith.constant 2 : i32
      %add3A_418 = arith.addi %add3A_333, %add3A_417 : i32
      %lt3A_419 = arith.constant 256 : i32
      %lt3A_420 = arith.cmpi slt, %add3A_418, %lt3A_419 : i32
      %convert_element_type3A_421 = arith.extui %lt3A_420 : i1 to i32
      %cond3A_422 = arith.constant 0 : i32
      %cond3A_423 = arith.cmpi ne, %convert_element_type3A_421, %cond3A_422 : i32
      scf.if %cond3A_423 {
        %add3A_425 = arith.constant 2 : i32
        %add3A_426 = arith.addi %add3A_333, %add3A_425 : i32
        %mul3A_427 = arith.constant 2 : i32
        %mul3A_428 = arith.muli %add3A_426, %mul3A_427 : i32
        %add3A_429 = arith.addi %mul3A_2, %mul3A_428 : i32
        %dma_start3A_430 = arith.constant 0 : i32
        %dma_start3A_431 = tpu.memref_slice %arg3[%add3A_429, %dma_start3A_430] : memref<16384x200xi32, #tpu.memory_space<hbm>> -> memref<2x200xi32, #tpu.memory_space<hbm>>
        %dma_start3A_432 = arith.constant 0 : i32
        %dma_start3A_433 = tpu.memref_slice %arg3[%add3A_429, %dma_start3A_432] : memref<16384x200xi32, #tpu.memory_space<hbm>> -> memref<2x200xi32, #tpu.memory_space<hbm>>
        tpu.enqueue_dma source(%dma_start3A_433 : memref<2x200xi32, #tpu.memory_space<hbm>>) target(%arg6 : memref<2x200xi32, #tpu.memory_space<vmem>>) target_semaphore(%arg13 : memref<!tpu.dma_semaphore, #tpu.memory_space<semaphore_mem>>)
      } else {
      }
      %scan3A_424 = arith.constant 0 : i32
      scf.yield %scan3A_424 : i32
    }
    %scan3A_63 = arith.constant 85 : i32
    %add3A_64 = arith.constant 506 : i32
    %add3A_65 = arith.addi %mul3A_2, %add3A_64 : i32
    %dma_wait3A = arith.constant 0 : i32
    %dma_wait3A_66 = arith.constant 0 : i32
    %dma_wait3A_67 = tpu.memref_slice %arg4[%add3A_65, %dma_wait3A, %dma_wait3A_66] : memref<16384x200x128xf32, #tpu.memory_space<hbm>> -> memref<2x200x64xf32, #tpu.memory_space<hbm>>
    %dma_wait3A_68 = arith.constant 0 : i32
    %dma_wait3A_69 = arith.constant 0 : i32
    %dma_wait3A_70 = tpu.memref_slice %arg4[%add3A_65, %dma_wait3A_68, %dma_wait3A_69] : memref<16384x200x128xf32, #tpu.memory_space<hbm>> -> memref<2x200x64xf32, #tpu.memory_space<hbm>>
    tpu.wait_dma2 semaphore(%arg12 : memref<!tpu.dma_semaphore, #tpu.memory_space<semaphore_mem>>) src(%arg9 : memref<2x200x64xf32, #tpu.memory_space<vmem>>) dst(%dma_wait3A_70 : memref<2x200x64xf32, #tpu.memory_space<hbm>>)
    %dma_wait3A_71 = arith.constant 0 : i32
    %dma_wait3A_72 = arith.constant 0 : i32
    %dma_wait3A_73 = arith.constant 0 : i32
    %dma_wait3A_74 = arith.constant 0 : i32
    %dma_wait3A_75 = tpu.memref_slice %arg8[%dma_wait3A_72, %dma_wait3A_73, %dma_wait3A_74] : memref<2x200x64xf32, #tpu.memory_space<vmem>> -> memref<1x128x64xf32, #tpu.memory_space<vmem>>
    %dma_wait3A_76 = tpu.memref_squeeze %dma_wait3A_75 : memref<1x128x64xf32, #tpu.memory_space<vmem>> -> memref<128x64xf32, #tpu.memory_space<vmem>>
    %dma_wait3A_77 = arith.constant 0 : i32
    %dma_wait3A_78 = tpu.memref_slice %arg5[%dma_wait3A_71, %dma_wait3A_77] : memref<2x200xi32, #tpu.memory_space<vmem>> -> memref<1x128xi32, #tpu.memory_space<vmem>>
    %dma_wait3A_79 = tpu.memref_squeeze %dma_wait3A_78 : memref<1x128xi32, #tpu.memory_space<vmem>> -> memref<128xi32, #tpu.memory_space<vmem>>
    %dma_wait3A_80 = arith.constant 0 : i32
    %dma_wait3A_81 = arith.constant 0 : i32
    %dma_wait3A_82 = tpu.memref_slice %arg2[%dma_wait3A_80, %dma_wait3A_81] : memref<2000000x64xf32, #tpu.memory_space<hbm>> -> memref<2000000x64xf32, #tpu.memory_space<hbm>>
    tpu.wait_indirect_dma semaphore(%arg11 : memref<!tpu.dma_semaphore, #tpu.memory_space<semaphore_mem>>) src(%dma_wait3A_82 : memref<2000000x64xf32, #tpu.memory_space<hbm>>) dst(%dma_wait3A_76 : memref<128x64xf32, #tpu.memory_space<vmem>>)
    %dma_wait3A_83 = arith.constant 0 : i32
    %dma_wait3A_84 = arith.constant 0 : i32
    %dma_wait3A_85 = arith.constant 128 : i32
    %dma_wait3A_86 = arith.constant 0 : i32
    %dma_wait3A_87 = tpu.memref_slice %arg8[%dma_wait3A_84, %dma_wait3A_85, %dma_wait3A_86] : memref<2x200x64xf32, #tpu.memory_space<vmem>> -> memref<1x72x64xf32, #tpu.memory_space<vmem>>
    %dma_wait3A_88 = tpu.memref_squeeze %dma_wait3A_87 : memref<1x72x64xf32, #tpu.memory_space<vmem>> -> memref<72x64xf32, #tpu.memory_space<vmem>>
    %dma_wait3A_89 = arith.constant 128 : i32
    %dma_wait3A_90 = tpu.memref_slice %arg5[%dma_wait3A_83, %dma_wait3A_89] : memref<2x200xi32, #tpu.memory_space<vmem>> -> memref<1x72xi32, #tpu.memory_space<vmem>>
    %dma_wait3A_91 = tpu.memref_squeeze %dma_wait3A_90 : memref<1x72xi32, #tpu.memory_space<vmem>> -> memref<72xi32, #tpu.memory_space<vmem>>
    %dma_wait3A_92 = arith.constant 0 : i32
    %dma_wait3A_93 = arith.constant 0 : i32
    %dma_wait3A_94 = tpu.memref_slice %arg2[%dma_wait3A_92, %dma_wait3A_93] : memref<2000000x64xf32, #tpu.memory_space<hbm>> -> memref<2000000x64xf32, #tpu.memory_space<hbm>>
    tpu.wait_indirect_dma semaphore(%arg11 : memref<!tpu.dma_semaphore, #tpu.memory_space<semaphore_mem>>) src(%dma_wait3A_94 : memref<2000000x64xf32, #tpu.memory_space<hbm>>) dst(%dma_wait3A_88 : memref<72x64xf32, #tpu.memory_space<vmem>>)
    %dma_wait3A_95 = arith.constant 1 : i32
    %dma_wait3A_96 = arith.constant 1 : i32
    %dma_wait3A_97 = arith.constant 0 : i32
    %dma_wait3A_98 = arith.constant 0 : i32
    %dma_wait3A_99 = tpu.memref_slice %arg8[%dma_wait3A_96, %dma_wait3A_97, %dma_wait3A_98] : memref<2x200x64xf32, #tpu.memory_space<vmem>> -> memref<1x128x64xf32, #tpu.memory_space<vmem>>
    %dma_wait3A_100 = tpu.memref_squeeze %dma_wait3A_99 : memref<1x128x64xf32, #tpu.memory_space<vmem>> -> memref<128x64xf32, #tpu.memory_space<vmem>>
    %dma_wait3A_101 = arith.constant 0 : i32
    %dma_wait3A_102 = tpu.memref_slice %arg5[%dma_wait3A_95, %dma_wait3A_101] : memref<2x200xi32, #tpu.memory_space<vmem>> -> memref<1x128xi32, #tpu.memory_space<vmem>>
    %dma_wait3A_103 = tpu.memref_squeeze %dma_wait3A_102 : memref<1x128xi32, #tpu.memory_space<vmem>> -> memref<128xi32, #tpu.memory_space<vmem>>
    %dma_wait3A_104 = arith.constant 0 : i32
    %dma_wait3A_105 = arith.constant 0 : i32
    %dma_wait3A_106 = tpu.memref_slice %arg2[%dma_wait3A_104, %dma_wait3A_105] : memref<2000000x64xf32, #tpu.memory_space<hbm>> -> memref<2000000x64xf32, #tpu.memory_space<hbm>>
    tpu.wait_indirect_dma semaphore(%arg11 : memref<!tpu.dma_semaphore, #tpu.memory_space<semaphore_mem>>) src(%dma_wait3A_106 : memref<2000000x64xf32, #tpu.memory_space<hbm>>) dst(%dma_wait3A_100 : memref<128x64xf32, #tpu.memory_space<vmem>>)
    %dma_wait3A_107 = arith.constant 1 : i32
    %dma_wait3A_108 = arith.constant 1 : i32
    %dma_wait3A_109 = arith.constant 128 : i32
    %dma_wait3A_110 = arith.constant 0 : i32
    %dma_wait3A_111 = tpu.memref_slice %arg8[%dma_wait3A_108, %dma_wait3A_109, %dma_wait3A_110] : memref<2x200x64xf32, #tpu.memory_space<vmem>> -> memref<1x72x64xf32, #tpu.memory_space<vmem>>
    %dma_wait3A_112 = tpu.memref_squeeze %dma_wait3A_111 : memref<1x72x64xf32, #tpu.memory_space<vmem>> -> memref<72x64xf32, #tpu.memory_space<vmem>>
    %dma_wait3A_113 = arith.constant 128 : i32
    %dma_wait3A_114 = tpu.memref_slice %arg5[%dma_wait3A_107, %dma_wait3A_113] : memref<2x200xi32, #tpu.memory_space<vmem>> -> memref<1x72xi32, #tpu.memory_space<vmem>>
    %dma_wait3A_115 = tpu.memref_squeeze %dma_wait3A_114 : memref<1x72xi32, #tpu.memory_space<vmem>> -> memref<72xi32, #tpu.memory_space<vmem>>
    %dma_wait3A_116 = arith.constant 0 : i32
    %dma_wait3A_117 = arith.constant 0 : i32
    %dma_wait3A_118 = tpu.memref_slice %arg2[%dma_wait3A_116, %dma_wait3A_117] : memref<2000000x64xf32, #tpu.memory_space<hbm>> -> memref<2000000x64xf32, #tpu.memory_space<hbm>>
    tpu.wait_indirect_dma semaphore(%arg11 : memref<!tpu.dma_semaphore, #tpu.memory_space<semaphore_mem>>) src(%dma_wait3A_118 : memref<2000000x64xf32, #tpu.memory_space<hbm>>) dst(%dma_wait3A_112 : memref<72x64xf32, #tpu.memory_space<vmem>>)
    %scan3A_119 = arith.constant 0 : i32
    %scan3A_120 = arith.constant 0 : i32
    %scan3A_121 = arith.constant 50 : i32
    %scan3A_122 = arith.addi %scan3A_120, %scan3A_121 : i32
    %scan3A_123 = arith.constant 1 : i32
    %scan3A_124 = scf.for %scan3A_150 = %scan3A_120 to %scan3A_122 step %scan3A_123 iter_args(%scan3A_151 = %scan3A_119) -> (i32)  : i32 {
      %mul3A_152 = arith.constant 4 : i32
      %mul3A_153 = arith.muli %scan3A_150, %mul3A_152 : i32
      %add3A_154 = arith.constant 0 : i32
      %add3A_155 = arith.addi %mul3A_153, %add3A_154 : i32
      %get3A = arith.constant 0 : i32
      %get3A_156 = arith.index_cast %get3A : i32 to index
      %get3A_157 = arith.index_cast %add3A_155 : i32 to index
      %get3A_158 = arith.constant 0 : index
      %get3A_159 = tpu.vector_load %arg8[%get3A_156, %get3A_157, %get3A_158] {strides = array<i32>} : memref<2x200x64xf32, #tpu.memory_space<vmem>>, vector<1x1x16xf32>,
      %get3A_160 = vector.shape_cast %get3A_159 : vector<1x1x16xf32> to vector<16xf32>
      %mul3A_161 = arith.constant 8.000000e+00 : f32
      %mul3A_162 = vector.broadcast %mul3A_161 : f32 to vector<16xf32>
      %mul3A_163 = arith.mulf %get3A_160, %mul3A_162 : vector<16xf32>
      %add3A_164 = arith.constant 0 : i32
      %add3A_165 = arith.addi %mul3A_153, %add3A_164 : i32
      %swap3A = arith.constant 0 : i32
      %swap3A_166 = arith.index_cast %swap3A : i32 to index
      %swap3A_167 = arith.index_cast %add3A_165 : i32 to index
      %swap3A_168 = arith.constant 0 : index
      %swap3A_169 = tpu.vector_load %arg8[%swap3A_166, %swap3A_167, %swap3A_168] {strides = array<i32>} : memref<2x200x64xf32, #tpu.memory_space<vmem>>, vector<1x1x16xf32>,
      %swap3A_170 = vector.shape_cast %swap3A_169 : vector<1x1x16xf32> to vector<16xf32>
      %swap3A_171 = vector.shape_cast %mul3A_163 : vector<16xf32> to vector<1x1x16xf32>
      tpu.vector_store %arg8[%swap3A_166, %swap3A_167, %swap3A_168], %swap3A_171 {strides = array<i32>} : memref<2x200x64xf32, #tpu.memory_space<vmem>>, vector<1x1x16xf32>,
      %add3A_172 = arith.constant 0 : i32
      %add3A_173 = arith.addi %mul3A_153, %add3A_172 : i32
      %get3A_174 = arith.constant 0 : i32
      %get3A_175 = arith.index_cast %get3A_174 : i32 to index
      %get3A_176 = arith.index_cast %add3A_173 : i32 to index
      %get3A_177 = arith.constant 16 : index
      %get3A_178 = tpu.vector_load %arg8[%get3A_175, %get3A_176, %get3A_177] {strides = array<i32>} : memref<2x200x64xf32, #tpu.memory_space<vmem>>, vector<1x1x16xf32>,
      %get3A_179 = vector.shape_cast %get3A_178 : vector<1x1x16xf32> to vector<16xf32>
      %mul3A_180 = arith.constant 8.000000e+00 : f32
      %mul3A_181 = vector.broadcast %mul3A_180 : f32 to vector<16xf32>
      %mul3A_182 = arith.mulf %get3A_179, %mul3A_181 : vector<16xf32>
      %add3A_183 = arith.constant 0 : i32
      %add3A_184 = arith.addi %mul3A_153, %add3A_183 : i32
      %swap3A_185 = arith.constant 0 : i32
      %swap3A_186 = arith.index_cast %swap3A_185 : i32 to index
      %swap3A_187 = arith.index_cast %add3A_184 : i32 to index
      %swap3A_188 = arith.constant 16 : index
      %swap3A_189 = tpu.vector_load %arg8[%swap3A_186, %swap3A_187, %swap3A_188] {strides = array<i32>} : memref<2x200x64xf32, #tpu.memory_space<vmem>>, vector<1x1x16xf32>,
      %swap3A_190 = vector.shape_cast %swap3A_189 : vector<1x1x16xf32> to vector<16xf32>
      %swap3A_191 = vector.shape_cast %mul3A_182 : vector<16xf32> to vector<1x1x16xf32>
      tpu.vector_store %arg8[%swap3A_186, %swap3A_187, %swap3A_188], %swap3A_191 {strides = array<i32>} : memref<2x200x64xf32, #tpu.memory_space<vmem>>, vector<1x1x16xf32>,
      %add3A_192 = arith.constant 0 : i32
      %add3A_193 = arith.addi %mul3A_153, %add3A_192 : i32
      %get3A_194 = arith.constant 0 : i32
      %get3A_195 = arith.index_cast %get3A_194 : i32 to index
      %get3A_196 = arith.index_cast %add3A_193 : i32 to index
      %get3A_197 = arith.constant 32 : index
      %get3A_198 = tpu.vector_load %arg8[%get3A_195, %get3A_196, %get3A_197] {strides = array<i32>} : memref<2x200x64xf32, #tpu.memory_space<vmem>>, vector<1x1x16xf32>,
      %get3A_199 = vector.shape_cast %get3A_198 : vector<1x1x16xf32> to vector<16xf32>
      %mul3A_200 = arith.constant 8.000000e+00 : f32
      %mul3A_201 = vector.broadcast %mul3A_200 : f32 to vector<16xf32>
      %mul3A_202 = arith.mulf %get3A_199, %mul3A_201 : vector<16xf32>
      %add3A_203 = arith.constant 0 : i32
      %add3A_204 = arith.addi %mul3A_153, %add3A_203 : i32
      %swap3A_205 = arith.constant 0 : i32
      %swap3A_206 = arith.index_cast %swap3A_205 : i32 to index
      %swap3A_207 = arith.index_cast %add3A_204 : i32 to index
      %swap3A_208 = arith.constant 32 : index
      %swap3A_209 = tpu.vector_load %arg8[%swap3A_206, %swap3A_207, %swap3A_208] {strides = array<i32>} : memref<2x200x64xf32, #tpu.memory_space<vmem>>, vector<1x1x16xf32>,
      %swap3A_210 = vector.shape_cast %swap3A_209 : vector<1x1x16xf32> to vector<16xf32>
      %swap3A_211 = vector.shape_cast %mul3A_202 : vector<16xf32> to vector<1x1x16xf32>
      tpu.vector_store %arg8[%swap3A_206, %swap3A_207, %swap3A_208], %swap3A_211 {strides = array<i32>} : memref<2x200x64xf32, #tpu.memory_space<vmem>>, vector<1x1x16xf32>,
      %add3A_212 = arith.constant 0 : i32
      %add3A_213 = arith.addi %mul3A_153, %add3A_212 : i32
      %get3A_214 = arith.constant 0 : i32
      %get3A_215 = arith.index_cast %get3A_214 : i32 to index
      %get3A_216 = arith.index_cast %add3A_213 : i32 to index
      %get3A_217 = arith.constant 48 : index
      %get3A_218 = tpu.vector_load %arg8[%get3A_215, %get3A_216, %get3A_217] {strides = array<i32>} : memref<2x200x64xf32, #tpu.memory_space<vmem>>, vector<1x1x16xf32>,
      %get3A_219 = vector.shape_cast %get3A_218 : vector<1x1x16xf32> to vector<16xf32>
      %mul3A_220 = arith.constant 8.000000e+00 : f32
      %mul3A_221 = vector.broadcast %mul3A_220 : f32 to vector<16xf32>
      %mul3A_222 = arith.mulf %get3A_219, %mul3A_221 : vector<16xf32>
      %add3A_223 = arith.constant 0 : i32
      %add3A_224 = arith.addi %mul3A_153, %add3A_223 : i32
      %swap3A_225 = arith.constant 0 : i32
      %swap3A_226 = arith.index_cast %swap3A_225 : i32 to index
      %swap3A_227 = arith.index_cast %add3A_224 : i32 to index
      %swap3A_228 = arith.constant 48 : index
      %swap3A_229 = tpu.vector_load %arg8[%swap3A_226, %swap3A_227, %swap3A_228] {strides = array<i32>} : memref<2x200x64xf32, #tpu.memory_space<vmem>>, vector<1x1x16xf32>,
      %swap3A_230 = vector.shape_cast %swap3A_229 : vector<1x1x16xf32> to vector<16xf32>
      %swap3A_231 = vector.shape_cast %mul3A_222 : vector<16xf32> to vector<1x1x16xf32>
      tpu.vector_store %arg8[%swap3A_226, %swap3A_227, %swap3A_228], %swap3A_231 {strides = array<i32>} : memref<2x200x64xf32, #tpu.memory_space<vmem>>, vector<1x1x16xf32>,
      %add3A_232 = arith.constant 0 : i32
      %add3A_233 = arith.addi %mul3A_153, %add3A_232 : i32
      %get3A_234 = arith.constant 1 : i32
      %get3A_235 = arith.index_cast %get3A_234 : i32 to index
      %get3A_236 = arith.index_cast %add3A_233 : i32 to index
      %get3A_237 = arith.constant 0 : index
      %get3A_238 = tpu.vector_load %arg8[%get3A_235, %get3A_236, %get3A_237] {strides = array<i32>} : memref<2x200x64xf32, #tpu.memory_space<vmem>>, vector<1x1x16xf32>,
      %get3A_239 = vector.shape_cast %get3A_238 : vector<1x1x16xf32> to vector<16xf32>
      %mul3A_240 = arith.constant 8.000000e+00 : f32
      %mul3A_241 = vector.broadcast %mul3A_240 : f32 to vector<16xf32>
      %mul3A_242 = arith.mulf %get3A_239, %mul3A_241 : vector<16xf32>
      %add3A_243 = arith.constant 0 : i32
      %add3A_244 = arith.addi %mul3A_153, %add3A_243 : i32
      %swap3A_245 = arith.constant 1 : i32
      %swap3A_246 = arith.index_cast %swap3A_245 : i32 to index
      %swap3A_247 = arith.index_cast %add3A_244 : i32 to index
      %swap3A_248 = arith.constant 0 : index
      %swap3A_249 = tpu.vector_load %arg8[%swap3A_246, %swap3A_247, %swap3A_248] {strides = array<i32>} : memref<2x200x64xf32, #tpu.memory_space<vmem>>, vector<1x1x16xf32>,
      %swap3A_250 = vector.shape_cast %swap3A_249 : vector<1x1x16xf32> to vector<16xf32>
      %swap3A_251 = vector.shape_cast %mul3A_242 : vector<16xf32> to vector<1x1x16xf32>
      tpu.vector_store %arg8[%swap3A_246, %swap3A_247, %swap3A_248], %swap3A_251 {strides = array<i32>} : memref<2x200x64xf32, #tpu.memory_space<vmem>>, vector<1x1x16xf32>,
      %add3A_252 = arith.constant 0 : i32
      %add3A_253 = arith.addi %mul3A_153, %add3A_252 : i32
      %get3A_254 = arith.constant 1 : i32
      %get3A_255 = arith.index_cast %get3A_254 : i32 to index
      %get3A_256 = arith.index_cast %add3A_253 : i32 to index
      %get3A_257 = arith.constant 16 : index
      %get3A_258 = tpu.vector_load %arg8[%get3A_255, %get3A_256, %get3A_257] {strides = array<i32>} : memref<2x200x64xf32, #tpu.memory_space<vmem>>, vector<1x1x16xf32>,
      %get3A_259 = vector.shape_cast %get3A_258 : vector<1x1x16xf32> to vector<16xf32>
      %mul3A_260 = arith.constant 8.000000e+00 : f32
      %mul3A_261 = vector.broadcast %mul3A_260 : f32 to vector<16xf32>
      %mul3A_262 = arith.mulf %get3A_259, %mul3A_261 : vector<16xf32>
      %add3A_263 = arith.constant 0 : i32
      %add3A_264 = arith.addi %mul3A_153, %add3A_263 : i32
      %swap3A_265 = arith.constant 1 : i32
      %swap3A_266 = arith.index_cast %swap3A_265 : i32 to index
      %swap3A_267 = arith.index_cast %add3A_264 : i32 to index
      %swap3A_268 = arith.constant 16 : index
      %swap3A_269 = tpu.vector_load %arg8[%swap3A_266, %swap3A_267, %swap3A_268] {strides = array<i32>} : memref<2x200x64xf32, #tpu.memory_space<vmem>>, vector<1x1x16xf32>,
      %swap3A_270 = vector.shape_cast %swap3A_269 : vector<1x1x16xf32> to vector<16xf32>
      %swap3A_271 = vector.shape_cast %mul3A_262 : vector<16xf32> to vector<1x1x16xf32>
      tpu.vector_store %arg8[%swap3A_266, %swap3A_267, %swap3A_268], %swap3A_271 {strides = array<i32>} : memref<2x200x64xf32, #tpu.memory_space<vmem>>, vector<1x1x16xf32>,
      %add3A_272 = arith.constant 0 : i32
      %add3A_273 = arith.addi %mul3A_153, %add3A_272 : i32
      %get3A_274 = arith.constant 1 : i32
      %get3A_275 = arith.index_cast %get3A_274 : i32 to index
      %get3A_276 = arith.index_cast %add3A_273 : i32 to index
      %get3A_277 = arith.constant 32 : index
      %get3A_278 = tpu.vector_load %arg8[%get3A_275, %get3A_276, %get3A_277] {strides = array<i32>} : memref<2x200x64xf32, #tpu.memory_space<vmem>>, vector<1x1x16xf32>,
      %get3A_279 = vector.shape_cast %get3A_278 : vector<1x1x16xf32> to vector<16xf32>
      %mul3A_280 = arith.constant 8.000000e+00 : f32
      %mul3A_281 = vector.broadcast %mul3A_280 : f32 to vector<16xf32>
      %mul3A_282 = arith.mulf %get3A_279, %mul3A_281 : vector<16xf32>
      %add3A_283 = arith.constant 0 : i32
      %add3A_284 = arith.addi %mul3A_153, %add3A_283 : i32
      %swap3A_285 = arith.constant 1 : i32
      %swap3A_286 = arith.index_cast %swap3A_285 : i32 to index
      %swap3A_287 = arith.index_cast %add3A_284 : i32 to index
      %swap3A_288 = arith.constant 32 : index
      %swap3A_289 = tpu.vector_load %arg8[%swap3A_286, %swap3A_287, %swap3A_288] {strides = array<i32>} : memref<2x200x64xf32, #tpu.memory_space<vmem>>, vector<1x1x16xf32>,
      %swap3A_290 = vector.shape_cast %swap3A_289 : vector<1x1x16xf32> to vector<16xf32>
      %swap3A_291 = vector.shape_cast %mul3A_282 : vector<16xf32> to vector<1x1x16xf32>
      tpu.vector_store %arg8[%swap3A_286, %swap3A_287, %swap3A_288], %swap3A_291 {strides = array<i32>} : memref<2x200x64xf32, #tpu.memory_space<vmem>>, vector<1x1x16xf32>,
      %add3A_292 = arith.constant 0 : i32
      %add3A_293 = arith.addi %mul3A_153, %add3A_292 : i32
      %get3A_294 = arith.constant 1 : i32
      %get3A_295 = arith.index_cast %get3A_294 : i32 to index
      %get3A_296 = arith.index_cast %add3A_293 : i32 to index
      %get3A_297 = arith.constant 48 : index
      %get3A_298 = tpu.vector_load %arg8[%get3A_295, %get3A_296, %get3A_297] {strides = array<i32>} : memref<2x200x64xf32, #tpu.memory_space<vmem>>, vector<1x1x16xf32>,
      %get3A_299 = vector.shape_cast %get3A_298 : vector<1x1x16xf32> to vector<16xf32>
      %mul3A_300 = arith.constant 8.000000e+00 : f32
      %mul3A_301 = vector.broadcast %mul3A_300 : f32 to vector<16xf32>
      %mul3A_302 = arith.mulf %get3A_299, %mul3A_301 : vector<16xf32>
      %add3A_303 = arith.constant 0 : i32
      %add3A_304 = arith.addi %mul3A_153, %add3A_303 : i32
      %swap3A_305 = arith.constant 1 : i32
      %swap3A_306 = arith.index_cast %swap3A_305 : i32 to index
      %swap3A_307 = arith.index_cast %add3A_304 : i32 to index
      %swap3A_308 = arith.constant 48 : index
      %swap3A_309 = tpu.vector_load %arg8[%swap3A_306, %swap3A_307, %swap3A_308] {strides = array<i32>} : memref<2x200x64xf32, #tpu.memory_space<vmem>>, vector<1x1x16xf32>,
      %swap3A_310 = vector.shape_cast %swap3A_309 : vector<1x1x16xf32> to vector<16xf32>
      %swap3A_311 = vector.shape_cast %mul3A_302 : vector<16xf32> to vector<1x1x16xf32>
      tpu.vector_store %arg8[%swap3A_306, %swap3A_307, %swap3A_308], %swap3A_311 {strides = array<i32>} : memref<2x200x64xf32, #tpu.memory_space<vmem>>, vector<1x1x16xf32>,
      %add3A_312 = arith.constant 1 : i32
      %add3A_313 = arith.addi %mul3A_153, %add3A_312 : i32
      %get3A_314 = arith.constant 0 : i32
      %get3A_315 = arith.index_cast %get3A_314 : i32 to index
      %get3A_316 = arith.index_cast %add3A_313 : i32 to index
      %get3A_317 = arith.constant 0 : index
      %get3A_318 = tpu.vector_load %arg8[%get3A_315, %get3A_316, %get3A_317] {strides = array<i32>} : memref<2x200x64xf32, #tpu.memory_space<vmem>>, vector<1x1x16xf32>,
      %get3A_319 = vector.shape_cast %get3A_318 : vector<1x1x16xf32> to vector<16xf32>
      %mul3A_320 = arith.constant 8.000000e+00 : f32
      %mul3A_321 = vector.broadcast %mul3A_320 : f32 to vector<16xf32>
      %mul3A_322 = arith.mulf %get3A_319, %mul3A_321 : vector<16xf32>
      %add3A_323 = arith.constant 1 : i32
      %add3A_324 = arith.addi %mul3A_153, %add3A_323 : i32
      %swap3A_325 = arith.constant 0 : i32
      %swap3A_326 = arith.index_cast %swap3A_325 : i32 to index
      %swap3A_327 = arith.index_cast %add3A_324 : i32 to index
      %swap3A_328 = arith.constant 0 : index
      %swap3A_329 = tpu.vector_load %arg8[%swap3A_326, %swap3A_327, %swap3A_328] {strides = array<i32>} : memref<2x200x64xf32, #tpu.memory_space<vmem>>, vector<1x1x16xf32>,
      %swap3A_330 = vector.shape_cast %swap3A_329 : vector<1x1x16xf32> to vector<16xf32>
      %swap3A_331 = vector.shape_cast %mul3A_322 : vector<16xf32> to vector<1x1x16xf32>
      tpu.vector_store %arg8[%swap3A_326, %swap3A_327, %swap3A_328], %swap3A_331 {strides = array<i32>} : memref<2x200x64xf32, #tpu.memory_space<vmem>>, vector<1x1x16xf32>,
      %add3A_332 = arith.constant 1 : i32
      %add3A_333 = arith.addi %mul3A_153, %add3A_332 : i32
      %get3A_334 = arith.constant 0 : i32
      %get3A_335 = arith.index_cast %get3A_334 : i32 to index
      %get3A_336 = arith.index_cast %add3A_333 : i32 to index
      %get3A_337 = arith.constant 16 : index
      %get3A_338 = tpu.vector_load %arg8[%get3A_335, %get3A_336, %get3A_337] {strides = array<i32>} : memref<2x200x64xf32, #tpu.memory_space<vmem>>, vector<1x1x16xf32>,
      %get3A_339 = vector.shape_cast %get3A_338 : vector<1x1x16xf32> to vector<16xf32>
      %mul3A_340 = arith.constant 8.000000e+00 : f32
      %mul3A_341 = vector.broadcast %mul3A_340 : f32 to vector<16xf32>
      %mul3A_342 = arith.mulf %get3A_339, %mul3A_341 : vector<16xf32>
      %add3A_343 = arith.constant 1 : i32
      %add3A_344 = arith.addi %mul3A_153, %add3A_343 : i32
      %swap3A_345 = arith.constant 0 : i32
      %swap3A_346 = arith.index_cast %swap3A_345 : i32 to index
      %swap3A_347 = arith.index_cast %add3A_344 : i32 to index
      %swap3A_348 = arith.constant 16 : index
      %swap3A_349 = tpu.vector_load %arg8[%swap3A_346, %swap3A_347, %swap3A_348] {strides = array<i32>} : memref<2x200x64xf32, #tpu.memory_space<vmem>>, vector<1x1x16xf32>,
      %swap3A_350 = vector.shape_cast %swap3A_349 : vector<1x1x16xf32> to vector<16xf32>
      %swap3A_351 = vector.shape_cast %mul3A_342 : vector<16xf32> to vector<1x1x16xf32>
      tpu.vector_store %arg8[%swap3A_346, %swap3A_347, %swap3A_348], %swap3A_351 {strides = array<i32>} : memref<2x200x64xf32, #tpu.memory_space<vmem>>, vector<1x1x16xf32>,
      %add3A_352 = arith.constant 1 : i32
      %add3A_353 = arith.addi %mul3A_153, %add3A_352 : i32
      %get3A_354 = arith.constant 0 : i32
      %get3A_355 = arith.index_cast %get3A_354 : i32 to index
      %get3A_356 = arith.index_cast %add3A_353 : i32 to index
      %get3A_357 = arith.constant 32 : index
      %get3A_358 = tpu.vector_load %arg8[%get3A_355, %get3A_356, %get3A_357] {strides = array<i32>} : memref<2x200x64xf32, #tpu.memory_space<vmem>>, vector<1x1x16xf32>,
      %get3A_359 = vector.shape_cast %get3A_358 : vector<1x1x16xf32> to vector<16xf32>
      %mul3A_360 = arith.constant 8.000000e+00 : f32
      %mul3A_361 = vector.broadcast %mul3A_360 : f32 to vector<16xf32>
      %mul3A_362 = arith.mulf %get3A_359, %mul3A_361 : vector<16xf32>
      %add3A_363 = arith.constant 1 : i32
      %add3A_364 = arith.addi %mul3A_153, %add3A_363 : i32
      %swap3A_365 = arith.constant 0 : i32
      %swap3A_366 = arith.index_cast %swap3A_365 : i32 to index
      %swap3A_367 = arith.index_cast %add3A_364 : i32 to index
      %swap3A_368 = arith.constant 32 : index
      %swap3A_369 = tpu.vector_load %arg8[%swap3A_366, %swap3A_367, %swap3A_368] {strides = array<i32>} : memref<2x200x64xf32, #tpu.memory_space<vmem>>, vector<1x1x16xf32>,
      %swap3A_370 = vector.shape_cast %swap3A_369 : vector<1x1x16xf32> to vector<16xf32>
      %swap3A_371 = vector.shape_cast %mul3A_362 : vector<16xf32> to vector<1x1x16xf32>
      tpu.vector_store %arg8[%swap3A_366, %swap3A_367, %swap3A_368], %swap3A_371 {strides = array<i32>} : memref<2x200x64xf32, #tpu.memory_space<vmem>>, vector<1x1x16xf32>,
      %add3A_372 = arith.constant 1 : i32
      %add3A_373 = arith.addi %mul3A_153, %add3A_372 : i32
      %get3A_374 = arith.constant 0 : i32
      %get3A_375 = arith.index_cast %get3A_374 : i32 to index
      %get3A_376 = arith.index_cast %add3A_373 : i32 to index
      %get3A_377 = arith.constant 48 : index
      %get3A_378 = tpu.vector_load %arg8[%get3A_375, %get3A_376, %get3A_377] {strides = array<i32>} : memref<2x200x64xf32, #tpu.memory_space<vmem>>, vector<1x1x16xf32>,
      %get3A_379 = vector.shape_cast %get3A_378 : vector<1x1x16xf32> to vector<16xf32>
      %mul3A_380 = arith.constant 8.000000e+00 : f32
      %mul3A_381 = vector.broadcast %mul3A_380 : f32 to vector<16xf32>
      %mul3A_382 = arith.mulf %get3A_379, %mul3A_381 : vector<16xf32>
      %add3A_383 = arith.constant 1 : i32
      %add3A_384 = arith.addi %mul3A_153, %add3A_383 : i32
      %swap3A_385 = arith.constant 0 : i32
      %swap3A_386 = arith.index_cast %swap3A_385 : i32 to index
      %swap3A_387 = arith.index_cast %add3A_384 : i32 to index
      %swap3A_388 = arith.constant 48 : index
      %swap3A_389 = tpu.vector_load %arg8[%swap3A_386, %swap3A_387, %swap3A_388] {strides = array<i32>} : memref<2x200x64xf32, #tpu.memory_space<vmem>>, vector<1x1x16xf32>,
      %swap3A_390 = vector.shape_cast %swap3A_389 : vector<1x1x16xf32> to vector<16xf32>
      %swap3A_391 = vector.shape_cast %mul3A_382 : vector<16xf32> to vector<1x1x16xf32>
      tpu.vector_store %arg8[%swap3A_386, %swap3A_387, %swap3A_388], %swap3A_391 {strides = array<i32>} : memref<2x200x64xf32, #tpu.memory_space<vmem>>, vector<1x1x16xf32>,
      %add3A_392 = arith.constant 1 : i32
      %add3A_393 = arith.addi %mul3A_153, %add3A_392 : i32
      %get3A_394 = arith.constant 1 : i32
      %get3A_395 = arith.index_cast %get3A_394 : i32 to index
      %get3A_396 = arith.index_cast %add3A_393 : i32 to index
      %get3A_397 = arith.constant 0 : index
      %get3A_398 = tpu.vector_load %arg8[%get3A_395, %get3A_396, %get3A_397] {strides = array<i32>} : memref<2x200x64xf32, #tpu.memory_space<vmem>>, vector<1x1x16xf32>,
      %get3A_399 = vector.shape_cast %get3A_398 : vector<1x1x16xf32> to vector<16xf32>
      %mul3A_400 = arith.constant 8.000000e+00 : f32
      %mul3A_401 = vector.broadcast %mul3A_400 : f32 to vector<16xf32>
      %mul3A_402 = arith.mulf %get3A_399, %mul3A_401 : vector<16xf32>
      %add3A_403 = arith.constant 1 : i32
      %add3A_404 = arith.addi %mul3A_153, %add3A_403 : i32
      %swap3A_405 = arith.constant 1 : i32
      %swap3A_406 = arith.index_cast %swap3A_405 : i32 to index
      %swap3A_407 = arith.index_cast %add3A_404 : i32 to index
      %swap3A_408 = arith.constant 0 : index
      %swap3A_409 = tpu.vector_load %arg8[%swap3A_406, %swap3A_407, %swap3A_408] {strides = array<i32>} : memref<2x200x64xf32, #tpu.memory_space<vmem>>, vector<1x1x16xf32>,
      %swap3A_410 = vector.shape_cast %swap3A_409 : vector<1x1x16xf32> to vector<16xf32>
      %swap3A_411 = vector.shape_cast %mul3A_402 : vector<16xf32> to vector<1x1x16xf32>
      tpu.vector_store %arg8[%swap3A_406, %swap3A_407, %swap3A_408], %swap3A_411 {strides = array<i32>} : memref<2x200x64xf32, #tpu.memory_space<vmem>>, vector<1x1x16xf32>,
      %add3A_412 = arith.constant 1 : i32
      %add3A_413 = arith.addi %mul3A_153, %add3A_412 : i32
      %get3A_414 = arith.constant 1 : i32
      %get3A_415 = arith.index_cast %get3A_414 : i32 to index
      %get3A_416 = arith.index_cast %add3A_413 : i32 to index
      %get3A_417 = arith.constant 16 : index
      %get3A_418 = tpu.vector_load %arg8[%get3A_415, %get3A_416, %get3A_417] {strides = array<i32>} : memref<2x200x64xf32, #tpu.memory_space<vmem>>, vector<1x1x16xf32>,
      %get3A_419 = vector.shape_cast %get3A_418 : vector<1x1x16xf32> to vector<16xf32>
      %mul3A_420 = arith.constant 8.000000e+00 : f32
      %mul3A_421 = vector.broadcast %mul3A_420 : f32 to vector<16xf32>
      %mul3A_422 = arith.mulf %get3A_419, %mul3A_421 : vector<16xf32>
      %add3A_423 = arith.constant 1 : i32
      %add3A_424 = arith.addi %mul3A_153, %add3A_423 : i32
      %swap3A_425 = arith.constant 1 : i32
      %swap3A_426 = arith.index_cast %swap3A_425 : i32 to index
      %swap3A_427 = arith.index_cast %add3A_424 : i32 to index
      %swap3A_428 = arith.constant 16 : index
      %swap3A_429 = tpu.vector_load %arg8[%swap3A_426, %swap3A_427, %swap3A_428] {strides = array<i32>} : memref<2x200x64xf32, #tpu.memory_space<vmem>>, vector<1x1x16xf32>,
      %swap3A_430 = vector.shape_cast %swap3A_429 : vector<1x1x16xf32> to vector<16xf32>
      %swap3A_431 = vector.shape_cast %mul3A_422 : vector<16xf32> to vector<1x1x16xf32>
      tpu.vector_store %arg8[%swap3A_426, %swap3A_427, %swap3A_428], %swap3A_431 {strides = array<i32>} : memref<2x200x64xf32, #tpu.memory_space<vmem>>, vector<1x1x16xf32>,
      %add3A_432 = arith.constant 1 : i32
      %add3A_433 = arith.addi %mul3A_153, %add3A_432 : i32
      %get3A_434 = arith.constant 1 : i32
      %get3A_435 = arith.index_cast %get3A_434 : i32 to index
      %get3A_436 = arith.index_cast %add3A_433 : i32 to index
      %get3A_437 = arith.constant 32 : index
      %get3A_438 = tpu.vector_load %arg8[%get3A_435, %get3A_436, %get3A_437] {strides = array<i32>} : memref<2x200x64xf32, #tpu.memory_space<vmem>>, vector<1x1x16xf32>,
      %get3A_439 = vector.shape_cast %get3A_438 : vector<1x1x16xf32> to vector<16xf32>
      %mul3A_440 = arith.constant 8.000000e+00 : f32
      %mul3A_441 = vector.broadcast %mul3A_440 : f32 to vector<16xf32>
      %mul3A_442 = arith.mulf %get3A_439, %mul3A_441 : vector<16xf32>
      %add3A_443 = arith.constant 1 : i32
      %add3A_444 = arith.addi %mul3A_153, %add3A_443 : i32
      %swap3A_445 = arith.constant 1 : i32
      %swap3A_446 = arith.index_cast %swap3A_445 : i32 to index
      %swap3A_447 = arith.index_cast %add3A_444 : i32 to index
      %swap3A_448 = arith.constant 32 : index
      %swap3A_449 = tpu.vector_load %arg8[%swap3A_446, %swap3A_447, %swap3A_448] {strides = array<i32>} : memref<2x200x64xf32, #tpu.memory_space<vmem>>, vector<1x1x16xf32>,
      %swap3A_450 = vector.shape_cast %swap3A_449 : vector<1x1x16xf32> to vector<16xf32>
      %swap3A_451 = vector.shape_cast %mul3A_442 : vector<16xf32> to vector<1x1x16xf32>
      tpu.vector_store %arg8[%swap3A_446, %swap3A_447, %swap3A_448], %swap3A_451 {strides = array<i32>} : memref<2x200x64xf32, #tpu.memory_space<vmem>>, vector<1x1x16xf32>,
      %add3A_452 = arith.constant 1 : i32
      %add3A_453 = arith.addi %mul3A_153, %add3A_452 : i32
      %get3A_454 = arith.constant 1 : i32
      %get3A_455 = arith.index_cast %get3A_454 : i32 to index
      %get3A_456 = arith.index_cast %add3A_453 : i32 to index
      %get3A_457 = arith.constant 48 : index
      %get3A_458 = tpu.vector_load %arg8[%get3A_455, %get3A_456, %get3A_457] {strides = array<i32>} : memref<2x200x64xf32, #tpu.memory_space<vmem>>, vector<1x1x16xf32>,
      %get3A_459 = vector.shape_cast %get3A_458 : vector<1x1x16xf32> to vector<16xf32>
      %mul3A_460 = arith.constant 8.000000e+00 : f32
      %mul3A_461 = vector.broadcast %mul3A_460 : f32 to vector<16xf32>
      %mul3A_462 = arith.mulf %get3A_459, %mul3A_461 : vector<16xf32>
      %add3A_463 = arith.constant 1 : i32
      %add3A_464 = arith.addi %mul3A_153, %add3A_463 : i32
      %swap3A_465 = arith.constant 1 : i32
      %swap3A_466 = arith.index_cast %swap3A_465 : i32 to index
      %swap3A_467 = arith.index_cast %add3A_464 : i32 to index
      %swap3A_468 = arith.constant 48 : index
      %swap3A_469 = tpu.vector_load %arg8[%swap3A_466, %swap3A_467, %swap3A_468] {strides = array<i32>} : memref<2x200x64xf32, #tpu.memory_space<vmem>>, vector<1x1x16xf32>,
      %swap3A_470 = vector.shape_cast %swap3A_469 : vector<1x1x16xf32> to vector<16xf32>
      %swap3A_471 = vector.shape_cast %mul3A_462 : vector<16xf32> to vector<1x1x16xf32>
      tpu.vector_store %arg8[%swap3A_466, %swap3A_467, %swap3A_468], %swap3A_471 {strides = array<i32>} : memref<2x200x64xf32, #tpu.memory_space<vmem>>, vector<1x1x16xf32>,
      %add3A_472 = arith.constant 2 : i32
      %add3A_473 = arith.addi %mul3A_153, %add3A_472 : i32
      %get3A_474 = arith.constant 0 : i32
      %get3A_475 = arith.index_cast %get3A_474 : i32 to index
      %get3A_476 = arith.index_cast %add3A_473 : i32 to index
      %get3A_477 = arith.constant 0 : index
      %get3A_478 = tpu.vector_load %arg8[%get3A_475, %get3A_476, %get3A_477] {strides = array<i32>} : memref<2x200x64xf32, #tpu.memory_space<vmem>>, vector<1x1x16xf32>,
      %get3A_479 = vector.shape_cast %get3A_478 : vector<1x1x16xf32> to vector<16xf32>
      %mul3A_480 = arith.constant 8.000000e+00 : f32
      %mul3A_481 = vector.broadcast %mul3A_480 : f32 to vector<16xf32>
      %mul3A_482 = arith.mulf %get3A_479, %mul3A_481 : vector<16xf32>
      %add3A_483 = arith.constant 2 : i32
      %add3A_484 = arith.addi %mul3A_153, %add3A_483 : i32
      %swap3A_485 = arith.constant 0 : i32
      %swap3A_486 = arith.index_cast %swap3A_485 : i32 to index
      %swap3A_487 = arith.index_cast %add3A_484 : i32 to index
      %swap3A_488 = arith.constant 0 : index
      %swap3A_489 = tpu.vector_load %arg8[%swap3A_486, %swap3A_487, %swap3A_488] {strides = array<i32>} : memref<2x200x64xf32, #tpu.memory_space<vmem>>, vector<1x1x16xf32>,
      %swap3A_490 = vector.shape_cast %swap3A_489 : vector<1x1x16xf32> to vector<16xf32>
      %swap3A_491 = vector.shape_cast %mul3A_482 : vector<16xf32> to vector<1x1x16xf32>
      tpu.vector_store %arg8[%swap3A_486, %swap3A_487, %swap3A_488], %swap3A_491 {strides = array<i32>} : memref<2x200x64xf32, #tpu.memory_space<vmem>>, vector<1x1x16xf32>,
      %add3A_492 = arith.constant 2 : i32
      %add3A_493 = arith.addi %mul3A_153, %add3A_492 : i32
      %get3A_494 = arith.constant 0 : i32
      %get3A_495 = arith.index_cast %get3A_494 : i32 to index
      %get3A_496 = arith.index_cast %add3A_493 : i32 to index
      %get3A_497 = arith.constant 16 : index
      %get3A_498 = tpu.vector_load %arg8[%get3A_495, %get3A_496, %get3A_497] {strides = array<i32>} : memref<2x200x64xf32, #tpu.memory_space<vmem>>, vector<1x1x16xf32>,
      %get3A_499 = vector.shape_cast %get3A_498 : vector<1x1x16xf32> to vector<16xf32>
      %mul3A_500 = arith.constant 8.000000e+00 : f32
      %mul3A_501 = vector.broadcast %mul3A_500 : f32 to vector<16xf32>
      %mul3A_502 = arith.mulf %get3A_499, %mul3A_501 : vector<16xf32>
      %add3A_503 = arith.constant 2 : i32
      %add3A_504 = arith.addi %mul3A_153, %add3A_503 : i32
      %swap3A_505 = arith.constant 0 : i32
      %swap3A_506 = arith.index_cast %swap3A_505 : i32 to index
      %swap3A_507 = arith.index_cast %add3A_504 : i32 to index
      %swap3A_508 = arith.constant 16 : index
      %swap3A_509 = tpu.vector_load %arg8[%swap3A_506, %swap3A_507, %swap3A_508] {strides = array<i32>} : memref<2x200x64xf32, #tpu.memory_space<vmem>>, vector<1x1x16xf32>,
      %swap3A_510 = vector.shape_cast %swap3A_509 : vector<1x1x16xf32> to vector<16xf32>
      %swap3A_511 = vector.shape_cast %mul3A_502 : vector<16xf32> to vector<1x1x16xf32>
      tpu.vector_store %arg8[%swap3A_506, %swap3A_507, %swap3A_508], %swap3A_511 {strides = array<i32>} : memref<2x200x64xf32, #tpu.memory_space<vmem>>, vector<1x1x16xf32>,
      %add3A_512 = arith.constant 2 : i32
      %add3A_513 = arith.addi %mul3A_153, %add3A_512 : i32
      %get3A_514 = arith.constant 0 : i32
      %get3A_515 = arith.index_cast %get3A_514 : i32 to index
      %get3A_516 = arith.index_cast %add3A_513 : i32 to index
      %get3A_517 = arith.constant 32 : index
      %get3A_518 = tpu.vector_load %arg8[%get3A_515, %get3A_516, %get3A_517] {strides = array<i32>} : memref<2x200x64xf32, #tpu.memory_space<vmem>>, vector<1x1x16xf32>,
      %get3A_519 = vector.shape_cast %get3A_518 : vector<1x1x16xf32> to vector<16xf32>
      %mul3A_520 = arith.constant 8.000000e+00 : f32
      %mul3A_521 = vector.broadcast %mul3A_520 : f32 to vector<16xf32>
      %mul3A_522 = arith.mulf %get3A_519, %mul3A_521 : vector<16xf32>
      %add3A_523 = arith.constant 2 : i32
      %add3A_524 = arith.addi %mul3A_153, %add3A_523 : i32
      %swap3A_525 = arith.constant 0 : i32
      %swap3A_526 = arith.index_cast %swap3A_525 : i32 to index
      %swap3A_527 = arith.index_cast %add3A_524 : i32 to index
      %swap3A_528 = arith.constant 32 : index
      %swap3A_529 = tpu.vector_load %arg8[%swap3A_526, %swap3A_527, %swap3A_528] {strides = array<i32>} : memref<2x200x64xf32, #tpu.memory_space<vmem>>, vector<1x1x16xf32>,
      %swap3A_530 = vector.shape_cast %swap3A_529 : vector<1x1x16xf32> to vector<16xf32>
      %swap3A_531 = vector.shape_cast %mul3A_522 : vector<16xf32> to vector<1x1x16xf32>
      tpu.vector_store %arg8[%swap3A_526, %swap3A_527, %swap3A_528], %swap3A_531 {strides = array<i32>} : memref<2x200x64xf32, #tpu.memory_space<vmem>>, vector<1x1x16xf32>,
      %add3A_532 = arith.constant 2 : i32
      %add3A_533 = arith.addi %mul3A_153, %add3A_532 : i32
      %get3A_534 = arith.constant 0 : i32
      %get3A_535 = arith.index_cast %get3A_534 : i32 to index
      %get3A_536 = arith.index_cast %add3A_533 : i32 to index
      %get3A_537 = arith.constant 48 : index
      %get3A_538 = tpu.vector_load %arg8[%get3A_535, %get3A_536, %get3A_537] {strides = array<i32>} : memref<2x200x64xf32, #tpu.memory_space<vmem>>, vector<1x1x16xf32>,
      %get3A_539 = vector.shape_cast %get3A_538 : vector<1x1x16xf32> to vector<16xf32>
      %mul3A_540 = arith.constant 8.000000e+00 : f32
      %mul3A_541 = vector.broadcast %mul3A_540 : f32 to vector<16xf32>
      %mul3A_542 = arith.mulf %get3A_539, %mul3A_541 : vector<16xf32>
      %add3A_543 = arith.constant 2 : i32
      %add3A_544 = arith.addi %mul3A_153, %add3A_543 : i32
      %swap3A_545 = arith.constant 0 : i32
      %swap3A_546 = arith.index_cast %swap3A_545 : i32 to index
      %swap3A_547 = arith.index_cast %add3A_544 : i32 to index
      %swap3A_548 = arith.constant 48 : index
      %swap3A_549 = tpu.vector_load %arg8[%swap3A_546, %swap3A_547, %swap3A_548] {strides = array<i32>} : memref<2x200x64xf32, #tpu.memory_space<vmem>>, vector<1x1x16xf32>,
      %swap3A_550 = vector.shape_cast %swap3A_549 : vector<1x1x16xf32> to vector<16xf32>
      %swap3A_551 = vector.shape_cast %mul3A_542 : vector<16xf32> to vector<1x1x16xf32>
      tpu.vector_store %arg8[%swap3A_546, %swap3A_547, %swap3A_548], %swap3A_551 {strides = array<i32>} : memref<2x200x64xf32, #tpu.memory_space<vmem>>, vector<1x1x16xf32>,
      %add3A_552 = arith.constant 2 : i32
      %add3A_553 = arith.addi %mul3A_153, %add3A_552 : i32
      %get3A_554 = arith.constant 1 : i32
      %get3A_555 = arith.index_cast %get3A_554 : i32 to index
      %get3A_556 = arith.index_cast %add3A_553 : i32 to index
      %get3A_557 = arith.constant 0 : index
      %get3A_558 = tpu.vector_load %arg8[%get3A_555, %get3A_556, %get3A_557] {strides = array<i32>} : memref<2x200x64xf32, #tpu.memory_space<vmem>>, vector<1x1x16xf32>,
      %get3A_559 = vector.shape_cast %get3A_558 : vector<1x1x16xf32> to vector<16xf32>
      %mul3A_560 = arith.constant 8.000000e+00 : f32
      %mul3A_561 = vector.broadcast %mul3A_560 : f32 to vector<16xf32>
      %mul3A_562 = arith.mulf %get3A_559, %mul3A_561 : vector<16xf32>
      %add3A_563 = arith.constant 2 : i32
      %add3A_564 = arith.addi %mul3A_153, %add3A_563 : i32
      %swap3A_565 = arith.constant 1 : i32
      %swap3A_566 = arith.index_cast %swap3A_565 : i32 to index
      %swap3A_567 = arith.index_cast %add3A_564 : i32 to index
      %swap3A_568 = arith.constant 0 : index
      %swap3A_569 = tpu.vector_load %arg8[%swap3A_566, %swap3A_567, %swap3A_568] {strides = array<i32>} : memref<2x200x64xf32, #tpu.memory_space<vmem>>, vector<1x1x16xf32>,
      %swap3A_570 = vector.shape_cast %swap3A_569 : vector<1x1x16xf32> to vector<16xf32>
      %swap3A_571 = vector.shape_cast %mul3A_562 : vector<16xf32> to vector<1x1x16xf32>
      tpu.vector_store %arg8[%swap3A_566, %swap3A_567, %swap3A_568], %swap3A_571 {strides = array<i32>} : memref<2x200x64xf32, #tpu.memory_space<vmem>>, vector<1x1x16xf32>,
      %add3A_572 = arith.constant 2 : i32
      %add3A_573 = arith.addi %mul3A_153, %add3A_572 : i32
      %get3A_574 = arith.constant 1 : i32
      %get3A_575 = arith.index_cast %get3A_574 : i32 to index
      %get3A_576 = arith.index_cast %add3A_573 : i32 to index
      %get3A_577 = arith.constant 16 : index
      %get3A_578 = tpu.vector_load %arg8[%get3A_575, %get3A_576, %get3A_577] {strides = array<i32>} : memref<2x200x64xf32, #tpu.memory_space<vmem>>, vector<1x1x16xf32>,
      %get3A_579 = vector.shape_cast %get3A_578 : vector<1x1x16xf32> to vector<16xf32>
      %mul3A_580 = arith.constant 8.000000e+00 : f32
      %mul3A_581 = vector.broadcast %mul3A_580 : f32 to vector<16xf32>
      %mul3A_582 = arith.mulf %get3A_579, %mul3A_581 : vector<16xf32>
      %add3A_583 = arith.constant 2 : i32
      %add3A_584 = arith.addi %mul3A_153, %add3A_583 : i32
      %swap3A_585 = arith.constant 1 : i32
      %swap3A_586 = arith.index_cast %swap3A_585 : i32 to index
      %swap3A_587 = arith.index_cast %add3A_584 : i32 to index
      %swap3A_588 = arith.constant 16 : index
      %swap3A_589 = tpu.vector_load %arg8[%swap3A_586, %swap3A_587, %swap3A_588] {strides = array<i32>} : memref<2x200x64xf32, #tpu.memory_space<vmem>>, vector<1x1x16xf32>,
      %swap3A_590 = vector.shape_cast %swap3A_589 : vector<1x1x16xf32> to vector<16xf32>
      %swap3A_591 = vector.shape_cast %mul3A_582 : vector<16xf32> to vector<1x1x16xf32>
      tpu.vector_store %arg8[%swap3A_586, %swap3A_587, %swap3A_588], %swap3A_591 {strides = array<i32>} : memref<2x200x64xf32, #tpu.memory_space<vmem>>, vector<1x1x16xf32>,
      %add3A_592 = arith.constant 2 : i32
      %add3A_593 = arith.addi %mul3A_153, %add3A_592 : i32
      %get3A_594 = arith.constant 1 : i32
      %get3A_595 = arith.index_cast %get3A_594 : i32 to index
      %get3A_596 = arith.index_cast %add3A_593 : i32 to index
      %get3A_597 = arith.constant 32 : index
      %get3A_598 = tpu.vector_load %arg8[%get3A_595, %get3A_596, %get3A_597] {strides = array<i32>} : memref<2x200x64xf32, #tpu.memory_space<vmem>>, vector<1x1x16xf32>,
      %get3A_599 = vector.shape_cast %get3A_598 : vector<1x1x16xf32> to vector<16xf32>
      %mul3A_600 = arith.constant 8.000000e+00 : f32
      %mul3A_601 = vector.broadcast %mul3A_600 : f32 to vector<16xf32>
      %mul3A_602 = arith.mulf %get3A_599, %mul3A_601 : vector<16xf32>
      %add3A_603 = arith.constant 2 : i32
      %add3A_604 = arith.addi %mul3A_153, %add3A_603 : i32
      %swap3A_605 = arith.constant 1 : i32
      %swap3A_606 = arith.index_cast %swap3A_605 : i32 to index
      %swap3A_607 = arith.index_cast %add3A_604 : i32 to index
      %swap3A_608 = arith.constant 32 : index
      %swap3A_609 = tpu.vector_load %arg8[%swap3A_606, %swap3A_607, %swap3A_608] {strides = array<i32>} : memref<2x200x64xf32, #tpu.memory_space<vmem>>, vector<1x1x16xf32>,
      %swap3A_610 = vector.shape_cast %swap3A_609 : vector<1x1x16xf32> to vector<16xf32>
      %swap3A_611 = vector.shape_cast %mul3A_602 : vector<16xf32> to vector<1x1x16xf32>
      tpu.vector_store %arg8[%swap3A_606, %swap3A_607, %swap3A_608], %swap3A_611 {strides = array<i32>} : memref<2x200x64xf32, #tpu.memory_space<vmem>>, vector<1x1x16xf32>,
      %add3A_612 = arith.constant 2 : i32
      %add3A_613 = arith.addi %mul3A_153, %add3A_612 : i32
      %get3A_614 = arith.constant 1 : i32
      %get3A_615 = arith.index_cast %get3A_614 : i32 to index
      %get3A_616 = arith.index_cast %add3A_613 : i32 to index
      %get3A_617 = arith.constant 48 : index
      %get3A_618 = tpu.vector_load %arg8[%get3A_615, %get3A_616, %get3A_617] {strides = array<i32>} : memref<2x200x64xf32, #tpu.memory_space<vmem>>, vector<1x1x16xf32>,
      %get3A_619 = vector.shape_cast %get3A_618 : vector<1x1x16xf32> to vector<16xf32>
      %mul3A_620 = arith.constant 8.000000e+00 : f32
      %mul3A_621 = vector.broadcast %mul3A_620 : f32 to vector<16xf32>
      %mul3A_622 = arith.mulf %get3A_619, %mul3A_621 : vector<16xf32>
      %add3A_623 = arith.constant 2 : i32
      %add3A_624 = arith.addi %mul3A_153, %add3A_623 : i32
      %swap3A_625 = arith.constant 1 : i32
      %swap3A_626 = arith.index_cast %swap3A_625 : i32 to index
      %swap3A_627 = arith.index_cast %add3A_624 : i32 to index
      %swap3A_628 = arith.constant 48 : index
      %swap3A_629 = tpu.vector_load %arg8[%swap3A_626, %swap3A_627, %swap3A_628] {strides = array<i32>} : memref<2x200x64xf32, #tpu.memory_space<vmem>>, vector<1x1x16xf32>,
      %swap3A_630 = vector.shape_cast %swap3A_629 : vector<1x1x16xf32> to vector<16xf32>
      %swap3A_631 = vector.shape_cast %mul3A_622 : vector<16xf32> to vector<1x1x16xf32>
      tpu.vector_store %arg8[%swap3A_626, %swap3A_627, %swap3A_628], %swap3A_631 {strides = array<i32>} : memref<2x200x64xf32, #tpu.memory_space<vmem>>, vector<1x1x16xf32>,
      %add3A_632 = arith.constant 3 : i32
      %add3A_633 = arith.addi %mul3A_153, %add3A_632 : i32
      %get3A_634 = arith.constant 0 : i32
      %get3A_635 = arith.index_cast %get3A_634 : i32 to index
      %get3A_636 = arith.index_cast %add3A_633 : i32 to index
      %get3A_637 = arith.constant 0 : index
      %get3A_638 = tpu.vector_load %arg8[%get3A_635, %get3A_636, %get3A_637] {strides = array<i32>} : memref<2x200x64xf32, #tpu.memory_space<vmem>>, vector<1x1x16xf32>,
      %get3A_639 = vector.shape_cast %get3A_638 : vector<1x1x16xf32> to vector<16xf32>
      %mul3A_640 = arith.constant 8.000000e+00 : f32
      %mul3A_641 = vector.broadcast %mul3A_640 : f32 to vector<16xf32>
      %mul3A_642 = arith.mulf %get3A_639, %mul3A_641 : vector<16xf32>
      %add3A_643 = arith.constant 3 : i32
      %add3A_644 = arith.addi %mul3A_153, %add3A_643 : i32
      %swap3A_645 = arith.constant 0 : i32
      %swap3A_646 = arith.index_cast %swap3A_645 : i32 to index
      %swap3A_647 = arith.index_cast %add3A_644 : i32 to index
      %swap3A_648 = arith.constant 0 : index
      %swap3A_649 = tpu.vector_load %arg8[%swap3A_646, %swap3A_647, %swap3A_648] {strides = array<i32>} : memref<2x200x64xf32, #tpu.memory_space<vmem>>, vector<1x1x16xf32>,
      %swap3A_650 = vector.shape_cast %swap3A_649 : vector<1x1x16xf32> to vector<16xf32>
      %swap3A_651 = vector.shape_cast %mul3A_642 : vector<16xf32> to vector<1x1x16xf32>
      tpu.vector_store %arg8[%swap3A_646, %swap3A_647, %swap3A_648], %swap3A_651 {strides = array<i32>} : memref<2x200x64xf32, #tpu.memory_space<vmem>>, vector<1x1x16xf32>,
      %add3A_652 = arith.constant 3 : i32
      %add3A_653 = arith.addi %mul3A_153, %add3A_652 : i32
      %get3A_654 = arith.constant 0 : i32
      %get3A_655 = arith.index_cast %get3A_654 : i32 to index
      %get3A_656 = arith.index_cast %add3A_653 : i32 to index
      %get3A_657 = arith.constant 16 : index
      %get3A_658 = tpu.vector_load %arg8[%get3A_655, %get3A_656, %get3A_657] {strides = array<i32>} : memref<2x200x64xf32, #tpu.memory_space<vmem>>, vector<1x1x16xf32>,
      %get3A_659 = vector.shape_cast %get3A_658 : vector<1x1x16xf32> to vector<16xf32>
      %mul3A_660 = arith.constant 8.000000e+00 : f32
      %mul3A_661 = vector.broadcast %mul3A_660 : f32 to vector<16xf32>
      %mul3A_662 = arith.mulf %get3A_659, %mul3A_661 : vector<16xf32>
      %add3A_663 = arith.constant 3 : i32
      %add3A_664 = arith.addi %mul3A_153, %add3A_663 : i32
      %swap3A_665 = arith.constant 0 : i32
      %swap3A_666 = arith.index_cast %swap3A_665 : i32 to index
      %swap3A_667 = arith.index_cast %add3A_664 : i32 to index
      %swap3A_668 = arith.constant 16 : index
      %swap3A_669 = tpu.vector_load %arg8[%swap3A_666, %swap3A_667, %swap3A_668] {strides = array<i32>} : memref<2x200x64xf32, #tpu.memory_space<vmem>>, vector<1x1x16xf32>,
      %swap3A_670 = vector.shape_cast %swap3A_669 : vector<1x1x16xf32> to vector<16xf32>
      %swap3A_671 = vector.shape_cast %mul3A_662 : vector<16xf32> to vector<1x1x16xf32>
      tpu.vector_store %arg8[%swap3A_666, %swap3A_667, %swap3A_668], %swap3A_671 {strides = array<i32>} : memref<2x200x64xf32, #tpu.memory_space<vmem>>, vector<1x1x16xf32>,
      %add3A_672 = arith.constant 3 : i32
      %add3A_673 = arith.addi %mul3A_153, %add3A_672 : i32
      %get3A_674 = arith.constant 0 : i32
      %get3A_675 = arith.index_cast %get3A_674 : i32 to index
      %get3A_676 = arith.index_cast %add3A_673 : i32 to index
      %get3A_677 = arith.constant 32 : index
      %get3A_678 = tpu.vector_load %arg8[%get3A_675, %get3A_676, %get3A_677] {strides = array<i32>} : memref<2x200x64xf32, #tpu.memory_space<vmem>>, vector<1x1x16xf32>,
      %get3A_679 = vector.shape_cast %get3A_678 : vector<1x1x16xf32> to vector<16xf32>
      %mul3A_680 = arith.constant 8.000000e+00 : f32
      %mul3A_681 = vector.broadcast %mul3A_680 : f32 to vector<16xf32>
      %mul3A_682 = arith.mulf %get3A_679, %mul3A_681 : vector<16xf32>
      %add3A_683 = arith.constant 3 : i32
      %add3A_684 = arith.addi %mul3A_153, %add3A_683 : i32
      %swap3A_685 = arith.constant 0 : i32
      %swap3A_686 = arith.index_cast %swap3A_685 : i32 to index
      %swap3A_687 = arith.index_cast %add3A_684 : i32 to index
      %swap3A_688 = arith.constant 32 : index
      %swap3A_689 = tpu.vector_load %arg8[%swap3A_686, %swap3A_687, %swap3A_688] {strides = array<i32>} : memref<2x200x64xf32, #tpu.memory_space<vmem>>, vector<1x1x16xf32>,
      %swap3A_690 = vector.shape_cast %swap3A_689 : vector<1x1x16xf32> to vector<16xf32>
      %swap3A_691 = vector.shape_cast %mul3A_682 : vector<16xf32> to vector<1x1x16xf32>
      tpu.vector_store %arg8[%swap3A_686, %swap3A_687, %swap3A_688], %swap3A_691 {strides = array<i32>} : memref<2x200x64xf32, #tpu.memory_space<vmem>>, vector<1x1x16xf32>,
      %add3A_692 = arith.constant 3 : i32
      %add3A_693 = arith.addi %mul3A_153, %add3A_692 : i32
      %get3A_694 = arith.constant 0 : i32
      %get3A_695 = arith.index_cast %get3A_694 : i32 to index
      %get3A_696 = arith.index_cast %add3A_693 : i32 to index
      %get3A_697 = arith.constant 48 : index
      %get3A_698 = tpu.vector_load %arg8[%get3A_695, %get3A_696, %get3A_697] {strides = array<i32>} : memref<2x200x64xf32, #tpu.memory_space<vmem>>, vector<1x1x16xf32>,
      %get3A_699 = vector.shape_cast %get3A_698 : vector<1x1x16xf32> to vector<16xf32>
      %mul3A_700 = arith.constant 8.000000e+00 : f32
      %mul3A_701 = vector.broadcast %mul3A_700 : f32 to vector<16xf32>
      %mul3A_702 = arith.mulf %get3A_699, %mul3A_701 : vector<16xf32>
      %add3A_703 = arith.constant 3 : i32
      %add3A_704 = arith.addi %mul3A_153, %add3A_703 : i32
      %swap3A_705 = arith.constant 0 : i32
      %swap3A_706 = arith.index_cast %swap3A_705 : i32 to index
      %swap3A_707 = arith.index_cast %add3A_704 : i32 to index
      %swap3A_708 = arith.constant 48 : index
      %swap3A_709 = tpu.vector_load %arg8[%swap3A_706, %swap3A_707, %swap3A_708] {strides = array<i32>} : memref<2x200x64xf32, #tpu.memory_space<vmem>>, vector<1x1x16xf32>,
      %swap3A_710 = vector.shape_cast %swap3A_709 : vector<1x1x16xf32> to vector<16xf32>
      %swap3A_711 = vector.shape_cast %mul3A_702 : vector<16xf32> to vector<1x1x16xf32>
      tpu.vector_store %arg8[%swap3A_706, %swap3A_707, %swap3A_708], %swap3A_711 {strides = array<i32>} : memref<2x200x64xf32, #tpu.memory_space<vmem>>, vector<1x1x16xf32>,
      %add3A_712 = arith.constant 3 : i32
      %add3A_713 = arith.addi %mul3A_153, %add3A_712 : i32
      %get3A_714 = arith.constant 1 : i32
      %get3A_715 = arith.index_cast %get3A_714 : i32 to index
      %get3A_716 = arith.index_cast %add3A_713 : i32 to index
      %get3A_717 = arith.constant 0 : index
      %get3A_718 = tpu.vector_load %arg8[%get3A_715, %get3A_716, %get3A_717] {strides = array<i32>} : memref<2x200x64xf32, #tpu.memory_space<vmem>>, vector<1x1x16xf32>,
      %get3A_719 = vector.shape_cast %get3A_718 : vector<1x1x16xf32> to vector<16xf32>
      %mul3A_720 = arith.constant 8.000000e+00 : f32
      %mul3A_721 = vector.broadcast %mul3A_720 : f32 to vector<16xf32>
      %mul3A_722 = arith.mulf %get3A_719, %mul3A_721 : vector<16xf32>
      %add3A_723 = arith.constant 3 : i32
      %add3A_724 = arith.addi %mul3A_153, %add3A_723 : i32
      %swap3A_725 = arith.constant 1 : i32
      %swap3A_726 = arith.index_cast %swap3A_725 : i32 to index
      %swap3A_727 = arith.index_cast %add3A_724 : i32 to index
      %swap3A_728 = arith.constant 0 : index
      %swap3A_729 = tpu.vector_load %arg8[%swap3A_726, %swap3A_727, %swap3A_728] {strides = array<i32>} : memref<2x200x64xf32, #tpu.memory_space<vmem>>, vector<1x1x16xf32>,
      %swap3A_730 = vector.shape_cast %swap3A_729 : vector<1x1x16xf32> to vector<16xf32>
      %swap3A_731 = vector.shape_cast %mul3A_722 : vector<16xf32> to vector<1x1x16xf32>
      tpu.vector_store %arg8[%swap3A_726, %swap3A_727, %swap3A_728], %swap3A_731 {strides = array<i32>} : memref<2x200x64xf32, #tpu.memory_space<vmem>>, vector<1x1x16xf32>,
      %add3A_732 = arith.constant 3 : i32
      %add3A_733 = arith.addi %mul3A_153, %add3A_732 : i32
      %get3A_734 = arith.constant 1 : i32
      %get3A_735 = arith.index_cast %get3A_734 : i32 to index
      %get3A_736 = arith.index_cast %add3A_733 : i32 to index
      %get3A_737 = arith.constant 16 : index
      %get3A_738 = tpu.vector_load %arg8[%get3A_735, %get3A_736, %get3A_737] {strides = array<i32>} : memref<2x200x64xf32, #tpu.memory_space<vmem>>, vector<1x1x16xf32>,
      %get3A_739 = vector.shape_cast %get3A_738 : vector<1x1x16xf32> to vector<16xf32>
      %mul3A_740 = arith.constant 8.000000e+00 : f32
      %mul3A_741 = vector.broadcast %mul3A_740 : f32 to vector<16xf32>
      %mul3A_742 = arith.mulf %get3A_739, %mul3A_741 : vector<16xf32>
      %add3A_743 = arith.constant 3 : i32
      %add3A_744 = arith.addi %mul3A_153, %add3A_743 : i32
      %swap3A_745 = arith.constant 1 : i32
      %swap3A_746 = arith.index_cast %swap3A_745 : i32 to index
      %swap3A_747 = arith.index_cast %add3A_744 : i32 to index
      %swap3A_748 = arith.constant 16 : index
      %swap3A_749 = tpu.vector_load %arg8[%swap3A_746, %swap3A_747, %swap3A_748] {strides = array<i32>} : memref<2x200x64xf32, #tpu.memory_space<vmem>>, vector<1x1x16xf32>,
      %swap3A_750 = vector.shape_cast %swap3A_749 : vector<1x1x16xf32> to vector<16xf32>
      %swap3A_751 = vector.shape_cast %mul3A_742 : vector<16xf32> to vector<1x1x16xf32>
      tpu.vector_store %arg8[%swap3A_746, %swap3A_747, %swap3A_748], %swap3A_751 {strides = array<i32>} : memref<2x200x64xf32, #tpu.memory_space<vmem>>, vector<1x1x16xf32>,
      %add3A_752 = arith.constant 3 : i32
      %add3A_753 = arith.addi %mul3A_153, %add3A_752 : i32
      %get3A_754 = arith.constant 1 : i32
      %get3A_755 = arith.index_cast %get3A_754 : i32 to index
      %get3A_756 = arith.index_cast %add3A_753 : i32 to index
      %get3A_757 = arith.constant 32 : index
      %get3A_758 = tpu.vector_load %arg8[%get3A_755, %get3A_756, %get3A_757] {strides = array<i32>} : memref<2x200x64xf32, #tpu.memory_space<vmem>>, vector<1x1x16xf32>,
      %get3A_759 = vector.shape_cast %get3A_758 : vector<1x1x16xf32> to vector<16xf32>
      %mul3A_760 = arith.constant 8.000000e+00 : f32
      %mul3A_761 = vector.broadcast %mul3A_760 : f32 to vector<16xf32>
      %mul3A_762 = arith.mulf %get3A_759, %mul3A_761 : vector<16xf32>
      %add3A_763 = arith.constant 3 : i32
      %add3A_764 = arith.addi %mul3A_153, %add3A_763 : i32
      %swap3A_765 = arith.constant 1 : i32
      %swap3A_766 = arith.index_cast %swap3A_765 : i32 to index
      %swap3A_767 = arith.index_cast %add3A_764 : i32 to index
      %swap3A_768 = arith.constant 32 : index
      %swap3A_769 = tpu.vector_load %arg8[%swap3A_766, %swap3A_767, %swap3A_768] {strides = array<i32>} : memref<2x200x64xf32, #tpu.memory_space<vmem>>, vector<1x1x16xf32>,
      %swap3A_770 = vector.shape_cast %swap3A_769 : vector<1x1x16xf32> to vector<16xf32>
      %swap3A_771 = vector.shape_cast %mul3A_762 : vector<16xf32> to vector<1x1x16xf32>
      tpu.vector_store %arg8[%swap3A_766, %swap3A_767, %swap3A_768], %swap3A_771 {strides = array<i32>} : memref<2x200x64xf32, #tpu.memory_space<vmem>>, vector<1x1x16xf32>,
      %add3A_772 = arith.constant 3 : i32
      %add3A_773 = arith.addi %mul3A_153, %add3A_772 : i32
      %get3A_774 = arith.constant 1 : i32
      %get3A_775 = arith.index_cast %get3A_774 : i32 to index
      %get3A_776 = arith.index_cast %add3A_773 : i32 to index
      %get3A_777 = arith.constant 48 : index
      %get3A_778 = tpu.vector_load %arg8[%get3A_775, %get3A_776, %get3A_777] {strides = array<i32>} : memref<2x200x64xf32, #tpu.memory_space<vmem>>, vector<1x1x16xf32>,
      %get3A_779 = vector.shape_cast %get3A_778 : vector<1x1x16xf32> to vector<16xf32>
      %mul3A_780 = arith.constant 8.000000e+00 : f32
      %mul3A_781 = vector.broadcast %mul3A_780 : f32 to vector<16xf32>
      %mul3A_782 = arith.mulf %get3A_779, %mul3A_781 : vector<16xf32>
      %add3A_783 = arith.constant 3 : i32
      %add3A_784 = arith.addi %mul3A_153, %add3A_783 : i32
      %swap3A_785 = arith.constant 1 : i32
      %swap3A_786 = arith.index_cast %swap3A_785 : i32 to index
      %swap3A_787 = arith.index_cast %add3A_784 : i32 to index
      %swap3A_788 = arith.constant 48 : index
      %swap3A_789 = tpu.vector_load %arg8[%swap3A_786, %swap3A_787, %swap3A_788] {strides = array<i32>} : memref<2x200x64xf32, #tpu.memory_space<vmem>>, vector<1x1x16xf32>,
      %swap3A_790 = vector.shape_cast %swap3A_789 : vector<1x1x16xf32> to vector<16xf32>
      %swap3A_791 = vector.shape_cast %mul3A_782 : vector<16xf32> to vector<1x1x16xf32>
      tpu.vector_store %arg8[%swap3A_786, %swap3A_787, %swap3A_788], %swap3A_791 {strides = array<i32>} : memref<2x200x64xf32, #tpu.memory_space<vmem>>, vector<1x1x16xf32>,
      %scan3A_792 = arith.constant 0 : i32
      scf.yield %scan3A_792 : i32
    }
    %scan3A_125 = arith.constant 50 : i32
    %add3A_126 = arith.constant 510 : i32
    %add3A_127 = arith.addi %mul3A_2, %add3A_126 : i32
    %dma_start3A_128 = arith.constant 0 : i32
    %dma_start3A_129 = arith.constant 0 : i32
    %dma_start3A_130 = tpu.memref_slice %arg4[%add3A_127, %dma_start3A_128, %dma_start3A_129] : memref<16384x200x128xf32, #tpu.memory_space<hbm>> -> memref<2x200x64xf32, #tpu.memory_space<hbm>>
    %dma_start3A_131 = arith.constant 0 : i32
    %dma_start3A_132 = arith.constant 0 : i32
    %dma_start3A_133 = tpu.memref_slice %arg4[%add3A_127, %dma_start3A_131, %dma_start3A_132] : memref<16384x200x128xf32, #tpu.memory_space<hbm>> -> memref<2x200x64xf32, #tpu.memory_space<hbm>>
    tpu.enqueue_dma source(%arg8 : memref<2x200x64xf32, #tpu.memory_space<vmem>>) target(%dma_start3A_133 : memref<2x200x64xf32, #tpu.memory_space<hbm>>) target_semaphore(%arg12 : memref<!tpu.dma_semaphore, #tpu.memory_space<semaphore_mem>>)
    %add3A_134 = arith.constant 508 : i32
    %add3A_135 = arith.addi %mul3A_2, %add3A_134 : i32
    %dma_wait3A_136 = arith.constant 0 : i32
    %dma_wait3A_137 = arith.constant 0 : i32
    %dma_wait3A_138 = tpu.memref_slice %arg4[%add3A_135, %dma_wait3A_136, %dma_wait3A_137] : memref<16384x200x128xf32, #tpu.memory_space<hbm>> -> memref<2x200x64xf32, #tpu.memory_space<hbm>>
    %dma_wait3A_139 = arith.constant 0 : i32
    %dma_wait3A_140 = arith.constant 0 : i32
    %dma_wait3A_141 = tpu.memref_slice %arg4[%add3A_135, %dma_wait3A_139, %dma_wait3A_140] : memref<16384x200x128xf32, #tpu.memory_space<hbm>> -> memref<2x200x64xf32, #tpu.memory_space<hbm>>
    tpu.wait_dma2 semaphore(%arg12 : memref<!tpu.dma_semaphore, #tpu.memory_space<semaphore_mem>>) src(%arg10 : memref<2x200x64xf32, #tpu.memory_space<vmem>>) dst(%dma_wait3A_141 : memref<2x200x64xf32, #tpu.memory_space<hbm>>)
    %add3A_142 = arith.constant 510 : i32
    %add3A_143 = arith.addi %mul3A_2, %add3A_142 : i32
    %dma_wait3A_144 = arith.constant 0 : i32
    %dma_wait3A_145 = arith.constant 0 : i32
    %dma_wait3A_146 = tpu.memref_slice %arg4[%add3A_143, %dma_wait3A_144, %dma_wait3A_145] : memref<16384x200x128xf32, #tpu.memory_space<hbm>> -> memref<2x200x64xf32, #tpu.memory_space<hbm>>
    %dma_wait3A_147 = arith.constant 0 : i32
    %dma_wait3A_148 = arith.constant 0 : i32
    %dma_wait3A_149 = tpu.memref_slice %arg4[%add3A_143, %dma_wait3A_147, %dma_wait3A_148] : memref<16384x200x128xf32, #tpu.memory_space<hbm>> -> memref<2x200x64xf32, #tpu.memory_space<hbm>>
    tpu.wait_dma2 semaphore(%arg12 : memref<!tpu.dma_semaphore, #tpu.memory_space<semaphore_mem>>) src(%arg8 : memref<2x200x64xf32, #tpu.memory_space<vmem>>) dst(%dma_wait3A_149 : memref<2x200x64xf32, #tpu.memory_space<hbm>>)
    return
  }
}

</mosaic_0001>

<sc_bundles>
// kernel: kernel.3.cloned.1.call-start
scs
__scs_entry_jumppad:
0x0: {  	(pc) =	sbr.rel $0x88, $3  }
0x1: {  	(tag) =	ssettag $0x0;
	lr =	simm.s32 $0x1  }
0x2: {  	[smem:$0x3F9F] =	sst lr;
	_ =	strace $0xD0000000  }
0x3: {  	_ = 	snop  }
0x4: {  	_ = 	snop  }
0x5: {  	_ = 	snop  }
0x6: {  	_ = 	snop  }
0x7: {  	_ = 	snop  }
__scs_overlays_trampoline_lowered:
0x8: {  	[smem:$0x3FAE] =	sst s0  }
0x9: {  	[smem:$0x3FAF] =	sst s1  }
0xa: {  	[smem:$0x3FB0] =	sst s2  }
0xb: {  	[smem:$0x3FB1] =	sst s3  }
0xc: {  	[smem:$0x3FB2] =	sst s4  }
0xd: {  	[smem:$0x3FB3] =	sst s5  }
0xe: {  	[smem:$0x3FB4] =	sst s6  }
0xf: {  	[smem:$0x3FB5] =	sst s7  }
0x10: {  	[smem:$0x3FB6] =	sst s8  }
0x11: {  	[smem:$0x3FB7] =	sst s9;
	s0 =	simm.s32 @!p0 $0x0  }
0x12: {  	s1 =	sld [smem:$0x3F9D];
	s0 =	simm.s32 @p0 $0x1  }
0x13: {  	[smem:$0x3FB8] =	sst s0;
	s0 =	simm.s32 @!p1 $0x0  }
0x14: {  	s2 =	sld [smem:$0x3F9C];
	s0 =	simm.s32 @p1 $0x1  }
0x15: {  	[smem:$0x3FB9] =	sst s0;
	s0 =	simm.s32 @!p2 $0x0  }
0x16: {  	s3 =	sld [smem:$0x3FDB];
	s0 =	simm.s32 @p2 $0x1  }
0x17: {  	s4 =	simm.s32 $0x1BF5;
	[smem:$0x3FBB] =	sst s0  }
0x18: {  	s0 =	sld [smem:$0x3F9E];
	_ =	swait.ge [sflag:s4], $0x0  }
0x19: {  	s7 =	sld [smem:$0x3F9F]  }
0x1a: {  	s8 =	sadd.s32 $0xFFFFE003, lr  }
0x1b: {  	s9 =	sadd.s32 $0xFFFFFEF7, lr;
	s5 =	simm.s32 $0xFFFFFFFF;
	p2 =	slt.u32 s8, $0xFFFFF086  }
0x1c: {  	p1 =	slt.u32 s9, $0xF7A;
	s5 =	simm.s32 @!p2 $0x0  }
0x1d: {  	s5 =	simm.s32 @p1 $0x1;
	p0 =	seq.s32 s7, s2  }
0x1e: {  	s7 =	smul.u32 @!p0 $0xF7A, s2;
	p2 =	seq.s32 @!p0 s5, $0x0  }
0x1f: {  	s9 =	smul.u32 $0xF7A, s1;
	s8 =	simm.s32 @!p0 $0x1BF5;
	p2 =	por !p2, p0  }
0x20: {  	[sflag:s8] =	ssyncset.s32 @!p0 $0xFFFFF086;
	s6 =	sadd.s32 @!p0 s3, s7;
	s7 =	simm.s32 @!p0 $0x108  }
0x21: {  	s3 =	sadd.s32 s3, s9;
	s6 =	sadd.s32 @!p0 $0x88, s6;
	s7 =	simm.s32 @p2 $0x1082  }
0x22: {  	[simem:s7], [sflag:s8] =	dma.local @!p0 [hbm:s6], $0xF7A  }
0x23: {  	s9 =	sor.u32 $0xD0000000, s2;
	s6 =	simm.s32 $0x108;
	_ =	swait.ge @!p0 [sflag:s8], $0x0  }
0x24: {  	s3 =	sadd.s32 $0x88, s3;
	s6 =	simm.s32 @!p1 $0x1082;
	[sflag:s4] =	ssyncset.s32 $0xFFFFF086  }
0x25: {  	[simem:s6], [sflag:s4] =	dma.local [hbm:s3], $0xF7A  }
0x26: {  	[smem:$0x3F9F] =	sst s1;
	(tag) =	ssettag s2;
	_ =	strace s9  }
0x27: {  	s1 =	sld [smem:$0x3FAF]  }
0x28: {  	s2 =	sld [smem:$0x3FB0]  }
0x29: {  	s4 =	sld [smem:$0x3FB2]  }
0x2a: {  	p0 =	seq.s32 s5, $0x0;
	s5 =	sld [smem:$0x3FB3]  }
0x2b: {  	s6 =	sld [smem:$0x3FB4]  }
0x2c: {  	s7 =	sld [smem:$0x3FB5]  }
0x2d: {  	s3 =	simm.s32 $0x108;
	s8 =	sld [smem:$0x3FB6]  }
0x2e: {  	s3 =	simm.s32 @!p0 $0x1082;
	s9 =	sld [smem:$0x3FB7]  }
0x2f: {  	lr =	sadd.s32 s0, s3;
	s0 =	sld [smem:$0x3FAE]  }
0x30: {  	s3 =	sld [smem:$0x3FB1]  }
0x31: {  	[smem:$0x3FBA] =	sst s10  }
0x32: {  	s10 =	sld [smem:$0x3FB8];
	_ =	sdelay $0x3  }
0x33: {  	p0 =	seq.s32 s10, $0x1;
	s10 =	sld [smem:$0x3FBA];
	_ =	sdelay $0x3  }
0x34: {  	[smem:$0x3FBA] =	sst s10  }
0x35: {  	s10 =	sld [smem:$0x3FB9];
	_ =	sdelay $0x3  }
0x36: {  	p1 =	seq.s32 s10, $0x1;
	s10 =	sld [smem:$0x3FBA];
	_ =	sdelay $0x3  }
0x37: {  	[smem:$0x3FBA] =	sst s10  }
0x38: {  	s10 =	sld [smem:$0x3FBB]  }
0x39: {  	_ = 	snop;
	(pc) =	sbr.ind lr, $3  }
0x3a: {  	_ = 	snop  }
0x3b: {  	_ = 	snop  }
0x3c: {  	p2 =	seq.s32 s10, $0x1;
	s10 =	sld [smem:$0x3FBA]  }
0x3d: {  	_ =	shalt  }
0x3e: {  	_ =	shalt  }
0x3f: {  	_ =	shalt  }
0x40: {  	_ =	shalt  }
0x41: {  	_ =	shalt  }
0x42: {  	_ =	shalt  }
0x43: {  	_ =	shalt  }
0x44: {  	_ =	shalt  }
0x45: {  	_ =	shalt  }
0x46: {  	_ =	shalt  }
0x47: {  	_ =	shalt  }
0x48: {  	_ =	shalt  }
0x49: {  	_ =	shalt  }
0x4a: {  	_ =	shalt  }
0x4b: {  	_ =	shalt  }
0x4c: {  	_ =	shalt  }
0x4d: {  	_ =	shalt  }
0x4e: {  	_ =	shalt  }
0x4f: {  	_ =	shalt  }
0x50: {  	_ =	shalt  }
0x51: {  	_ =	shalt  }
0x52: {  	_ =	shalt  }
0x53: {  	_ =	shalt  }
0x54: {  	_ =	shalt  }
0x55: {  	_ =	shalt  }
0x56: {  	_ =	shalt  }
0x57: {  	_ =	shalt  }
0x58: {  	_ =	shalt  }
0x59: {  	_ =	shalt  }
0x5a: {  	_ =	shalt  }
0x5b: {  	_ =	shalt  }
0x5c: {  	_ =	shalt  }
0x5d: {  	_ =	shalt  }
0x5e: {  	_ =	shalt  }
0x5f: {  	_ =	shalt  }
0x60: {  	_ =	shalt  }
0x61: {  	_ =	shalt  }
0x62: {  	_ =	shalt  }
0x63: {  	_ =	shalt  }
0x64: {  	_ =	shalt  }
0x65: {  	_ =	shalt  }
0x66: {  	_ =	shalt  }
0x67: {  	_ =	shalt  }
0x68: {  	_ =	shalt  }
0x69: {  	_ =	shalt  }
0x6a: {  	_ =	shalt  }
0x6b: {  	_ =	shalt  }
0x6c: {  	_ =	shalt  }
0x6d: {  	_ =	shalt  }
0x6e: {  	_ =	shalt  }
0x6f: {  	_ =	shalt  }
0x70: {  	_ =	shalt  }
0x71: {  	_ =	shalt  }
0x72: {  	_ =	shalt  }
0x73: {  	_ =	shalt  }
0x74: {  	_ =	shalt  }
0x75: {  	_ =	shalt  }
0x76: {  	_ =	shalt  }
0x77: {  	_ =	shalt  }
0x78: {  	_ =	shalt  }
0x79: {  	_ =	shalt  }
0x7a: {  	_ =	shalt  }
0x7b: {  	_ =	shalt  }
0x7c: {  	_ =	shalt  }
0x7d: {  	_ =	shalt  }
0x7e: {  	_ =	shalt  }
0x7f: {  	_ =	shalt  }
0x80: {  	_ =	shalt  }
0x81: {  	_ =	shalt  }
0x82: {  	_ =	shalt  }
0x83: {  	_ =	shalt  }
0x84: {  	_ =	shalt  }
0x85: {  	_ =	shalt  }
0x86: {  	_ =	shalt  }
0x87: {  	_ =	shalt  }
.Lfunc_end0:
.L_simem_size_0:
called_computation.2_lowered:
.L_overlay_start_0:
0x88: {  	s2 =	sld [smem:$0x3FD9]  }
0x89: {  	s3 =	sld [smem:$0x3FFE];
	_ =	sdelay $0x1  }
0x8a: {  	s1 =	srdreg.scid  }
0x8b: {  	s0 =	sand.u32 $0x1, s1  }
0x8c: {  	s17 =	sshll.u32 s0, $0xA;
	s2 =	sadd.s32 s3, s2  }
0x8d: {  	s2 =	sadd.s32 s2, s17  }
0x8e: {  	[smem:$0x3FC6] =	sst s2  }
0x8f: {  	_ = 	snop  }
0x90: {  	s2 =	sld [smem:$0x3FD0];
	(tm) =	ssettm $0x1  }
0x91: {  	s18 =	sld [smem:$0x3FFB];
	_ =	sdelay $0x3  }
0x92: {  	_ =	strace s18  }
0x93: {  	s3 =	sld [smem:$0x3FFC];
	_ =	sdelay $0x3  }
0x94: {  	_ =	strace s3  }
0x95: {  	s3 =	sld [smem:$0x3FFD];
	_ =	sdelay $0x3  }
0x96: {  	_ =	strace s3  }
0x97: {  	_ =	strace $0x8FFFFFFF  }
0x98: {  	s19 =	sld [smem:$0x3FDB];
	_ =	sdelay $0x1  }
0x99: {  	s4 =	simm.s32 $_scs_section_size  }
0x9a: {  	s5 =	simm.s32 $_size__tile_overlayer_lowered;
	s6 =	simm.s32 $_tile_overlayer_lowered  }
0x9b: {  	s22 =	simm.s32 $0x1BFF;
	s21 =	sshll.u32 s6, $0x1;
	s3 =	sadd.s32 s4, s19  }
0x9c: {  	s7 =	simm.s32 $0x0;
	s20 =	sshll.u32 s5, $0x1;
	s5 =	sadd.s32 s21, s3  }
0x9d: {  	[timem:s7], [sflag:s22] =	dma.local [hbm:s5], s20  }
0x9e: {  	_ =	swait.ge [sflag:s22], s20  }
0x9f: {  	s4 =	ssub.s32 $0x0, s20;
	[sflag:s22] =	ssyncset.done $0x0  }
0xa0: {  	[sflag:s22] =	ssyncadd.s32 s4;
	_ =	sdelay $0x1  }
0xa1: {  	s23 =	simm.s32 $0x1B8B  }
0xa2: {  	_ =	swait.ge [sflag:s23], $0x1  }
0xa3: {  	[sflag:s23] =	ssyncset.done $0x0  }
0xa4: {  	s25 =	simm.s32 $0x1B8E;
	s24 =	sld [smem:$0x3FFE];
	[sflag:s23] =	ssyncadd.s32 $0xFFFFFFFF  }
0xa5: {  	s26 =	simm.s32 $execute0_lowered;
	[smem:$0x3FD2] =	sst s25  }
0xa6: {  	s5 =	sshll.u32 s26, $0x1;
	_ =	strace $0x80000049;
	[dreg:$0x1] =	wrdreg $0xFFFFFFFF  }
0xa7: {  	s28 =	simm.s32 $_size_execute0_lowered;
	s3 =	sadd.s32 s3, s5;
	[dreg:$0x0] =	wrdreg $0x0  }
0xa8: {  	s5 =	sshll.u32 s28, $0x1;
	[dreg:$0x2] =	wrdreg s3  }
0xa9: {  	[dreg:$0x3] =	wrdreg s5  }
0xaa: {  	[dreg:$0x4] =	wrdreg $0xC0  }
0xab: {  	_ =	task [dreg:s7], $0x5FFFF  }
0xac: {  	[dreg:$0x1] =	wrdreg $0xFFFFFFFF  }
0xad: {  	[dreg:$0x0] =	wrdreg $0x60  }
0xae: {  	[dreg:$0x2] =	wrdreg s2  }
0xaf: {  	[dreg:$0x3] =	wrdreg s24  }
0xb0: {  	[dreg:$0x4] =	wrdreg $0x9  }
0xb1: {  	_ =	task.clear_ibuf [dreg:s7], $0x5FFFF;
	_ =	strace $0x90000049  }
0xb2: {  	s29 =	simm.s32 $0x9;
	_ =	strace $0x8000004B  }
0xb3: {  	_ =	swait.ge [sflag:s29], $0x1  }
0xb4: {  	[sflag:s29] =	ssyncadd.s32 $0xFFFFFFFF  }
0xb5: {  	_ =	strace $0x9000004B  }
0xb6: {  	_ =	sfence  }
0xb7: {  	s30 =	sld [smem:$0x0];
	_ =	sdelay $0x2  }
0xb8: {  	s31 =	sshll.u32 s1, $0xD;
	s1 =	sshrl.u32 s1, $0x2  }
0xb9: {  	s3 =	sand.u32 $0x4000, s31;
	s1 =	sadd.s32 s1, s30  }
0xba: {  	s0 =	sor.u32 s3, s0;
	s1 =	sshll.u32 s1, $0x11  }
0xbb: {  	s0 =	sor.u32 s1, s0  }
0xbc: {  	s0 =	sadd.s32 $0x8F2B, s0  }
0xbd: {  	[sflag:s0] =	ssyncadd.remote.s32 $0x1  }
0xbe: {  	_ =	sfence.sel $0xFFFF  }
0xbf: {  	[dreg:$0x0] =	wrdreg $0xFFFFFFFF;
	(pc) =	sbr.abs _section_cstart, $3  }
0xc0: {  	[dreg:$0x1] =	wrdreg $0xFFFFFFFF  }
0xc1: {  	_ =	task.clear_ibuf [dreg:s7], $0x2FFFF;
	_ =	strace $0x9FFFFFFF  }
0xc2: {  	(tm) =	ssettm $0x7FFFFFFF  }
0xc3: {  	_ =	shalt  }
tec
execute0_lowered:
.L_overlay_start_1:
0x0: {  	(tag) =	ssettag $0x1  }
0x1: {  	s2 =	rddreg [dreg:$0x0]  }
0x2: {  	s0 =	rddreg [dreg:$0x1]  }
0x3: {  	s1 =	srdreg.scid;
	s4 =	stileid.u32  }
0x4: {  	s3 =	simm.s32 $0x0;
	s16 =	simm.s32 $0x80;
	s17 =	simm.s32 $0x4B0  }
0x5: {  	s18 =	simm.s32 $0x48;
	s19 =	simm.s32 $0x24B0;
	s20 =	simm.s32 $0xC8  }
0x6: {  	s21 =	simm.s32 $0x36B0;
	s22 =	simm.s32 $0x148;
	s23 =	simm.s32 $0x56B0  }
0x7: {  	s24 =	simm.s32 $0x190;
	s25 =	simm.s32 $0x3;
	s26 =	simm.s32 $0x1  }
0x8: {  	s28 =	simm.s32 $0x68B0;
	s13 =	simm.s32 $0x40;
	s1 =	sand.u32 $0x1, s1  }
0x9: {  	s14 =	simm.s32 $0x320;
	s4 =	sshll.u32 s4, $0xA;
	s5 =	sshll.u32 s1, $0x9  }
0xa: {  	[smem:$0x7FF] =	sst s3;
	s6 =	sadd.s32 $0xFA7200, s0;
	s4 =	sor.u32 s5, s4  }
0xb: {  	_ =	strace $0x8000004A;
	s1 =	ssub.s32 $0x2, s1;
	s7 =	smul.u32 $0x19, s4  }
0xc: {  	s5 =	sadd.s32 $0xF43200, s0;
	s8 =	sshrl.u32 s1, $0x1;
	s10 =	smul.u32 $0x6400, s4  }
0xd: {  	s29 =	ssub.s32 s1, s8;
	s9 =	sor.u32 $0x4, s4;
	s11 =	sor.u32 $0x6, s4  }
0xe: {  	s12 =	sor.u32 $0x8, s4;
	s0 =	smax.u32 s29, $0x1;
	s30 =	sadd.s32 s5, s7  }
0xf: {  	s31 =	sshrl.u32 s10, $0x3;
	[dreg:$0x6] =	wrdreg s0;
	s1 =	sadd.s32 $0x32, s30  }
0x10: {  	s8 =	simm.s32 $0x2;
	[dreg:$0x4] =	wrdreg s1;
	s1 =	sadd.s32 s6, s31  }
0x11: {  	s10 =	sor.u32 $0x2, s4;
	[dreg:$0x3] =	wrdreg s30;
	s1 =	sadd.s32 $0x18E700, s1  }
0x12: {  	s7 =	simm.s32 $0xCCB0;
	[dreg:$0x5] =	wrdreg s1;
	s1 =	simm.s32 $0x0  }
.LBB2_1:
0x13: {  	[dreg:$0x7] =	wrdreg s1  }
0x14: {  	s0 =	rddreg [dreg:$0x3];
	s30 =	simm.s32 $0x4  }
0x15: {  	[tilespmem:s3], [sflag:$0x4] =	stream.linear.gather [hbm4b:s0+s3], $0x190, $0x38;
	[tilespmem:$0x130B0] =	vst v63  }
0x16: {  	_ =	swait.ge [sflag:s30], $0x190  }
0x17: {  	[sflag:s30] =	ssyncset.done $0x0  }
0x18: {  	[sflag:s30] =	ssyncadd.s32 $0xFFFFFE70  }
0x19: {  	[tilespmem:s17], [sflag:$0x1] =	stream.indirect.gather [hbm4b:s2+s16], $0x40, s3, s16, $0xb8;
	[tilespmem:$0x130B0] =	vst v63  }
0x1a: {  	_ = 	snop  }
0x1b: {  	[tilespmem:s19], [sflag:$0x1] =	stream.indirect.gather [hbm4b:s2+s18], $0x40, s16, s18, $0xb8;
	[tilespmem:$0x130B0] =	vst v63  }
0x1c: {  	_ = 	snop  }
0x1d: {  	[tilespmem:s21], [sflag:$0x1] =	stream.indirect.gather [hbm4b:s2+s16], $0x40, s20, s16, $0xb8;
	[tilespmem:$0x130B0] =	vst v63  }
0x1e: {  	_ = 	snop  }
0x1f: {  	[tilespmem:s23], [sflag:$0x1] =	stream.indirect.gather [hbm4b:s2+s18], $0x40, s22, s18, $0xb8;
	[tilespmem:$0x130B0] =	vst v63  }
0x20: {  	s15 =	simm.s32 $0x0;
	s31 =	rddreg [dreg:$0x4]  }
0x21: {  	[tilespmem:s24], [sflag:$0x3] =	stream.linear.gather [hbm4b:s31+s3], $0x190, $0x38;
	[tilespmem:$0x130B0] =	vst v63  }
.LBB2_2:
0x22: {  	p0 =	seq.s32 s15, $0x0  }
0x23: {  	s0 =	simm.s32 @!p0 $0x2  }
0x24: {  	_ =	swait.ge @!p0 [sflag:s0], $0x6400  }
0x25: {  	[sflag:s0] =	ssyncset.done @!p0 $0x0  }
0x26: {  	[sflag:s0] =	ssyncadd.s32 @!p0 $0xFFFF9C00  }
0x27: {  	_ =	swait.ge [sflag:s25], $0x190  }
0x28: {  	[sflag:s25] =	ssyncset.done $0x0  }
0x29: {  	[sflag:s25] =	ssyncadd.s32 $0xFFFFFE70  }
0x2a: {  	_ =	swait.ge [sflag:s26], $0x2000  }
0x2b: {  	[sflag:s26] =	ssyncset.done $0x0  }
0x2c: {  	[sflag:s26] =	ssyncadd.s32 $0xFFFFE000  }
0x2d: {  	_ =	swait.ge [sflag:s26], $0x1200  }
0x2e: {  	[sflag:s26] =	ssyncset.done $0x0  }
0x2f: {  	[sflag:s26] =	ssyncadd.s32 $0xFFFFEE00  }
0x30: {  	_ =	swait.ge [sflag:s26], $0x2000  }
0x31: {  	[sflag:s26] =	ssyncset.done $0x0  }
0x32: {  	[sflag:s26] =	ssyncadd.s32 $0xFFFFE000  }
0x33: {  	_ =	swait.ge [sflag:s26], $0x1200  }
0x34: {  	[sflag:s26] =	ssyncset.done $0x0  }
0x35: {  	[sflag:s26] =	ssyncadd.s32 $0xFFFFEE00  }
0x36: {  	[tilespmem:s28], [sflag:$0x1] =	stream.indirect.gather [hbm4b:s2+s16], $0x40, s24, s16, $0xb8;
	[tilespmem:$0x130B0] =	vst v63  }
0x37: {  	s30 =	simm.s32 $0x210;
	s1 =	simm.s32 $0x88B0  }
0x38: {  	[tilespmem:s1], [sflag:$0x1] =	stream.indirect.gather [hbm4b:s2+s18], $0x40, s30, s18, $0xb8;
	[tilespmem:$0x130B0] =	vst v63  }
0x39: {  	s1 =	simm.s32 $0x258;
	s30 =	simm.s32 $0x9AB0  }
0x3a: {  	[tilespmem:s30], [sflag:$0x1] =	stream.indirect.gather [hbm4b:s2+s16], $0x40, s1, s16, $0xb8;
	[tilespmem:$0x130B0] =	vst v63  }
0x3b: {  	s31 =	simm.s32 $0x80;
	s1 =	simm.s32 $0x2D8;
	s30 =	simm.s32 $0xBAB0  }
0x3c: {  	[tilespmem:s30], [sflag:$0x1] =	stream.indirect.gather [hbm4b:s2+s18], $0x40, s1, s18, $0xb8;
	[tilespmem:$0x130B0] =	vst v63  }
0x3d: {  	v0 =	vld [tilespmem:s31+$0x430]  }
0x3e: {  	v1 =	vld [tilespmem:s31+$0x440]  }
0x3f: {  	v2 =	vld [tilespmem:s31+$0x450]  }
0x40: {  	v3 =	vld [tilespmem:s31+$0x460]  }
0x41: {  	v4 =	vld [tilespmem:s31+$0x3630]  }
0x42: {  	v5 =	vld [tilespmem:s31+$0x3640];
	v0 =	vmul.f32 $8.000000000e+00, v0  }
0x43: {  	v6 =	vld [tilespmem:s31+$0x3650];
	v1 =	vmul.f32 $8.000000000e+00, v1  }
0x44: {  	v2 =	vmul.f32 $8.000000000e+00, v2;
	[tilespmem:s31+$0x430] =	vst v0;
	v0 =	vld [tilespmem:s31+$0x3660]  }
0x45: {  	v3 =	vmul.f32 $8.000000000e+00, v3;
	[tilespmem:s31+$0x440] =	vst v1;
	v1 =	vld [tilespmem:s31+$0x470]  }
0x46: {  	v4 =	vmul.f32 $8.000000000e+00, v4;
	[tilespmem:s31+$0x450] =	vst v2;
	v2 =	vld [tilespmem:s31+$0x480]  }
0x47: {  	v5 =	vmul.f32 $8.000000000e+00, v5;
	[tilespmem:s31+$0x460] =	vst v3;
	v3 =	vld [tilespmem:s31+$0x490]  }
0x48: {  	v6 =	vmul.f32 $8.000000000e+00, v6;
	[tilespmem:s31+$0x3630] =	vst v4;
	v4 =	vld [tilespmem:s31+$0x4A0]  }
0x49: {  	[tilespmem:s31+$0x3640] =	vst v5;
	v5 =	vld [tilespmem:s31+$0x3670];
	v0 =	vmul.f32 $8.000000000e+00, v0  }
0x4a: {  	[tilespmem:s31+$0x3650] =	vst v6;
	v6 =	vld [tilespmem:s31+$0x3680];
	v1 =	vmul.f32 $8.000000000e+00, v1  }
0x4b: {  	v2 =	vmul.f32 $8.000000000e+00, v2;
	[tilespmem:s31+$0x3660] =	vst v0;
	v0 =	vld [tilespmem:s31+$0x3690]  }
0x4c: {  	v3 =	vmul.f32 $8.000000000e+00, v3;
	[tilespmem:s31+$0x470] =	vst v1;
	v1 =	vld [tilespmem:s31+$0x36A0]  }
0x4d: {  	v4 =	vmul.f32 $8.000000000e+00, v4;
	[tilespmem:s31+$0x480] =	vst v2;
	v2 =	vld [tilespmem:s31+$0x4B0]  }
0x4e: {  	v5 =	vmul.f32 $8.000000000e+00, v5;
	[tilespmem:s31+$0x490] =	vst v3;
	v3 =	vld [tilespmem:s31+$0x4C0]  }
0x4f: {  	v6 =	vmul.f32 $8.000000000e+00, v6;
	[tilespmem:s31+$0x4A0] =	vst v4;
	v4 =	vld [tilespmem:s31+$0x4D0]  }
0x50: {  	[tilespmem:s31+$0x3670] =	vst v5;
	v5 =	vld [tilespmem:s31+$0x4E0];
	v0 =	vmul.f32 $8.000000000e+00, v0  }
0x51: {  	[tilespmem:s31+$0x3680] =	vst v6;
	v6 =	vld [tilespmem:s31+$0x36B0]  }
0x52: {  	v1 =	vmul.f32 $8.000000000e+00, v1;
	[tilespmem:s31+$0x3690] =	vst v0;
	v0 =	vld [tilespmem:s31+$0x36C0]  }
0x53: {  	v2 =	vmul.f32 $8.000000000e+00, v2  }
0x54: {  	[tilespmem:s31+$0x36A0] =	vst v1;
	v1 =	vmul.f32 $8.000000000e+00, v3;
	v3 =	vld [tilespmem:s31+$0x36E0]  }
0x55: {  	v7 =	vld [tilespmem:s31+$0x36D0];
	[tilespmem:s31+$0x4B0] =	vst v2;
	v2 =	vmul.f32 $8.000000000e+00, v4  }
0x56: {  	v4 =	vld [tilespmem:s31+$0x4F0];
	[tilespmem:s31+$0x4C0] =	vst v1;
	v1 =	vmul.f32 $8.000000000e+00, v5  }
0x57: {  	[tilespmem:s31+$0x4D0] =	vst v2;
	v5 =	vld [tilespmem:s31+$0x500];
	v2 =	vmul.f32 $8.000000000e+00, v6;
	v6 =	vmul.f32 $8.000000000e+00, v0  }
0x58: {  	[tilespmem:s31+$0x4E0] =	vst v1;
	v1 =	vld [tilespmem:s31+$0x510]  }
0x59: {  	v0 =	vld [tilespmem:s31+$0x520];
	[tilespmem:s31+$0x36C0] =	vst v6;
	v6 =	vmul.f32 $8.000000000e+00, v3  }
0x5a: {  	v7 =	vmul.f32 $8.000000000e+00, v7;
	[tilespmem:s31+$0x36B0] =	vst v2;
	v2 =	vld [tilespmem:s31+$0x36F0]  }
0x5b: {  	v3 =	vld [tilespmem:s31+$0x3700];
	[tilespmem:s31+$0x36E0] =	vst v6;
	v6 =	vmul.f32 $8.000000000e+00, v4  }
0x5c: {  	s29 =	simm.s32 $0x600;
	[tilespmem:s31+$0x36D0] =	vst v7;
	v5 =	vmul.f32 $8.000000000e+00, v5;
	v4 =	vld [tilespmem:s31+$0x3710]  }
.LBB2_3:
0x5d: {  	s0 =	sshra.s32 s29, $0x2;
	p1 =	sne.s32 s29, $0xC600;
	[tilespmem:s31+$0x4F0] =	vst v6;
	v1 =	vmul.f32 $8.000000000e+00, v1;
	v6 =	vld [tilespmem:s31+$0x3720]  }
0x5e: {  	v7 =	vld [tilespmem:s0+$0x430];
	[tilespmem:s31+$0x500] =	vst v5;
	v0 =	vmul.f32 $8.000000000e+00, v0  }
0x5f: {  	v5 =	vld [tilespmem:s0+$0x440];
	[tilespmem:s31+$0x510] =	vst v1;
	v1 =	vmul.f32 $8.000000000e+00, v2  }
0x60: {  	v2 =	vld [tilespmem:s0+$0x450];
	[tilespmem:s31+$0x520] =	vst v0;
	v0 =	vmul.f32 $8.000000000e+00, v3  }
0x61: {  	v3 =	vld [tilespmem:s0+$0x460];
	[tilespmem:s31+$0x36F0] =	vst v1;
	v1 =	vmul.f32 $8.000000000e+00, v4  }
0x62: {  	v4 =	vld [tilespmem:s0+$0x3630];
	[tilespmem:s31+$0x3700] =	vst v0;
	v0 =	vmul.f32 $8.000000000e+00, v6  }
0x63: {  	v6 =	vmul.f32 $8.000000000e+00, v7;
	v7 =	vld [tilespmem:s0+$0x3640];
	[tilespmem:s31+$0x3710] =	vst v1  }
0x64: {  	v1 =	vmul.f32 $8.000000000e+00, v5;
	v5 =	vld [tilespmem:s0+$0x3650];
	[tilespmem:s31+$0x3720] =	vst v0;
	s31 =	smov.u32 s0  }
0x65: {  	[tilespmem:s31+$0x430] =	vst v6;
	v0 =	vmul.f32 $8.000000000e+00, v2;
	v2 =	vld [tilespmem:s31+$0x3660]  }
0x66: {  	[tilespmem:s31+$0x440] =	vst v1;
	v1 =	vmul.f32 $8.000000000e+00, v3;
	v3 =	vld [tilespmem:s31+$0x470]  }
0x67: {  	[tilespmem:s31+$0x450] =	vst v0;
	v0 =	vmul.f32 $8.000000000e+00, v4;
	v4 =	vld [tilespmem:s31+$0x480]  }
0x68: {  	[tilespmem:s31+$0x460] =	vst v1;
	v1 =	vmul.f32 $8.000000000e+00, v7;
	v6 =	vld [tilespmem:s31+$0x490]  }
0x69: {  	[tilespmem:s31+$0x3630] =	vst v0;
	v0 =	vmul.f32 $8.000000000e+00, v5;
	v5 =	vld [tilespmem:s31+$0x4A0]  }
0x6a: {  	[tilespmem:s31+$0x3640] =	vst v1;
	v1 =	vmul.f32 $8.000000000e+00, v2;
	v2 =	vld [tilespmem:s31+$0x3670]  }
0x6b: {  	[tilespmem:s31+$0x3650] =	vst v0;
	v0 =	vmul.f32 $8.000000000e+00, v3;
	v3 =	vld [tilespmem:s31+$0x3680]  }
0x6c: {  	[tilespmem:s31+$0x3660] =	vst v1;
	v1 =	vmul.f32 $8.000000000e+00, v4;
	v4 =	vld [tilespmem:s31+$0x3690]  }
0x6d: {  	[tilespmem:s31+$0x470] =	vst v0;
	v0 =	vmul.f32 $8.000000000e+00, v6;
	v6 =	vld [tilespmem:s31+$0x36A0]  }
0x6e: {  	[tilespmem:s31+$0x480] =	vst v1;
	v1 =	vmul.f32 $8.000000000e+00, v5;
	v5 =	vld [tilespmem:s31+$0x4B0]  }
0x6f: {  	[tilespmem:s31+$0x490] =	vst v0;
	v0 =	vmul.f32 $8.000000000e+00, v2;
	v2 =	vld [tilespmem:s31+$0x4C0]  }
0x70: {  	[tilespmem:s31+$0x4A0] =	vst v1;
	v1 =	vmul.f32 $8.000000000e+00, v3;
	v3 =	vld [tilespmem:s31+$0x4D0]  }
0x71: {  	[tilespmem:s31+$0x3670] =	vst v0;
	v0 =	vmul.f32 $8.000000000e+00, v4;
	v4 =	vld [tilespmem:s31+$0x4E0]  }
0x72: {  	[tilespmem:s31+$0x3680] =	vst v1;
	v1 =	vmul.f32 $8.000000000e+00, v6;
	v6 =	vld [tilespmem:s31+$0x36B0]  }
0x73: {  	[tilespmem:s31+$0x3690] =	vst v0;
	v0 =	vmul.f32 $8.000000000e+00, v5;
	v5 =	vld [tilespmem:s31+$0x36C0]  }
0x74: {  	[tilespmem:s31+$0x36A0] =	vst v1;
	v1 =	vmul.f32 $8.000000000e+00, v2;
	v2 =	vld [tilespmem:s31+$0x36D0]  }
0x75: {  	[tilespmem:s31+$0x4B0] =	vst v0;
	v0 =	vmul.f32 $8.000000000e+00, v3;
	v3 =	vld [tilespmem:s31+$0x36E0]  }
0x76: {  	[tilespmem:s31+$0x4C0] =	vst v1;
	v1 =	vmul.f32 $8.000000000e+00, v4;
	v4 =	vld [tilespmem:s31+$0x4F0]  }
0x77: {  	[tilespmem:s31+$0x4D0] =	vst v0;
	v0 =	vmul.f32 $8.000000000e+00, v6;
	v7 =	vld [tilespmem:s31+$0x500]  }
.Ltmp0:
0x78: {  	[tilespmem:s31+$0x4E0] =	vst v1;
	v5 =	vmul.f32 $8.000000000e+00, v5;
	v1 =	vld [tilespmem:s31+$0x510];
	(pc) =	sbr.rel @p1 .LBB2_3-.Ltmp0, $4  }
0x79: {  	[tilespmem:s31+$0x36B0] =	vst v0;
	v6 =	vmul.f32 $8.000000000e+00, v2;
	v0 =	vld [tilespmem:s31+$0x520]  }
0x7a: {  	[tilespmem:s31+$0x36C0] =	vst v5;
	v5 =	vmul.f32 $8.000000000e+00, v3;
	v2 =	vld [tilespmem:s31+$0x36F0]  }
0x7b: {  	[tilespmem:s31+$0x36D0] =	vst v6;
	v6 =	vmul.f32 $8.000000000e+00, v4;
	v3 =	vld [tilespmem:s31+$0x3700]  }
0x7c: {  	s29 =	sadd.s32 $0x400, s29;
	[tilespmem:s31+$0x36E0] =	vst v5;
	v5 =	vmul.f32 $8.000000000e+00, v7;
	v4 =	vld [tilespmem:s31+$0x3710]  }
0x7d: {  	[tilespmem:s31+$0x4F0] =	vst v6;
	v1 =	vmul.f32 $8.000000000e+00, v1;
	v6 =	vld [tilespmem:s31+$0x3720]  }
0x7e: {  	[tilespmem:s31+$0x500] =	vst v5;
	v0 =	vmul.f32 $8.000000000e+00, v0  }
0x7f: {  	s29 =	smul.u32 $0x6, s15;
	[tilespmem:s31+$0x510] =	vst v1;
	v1 =	vmul.f32 $8.000000000e+00, v2  }
0x80: {  	[tilespmem:s31+$0x520] =	vst v0;
	v0 =	vmul.f32 $8.000000000e+00, v3  }
0x81: {  	s0 =	sadd.s32 s4, s29;
	[tilespmem:s31+$0x36F0] =	vst v1;
	v1 =	vmul.f32 $8.000000000e+00, v4  }
0x82: {  	s0 =	smul.u32 $0xC80, s0;
	[tilespmem:s31+$0x3700] =	vst v0;
	v0 =	vmul.f32 $8.000000000e+00, v6  }
0x83: {  	s30 =	sadd.s32 s29, s9;
	[tilespmem:s31+$0x3710] =	vst v1  }
0x84: {  	s0 =	sadd.s32 s6, s0;
	[tilespmem:s31+$0x3720] =	vst v0;
	s31 =	smul.u32 $0x19, s30  }
0x85: {  	[hbm4b:s0+s13] =	stream.strided.scatter [tilespmem:s17], [sflag:$0x2], $0x6400, s16, s13, $0x38;
	[tilespmem:$0x130B0] =	vst v63  }
0x86: {  	s0 =	simm.s32 @!p0 $0x2;
	s1 =	sadd.s32 s5, s31  }
0x87: {  	[tilespmem:s14], [sflag:$0x3] =	stream.linear.gather [hbm4b:s1+s3], $0x190, $0x38;
	[tilespmem:$0x130B0] =	vst v63  }
0x88: {  	_ =	swait.ge @!p0 [sflag:s0], $0x6400  }
0x89: {  	[sflag:s0] =	ssyncset.done @!p0 $0x0  }
0x8a: {  	[sflag:s0] =	ssyncadd.s32 @!p0 $0xFFFF9C00  }
0x8b: {  	_ =	swait.ge [sflag:s25], $0x190  }
0x8c: {  	[sflag:s25] =	ssyncset.done $0x0  }
0x8d: {  	[sflag:s25] =	ssyncadd.s32 $0xFFFFFE70  }
0x8e: {  	_ =	swait.ge [sflag:s26], $0x2000  }
0x8f: {  	[sflag:s26] =	ssyncset.done $0x0  }
0x90: {  	[sflag:s26] =	ssyncadd.s32 $0xFFFFE000  }
0x91: {  	_ =	swait.ge [sflag:s26], $0x1200  }
0x92: {  	[sflag:s26] =	ssyncset.done $0x0  }
0x93: {  	[sflag:s26] =	ssyncadd.s32 $0xFFFFEE00  }
0x94: {  	_ =	swait.ge [sflag:s26], $0x2000  }
0x95: {  	[sflag:s26] =	ssyncset.done $0x0  }
0x96: {  	[sflag:s26] =	ssyncadd.s32 $0xFFFFE000  }
0x97: {  	_ =	swait.ge [sflag:s26], $0x1200  }
0x98: {  	[sflag:s26] =	ssyncset.done $0x0  }
0x99: {  	[sflag:s26] =	ssyncadd.s32 $0xFFFFEE00  }
0x9a: {  	[tilespmem:s7], [sflag:$0x1] =	stream.indirect.gather [hbm4b:s2+s16], $0x40, s14, s16, $0xb8;
	[tilespmem:$0x130B0] =	vst v63  }
0x9b: {  	s1 =	simm.s32 $0xECB0;
	s0 =	simm.s32 $0x3A0  }
0x9c: {  	[tilespmem:s1], [sflag:$0x1] =	stream.indirect.gather [hbm4b:s2+s18], $0x40, s0, s18, $0xb8;
	[tilespmem:$0x130B0] =	vst v63  }
0x9d: {  	s0 =	simm.s32 $0x3E8;
	s1 =	simm.s32 $0xFEB0  }
0x9e: {  	[tilespmem:s1], [sflag:$0x1] =	stream.indirect.gather [hbm4b:s2+s16], $0x40, s0, s16, $0xb8;
	[tilespmem:$0x130B0] =	vst v63  }
0x9f: {  	s31 =	simm.s32 $0x80;
	s0 =	simm.s32 $0x468;
	s1 =	simm.s32 $0x11EB0  }
0xa0: {  	[tilespmem:s1], [sflag:$0x1] =	stream.indirect.gather [hbm4b:s2+s18], $0x40, s0, s18, $0xb8;
	[tilespmem:$0x130B0] =	vst v63  }
0xa1: {  	v0 =	vld [tilespmem:s31+$0x6830]  }
0xa2: {  	v1 =	vld [tilespmem:s31+$0x6840]  }
0xa3: {  	v2 =	vld [tilespmem:s31+$0x6850]  }
0xa4: {  	v3 =	vld [tilespmem:s31+$0x6860]  }
0xa5: {  	v4 =	vld [tilespmem:s31+$0x9A30]  }
0xa6: {  	v5 =	vld [tilespmem:s31+$0x9A40];
	v0 =	vmul.f32 $8.000000000e+00, v0  }
0xa7: {  	v6 =	vld [tilespmem:s31+$0x9A50];
	v1 =	vmul.f32 $8.000000000e+00, v1  }
0xa8: {  	v2 =	vmul.f32 $8.000000000e+00, v2;
	[tilespmem:s31+$0x6830] =	vst v0;
	v0 =	vld [tilespmem:s31+$0x9A60]  }
0xa9: {  	v3 =	vmul.f32 $8.000000000e+00, v3;
	[tilespmem:s31+$0x6840] =	vst v1;
	v1 =	vld [tilespmem:s31+$0x6870]  }
0xaa: {  	v4 =	vmul.f32 $8.000000000e+00, v4;
	[tilespmem:s31+$0x6850] =	vst v2;
	v2 =	vld [tilespmem:s31+$0x6880]  }
0xab: {  	v5 =	vmul.f32 $8.000000000e+00, v5;
	[tilespmem:s31+$0x6860] =	vst v3;
	v3 =	vld [tilespmem:s31+$0x6890]  }
0xac: {  	v6 =	vmul.f32 $8.000000000e+00, v6;
	[tilespmem:s31+$0x9A30] =	vst v4;
	v4 =	vld [tilespmem:s31+$0x68A0]  }
0xad: {  	[tilespmem:s31+$0x9A40] =	vst v5;
	v5 =	vld [tilespmem:s31+$0x9A70];
	v0 =	vmul.f32 $8.000000000e+00, v0  }
0xae: {  	[tilespmem:s31+$0x9A50] =	vst v6;
	v6 =	vld [tilespmem:s31+$0x9A80];
	v1 =	vmul.f32 $8.000000000e+00, v1  }
0xaf: {  	v2 =	vmul.f32 $8.000000000e+00, v2;
	[tilespmem:s31+$0x9A60] =	vst v0;
	v0 =	vld [tilespmem:s31+$0x9A90]  }
0xb0: {  	v3 =	vmul.f32 $8.000000000e+00, v3;
	[tilespmem:s31+$0x6870] =	vst v1;
	v1 =	vld [tilespmem:s31+$0x9AA0]  }
0xb1: {  	v4 =	vmul.f32 $8.000000000e+00, v4;
	[tilespmem:s31+$0x6880] =	vst v2;
	v2 =	vld [tilespmem:s31+$0x68B0]  }
0xb2: {  	v5 =	vmul.f32 $8.000000000e+00, v5;
	[tilespmem:s31+$0x6890] =	vst v3;
	v3 =	vld [tilespmem:s31+$0x68C0]  }
0xb3: {  	v6 =	vmul.f32 $8.000000000e+00, v6;
	[tilespmem:s31+$0x68A0] =	vst v4;
	v4 =	vld [tilespmem:s31+$0x68D0]  }
0xb4: {  	[tilespmem:s31+$0x9A70] =	vst v5;
	v5 =	vld [tilespmem:s31+$0x68E0];
	v0 =	vmul.f32 $8.000000000e+00, v0  }
0xb5: {  	[tilespmem:s31+$0x9A80] =	vst v6;
	v6 =	vld [tilespmem:s31+$0x9AB0]  }
0xb6: {  	v1 =	vmul.f32 $8.000000000e+00, v1;
	[tilespmem:s31+$0x9A90] =	vst v0;
	v0 =	vld [tilespmem:s31+$0x9AC0]  }
0xb7: {  	v2 =	vmul.f32 $8.000000000e+00, v2  }
0xb8: {  	[tilespmem:s31+$0x9AA0] =	vst v1;
	v1 =	vmul.f32 $8.000000000e+00, v3;
	v3 =	vld [tilespmem:s31+$0x9AE0]  }
0xb9: {  	v7 =	vld [tilespmem:s31+$0x9AD0];
	[tilespmem:s31+$0x68B0] =	vst v2;
	v2 =	vmul.f32 $8.000000000e+00, v4  }
0xba: {  	v4 =	vld [tilespmem:s31+$0x68F0];
	[tilespmem:s31+$0x68C0] =	vst v1;
	v1 =	vmul.f32 $8.000000000e+00, v5  }
0xbb: {  	[tilespmem:s31+$0x68D0] =	vst v2;
	v5 =	vld [tilespmem:s31+$0x6900];
	v2 =	vmul.f32 $8.000000000e+00, v6;
	v6 =	vmul.f32 $8.000000000e+00, v0  }
0xbc: {  	[tilespmem:s31+$0x68E0] =	vst v1;
	v1 =	vld [tilespmem:s31+$0x6910]  }
0xbd: {  	v0 =	vld [tilespmem:s31+$0x6920];
	[tilespmem:s31+$0x9AC0] =	vst v6;
	v6 =	vmul.f32 $8.000000000e+00, v3  }
0xbe: {  	v7 =	vmul.f32 $8.000000000e+00, v7;
	[tilespmem:s31+$0x9AB0] =	vst v2;
	v2 =	vld [tilespmem:s31+$0x9AF0]  }
0xbf: {  	v3 =	vld [tilespmem:s31+$0x9B00];
	[tilespmem:s31+$0x9AE0] =	vst v6;
	v6 =	vmul.f32 $8.000000000e+00, v4  }
0xc0: {  	s0 =	simm.s32 $0x600;
	[tilespmem:s31+$0x9AD0] =	vst v7;
	v5 =	vmul.f32 $8.000000000e+00, v5;
	v4 =	vld [tilespmem:s31+$0x9B10]  }
.LBB2_5:
0xc1: {  	s1 =	sshra.s32 s0, $0x2;
	p0 =	sne.s32 s0, $0xC600;
	[tilespmem:s31+$0x68F0] =	vst v6;
	v1 =	vmul.f32 $8.000000000e+00, v1;
	v6 =	vld [tilespmem:s31+$0x9B20]  }
0xc2: {  	v7 =	vld [tilespmem:s1+$0x6830];
	[tilespmem:s31+$0x6900] =	vst v5;
	v0 =	vmul.f32 $8.000000000e+00, v0  }
0xc3: {  	v5 =	vld [tilespmem:s1+$0x6840];
	[tilespmem:s31+$0x6910] =	vst v1;
	v1 =	vmul.f32 $8.000000000e+00, v2  }
0xc4: {  	v2 =	vld [tilespmem:s1+$0x6850];
	[tilespmem:s31+$0x6920] =	vst v0;
	v0 =	vmul.f32 $8.000000000e+00, v3  }
0xc5: {  	v3 =	vld [tilespmem:s1+$0x6860];
	[tilespmem:s31+$0x9AF0] =	vst v1;
	v1 =	vmul.f32 $8.000000000e+00, v4  }
0xc6: {  	v4 =	vld [tilespmem:s1+$0x9A30];
	[tilespmem:s31+$0x9B00] =	vst v0;
	v0 =	vmul.f32 $8.000000000e+00, v6  }
0xc7: {  	v6 =	vmul.f32 $8.000000000e+00, v7;
	v7 =	vld [tilespmem:s1+$0x9A40];
	[tilespmem:s31+$0x9B10] =	vst v1  }
0xc8: {  	v1 =	vmul.f32 $8.000000000e+00, v5;
	v5 =	vld [tilespmem:s1+$0x9A50];
	[tilespmem:s31+$0x9B20] =	vst v0;
	s31 =	smov.u32 s1  }
0xc9: {  	[tilespmem:s31+$0x6830] =	vst v6;
	v0 =	vmul.f32 $8.000000000e+00, v2;
	v2 =	vld [tilespmem:s31+$0x9A60]  }
0xca: {  	[tilespmem:s31+$0x6840] =	vst v1;
	v1 =	vmul.f32 $8.000000000e+00, v3;
	v3 =	vld [tilespmem:s31+$0x6870]  }
0xcb: {  	[tilespmem:s31+$0x6850] =	vst v0;
	v0 =	vmul.f32 $8.000000000e+00, v4;
	v4 =	vld [tilespmem:s31+$0x6880]  }
0xcc: {  	[tilespmem:s31+$0x6860] =	vst v1;
	v1 =	vmul.f32 $8.000000000e+00, v7;
	v6 =	vld [tilespmem:s31+$0x6890]  }
0xcd: {  	[tilespmem:s31+$0x9A30] =	vst v0;
	v0 =	vmul.f32 $8.000000000e+00, v5;
	v5 =	vld [tilespmem:s31+$0x68A0]  }
0xce: {  	[tilespmem:s31+$0x9A40] =	vst v1;
	v1 =	vmul.f32 $8.000000000e+00, v2;
	v2 =	vld [tilespmem:s31+$0x9A70]  }
0xcf: {  	[tilespmem:s31+$0x9A50] =	vst v0;
	v0 =	vmul.f32 $8.000000000e+00, v3;
	v3 =	vld [tilespmem:s31+$0x9A80]  }
0xd0: {  	[tilespmem:s31+$0x9A60] =	vst v1;
	v1 =	vmul.f32 $8.000000000e+00, v4;
	v4 =	vld [tilespmem:s31+$0x9A90]  }
0xd1: {  	[tilespmem:s31+$0x6870] =	vst v0;
	v0 =	vmul.f32 $8.000000000e+00, v6;
	v6 =	vld [tilespmem:s31+$0x9AA0]  }
0xd2: {  	[tilespmem:s31+$0x6880] =	vst v1;
	v1 =	vmul.f32 $8.000000000e+00, v5;
	v5 =	vld [tilespmem:s31+$0x68B0]  }
0xd3: {  	[tilespmem:s31+$0x6890] =	vst v0;
	v0 =	vmul.f32 $8.000000000e+00, v2;
	v2 =	vld [tilespmem:s31+$0x68C0]  }
0xd4: {  	[tilespmem:s31+$0x68A0] =	vst v1;
	v1 =	vmul.f32 $8.000000000e+00, v3;
	v3 =	vld [tilespmem:s31+$0x68D0]  }
0xd5: {  	[tilespmem:s31+$0x9A70] =	vst v0;
	v0 =	vmul.f32 $8.000000000e+00, v4;
	v4 =	vld [tilespmem:s31+$0x68E0]  }
0xd6: {  	[tilespmem:s31+$0x9A80] =	vst v1;
	v1 =	vmul.f32 $8.000000000e+00, v6;
	v6 =	vld [tilespmem:s31+$0x9AB0]  }
0xd7: {  	[tilespmem:s31+$0x9A90] =	vst v0;
	v0 =	vmul.f32 $8.000000000e+00, v5;
	v5 =	vld [tilespmem:s31+$0x9AC0]  }
0xd8: {  	[tilespmem:s31+$0x9AA0] =	vst v1;
	v1 =	vmul.f32 $8.000000000e+00, v2;
	v2 =	vld [tilespmem:s31+$0x9AD0]  }
0xd9: {  	[tilespmem:s31+$0x68B0] =	vst v0;
	v0 =	vmul.f32 $8.000000000e+00, v3;
	v3 =	vld [tilespmem:s31+$0x9AE0]  }
0xda: {  	[tilespmem:s31+$0x68C0] =	vst v1;
	v1 =	vmul.f32 $8.000000000e+00, v4;
	v4 =	vld [tilespmem:s31+$0x68F0]  }
0xdb: {  	[tilespmem:s31+$0x68D0] =	vst v0;
	v0 =	vmul.f32 $8.000000000e+00, v6;
	v7 =	vld [tilespmem:s31+$0x6900]  }
.Ltmp1:
0xdc: {  	[tilespmem:s31+$0x68E0] =	vst v1;
	v5 =	vmul.f32 $8.000000000e+00, v5;
	v1 =	vld [tilespmem:s31+$0x6910];
	(pc) =	sbr.rel @p0 .LBB2_5-.Ltmp1, $4  }
0xdd: {  	[tilespmem:s31+$0x9AB0] =	vst v0;
	v6 =	vmul.f32 $8.000000000e+00, v2;
	v0 =	vld [tilespmem:s31+$0x6920]  }
0xde: {  	[tilespmem:s31+$0x9AC0] =	vst v5;
	v5 =	vmul.f32 $8.000000000e+00, v3;
	v2 =	vld [tilespmem:s31+$0x9AF0]  }
0xdf: {  	[tilespmem:s31+$0x9AD0] =	vst v6;
	v6 =	vmul.f32 $8.000000000e+00, v4;
	v3 =	vld [tilespmem:s31+$0x9B00]  }
0xe0: {  	s0 =	sadd.s32 $0x400, s0;
	[tilespmem:s31+$0x9AE0] =	vst v5;
	v5 =	vmul.f32 $8.000000000e+00, v7;
	v4 =	vld [tilespmem:s31+$0x9B10]  }
0xe1: {  	[tilespmem:s31+$0x68F0] =	vst v6;
	v1 =	vmul.f32 $8.000000000e+00, v1;
	v6 =	vld [tilespmem:s31+$0x9B20]  }
0xe2: {  	[tilespmem:s31+$0x6900] =	vst v5;
	v0 =	vmul.f32 $8.000000000e+00, v0  }
0xe3: {  	[tilespmem:s31+$0x6910] =	vst v1;
	v1 =	vmul.f32 $8.000000000e+00, v2  }
0xe4: {  	[tilespmem:s31+$0x6920] =	vst v0;
	v0 =	vmul.f32 $8.000000000e+00, v3  }
0xe5: {  	s0 =	sadd.s32 s29, s10;
	[tilespmem:s31+$0x9AF0] =	vst v1;
	v1 =	vmul.f32 $8.000000000e+00, v4  }
0xe6: {  	s0 =	smul.u32 $0xC80, s0;
	[tilespmem:s31+$0x9B00] =	vst v0;
	v0 =	vmul.f32 $8.000000000e+00, v6  }
0xe7: {  	s1 =	sadd.s32 s29, s11;
	[tilespmem:s31+$0x9B10] =	vst v1  }
0xe8: {  	s1 =	smul.u32 $0x19, s1;
	s0 =	sadd.s32 s6, s0;
	[tilespmem:s31+$0x9B20] =	vst v0  }
0xe9: {  	[hbm4b:s0+s13] =	stream.strided.scatter [tilespmem:s28], [sflag:$0x2], $0x6400, s16, s13, $0x38;
	[tilespmem:$0x130B0] =	vst v63  }
0xea: {  	s1 =	sadd.s32 s5, s1  }
0xeb: {  	[tilespmem:s3], [sflag:$0x3] =	stream.linear.gather [hbm4b:s1+s3], $0x190, $0x38;
	[tilespmem:$0x130B0] =	vst v63  }
0xec: {  	_ =	swait.ge [sflag:s8], $0x6400  }
0xed: {  	[sflag:s8] =	ssyncset.done $0x0  }
0xee: {  	[sflag:s8] =	ssyncadd.s32 $0xFFFF9C00  }
0xef: {  	_ =	swait.ge [sflag:s25], $0x190  }
0xf0: {  	[sflag:s25] =	ssyncset.done $0x0  }
0xf1: {  	[sflag:s25] =	ssyncadd.s32 $0xFFFFFE70  }
0xf2: {  	_ =	swait.ge [sflag:s26], $0x2000  }
0xf3: {  	[sflag:s26] =	ssyncset.done $0x0  }
0xf4: {  	[sflag:s26] =	ssyncadd.s32 $0xFFFFE000  }
0xf5: {  	_ =	swait.ge [sflag:s26], $0x1200  }
0xf6: {  	[sflag:s26] =	ssyncset.done $0x0  }
0xf7: {  	[sflag:s26] =	ssyncadd.s32 $0xFFFFEE00  }
0xf8: {  	_ =	swait.ge [sflag:s26], $0x2000  }
0xf9: {  	[sflag:s26] =	ssyncset.done $0x0  }
0xfa: {  	[sflag:s26] =	ssyncadd.s32 $0xFFFFE000  }
0xfb: {  	_ =	swait.ge [sflag:s26], $0x1200  }
0xfc: {  	[sflag:s26] =	ssyncset.done $0x0  }
0xfd: {  	[sflag:s26] =	ssyncadd.s32 $0xFFFFEE00  }
0xfe: {  	[tilespmem:s17], [sflag:$0x1] =	stream.indirect.gather [hbm4b:s2+s16], $0x40, s3, s16, $0xb8;
	[tilespmem:$0x130B0] =	vst v63  }
0xff: {  	_ = 	snop  }
0x100: {  	[tilespmem:s19], [sflag:$0x1] =	stream.indirect.gather [hbm4b:s2+s18], $0x40, s16, s18, $0xb8;
	[tilespmem:$0x130B0] =	vst v63  }
0x101: {  	_ = 	snop  }
0x102: {  	[tilespmem:s21], [sflag:$0x1] =	stream.indirect.gather [hbm4b:s2+s16], $0x40, s20, s16, $0xb8;
	[tilespmem:$0x130B0] =	vst v63  }
0x103: {  	s31 =	simm.s32 $0x80  }
0x104: {  	[tilespmem:s23], [sflag:$0x1] =	stream.indirect.gather [hbm4b:s2+s18], $0x40, s22, s18, $0xb8;
	[tilespmem:$0x130B0] =	vst v63  }
0x105: {  	v0 =	vld [tilespmem:s31+$0xCC30]  }
0x106: {  	v1 =	vld [tilespmem:s31+$0xCC40]  }
0x107: {  	v2 =	vld [tilespmem:s31+$0xCC50]  }
0x108: {  	v3 =	vld [tilespmem:s31+$0xCC60]  }
0x109: {  	v4 =	vld [tilespmem:s31+$0xFE30]  }
0x10a: {  	v5 =	vld [tilespmem:s31+$0xFE40];
	v0 =	vmul.f32 $8.000000000e+00, v0  }
0x10b: {  	v6 =	vld [tilespmem:s31+$0xFE50];
	v1 =	vmul.f32 $8.000000000e+00, v1  }
0x10c: {  	v2 =	vmul.f32 $8.000000000e+00, v2;
	[tilespmem:s31+$0xCC30] =	vst v0;
	v0 =	vld [tilespmem:s31+$0xFE60]  }
0x10d: {  	v3 =	vmul.f32 $8.000000000e+00, v3;
	[tilespmem:s31+$0xCC40] =	vst v1;
	v1 =	vld [tilespmem:s31+$0xCC70]  }
0x10e: {  	v4 =	vmul.f32 $8.000000000e+00, v4;
	[tilespmem:s31+$0xCC50] =	vst v2;
	v2 =	vld [tilespmem:s31+$0xCC80]  }
0x10f: {  	v5 =	vmul.f32 $8.000000000e+00, v5;
	[tilespmem:s31+$0xCC60] =	vst v3;
	v3 =	vld [tilespmem:s31+$0xCC90]  }
0x110: {  	v6 =	vmul.f32 $8.000000000e+00, v6;
	[tilespmem:s31+$0xFE30] =	vst v4;
	v4 =	vld [tilespmem:s31+$0xCCA0]  }
0x111: {  	[tilespmem:s31+$0xFE40] =	vst v5;
	v5 =	vld [tilespmem:s31+$0xFE70];
	v0 =	vmul.f32 $8.000000000e+00, v0  }
0x112: {  	[tilespmem:s31+$0xFE50] =	vst v6;
	v6 =	vld [tilespmem:s31+$0xFE80];
	v1 =	vmul.f32 $8.000000000e+00, v1  }
0x113: {  	v2 =	vmul.f32 $8.000000000e+00, v2;
	[tilespmem:s31+$0xFE60] =	vst v0;
	v0 =	vld [tilespmem:s31+$0xFE90]  }
0x114: {  	v3 =	vmul.f32 $8.000000000e+00, v3;
	[tilespmem:s31+$0xCC70] =	vst v1;
	v1 =	vld [tilespmem:s31+$0xFEA0]  }
0x115: {  	v4 =	vmul.f32 $8.000000000e+00, v4;
	[tilespmem:s31+$0xCC80] =	vst v2;
	v2 =	vld [tilespmem:s31+$0xCCB0]  }
0x116: {  	v5 =	vmul.f32 $8.000000000e+00, v5;
	[tilespmem:s31+$0xCC90] =	vst v3;
	v3 =	vld [tilespmem:s31+$0xCCC0]  }
0x117: {  	v6 =	vmul.f32 $8.000000000e+00, v6;
	[tilespmem:s31+$0xCCA0] =	vst v4;
	v4 =	vld [tilespmem:s31+$0xCCD0]  }
0x118: {  	[tilespmem:s31+$0xFE70] =	vst v5;
	v5 =	vld [tilespmem:s31+$0xCCE0];
	v0 =	vmul.f32 $8.000000000e+00, v0  }
0x119: {  	[tilespmem:s31+$0xFE80] =	vst v6;
	v6 =	vld [tilespmem:s31+$0xFEB0]  }
0x11a: {  	v1 =	vmul.f32 $8.000000000e+00, v1;
	[tilespmem:s31+$0xFE90] =	vst v0;
	v0 =	vld [tilespmem:s31+$0xFEC0]  }
0x11b: {  	v2 =	vmul.f32 $8.000000000e+00, v2  }
0x11c: {  	[tilespmem:s31+$0xFEA0] =	vst v1;
	v1 =	vmul.f32 $8.000000000e+00, v3;
	v3 =	vld [tilespmem:s31+$0xFEE0]  }
0x11d: {  	v7 =	vld [tilespmem:s31+$0xFED0];
	[tilespmem:s31+$0xCCB0] =	vst v2;
	v2 =	vmul.f32 $8.000000000e+00, v4  }
0x11e: {  	v4 =	vld [tilespmem:s31+$0xCCF0];
	[tilespmem:s31+$0xCCC0] =	vst v1;
	v1 =	vmul.f32 $8.000000000e+00, v5  }
0x11f: {  	[tilespmem:s31+$0xCCD0] =	vst v2;
	v5 =	vld [tilespmem:s31+$0xCD00];
	v2 =	vmul.f32 $8.000000000e+00, v6;
	v6 =	vmul.f32 $8.000000000e+00, v0  }
0x120: {  	[tilespmem:s31+$0xCCE0] =	vst v1;
	v1 =	vld [tilespmem:s31+$0xCD10]  }
0x121: {  	v0 =	vld [tilespmem:s31+$0xCD20];
	[tilespmem:s31+$0xFEC0] =	vst v6;
	v6 =	vmul.f32 $8.000000000e+00, v3  }
0x122: {  	v7 =	vmul.f32 $8.000000000e+00, v7;
	[tilespmem:s31+$0xFEB0] =	vst v2;
	v2 =	vld [tilespmem:s31+$0xFEF0]  }
0x123: {  	v3 =	vld [tilespmem:s31+$0xFF00];
	[tilespmem:s31+$0xFEE0] =	vst v6;
	v6 =	vmul.f32 $8.000000000e+00, v4  }
0x124: {  	s0 =	simm.s32 $0x600;
	[tilespmem:s31+$0xFED0] =	vst v7;
	v5 =	vmul.f32 $8.000000000e+00, v5;
	v4 =	vld [tilespmem:s31+$0xFF10]  }
.LBB2_7:
0x125: {  	s1 =	sshra.s32 s0, $0x2;
	p0 =	sne.s32 s0, $0xC600;
	[tilespmem:s31+$0xCCF0] =	vst v6;
	v1 =	vmul.f32 $8.000000000e+00, v1;
	v6 =	vld [tilespmem:s31+$0xFF20]  }
0x126: {  	v7 =	vld [tilespmem:s1+$0xCC30];
	[tilespmem:s31+$0xCD00] =	vst v5;
	v0 =	vmul.f32 $8.000000000e+00, v0  }
0x127: {  	v5 =	vld [tilespmem:s1+$0xCC40];
	[tilespmem:s31+$0xCD10] =	vst v1;
	v1 =	vmul.f32 $8.000000000e+00, v2  }
0x128: {  	v2 =	vld [tilespmem:s1+$0xCC50];
	[tilespmem:s31+$0xCD20] =	vst v0;
	v0 =	vmul.f32 $8.000000000e+00, v3  }
0x129: {  	v3 =	vld [tilespmem:s1+$0xCC60];
	[tilespmem:s31+$0xFEF0] =	vst v1;
	v1 =	vmul.f32 $8.000000000e+00, v4  }
0x12a: {  	v4 =	vld [tilespmem:s1+$0xFE30];
	[tilespmem:s31+$0xFF00] =	vst v0;
	v0 =	vmul.f32 $8.000000000e+00, v6  }
0x12b: {  	v6 =	vmul.f32 $8.000000000e+00, v7;
	v7 =	vld [tilespmem:s1+$0xFE40];
	[tilespmem:s31+$0xFF10] =	vst v1  }
0x12c: {  	v1 =	vmul.f32 $8.000000000e+00, v5;
	v5 =	vld [tilespmem:s1+$0xFE50];
	[tilespmem:s31+$0xFF20] =	vst v0;
	s31 =	smov.u32 s1  }
0x12d: {  	[tilespmem:s31+$0xCC30] =	vst v6;
	v0 =	vmul.f32 $8.000000000e+00, v2;
	v2 =	vld [tilespmem:s31+$0xFE60]  }
0x12e: {  	[tilespmem:s31+$0xCC40] =	vst v1;
	v1 =	vmul.f32 $8.000000000e+00, v3;
	v3 =	vld [tilespmem:s31+$0xCC70]  }
0x12f: {  	[tilespmem:s31+$0xCC50] =	vst v0;
	v0 =	vmul.f32 $8.000000000e+00, v4;
	v4 =	vld [tilespmem:s31+$0xCC80]  }
0x130: {  	[tilespmem:s31+$0xCC60] =	vst v1;
	v1 =	vmul.f32 $8.000000000e+00, v7;
	v6 =	vld [tilespmem:s31+$0xCC90]  }
0x131: {  	[tilespmem:s31+$0xFE30] =	vst v0;
	v0 =	vmul.f32 $8.000000000e+00, v5;
	v5 =	vld [tilespmem:s31+$0xCCA0]  }
0x132: {  	[tilespmem:s31+$0xFE40] =	vst v1;
	v1 =	vmul.f32 $8.000000000e+00, v2;
	v2 =	vld [tilespmem:s31+$0xFE70]  }
0x133: {  	[tilespmem:s31+$0xFE50] =	vst v0;
	v0 =	vmul.f32 $8.000000000e+00, v3;
	v3 =	vld [tilespmem:s31+$0xFE80]  }
0x134: {  	[tilespmem:s31+$0xFE60] =	vst v1;
	v1 =	vmul.f32 $8.000000000e+00, v4;
	v4 =	vld [tilespmem:s31+$0xFE90]  }
0x135: {  	[tilespmem:s31+$0xCC70] =	vst v0;
	v0 =	vmul.f32 $8.000000000e+00, v6;
	v6 =	vld [tilespmem:s31+$0xFEA0]  }
0x136: {  	[tilespmem:s31+$0xCC80] =	vst v1;
	v1 =	vmul.f32 $8.000000000e+00, v5;
	v5 =	vld [tilespmem:s31+$0xCCB0]  }
0x137: {  	[tilespmem:s31+$0xCC90] =	vst v0;
	v0 =	vmul.f32 $8.000000000e+00, v2;
	v2 =	vld [tilespmem:s31+$0xCCC0]  }
0x138: {  	[tilespmem:s31+$0xCCA0] =	vst v1;
	v1 =	vmul.f32 $8.000000000e+00, v3;
	v3 =	vld [tilespmem:s31+$0xCCD0]  }
0x139: {  	[tilespmem:s31+$0xFE70] =	vst v0;
	v0 =	vmul.f32 $8.000000000e+00, v4;
	v4 =	vld [tilespmem:s31+$0xCCE0]  }
0x13a: {  	[tilespmem:s31+$0xFE80] =	vst v1;
	v1 =	vmul.f32 $8.000000000e+00, v6;
	v6 =	vld [tilespmem:s31+$0xFEB0]  }
0x13b: {  	[tilespmem:s31+$0xFE90] =	vst v0;
	v0 =	vmul.f32 $8.000000000e+00, v5;
	v5 =	vld [tilespmem:s31+$0xFEC0]  }
0x13c: {  	[tilespmem:s31+$0xFEA0] =	vst v1;
	v1 =	vmul.f32 $8.000000000e+00, v2;
	v2 =	vld [tilespmem:s31+$0xFED0]  }
0x13d: {  	[tilespmem:s31+$0xCCB0] =	vst v0;
	v0 =	vmul.f32 $8.000000000e+00, v3;
	v3 =	vld [tilespmem:s31+$0xFEE0]  }
0x13e: {  	[tilespmem:s31+$0xCCC0] =	vst v1;
	v1 =	vmul.f32 $8.000000000e+00, v4;
	v4 =	vld [tilespmem:s31+$0xCCF0]  }
0x13f: {  	[tilespmem:s31+$0xCCD0] =	vst v0;
	v0 =	vmul.f32 $8.000000000e+00, v6;
	v7 =	vld [tilespmem:s31+$0xCD00]  }
.Ltmp2:
0x140: {  	[tilespmem:s31+$0xCCE0] =	vst v1;
	v5 =	vmul.f32 $8.000000000e+00, v5;
	v1 =	vld [tilespmem:s31+$0xCD10];
	(pc) =	sbr.rel @p0 .LBB2_7-.Ltmp2, $4  }
0x141: {  	[tilespmem:s31+$0xFEB0] =	vst v0;
	v6 =	vmul.f32 $8.000000000e+00, v2;
	v0 =	vld [tilespmem:s31+$0xCD20]  }
0x142: {  	[tilespmem:s31+$0xFEC0] =	vst v5;
	v5 =	vmul.f32 $8.000000000e+00, v3;
	v2 =	vld [tilespmem:s31+$0xFEF0]  }
0x143: {  	[tilespmem:s31+$0xFED0] =	vst v6;
	v6 =	vmul.f32 $8.000000000e+00, v4;
	v3 =	vld [tilespmem:s31+$0xFF00]  }
0x144: {  	s0 =	sadd.s32 $0x400, s0;
	[tilespmem:s31+$0xFEE0] =	vst v5;
	v5 =	vmul.f32 $8.000000000e+00, v7;
	v4 =	vld [tilespmem:s31+$0xFF10]  }
0x145: {  	[tilespmem:s31+$0xCCF0] =	vst v6;
	v1 =	vmul.f32 $8.000000000e+00, v1;
	v59 =	vld [tilespmem:s31+$0xFF20]  }
0x146: {  	[tilespmem:s31+$0xCD00] =	vst v5;
	v0 =	vmul.f32 $8.000000000e+00, v0  }
0x147: {  	[tilespmem:s31+$0xCD10] =	vst v1;
	v60 =	vmul.f32 $8.000000000e+00, v2  }
0x148: {  	p0 =	seq.s32 s15, $0x54;
	[tilespmem:s31+$0xCD20] =	vst v0;
	v61 =	vmul.f32 $8.000000000e+00, v3  }
.Ltmp3:
0x149: {  	[tilespmem:s31+$0xFEF0] =	vst v60;
	v62 =	vmul.f32 $8.000000000e+00, v4;
	(pc) =	sbr.rel @p0 .LBB2_10-.Ltmp3, $4  }
0x14a: {  	s0 =	smul.u32 $0xC80, s30;
	[tilespmem:s31+$0xFF00] =	vst v61;
	v63 =	vmul.f32 $8.000000000e+00, v59  }
0x14b: {  	[tilespmem:s31+$0xFF10] =	vst v62  }
0x14c: {  	s0 =	sadd.s32 s6, s0;
	[tilespmem:s31+$0xFF20] =	vst v63  }
0x14d: {  	[hbm4b:s0+s13] =	stream.strided.scatter [tilespmem:s7], [sflag:$0x2], $0x6400, s16, s13, $0x38;
	[tilespmem:$0x130B0] =	vst v63  }
.Ltmp4:
0x14e: {  	s0 =	sadd.s32 s29, s12;
	(pc) =	sbr.rel .LBB2_2-.Ltmp4, $3  }
0x14f: {  	s0 =	smul.u32 $0x19, s0;
	_ =	sdelay $0x1  }
0x150: {  	s15 =	sadd.s32 $0x1, s15;
	s0 =	sadd.s32 s5, s0  }
0x151: {  	[tilespmem:s24], [sflag:$0x3] =	stream.linear.gather [hbm4b:s0+s3], $0x190, $0x38;
	[tilespmem:$0x130B0] =	vst v63  }
.LBB2_10:
0x152: {  	_ =	swait.ge [sflag:s8], $0x6400  }
0x153: {  	[sflag:s8] =	ssyncset.done $0x0  }
0x154: {  	[sflag:s8] =	ssyncadd.s32 $0xFFFF9C00  }
0x155: {  	_ =	swait.ge [sflag:s26], $0x2000  }
0x156: {  	[sflag:s26] =	ssyncset.done $0x0  }
0x157: {  	[sflag:s26] =	ssyncadd.s32 $0xFFFFE000  }
0x158: {  	_ =	swait.ge [sflag:s26], $0x1200  }
0x159: {  	[sflag:s26] =	ssyncset.done $0x0  }
0x15a: {  	[sflag:s26] =	ssyncadd.s32 $0xFFFFEE00  }
0x15b: {  	_ =	swait.ge [sflag:s26], $0x2000  }
0x15c: {  	[sflag:s26] =	ssyncset.done $0x0  }
0x15d: {  	[sflag:s26] =	ssyncadd.s32 $0xFFFFE000  }
0x15e: {  	_ =	swait.ge [sflag:s26], $0x1200  }
0x15f: {  	[sflag:s26] =	ssyncset.done $0x0  }
0x160: {  	s15 =	simm.s32 $0x80;
	[sflag:s26] =	ssyncadd.s32 $0xFFFFEE00  }
0x161: {  	v0 =	vld [tilespmem:s15+$0x430]  }
0x162: {  	v1 =	vld [tilespmem:s15+$0x440]  }
0x163: {  	v2 =	vld [tilespmem:s15+$0x450]  }
0x164: {  	v3 =	vld [tilespmem:s15+$0x460]  }
0x165: {  	v4 =	vld [tilespmem:s15+$0x3630]  }
0x166: {  	v5 =	vld [tilespmem:s15+$0x3640];
	v0 =	vmul.f32 $8.000000000e+00, v0  }
0x167: {  	v6 =	vld [tilespmem:s15+$0x3650];
	v1 =	vmul.f32 $8.000000000e+00, v1  }
0x168: {  	v2 =	vmul.f32 $8.000000000e+00, v2;
	[tilespmem:s15+$0x430] =	vst v0;
	v0 =	vld [tilespmem:s15+$0x3660]  }
0x169: {  	v3 =	vmul.f32 $8.000000000e+00, v3;
	[tilespmem:s15+$0x440] =	vst v1;
	v1 =	vld [tilespmem:s15+$0x470]  }
0x16a: {  	v4 =	vmul.f32 $8.000000000e+00, v4;
	[tilespmem:s15+$0x450] =	vst v2;
	v2 =	vld [tilespmem:s15+$0x480]  }
0x16b: {  	v5 =	vmul.f32 $8.000000000e+00, v5;
	[tilespmem:s15+$0x460] =	vst v3;
	v3 =	vld [tilespmem:s15+$0x490]  }
0x16c: {  	v6 =	vmul.f32 $8.000000000e+00, v6;
	[tilespmem:s15+$0x3630] =	vst v4;
	v4 =	vld [tilespmem:s15+$0x4A0]  }
0x16d: {  	[tilespmem:s15+$0x3640] =	vst v5;
	v5 =	vld [tilespmem:s15+$0x3670];
	v0 =	vmul.f32 $8.000000000e+00, v0  }
0x16e: {  	[tilespmem:s15+$0x3650] =	vst v6;
	v6 =	vld [tilespmem:s15+$0x3680];
	v1 =	vmul.f32 $8.000000000e+00, v1  }
0x16f: {  	v2 =	vmul.f32 $8.000000000e+00, v2;
	[tilespmem:s15+$0x3660] =	vst v0;
	v0 =	vld [tilespmem:s15+$0x3690]  }
0x170: {  	v3 =	vmul.f32 $8.000000000e+00, v3;
	[tilespmem:s15+$0x470] =	vst v1;
	v1 =	vld [tilespmem:s15+$0x36A0]  }
0x171: {  	v4 =	vmul.f32 $8.000000000e+00, v4;
	[tilespmem:s15+$0x480] =	vst v2;
	v2 =	vld [tilespmem:s15+$0x4B0]  }
0x172: {  	v5 =	vmul.f32 $8.000000000e+00, v5;
	[tilespmem:s15+$0x490] =	vst v3;
	v3 =	vld [tilespmem:s15+$0x4C0]  }
0x173: {  	v6 =	vmul.f32 $8.000000000e+00, v6;
	[tilespmem:s15+$0x4A0] =	vst v4;
	v4 =	vld [tilespmem:s15+$0x4D0]  }
0x174: {  	[tilespmem:s15+$0x3670] =	vst v5;
	v5 =	vld [tilespmem:s15+$0x4E0];
	v0 =	vmul.f32 $8.000000000e+00, v0  }
0x175: {  	[tilespmem:s15+$0x3680] =	vst v6;
	v6 =	vld [tilespmem:s15+$0x36B0]  }
0x176: {  	v1 =	vmul.f32 $8.000000000e+00, v1;
	[tilespmem:s15+$0x3690] =	vst v0;
	v0 =	vld [tilespmem:s15+$0x36C0]  }
0x177: {  	v2 =	vmul.f32 $8.000000000e+00, v2  }
0x178: {  	[tilespmem:s15+$0x36A0] =	vst v1;
	v1 =	vmul.f32 $8.000000000e+00, v3;
	v3 =	vld [tilespmem:s15+$0x36E0]  }
0x179: {  	v7 =	vld [tilespmem:s15+$0x36D0];
	[tilespmem:s15+$0x4B0] =	vst v2;
	v2 =	vmul.f32 $8.000000000e+00, v4  }
0x17a: {  	v4 =	vld [tilespmem:s15+$0x4F0];
	[tilespmem:s15+$0x4C0] =	vst v1;
	v1 =	vmul.f32 $8.000000000e+00, v5  }
0x17b: {  	[tilespmem:s15+$0x4D0] =	vst v2;
	v5 =	vld [tilespmem:s15+$0x500];
	v2 =	vmul.f32 $8.000000000e+00, v6;
	v6 =	vmul.f32 $8.000000000e+00, v0  }
0x17c: {  	[tilespmem:s15+$0x4E0] =	vst v1;
	v1 =	vld [tilespmem:s15+$0x510]  }
0x17d: {  	v0 =	vld [tilespmem:s15+$0x520];
	[tilespmem:s15+$0x36C0] =	vst v6;
	v6 =	vmul.f32 $8.000000000e+00, v3  }
0x17e: {  	v7 =	vmul.f32 $8.000000000e+00, v7;
	[tilespmem:s15+$0x36B0] =	vst v2;
	v2 =	vld [tilespmem:s15+$0x36F0]  }
0x17f: {  	v3 =	vld [tilespmem:s15+$0x3700];
	[tilespmem:s15+$0x36E0] =	vst v6;
	v6 =	vmul.f32 $8.000000000e+00, v4  }
0x180: {  	s0 =	simm.s32 $0x600;
	[tilespmem:s15+$0x36D0] =	vst v7;
	v5 =	vmul.f32 $8.000000000e+00, v5;
	v4 =	vld [tilespmem:s15+$0x3710]  }
.LBB2_11:
0x181: {  	s1 =	sshra.s32 s0, $0x2;
	p0 =	sne.s32 s0, $0xC600;
	[tilespmem:s15+$0x4F0] =	vst v6;
	v1 =	vmul.f32 $8.000000000e+00, v1;
	v6 =	vld [tilespmem:s15+$0x3720]  }
0x182: {  	v7 =	vld [tilespmem:s1+$0x430];
	[tilespmem:s15+$0x500] =	vst v5;
	v0 =	vmul.f32 $8.000000000e+00, v0  }
0x183: {  	v5 =	vld [tilespmem:s1+$0x440];
	[tilespmem:s15+$0x510] =	vst v1;
	v1 =	vmul.f32 $8.000000000e+00, v2  }
0x184: {  	v2 =	vld [tilespmem:s1+$0x450];
	[tilespmem:s15+$0x520] =	vst v0;
	v0 =	vmul.f32 $8.000000000e+00, v3  }
0x185: {  	v3 =	vld [tilespmem:s1+$0x460];
	[tilespmem:s15+$0x36F0] =	vst v1;
	v1 =	vmul.f32 $8.000000000e+00, v4  }
0x186: {  	v4 =	vld [tilespmem:s1+$0x3630];
	[tilespmem:s15+$0x3700] =	vst v0;
	v0 =	vmul.f32 $8.000000000e+00, v6  }
0x187: {  	v6 =	vmul.f32 $8.000000000e+00, v7;
	v7 =	vld [tilespmem:s1+$0x3640];
	[tilespmem:s15+$0x3710] =	vst v1  }
0x188: {  	v1 =	vmul.f32 $8.000000000e+00, v5;
	v5 =	vld [tilespmem:s1+$0x3650];
	[tilespmem:s15+$0x3720] =	vst v0;
	s15 =	smov.u32 s1  }
0x189: {  	[tilespmem:s15+$0x430] =	vst v6;
	v0 =	vmul.f32 $8.000000000e+00, v2;
	v2 =	vld [tilespmem:s15+$0x3660]  }
0x18a: {  	[tilespmem:s15+$0x440] =	vst v1;
	v1 =	vmul.f32 $8.000000000e+00, v3;
	v3 =	vld [tilespmem:s15+$0x470]  }
0x18b: {  	[tilespmem:s15+$0x450] =	vst v0;
	v0 =	vmul.f32 $8.000000000e+00, v4;
	v4 =	vld [tilespmem:s15+$0x480]  }
0x18c: {  	[tilespmem:s15+$0x460] =	vst v1;
	v1 =	vmul.f32 $8.000000000e+00, v7;
	v6 =	vld [tilespmem:s15+$0x490]  }
0x18d: {  	[tilespmem:s15+$0x3630] =	vst v0;
	v0 =	vmul.f32 $8.000000000e+00, v5;
	v5 =	vld [tilespmem:s15+$0x4A0]  }
0x18e: {  	[tilespmem:s15+$0x3640] =	vst v1;
	v1 =	vmul.f32 $8.000000000e+00, v2;
	v2 =	vld [tilespmem:s15+$0x3670]  }
0x18f: {  	[tilespmem:s15+$0x3650] =	vst v0;
	v0 =	vmul.f32 $8.000000000e+00, v3;
	v3 =	vld [tilespmem:s15+$0x3680]  }
0x190: {  	[tilespmem:s15+$0x3660] =	vst v1;
	v1 =	vmul.f32 $8.000000000e+00, v4;
	v4 =	vld [tilespmem:s15+$0x3690]  }
0x191: {  	[tilespmem:s15+$0x470] =	vst v0;
	v0 =	vmul.f32 $8.000000000e+00, v6;
	v6 =	vld [tilespmem:s15+$0x36A0]  }
0x192: {  	[tilespmem:s15+$0x480] =	vst v1;
	v1 =	vmul.f32 $8.000000000e+00, v5;
	v5 =	vld [tilespmem:s15+$0x4B0]  }
0x193: {  	[tilespmem:s15+$0x490] =	vst v0;
	v0 =	vmul.f32 $8.000000000e+00, v2;
	v2 =	vld [tilespmem:s15+$0x4C0]  }
0x194: {  	[tilespmem:s15+$0x4A0] =	vst v1;
	v1 =	vmul.f32 $8.000000000e+00, v3;
	v3 =	vld [tilespmem:s15+$0x4D0]  }
0x195: {  	[tilespmem:s15+$0x3670] =	vst v0;
	v0 =	vmul.f32 $8.000000000e+00, v4;
	v4 =	vld [tilespmem:s15+$0x4E0]  }
0x196: {  	[tilespmem:s15+$0x3680] =	vst v1;
	v1 =	vmul.f32 $8.000000000e+00, v6;
	v6 =	vld [tilespmem:s15+$0x36B0]  }
0x197: {  	[tilespmem:s15+$0x3690] =	vst v0;
	v0 =	vmul.f32 $8.000000000e+00, v5;
	v5 =	vld [tilespmem:s15+$0x36C0]  }
0x198: {  	[tilespmem:s15+$0x36A0] =	vst v1;
	v1 =	vmul.f32 $8.000000000e+00, v2;
	v2 =	vld [tilespmem:s15+$0x36D0]  }
0x199: {  	[tilespmem:s15+$0x4B0] =	vst v0;
	v0 =	vmul.f32 $8.000000000e+00, v3;
	v3 =	vld [tilespmem:s15+$0x36E0]  }
0x19a: {  	[tilespmem:s15+$0x4C0] =	vst v1;
	v1 =	vmul.f32 $8.000000000e+00, v4;
	v4 =	vld [tilespmem:s15+$0x4F0]  }
0x19b: {  	[tilespmem:s15+$0x4D0] =	vst v0;
	v0 =	vmul.f32 $8.000000000e+00, v6;
	v7 =	vld [tilespmem:s15+$0x500]  }
.Ltmp5:
0x19c: {  	[tilespmem:s15+$0x4E0] =	vst v1;
	v5 =	vmul.f32 $8.000000000e+00, v5;
	v1 =	vld [tilespmem:s15+$0x510];
	(pc) =	sbr.rel @p0 .LBB2_11-.Ltmp5, $4  }
0x19d: {  	[tilespmem:s15+$0x36B0] =	vst v0;
	v6 =	vmul.f32 $8.000000000e+00, v2;
	v0 =	vld [tilespmem:s15+$0x520]  }
0x19e: {  	[tilespmem:s15+$0x36C0] =	vst v5;
	v5 =	vmul.f32 $8.000000000e+00, v3;
	v2 =	vld [tilespmem:s15+$0x36F0]  }
0x19f: {  	[tilespmem:s15+$0x36D0] =	vst v6;
	v6 =	vmul.f32 $8.000000000e+00, v4;
	v3 =	vld [tilespmem:s15+$0x3700]  }
0x1a0: {  	s0 =	sadd.s32 $0x400, s0;
	[tilespmem:s15+$0x36E0] =	vst v5;
	v5 =	vmul.f32 $8.000000000e+00, v7;
	v4 =	vld [tilespmem:s15+$0x3710]  }
0x1a1: {  	[tilespmem:s15+$0x4F0] =	vst v6;
	v1 =	vmul.f32 $8.000000000e+00, v1;
	v59 =	vld [tilespmem:s15+$0x3720]  }
0x1a2: {  	[tilespmem:s15+$0x500] =	vst v5;
	v0 =	vmul.f32 $8.000000000e+00, v0  }
0x1a3: {  	[tilespmem:s15+$0x510] =	vst v1;
	v60 =	vmul.f32 $8.000000000e+00, v2  }
0x1a4: {  	[tilespmem:s15+$0x520] =	vst v0;
	v61 =	vmul.f32 $8.000000000e+00, v3  }
0x1a5: {  	[tilespmem:s15+$0x36F0] =	vst v60;
	v62 =	vmul.f32 $8.000000000e+00, v4  }
0x1a6: {  	[tilespmem:s15+$0x3700] =	vst v61;
	v63 =	vmul.f32 $8.000000000e+00, v59  }
0x1a7: {  	[tilespmem:s15+$0x3710] =	vst v62  }
0x1a8: {  	s0 =	rddreg [dreg:$0x5];
	[tilespmem:s15+$0x3720] =	vst v63  }
0x1a9: {  	[hbm4b:s0+s13] =	stream.strided.scatter [tilespmem:s17], [sflag:$0x2], $0x6400, s16, s13, $0x38;
	[tilespmem:$0x130B0] =	vst v63  }
0x1aa: {  	_ =	swait.ge [sflag:s8], $0x6400  }
0x1ab: {  	[sflag:s8] =	ssyncset.done $0x0  }
0x1ac: {  	[sflag:s8] =	ssyncadd.s32 $0xFFFF9C00  }
0x1ad: {  	_ =	swait.ge [sflag:s8], $0x6400  }
0x1ae: {  	s1 =	rddreg [dreg:$0x7]  }
0x1af: {  	s31 =	rddreg [dreg:$0x6];
	s1 =	sadd.s32 $0x1, s1  }
0x1b0: {  	p0 =	sne.s32 s1, s31  }
.Ltmp6:
0x1b1: {  	_ = 	snop;
	(pc) =	sbr.rel @p0 .LBB2_1-.Ltmp6, $3  }
0x1b2: {  	_ =	sdelay $0x1  }
0x1b3: {  	[sflag:s8] =	ssyncset.done $0x0  }
0x1b4: {  	[sflag:s8] =	ssyncadd.s32 $0xFFFF9C00  }
0x1b5: {  	_ =	sfence.sel $0x180000  }
0x1b6: {  	[bflag:$0x0] =	sbarrier.arrive $0xFFFF  }
0x1b7: {  	_ =	strace $0x9000004A  }
0x1b8: {  	s0 =	stileid.u32;
	[bflag:$0x2] =	sbarrier.arrive $0xFFFF  }
0x1b9: {  	p0 =	sne.s32 s0, $0x0;
	s0 =	rddreg [dreg:$0x2]  }
0x1ba: {  	s0 =	sadd.s32 @!p0 $0x100000, s0  }
0x1bb: {  	[sflag:s0] =	ssyncadd.tile.s32 @!p0 $0x1;
	_ =	shalt  }
.Lfunc_end2:
_tile_overlayer_lowered:
.L_overlay_start_2:
0x1bc: {  	(tag) =	ssettag $0x2  }
0x1bd: {  	s0 =	rddreg [dreg:$0x0];
	s2 =	stileid.u32  }
0x1be: {  	s1 =	rddreg [dreg:$0x1];
	p0 =	sne.s32 s2, $0x0  }
0x1bf: {  	s3 =	rddreg [dreg:$0x2];
	[bflag:$0x3] =	sbarrier.arrive $0xFFFF;
	s2 =	simm.s32 @!p0 $0x1C04  }
0x1c0: {  	[timem:s3], [sflag:s2] =	dma.local @!p0 [hbm:s0], s1  }
0x1c1: {  	s0 =	simm.s32 @!p0 $0x4  }
0x1c2: {  	_ =	swait.ge @!p0 [sflag:s0], s1  }
0x1c3: {  	s1 =	ssub.s32 @!p0 $0x0, s1;
	[sflag:s0] =	ssyncset.done @!p0 $0x0  }
0x1c4: {  	[sflag:s0] =	ssyncadd.s32 @!p0 s1  }
0x1c5: {  	[bflag:$0x3] =	sbarrier.arrive $0xFFFF  }
0x1c6: {  	_ =	shalt  }

// kernel: sparse-core-data-format-call.1.cloned.1.call-start
scs
called_computation.1_lowered:
.L_overlay_start_0:
0x0: {  	s2 =	sld [smem:$0x3FD9]  }
0x1: {  	s3 =	sld [smem:$0x3FFE];
	_ =	sdelay $0x1  }
0x2: {  	s1 =	srdreg.scid  }
0x3: {  	s0 =	sand.u32 $0x1, s1  }
0x4: {  	s18 =	sshll.u32 s0, $0xA;
	s2 =	sadd.s32 s3, s2  }
0x5: {  	s2 =	sadd.s32 s2, s18  }
0x6: {  	[smem:$0x3FC6] =	sst s2  }
0x7: {  	_ = 	snop  }
0x8: {  	s2 =	sld [smem:$0x3FC8];
	(tm) =	ssettm $0x1  }
0x9: {  	s19 =	sld [smem:$0x3FFB];
	_ =	sdelay $0x3  }
0xa: {  	_ =	strace s19  }
0xb: {  	s3 =	sld [smem:$0x3FFC];
	_ =	sdelay $0x3  }
0xc: {  	_ =	strace s3  }
0xd: {  	s3 =	sld [smem:$0x3FFD];
	_ =	sdelay $0x3  }
0xe: {  	_ =	strace s3  }
0xf: {  	_ =	strace $0x8FFFFFFF  }
0x10: {  	s20 =	sld [smem:$0x3FDB];
	_ =	sdelay $0x1  }
0x11: {  	s4 =	simm.s32 $_scs_section_size  }
0x12: {  	s5 =	simm.s32 $_size__tile_overlayer_lowered;
	s6 =	simm.s32 $_tile_overlayer_lowered  }
0x13: {  	s23 =	simm.s32 $0x1BFF;
	s22 =	sshll.u32 s6, $0x1;
	s3 =	sadd.s32 s4, s20  }
0x14: {  	s7 =	simm.s32 $0x0;
	s21 =	sshll.u32 s5, $0x1;
	s5 =	sadd.s32 s22, s3  }
0x15: {  	[timem:s7], [sflag:s23] =	dma.local [hbm:s5], s21  }
0x16: {  	_ =	swait.ge [sflag:s23], s21  }
0x17: {  	s4 =	ssub.s32 $0x0, s21;
	[sflag:s23] =	ssyncset.done $0x0  }
0x18: {  	[sflag:s23] =	ssyncadd.s32 s4;
	_ =	sdelay $0x1  }
0x19: {  	s24 =	simm.s32 $0x1B8B  }
0x1a: {  	_ =	swait.ge [sflag:s24], $0x1  }
0x1b: {  	[sflag:s24] =	ssyncset.done $0x0  }
0x1c: {  	s26 =	simm.s32 $0x1B8E;
	s25 =	sld [smem:$0x3FFE];
	[sflag:s24] =	ssyncadd.s32 $0xFFFFFFFF  }
0x1d: {  	s27 =	simm.s32 $execute0_lowered;
	[smem:$0x3FD2] =	sst s26  }
0x1e: {  	s5 =	sshll.u32 s27, $0x1;
	_ =	strace $0x80000046;
	[dreg:$0x1] =	wrdreg $0xFFFFFFFF  }
0x1f: {  	s28 =	simm.s32 $_size_execute0_lowered;
	s3 =	sadd.s32 s3, s5;
	[dreg:$0x0] =	wrdreg $0x0  }
0x20: {  	s5 =	sshll.u32 s28, $0x1;
	[dreg:$0x2] =	wrdreg s3  }
0x21: {  	[dreg:$0x3] =	wrdreg s5  }
0x22: {  	[dreg:$0x4] =	wrdreg $0xC0  }
0x23: {  	_ =	task [dreg:s7], $0x5FFFF  }
0x24: {  	[dreg:$0x1] =	wrdreg $0xFFFFFFFF  }
0x25: {  	[dreg:$0x0] =	wrdreg $0x60  }
0x26: {  	[dreg:$0x2] =	wrdreg s2  }
0x27: {  	[dreg:$0x3] =	wrdreg s25  }
0x28: {  	[dreg:$0x4] =	wrdreg $0x9  }
0x29: {  	_ =	task.clear_ibuf [dreg:s7], $0x5FFFF;
	_ =	strace $0x90000046  }
0x2a: {  	s29 =	simm.s32 $0x9;
	_ =	strace $0x80000048  }
0x2b: {  	_ =	swait.ge [sflag:s29], $0x1  }
0x2c: {  	[sflag:s29] =	ssyncadd.s32 $0xFFFFFFFF  }
0x2d: {  	_ =	strace $0x90000048  }
0x2e: {  	_ =	sfence  }
0x2f: {  	s30 =	sld [smem:$0x0];
	_ =	sdelay $0x2  }
0x30: {  	s31 =	sshll.u32 s1, $0xD;
	s1 =	sshrl.u32 s1, $0x2  }
0x31: {  	s3 =	sand.u32 $0x4000, s31;
	s1 =	sadd.s32 s1, s30  }
0x32: {  	s0 =	sor.u32 s3, s0;
	s1 =	sshll.u32 s1, $0x11  }
0x33: {  	s0 =	sor.u32 s1, s0  }
0x34: {  	s0 =	sadd.s32 $0x8F2B, s0  }
0x35: {  	[sflag:s0] =	ssyncadd.remote.s32 $0x1  }
0x36: {  	_ =	sfence.sel $0xFFFF  }
0x37: {  	[dreg:$0x0] =	wrdreg $0xFFFFFFFF;
	(pc) =	sbr.abs _section_cstart, $3  }
0x38: {  	[dreg:$0x1] =	wrdreg $0xFFFFFFFF  }
0x39: {  	_ =	task.clear_ibuf [dreg:s7], $0x2FFFF;
	_ =	strace $0x9FFFFFFF  }
0x3a: {  	(tm) =	ssettm $0x7FFFFFFF  }
0x3b: {  	_ =	shalt  }
tec
execute0_lowered:
.L_overlay_start_1:
0x0: {  	(tag) =	ssettag $0x1  }
0x1: {  	s0 =	srdreg.scid;
	s2 =	rddreg [dreg:$0x0]  }
0x2: {  	s5 =	rddreg [dreg:$0x1];
	s1 =	stileid.u32  }
0x3: {  	s4 =	simm.s32 $0x1;
	s6 =	simm.s32 $0x2;
	s15 =	simm.s32 $0x0  }
0x4: {  	p0 =	por $0x0, $0x0;
	s8 =	simm.s32 $0x80;
	s0 =	sshll.u32 s0, $0x4  }
0x5: {  	s14 =	simm.s32 $0x0;
	s9 =	simm.s32 $0x0;
	s3 =	sand.u32 $0x10, s0  }
.Ltmp0:
0x6: {  	s10 =	simm.s32 $0x0;
	s3 =	sor.u32 s1, s3;
	(pc) =	sbr.rel .LBB1_1-.Ltmp0, $4  }
0x7: {  	s0 =	rddreg [dreg:$0x2];
	_ =	strace $0x80000047;
	s3 =	sshll.u32 s3, $0x7  }
0x8: {  	s12 =	simm.s32 $0x0;
	[sflag:s4] =	ssyncpa.u1 $0x0;
	s7 =	ssub.s32 $0xF4200, s3  }
0x9: {  	s13 =	simm.s32 $0x0;
	[sflag:s6] =	ssyncpa.u1 $0x0;
	s6 =	sshrl.u32 s7, $0xC  }
0xa: {  	s5 =	sadd.s32 $0xE00, s5;
	s11 =	smov.u32 s3;
	s7 =	sadd.s32 $0x2, s6  }
.LBB1_5:
0xb: {  	p1 =	slt.u32 s13, $0x2  }
0xc: {  	s17 =	smov.u32 s15;
	p2 =	sgt.s32 @!p1 s15, $0xF41C0;
	s16 =	sshra.s32 @!p1 s15, $0x1F  }
0xd: {  	p3 =	sgt.s32 @!p1 s14, $0x40;
	s18 =	sshra.s32 @!p1 s14, $0x1F;
	p2 =	por !p2, p1  }
0xe: {  	s15 =	sand.u32 @!p1 s16, s15;
	p3 =	por !p3, p1;
	s16 =	smov.u32 s14  }
0xf: {  	s14 =	sand.u32 @!p1 s18, s14;
	s17 =	simm.s32 @p2 $0xF41C0;
	s16 =	simm.s32 @p3 $0x40  }
0x10: {  	s15 =	ssub.s32 @!p1 s17, s15;
	s14 =	ssub.s32 @!p1 s16, s14  }
0x11: {  	s18 =	smov.u32 s12;
	s16 =	sadd.s32 @!p1 $0xFFF0BE40, s15;
	s17 =	sadd.s32 @!p1 $0xFFFFFFC0, s14  }
0x12: {  	s15 =	ssub.s32 @!p1 $0xF4240, s15;
	p2 =	sgt.s32 @!p1 s16, $0x7F;
	p3 =	sgt.s32 @!p1 s17, $0x3F  }
0x13: {  	s14 =	ssub.s32 @!p1 $0x80, s14;
	p2 =	por !p2, p1;
	p3 =	por !p3, p1  }
0x14: {  	s16 =	sadd.s32 $0x1000, s11;
	s15 =	simm.s32 @!p2 $0x0;
	s14 =	simm.s32 @!p3 $0x0  }
0x15: {  	p2 =	sgt.s32 s16, $0xF423F;
	s14 =	smul.u32 @!p1 s14, s15;
	s15 =	sadd.s32 $0x40, s12  }
0x16: {  	s18 =	smov.u32 @p2 s15  }
0x17: {  	s16 =	smov.u32 @p2 s3;
	p2 =	sgt.s32 s18, $0x3F  }
0x18: {  	s18 =	simm.s32 @p2 $0x0;
	p2 =	sne.s32 s13, s7  }
.Ltmp1:
0x19: {  	p0 =	por !p0, !p0;
	s17 =	simm.s32 @!p1 $0x2;
	(pc) =	sbr.rel @!p2 .LBB1_6-.Ltmp1, $4  }
0x1a: {  	s15 =	smov.u32 s9;
	s9 =	smov.u32 s11;
	s14 =	sand.u32 @!p1 $0x3FFFFFFF, s14  }
0x1b: {  	s11 =	smov.u32 s16;
	_ =	swait.ge @!p1 [sflag:s17], s14;
	s19 =	ssub.s32 @!p1 $0x0, s14  }
0x1c: {  	s14 =	smov.u32 s10;
	s13 =	sadd.s32 $0x1, s13;
	[sflag:s17] =	ssyncset.done @!p1 $0x0  }
0x1d: {  	s10 =	smov.u32 s12;
	s12 =	smov.u32 s18;
	[sflag:s17] =	ssyncadd.s32 @!p1 s19  }
.LBB1_1:
0x1e: {  	p1 =	sgt.u32 s13, s6  }
0x1f: {  	s16 =	sshrl.u32 @!p1 s12, $0x3  }
0x20: {  	s17 =	sshll.u32 @!p1 s11, $0x3;
	s16 =	smul.u32 @!p1 $0x7A1400, s16  }
0x21: {  	s18 =	sshll.u32 @!p1 s12, $0x7;
	s17 =	sand.u32 @!p1 $0xFFFFFC00, s17  }
0x22: {  	s16 =	sadd.s32 @!p1 s16, s17;
	s17 =	sand.u32 @!p1 $0x380, s18  }
0x23: {  	s18 =	sand.u32 @!p1 $0x7F, s11;
	s16 =	sor.u32 @!p1 s17, s16  }
0x24: {  	s17 =	sor.u32 @!p1 s18, s16  }
0x25: {  	s18 =	smulhi.u32 @!p1 $0x218D6287, s17;
	_ =	sdelay $0x1  }
0x26: {  	s16 =	smulhi.u32 @!p1 $0x218D6287, s16;
	s18 =	sshrl.u32 @!p1 s18, $0x11  }
0x27: {  	s18 =	smul.u32 @!p1 $0xF4280, s18  }
0x28: {  	s19 =	sxor.u32 @!p1 $0xFFFFFFFF, s13;
	s16 =	sshrl.u32 @!p1 s16, $0x11  }
0x29: {  	s19 =	sshll.u32 @!p1 s19, $0xD;
	s16 =	sand.u32 @!p1 $0x3F, s16;
	s17 =	ssub.s32 @!p1 s17, s18  }
0x2a: {  	s16 =	smul.u32 @!p1 $0x1E850, s16;
	s18 =	sshrl.u32 @!p1 s17, $0x3;
	s17 =	sand.u32 @!p1 $0x7, s17  }
0x2b: {  	s19 =	sand.u32 @!p1 $0x2000, s19;
	s18 =	sadd.s32 @!p1 s2, s18;
	s17 =	sshll.u32 @!p1 s17, $0x12  }
0x2c: {  	s16 =	sadd.s32 @!p1 s16, s18;
	s17 =	sor.u32 @!p1 $0x400, s17;
	s18 =	simm.s32 @!p1 $0x7A1400  }
0x2d: {  	[tilespmem:s19], [sflag:$0x1] =	stream.strided.gather @!p1 [hbm4b:s16+s17], $0x2000, s18, s17, $0x38;
	[tilespmem:$0x8100] =	vst v63  }
0x2e: {  	p1 =	seq.s32 s13, $0x0  }
0x2f: {  	p2 =	sge.u32 @!p1 s13, s7  }
0x30: {  	p1 =	por p1, p2  }
.Ltmp2:
0x31: {  	_ = 	snop;
	(pc) =	sbr.rel @p1 .LBB1_5-.Ltmp2, $1  }
0x32: {  	_ =	sdelay $0x3  }
0x33: {  	s16 =	simm.s32 $0x1  }
0x34: {  	_ =	swait.ge [sflag:s4], $0x2000;
	s16 =	simm.s32 @!p0 $0x0  }
0x35: {  	[sflag:s4] =	ssyncset.done $0x0;
	s17 =	sshll.u32 s16, $0xD  }
0x36: {  	[sflag:s4] =	ssyncadd.s32 $0xFFFFE000;
	s17 =	sor.u32 $0x40, s17  }
0x37: {  	s16 =	smul.u32 $0x8200, s16;
	v0 =	vld [tilespmem:s17+$0x30]  }
0x38: {  	v1 =	vld [tilespmem:s17+$0xFFFFFFD0]  }
0x39: {  	s16 =	sshrl.u32 s16, $0x2;
	v5 =	vld [tilespmem:s17+$0xFFFFFFE0]  }
0x3a: {  	v6 =	vld [tilespmem:s17+$0xFFFFFFF0];
	s19 =	sor.u32 $0x4000, s16  }
0x3b: {  	s31 =	sand.u32 $0x1, s13;
	v4 =	vld [tilespmem:s17+$0x0];
	s18 =	sadd.s32 $0x0, s19  }
0x3c: {  	v3 =	vld [tilespmem:s17+$0x10];
	s16 =	smul.u32 $0x8200, s31;
	[tilespmem:s18+$0x1C70 ss:$0x41] =	vst.msk $0xffff, v0  }
0x3d: {  	v2 =	vld [tilespmem:s17+$0x20];
	[tilespmem:s18+$0x410 ss:$0x41] =	vst.msk $0xffff, v1  }
0x3e: {  	s16 =	sshrl.u32 s16, $0x2;
	v1 =	vld [tilespmem:s17+$0xFFFFFFC0];
	[tilespmem:s18+$0x820 ss:$0x41] =	vst.msk $0xffff, v5;
	s17 =	sadd.s32 $0x80, s17  }
0x3f: {  	s20 =	simm.s32 $0x4;
	s21 =	simm.s32 $0x8;
	s16 =	sor.u32 $0x4000, s16;
	[tilespmem:s18+$0xC30 ss:$0x41] =	vst.msk $0xffff, v6;
	v0 =	vld [tilespmem:s17+$0x30]  }
.LBB1_3:
0x40: {  	p1 =	sne.s32 s21, $0xFC;
	v5 =	vld [tilespmem:s17+$0xFFFFFFD0];
	[tilespmem:s18+$0x1040 ss:$0x41] =	vst.msk $0xffff, v4  }
0x41: {  	v6 =	vld [tilespmem:s17+$0xFFFFFFE0];
	[tilespmem:s18+$0x1450 ss:$0x41] =	vst.msk $0xffff, v3  }
0x42: {  	s22 =	sshra.s32 s20, $0x2;
	s20 =	smov.u32 s21;
	v7 =	vld [tilespmem:s17+$0xFFFFFFF0];
	[tilespmem:s18+$0x1860 ss:$0x41] =	vst.msk $0xffff, v2  }
.Ltmp3:
0x43: {  	v4 =	vld [tilespmem:s17+$0x0];
	[tilespmem:s18+$0x0 ss:$0x41] =	vst.msk $0xffff, v1;
	s18 =	sadd.s32 s22, s19;
	(pc) =	sbr.rel @p1 .LBB1_3-.Ltmp3, $4  }
0x44: {  	v3 =	vld [tilespmem:s17+$0x10];
	[tilespmem:s18+$0x1C70 ss:$0x41] =	vst.msk $0xffff, v0  }
0x45: {  	[tilespmem:s18+$0x410 ss:$0x41] =	vst.msk $0xffff, v5;
	v2 =	vld [tilespmem:s17+$0x20]  }
0x46: {  	v1 =	vld [tilespmem:s17+$0xFFFFFFC0];
	[tilespmem:s18+$0x820 ss:$0x41] =	vst.msk $0xffff, v6;
	s17 =	sadd.s32 $0x80, s17  }
0x47: {  	s21 =	sadd.s32 $0x4, s21;
	v0 =	vld [tilespmem:s17+$0x30];
	[tilespmem:s18+$0xC30 ss:$0x41] =	vst.msk $0xffff, v7  }
0x48: {  	s21 =	sshll.u32 s9, $0x7;
	s22 =	sshll.u32 s10, $0x3;
	s20 =	sshra.s32 s20, $0x2  }
0x49: {  	p1 =	sgt.s32 s9, $0xF41C0;
	s30 =	sshra.s32 s9, $0x1F;
	s25 =	sshra.s32 s10, $0x1F  }
0x4a: {  	v5 =	vld [tilespmem:s17+$0xFFFFFFD0];
	s28 =	sshrl.u32 s10, $0x3;
	s23 =	sand.u32 $0xFFFFFC00, s21;
	s22 =	sand.u32 $0xFFFFFC00, s22  }
0x4b: {  	[tilespmem:s18+$0x1040 ss:$0x41] =	vst.msk $0xffff, v4;
	v58 =	vld [tilespmem:s17+$0xFFFFFFE0];
	s21 =	sand.u32 $0x380, s21;
	s19 =	sadd.s32 s20, s19;
	s22 =	sadd.s32 s22, s23  }
0x4c: {  	v59 =	vld [tilespmem:s17+$0xFFFFFFF0];
	[tilespmem:s18+$0x1450 ss:$0x41] =	vst.msk $0xffff, v3;
	s29 =	sor.u32 s21, s22;
	s21 =	smov.u32 s9;
	s22 =	sand.u32 s30, s9  }
0x4d: {  	v60 =	vld [tilespmem:s17+$0x0];
	[tilespmem:s18+$0x1860 ss:$0x41] =	vst.msk $0xffff, v2;
	s30 =	sand.u32 $0x7, s10;
	s20 =	sshrl.u32 s29, $0x7;
	s21 =	simm.s32 @!p1 $0xF41C0  }
0x4e: {  	v61 =	vld [tilespmem:s17+$0x10];
	[tilespmem:s18+$0x0 ss:$0x41] =	vst.msk $0xffff, v1;
	p1 =	sgt.s32 s10, $0x40;
	s24 =	ssub.s32 s21, s22;
	s21 =	smov.u32 s10  }
0x4f: {  	v62 =	vld [tilespmem:s17+$0x20];
	[tilespmem:s19+$0x1C70 ss:$0x41] =	vst.msk $0xffff, v0;
	s31 =	smulhi.u32 $0x218DEF5, s20;
	s22 =	sand.u32 s25, s10;
	s21 =	simm.s32 @!p1 $0x40  }
0x50: {  	v63 =	vld [tilespmem:s17+$0xFFFFFFC0];
	[tilespmem:s19+$0x410 ss:$0x41] =	vst.msk $0xffff, v5;
	s26 =	sadd.s32 $0xFFF0BE40, s24;
	s17 =	ssub.s32 $0xF4240, s24;
	s21 =	ssub.s32 s21, s22  }
0x51: {  	[tilespmem:s19+$0x820 ss:$0x41] =	vst.msk $0xffff, v58;
	s23 =	sshrl.u32 s31, $0xD;
	p1 =	sgt.s32 s26, $0x7F;
	s27 =	sadd.s32 $0xFFFFFFC0, s21  }
0x52: {  	[tilespmem:s19+$0xC30 ss:$0x41] =	vst.msk $0xffff, v59;
	s23 =	smul.u32 $0xF4240, s23;
	s18 =	ssub.s32 $0x80, s21;
	p2 =	sgt.s32 s27, $0x3F  }
.Ltmp4:
0x53: {  	[tilespmem:s19+$0x1040 ss:$0x41] =	vst.msk $0xffff, v60;
	s17 =	simm.s32 @p1 $0x0;
	s18 =	simm.s32 @p2 $0x0;
	(pc) =	sbr.rel .LBB1_5-.Ltmp4, $4  }
0x54: {  	s29 =	sand.u32 $0xF, s28;
	[tilespmem:s19+$0x1450 ss:$0x41] =	vst.msk $0xffff, v61;
	s20 =	ssub.s32 s20, s23;
	s17 =	smul.u32 s18, s17  }
0x55: {  	[tilespmem:s19+$0x1860 ss:$0x41] =	vst.msk $0xffff, v62;
	s21 =	sshll.u32 s30, $0x12;
	s20 =	sshll.u32 s20, $0x4;
	s18 =	sadd.s32 s5, s29  }
0x56: {  	[tilespmem:s19+$0x0 ss:$0x41] =	vst.msk $0xffff, v63;
	s31 =	sor.u32 $0x40, s21;
	s18 =	sadd.s32 s20, s18;
	s17 =	sand.u32 $0x3FFFFFFF, s17  }
0x57: {  	[hbm4b:s18+s31] =	stream.strided.scatter [tilespmem:s16], [sflag:$0x2], s17, s8, s31, $0x18;
	[tilespmem:$0x8100] =	vst v63  }
.LBB1_6:
0x58: {  	_ =	sfence.sel $0x180000  }
0x59: {  	s2 =	simm.s32 $0x1;
	[bflag:$0x0] =	sbarrier.arrive $0xFFFF  }
0x5a: {  	s31 =	simm.s32 $0x2;
	[sflag:s2] =	ssyncpa.u1 $0x1  }
0x5b: {  	[sflag:s31] =	ssyncpa.u1 $0x1  }
0x5c: {  	p0 =	sne.s32 s1, $0x0;
	_ =	strace $0x90000047  }
0x5d: {  	s0 =	sadd.s32 @!p0 $0x100000, s0;
	[bflag:$0x2] =	sbarrier.arrive $0xFFFF  }
0x5e: {  	[sflag:s0] =	ssyncadd.tile.s32 @!p0 $0x1;
	_ =	shalt  }
.Lfunc_end1:
_tile_overlayer_lowered:
.L_overlay_start_2:
0x5f: {  	(tag) =	ssettag $0x2  }
0x60: {  	s0 =	rddreg [dreg:$0x0];
	s2 =	stileid.u32  }
0x61: {  	s1 =	rddreg [dreg:$0x1];
	p0 =	sne.s32 s2, $0x0  }
0x62: {  	s3 =	rddreg [dreg:$0x2];
	[bflag:$0x3] =	sbarrier.arrive $0xFFFF;
	s2 =	simm.s32 @!p0 $0x1C01  }
0x63: {  	[timem:s3], [sflag:s2] =	dma.local @!p0 [hbm:s0], s1  }
0x64: {  	s0 =	simm.s32 @!p0 $0x1  }
0x65: {  	_ =	swait.ge @!p0 [sflag:s0], s1  }
0x66: {  	s1 =	ssub.s32 @!p0 $0x0, s1;
	[sflag:s0] =	ssyncset.done @!p0 $0x0  }
0x67: {  	[sflag:s0] =	ssyncadd.s32 @!p0 s1  }
0x68: {  	[bflag:$0x3] =	sbarrier.arrive $0xFFFF  }
0x69: {  	_ =	shalt  }

// kernel: sparse-core-data-format-call.cloned.1.call-start
scs
called_computation_lowered:
.L_overlay_start_0:
0x0: {  	s2 =	sld [smem:$0x3FD9]  }
0x1: {  	s3 =	sld [smem:$0x3FFE];
	_ =	sdelay $0x1  }
0x2: {  	s1 =	srdreg.scid  }
0x3: {  	s0 =	sand.u32 $0x1, s1  }
0x4: {  	s18 =	sshll.u32 s0, $0xA;
	s2 =	sadd.s32 s3, s2  }
0x5: {  	s2 =	sadd.s32 s2, s18  }
0x6: {  	[smem:$0x3FC6] =	sst s2  }
0x7: {  	_ = 	snop  }
0x8: {  	s2 =	sld [smem:$0x3FD0];
	(tm) =	ssettm $0x1  }
0x9: {  	s19 =	sld [smem:$0x3FFB];
	_ =	sdelay $0x3  }
0xa: {  	_ =	strace s19  }
0xb: {  	s3 =	sld [smem:$0x3FFC];
	_ =	sdelay $0x3  }
0xc: {  	_ =	strace s3  }
0xd: {  	s3 =	sld [smem:$0x3FFD];
	_ =	sdelay $0x3  }
0xe: {  	_ =	strace s3  }
0xf: {  	_ =	strace $0x8FFFFFFF  }
0x10: {  	s20 =	sld [smem:$0x3FDB];
	_ =	sdelay $0x1  }
0x11: {  	s4 =	simm.s32 $_scs_section_size  }
0x12: {  	s5 =	simm.s32 $_size__tile_overlayer_lowered;
	s6 =	simm.s32 $_tile_overlayer_lowered  }
0x13: {  	s23 =	simm.s32 $0x1BFF;
	s22 =	sshll.u32 s6, $0x1;
	s3 =	sadd.s32 s4, s20  }
0x14: {  	s7 =	simm.s32 $0x0;
	s21 =	sshll.u32 s5, $0x1;
	s5 =	sadd.s32 s22, s3  }
0x15: {  	[timem:s7], [sflag:s23] =	dma.local [hbm:s5], s21  }
0x16: {  	_ =	swait.ge [sflag:s23], s21  }
0x17: {  	s4 =	ssub.s32 $0x0, s21;
	[sflag:s23] =	ssyncset.done $0x0  }
0x18: {  	[sflag:s23] =	ssyncadd.s32 s4;
	_ =	sdelay $0x1  }
0x19: {  	s24 =	simm.s32 $0x1B8B  }
0x1a: {  	_ =	swait.ge [sflag:s24], $0x1  }
0x1b: {  	[sflag:s24] =	ssyncset.done $0x0  }
0x1c: {  	s26 =	simm.s32 $0x1B8E;
	s25 =	sld [smem:$0x3FFE];
	[sflag:s24] =	ssyncadd.s32 $0xFFFFFFFF  }
0x1d: {  	s27 =	simm.s32 $execute0_lowered;
	[smem:$0x3FD2] =	sst s26  }
0x1e: {  	s5 =	sshll.u32 s27, $0x1;
	_ =	strace $0x8000004C;
	[dreg:$0x1] =	wrdreg $0xFFFFFFFF  }
0x1f: {  	s28 =	simm.s32 $_size_execute0_lowered;
	s3 =	sadd.s32 s3, s5;
	[dreg:$0x0] =	wrdreg $0x0  }
0x20: {  	s5 =	sshll.u32 s28, $0x1;
	[dreg:$0x2] =	wrdreg s3  }
0x21: {  	[dreg:$0x3] =	wrdreg s5  }
0x22: {  	[dreg:$0x4] =	wrdreg $0xC0  }
0x23: {  	_ =	task [dreg:s7], $0x5FFFF  }
0x24: {  	[dreg:$0x1] =	wrdreg $0xFFFFFFFF  }
0x25: {  	[dreg:$0x0] =	wrdreg $0x60  }
0x26: {  	[dreg:$0x2] =	wrdreg s25  }
0x27: {  	[dreg:$0x3] =	wrdreg s2  }
0x28: {  	[dreg:$0x4] =	wrdreg $0x9  }
0x29: {  	_ =	task.clear_ibuf [dreg:s7], $0x5FFFF;
	_ =	strace $0x9000004C  }
0x2a: {  	s29 =	simm.s32 $0x9;
	_ =	strace $0x8000004E  }
0x2b: {  	_ =	swait.ge [sflag:s29], $0x1  }
0x2c: {  	[sflag:s29] =	ssyncadd.s32 $0xFFFFFFFF  }
0x2d: {  	_ =	strace $0x9000004E  }
0x2e: {  	_ =	sfence  }
0x2f: {  	s30 =	sld [smem:$0x0];
	_ =	sdelay $0x2  }
0x30: {  	s31 =	sshll.u32 s1, $0xD;
	s1 =	sshrl.u32 s1, $0x2  }
0x31: {  	s3 =	sand.u32 $0x4000, s31;
	s1 =	sadd.s32 s1, s30  }
0x32: {  	s0 =	sor.u32 s3, s0;
	s1 =	sshll.u32 s1, $0x11  }
0x33: {  	s0 =	sor.u32 s1, s0  }
0x34: {  	s0 =	sadd.s32 $0x8F2B, s0  }
0x35: {  	[sflag:s0] =	ssyncadd.remote.s32 $0x1  }
0x36: {  	_ =	sfence.sel $0xFFFF  }
0x37: {  	[dreg:$0x0] =	wrdreg $0xFFFFFFFF;
	(pc) =	sbr.abs _section_cstart, $3  }
0x38: {  	[dreg:$0x1] =	wrdreg $0xFFFFFFFF  }
0x39: {  	_ =	task.clear_ibuf [dreg:s7], $0x2FFFF;
	_ =	strace $0x9FFFFFFF  }
0x3a: {  	(tm) =	ssettm $0x7FFFFFFF  }
0x3b: {  	_ =	shalt  }
tec
execute0_lowered:
.L_overlay_start_1:
0x0: {  	(tag) =	ssettag $0x1  }
0x1: {  	s0 =	srdreg.scid  }
0x2: {  	s1 =	sshll.u32 s0, $0x4  }
0x3: {  	s0 =	stileid.u32;
	s1 =	sand.u32 $0x10, s1  }
0x4: {  	s1 =	sor.u32 s0, s1  }
0x5: {  	s6 =	rddreg [dreg:$0x0];
	s4 =	simm.s32 $0x1;
	s2 =	sshll.u32 s1, $0x7  }
0x6: {  	s7 =	simm.s32 $0x2;
	s12 =	simm.s32 $0x0;
	s1 =	ssub.s32 $0x4000, s2  }
0x7: {  	s8 =	simm.s32 $0x20000;
	s13 =	simm.s32 $0x0;
	s3 =	sand.u32 $0xF80, s1  }
0x8: {  	s9 =	simm.s32 $0x0;
	s5 =	sshrl.u32 s1, $0xC;
	p0 =	sne.s32 s3, $0x0  }
.Ltmp0:
0x9: {  	s1 =	rddreg [dreg:$0x2];
	s4 =	simm.s32 @!p0 $0x0;
	(pc) =	sbr.rel .LBB1_1-.Ltmp0, $4  }
0xa: {  	s11 =	simm.s32 $0x0;
	s3 =	rddreg [dreg:$0x1];
	s5 =	sadd.s32 s4, s5  }
0xb: {  	_ =	strace $0x8000004D;
	s4 =	simm.s32 $0x1;
	s5 =	smul.u32 $0xC8, s5  }
0xc: {  	s6 =	sadd.s32 $0xFA7200, s6;
	s10 =	smov.u32 s2;
	[sflag:s4] =	ssyncpa.u1 $0x0  }
0xd: {  	p0 =	por $0x0, $0x0;
	[sflag:s7] =	ssyncpa.u1 $0x0;
	s7 =	sor.u32 $0x1, s5  }
.LBB1_4:
0xe: {  	s16 =	sshll.u32 s13, $0x3;
	s17 =	sand.u32 $0x78, s13  }
0xf: {  	s30 =	sand.u32 $0x1F800, s13;
	s12 =	sshll.u32 s12, $0x11;
	s16 =	sand.u32 $0x3C00, s16  }
0x10: {  	[tilespmem:s15+$0x810 ss:$0x81] =	vst.msk $0xffff, v2;
	s31 =	sand.u32 $0x7, s13;
	s16 =	sor.u32 s17, s16;
	s17 =	sadd.s32 s3, s30  }
0x11: {  	[tilespmem:s15+$0x1020 ss:$0x81] =	vst.msk $0xffff, v0;
	s13 =	sshll.u32 s31, $0x12;
	s12 =	sadd.s32 s12, s17;
	s16 =	sshrl.u32 s16, $0x3  }
0x12: {  	[tilespmem:s15+$0x0 ss:$0x81] =	vst.msk $0xffff, v1;
	s13 =	sor.u32 $0x400, s13;
	s12 =	sadd.s32 s16, s12  }
0x13: {  	[hbm4b:s12+s13] =	stream.strided.scatter [tilespmem:s14], [sflag:$0x2], $0x2000, s8, s13, $0x20;
	[tilespmem:$0x8080] =	vst v63  }
.LBB1_5:
0x14: {  	s14 =	sadd.s32 $0x1, s9  }
0x15: {  	s12 =	sadd.s32 $0x1000, s10;
	s16 =	smov.u32 s10;
	p2 =	sgt.s32 s14, $0xC7  }
0x16: {  	s16 =	smov.u32 @p2 s12  }
0x17: {  	s14 =	simm.s32 @p2 $0x0;
	p2 =	sgt.s32 s16, $0x3FFF  }
0x18: {  	s16 =	smov.u32 @p2 s2;
	p2 =	sne.s32 s11, s7  }
.Ltmp1:
0x19: {  	p1 =	slt.u32 s11, $0x2;
	(pc) =	sbr.rel @!p2 .LBB1_6-.Ltmp1, $4  }
0x1a: {  	s15 =	simm.s32 @!p1 $0x2  }
0x1b: {  	s13 =	smov.u32 s10;
	p0 =	por !p0, !p0;
	_ =	swait.ge @!p1 [sflag:s15], $0x2000  }
0x1c: {  	s12 =	smov.u32 s9;
	[sflag:s15] =	ssyncset.done @!p1 $0x0;
	s9 =	smov.u32 s14  }
0x1d: {  	s11 =	sadd.s32 $0x1, s11;
	[sflag:s15] =	ssyncadd.s32 @!p1 $0xFFFFE000;
	s10 =	smov.u32 s16  }
.LBB1_1:
0x1e: {  	p1 =	sge.u32 s11, s5  }
0x1f: {  	s14 =	sand.u32 @!p1 $0x1FFFFFF, s9  }
0x20: {  	s15 =	smulhi.u32 @!p1 $0x147AE15, s14;
	_ =	sdelay $0x1  }
0x21: {  	s15 =	smul.u32 @!p1 $0xC8, s15  }
0x22: {  	s16 =	sxor.u32 @!p1 $0xFFFFFFFF, s11;
	s17 =	smul.u32 @!p1 $0xC80, s10  }
0x23: {  	s31 =	sadd.s32 $0xFFFFFFFF, s11;
	s16 =	sshll.u32 @!p1 s16, $0xD;
	s14 =	ssub.s32 @!p1 s14, s15  }
0x24: {  	s15 =	sand.u32 @!p1 $0x2000, s16;
	s16 =	sadd.s32 @!p1 s6, s17;
	s14 =	sshll.u32 @!p1 s14, $0x4  }
0x25: {  	s17 =	simm.s32 @!p1 $0x6400;
	s14 =	sadd.s32 @!p1 s14, s16;
	s16 =	simm.s32 @!p1 $0x40  }
0x26: {  	[tilespmem:s15], [sflag:$0x1] =	stream.strided.gather @!p1 [hbm4b:s14+s16], $0x2000, s17, s16, $0x38;
	[tilespmem:$0x8080] =	vst v63  }
0x27: {  	p1 =	sge.u32 s31, s5  }
.Ltmp2:
0x28: {  	_ = 	snop;
	(pc) =	sbr.rel @p1 .LBB1_5-.Ltmp2, $1  }
0x29: {  	_ =	sdelay $0x3  }
0x2a: {  	s14 =	simm.s32 $0x1  }
0x2b: {  	_ =	swait.ge [sflag:s4], $0x2000;
	s14 =	simm.s32 @!p0 $0x0  }
0x2c: {  	[sflag:s4] =	ssyncset.done $0x0;
	s15 =	sshll.u32 s14, $0xD  }
0x2d: {  	[sflag:s4] =	ssyncadd.s32 $0xFFFFE000;
	s18 =	sor.u32 $0x20, s15  }
0x2e: {  	s14 =	smul.u32 $0x8100, s14;
	v3 =	vld [tilespmem:s18+$0x10]  }
0x2f: {  	s30 =	sand.u32 $0x1, s11;
	v2 =	vld [tilespmem:s18+$0xFFFFFFF0]  }
0x30: {  	s15 =	smul.u32 $0x8100, s30;
	s14 =	sshrl.u32 s14, $0x2;
	v0 =	vld [tilespmem:s18+$0x0]  }
0x31: {  	v1 =	vld [tilespmem:s18+$0xFFFFFFE0];
	s16 =	sor.u32 $0x4000, s14  }
0x32: {  	s31 =	sshrl.u32 s15, $0x2;
	s15 =	sadd.s32 $0x0, s16  }
0x33: {  	s17 =	simm.s32 $0x4;
	s18 =	sadd.s32 $0x40, s18;
	s14 =	sor.u32 $0x4000, s31;
	[tilespmem:s15+$0x1830 ss:$0x81] =	vst.msk $0xffff, v3  }
.LBB1_3:
0x34: {  	v3 =	vld [tilespmem:s18+$0x10];
	p1 =	sne.s32 s17, $0x1FC;
	[tilespmem:s15+$0x810 ss:$0x81] =	vst.msk $0xffff, v2;
	s19 =	smov.u32 s17;
	s17 =	sadd.s32 $0x4, s17  }
.Ltmp3:
0x35: {  	v2 =	vld [tilespmem:s18+$0xFFFFFFF0];
	[tilespmem:s15+$0x1020 ss:$0x81] =	vst.msk $0xffff, v0;
	(pc) =	sbr.rel @p1 .LBB1_3-.Ltmp3, $4  }
0x36: {  	v0 =	vld [tilespmem:s18+$0x0];
	[tilespmem:s15+$0x0 ss:$0x81] =	vst.msk $0xffff, v1  }
0x37: {  	s15 =	sshra.s32 s19, $0x2;
	v1 =	vld [tilespmem:s18+$0xFFFFFFE0]  }
0x38: {  	s15 =	sadd.s32 s15, s16  }
0x39: {  	s18 =	sadd.s32 $0x40, s18;
	[tilespmem:s15+$0x1830 ss:$0x81] =	vst.msk $0xffff, v3  }
.Ltmp4:
0x3a: {  	_ = 	snop;
	(pc) =	sbr.rel .LBB1_4-.Ltmp4, $1  }
0x3b: {  	_ =	sdelay $0x3  }
.LBB1_6:
0x3c: {  	_ =	sfence.sel $0x180000  }
0x3d: {  	s2 =	simm.s32 $0x1;
	[bflag:$0x0] =	sbarrier.arrive $0xFFFF  }
0x3e: {  	s31 =	simm.s32 $0x2;
	[sflag:s2] =	ssyncpa.u1 $0x1  }
0x3f: {  	[sflag:s31] =	ssyncpa.u1 $0x1  }
0x40: {  	p0 =	sne.s32 s0, $0x0;
	_ =	strace $0x9000004D  }
0x41: {  	s0 =	sadd.s32 @!p0 $0x100000, s1;
	[bflag:$0x2] =	sbarrier.arrive $0xFFFF  }
0x42: {  	[sflag:s0] =	ssyncadd.tile.s32 @!p0 $0x1;
	_ =	shalt  }
.Lfunc_end1:
_tile_overlayer_lowered:
.L_overlay_start_2:
0x43: {  	(tag) =	ssettag $0x2  }
0x44: {  	s0 =	rddreg [dreg:$0x0];
	s2 =	stileid.u32  }
0x45: {  	s1 =	rddreg [dreg:$0x1];
	p0 =	sne.s32 s2, $0x0  }
0x46: {  	s3 =	rddreg [dreg:$0x2];
	[bflag:$0x3] =	sbarrier.arrive $0xFFFF;
	s2 =	simm.s32 @!p0 $0x1C01  }
0x47: {  	[timem:s3], [sflag:s2] =	dma.local @!p0 [hbm:s0], s1  }
0x48: {  	s0 =	simm.s32 @!p0 $0x1  }
0x49: {  	_ =	swait.ge @!p0 [sflag:s0], s1  }
0x4a: {  	s1 =	ssub.s32 @!p0 $0x0, s1;
	[sflag:s0] =	ssyncset.done @!p0 $0x0  }
0x4b: {  	[sflag:s0] =	ssyncadd.s32 @!p0 s1  }
0x4c: {  	[bflag:$0x3] =	sbarrier.arrive $0xFFFF  }
0x4d: {  	_ =	shalt  }

</sc_bundles>
